<compile_context>
chip_gen: v7x
topology: tpu7x:2x2x1
jax: 0.10.2.dev20260603
libtpu: 0.0.44.dev20260713+nightly
codegen_flags: <defaults>
</compile_context>

<pallas_src>
import jax
import jax.numpy as jnp
from jax import lax
from jax.experimental import pallas as pl
from jax.experimental.pallas import tpu as pltpu
from jax.experimental.pallas import tpu_sc as plsc

N = 10000
M = 10000
E = 320000
D_IN = 128
HID = 128
OUT = 64

NC = 2
NS = 16
EPT = E // NS
K = 80
NCH = EPT // K
NBUF = 8
NROUND = -(-NCH // NBUF)
RCHUNK = 80
DPAD = 10240
COLS = DPAD // NS


def _sc_layer(d, apply_elu, spmem_xe=False):
  mesh = plsc.VectorSubcoreMesh(core_axis_name="c", subcore_axis_name="s")
  ch_total = M // RCHUNK
  ch_iters = -(-ch_total // NS)

  if spmem_xe:
    out_type = jax.ShapeDtypeStruct((NC * N, d), jnp.float32)
  else:
    out_type = (jax.ShapeDtypeStruct((NC * M, d), jnp.float32),
                jax.ShapeDtypeStruct((NC * N, d), jnp.float32))

  scratch = [
      pltpu.VMEM((NCH, K), jnp.int32),
      pltpu.VMEM((NCH, K), jnp.int32),
      [pltpu.VMEM((K, d), jnp.float32) for _ in range(NBUF)],
      pltpu.VMEM((RCHUNK, d), jnp.float32),
      pltpu.VMEM((RCHUNK, 16), jnp.float32),
      pltpu.VMEM((d,), jnp.float32),
      pltpu.VMEM_SHARED((M, d), jnp.float32),
      [pltpu.SemaphoreType.DMA for _ in range(NBUF)],
  ]
  if spmem_xe:
    scratch.append(pltpu.VMEM_SHARED((M, d), jnp.float32))

  def body(tbl, gidx3, sidx3, dege, degv, bias2, *refs):
    if spmem_xe:
      (out_o, gi_all, si_all, bufs, zbuf_v, dbuf_v, bias_v, acc_sh, sems,
       xe_sh) = refs
    else:
      (xe_o, out_o, gi_all, si_all, bufs, zbuf_v, dbuf_v, bias_v, acc_sh,
       sems) = refs
    c = lax.axis_index("c")
    s = lax.axis_index("s")
    zeros16 = jnp.zeros((16,), jnp.float32)

    pltpu.sync_copy(gidx3.at[s], gi_all)
    pltpu.sync_copy(sidx3.at[s], si_all)
    pltpu.sync_copy(bias2.at[c], bias_v)

    def adjust(ref, off):
      def arow(r, carry):
        for t in range(K // 16):
          ref[r, pl.ds(t * 16, 16)] = ref[r, pl.ds(t * 16, 16)] + off
        return carry
      lax.fori_loop(0, NCH, arow, 0)

    adjust(gi_all, c * N)

    def zrow(r, carry):
      for cc in range(d // 16):
        zbuf_v[r, pl.ds(cc * 16, 16)] = zeros16
      return carry
    lax.fori_loop(0, RCHUNK, zrow, 0)

    def zacc(i, carry):
      ch = s + i * NS

      @pl.when(ch < ch_total)
      def _():
        pltpu.sync_copy(zbuf_v, acc_sh.at[pl.ds(ch * RCHUNK, RCHUNK)])
      return carry
    lax.fori_loop(0, ch_iters, zacc, 0)

    plsc.subcore_barrier()

    def run_stage(gtbl, g_all, s_all):
      for b in range(NBUF):
        pltpu.async_copy(gtbl.at[g_all.at[b]], bufs[b], sems[b])

      def round_(r, carry):
        for b in range(NBUF):
          j = r * NBUF + b

          @pl.when(j < NCH)
          def _():
            pltpu.make_async_copy(gtbl.at[g_all.at[j]], bufs[b],
                                  sems[b]).wait()
            pltpu.sync_copy(bufs[b], acc_sh.at[s_all.at[j]], add=True)

            @pl.when(j + NBUF < NCH)
            def _():
              pltpu.async_copy(gtbl.at[g_all.at[j + NBUF]], bufs[b], sems[b])
        return carry
      lax.fori_loop(0, NROUND, round_, 0)

    def dump_norm(deg, dst, dst_base, with_act):
      def dump(i, carry):
        ch = s + i * NS

        @pl.when(ch < ch_total)
        def _():
          start = ch * RCHUNK
          pltpu.sync_copy(acc_sh.at[pl.ds(start, RCHUNK)], zbuf_v)
          pltpu.sync_copy(deg.at[pl.ds(start, RCHUNK)], dbuf_v)

          def nrow(r, carry2):
            inv = 1.0 / jnp.maximum(dbuf_v[r, pl.ds(0, 16)], 1.0)
            for cc in range(d // 16):
              t = zbuf_v[r, pl.ds(cc * 16, 16)] * inv
              if with_act:
                t = t + bias_v[pl.ds(cc * 16, 16)]
                if apply_elu:
                  t = jnp.where(t > 0.0, t, jnp.exp(t) - 1.0)
              zbuf_v[r, pl.ds(cc * 16, 16)] = t
            return carry2
          lax.fori_loop(0, RCHUNK, nrow, 0)
          pltpu.sync_copy(zbuf_v, dst.at[pl.ds(dst_base + start, RCHUNK)])
        return carry
      lax.fori_loop(0, ch_iters, dump, 0)

    run_stage(tbl, gi_all, si_all)
    plsc.subcore_barrier()
    if spmem_xe:
      dump_norm(dege, xe_sh, 0, False)
    else:
      dump_norm(dege, xe_o, c * M, False)
      adjust(si_all, c * M)
    lax.fori_loop(0, RCHUNK, zrow, 0)

    def zacc2(i, carry):
      ch = s + i * NS

      @pl.when(ch < ch_total)
      def _():
        pltpu.sync_copy(zbuf_v, acc_sh.at[pl.ds(ch * RCHUNK, RCHUNK)])
      return carry
    lax.fori_loop(0, ch_iters, zacc2, 0)
    adjust(gi_all, -(c * N))
    plsc.subcore_barrier()

    run_stage(xe_sh if spmem_xe else xe_o, si_all, gi_all)
    plsc.subcore_barrier()
    dump_norm(degv, out_o, c * N, True)

  return pl.kernel(body, out_type=out_type, mesh=mesh,
                   scratch_types=tuple(scratch),
                   compiler_params=pltpu.CompilerParams(
                       use_tc_tiling_on_sc=False))


def _sc_degrees():
  mesh = plsc.VectorSubcoreMesh(core_axis_name="c", subcore_axis_name="s")
  out_type = (jax.ShapeDtypeStruct((DPAD, 16), jnp.float32),) * 2
  scratch = [
      pltpu.VMEM((NCH, K), jnp.int32),
      pltpu.VMEM((K, 16), jnp.float32),
      pltpu.VMEM((COLS, 16), jnp.float32),
      pltpu.VMEM_SHARED((DPAD, 16), jnp.float32),
      pltpu.SemaphoreType.DMA,
  ]

  def body(gidx3, sidx3, de_o, dv_o, idx_all, ones_v, dstage_v, sh, sem):
    c = lax.axis_index("c")
    s = lax.axis_index("s")
    zeros16 = jnp.zeros((16,), jnp.float32)
    ones16 = jnp.ones((16,), jnp.float32)

    @pl.when(c == 0)
    def _():
      pltpu.sync_copy(sidx3.at[s], idx_all)

    @pl.when(c == 1)
    def _():
      pltpu.sync_copy(gidx3.at[s], idx_all)

    def fill(r, carry):
      ones_v[r, pl.ds(0, 16)] = ones16
      return carry
    lax.fori_loop(0, K, fill, 0)

    def fill0(r, carry):
      dstage_v[r, pl.ds(0, 16)] = zeros16
      return carry
    lax.fori_loop(0, COLS, fill0, 0)

    pltpu.sync_copy(dstage_v, sh.at[pl.ds(s * COLS, COLS)])
    plsc.subcore_barrier()

    def chunk(j, carry):
      pltpu.async_copy(ones_v, sh.at[idx_all.at[j]], sem, add=True)
      return carry
    lax.fori_loop(0, NCH, chunk, 0)

    def drain(j, carry):
      pltpu.make_async_copy(ones_v, sh.at[idx_all.at[0]], sem).wait()
      return carry
    lax.fori_loop(0, NCH, drain, 0)

    plsc.subcore_barrier()
    pltpu.sync_copy(sh.at[pl.ds(s * COLS, COLS)], dstage_v)

    @pl.when(c == 0)
    def _():
      pltpu.sync_copy(dstage_v, de_o.at[pl.ds(s * COLS, COLS)])

    @pl.when(c == 1)
    def _():
      pltpu.sync_copy(dstage_v, dv_o.at[pl.ds(s * COLS, COLS)])

  return pl.kernel(body, out_type=out_type, mesh=mesh,
                   scratch_types=tuple(scratch),
                   compiler_params=pltpu.CompilerParams(
                       use_tc_tiling_on_sc=False))


_sc_layer1 = _sc_layer(HID // 2, True)
_sc_layer2 = _sc_layer(OUT // 2, False)
_sc_deg = _sc_degrees()

_BS = 1000


def _mm_halves(x, ws, dh):
  n, din = x.shape

  def body(x_ref, w_ref, o_ref):
    o_ref[...] = jnp.dot(x_ref[...], w_ref[0],
                         preferred_element_type=jnp.float32)

  return pl.pallas_call(
      body,
      grid=(NC, n // _BS),
      in_specs=[pl.BlockSpec((_BS, din), lambda h, i: (i, 0)),
                pl.BlockSpec((1, din, dh), lambda h, i: (h, 0, 0))],
      out_specs=pl.BlockSpec((_BS, dh), lambda h, i: (h * (n // _BS) + i, 0)),
      out_shape=jax.ShapeDtypeStruct((NC * n, dh), jnp.float32),
  )(x, ws)


def _mm2_halves(h_s, ws, dh):
  n2, dhin = h_s.shape
  n = n2 // NC

  def body(h0_ref, h1_ref, w_ref, o_ref):
    h = jnp.concatenate([h0_ref[...], h1_ref[...]], axis=1)
    o_ref[...] = jnp.dot(h, w_ref[0], preferred_element_type=jnp.float32)

  return pl.pallas_call(
      body,
      grid=(NC, n // _BS),
      in_specs=[pl.BlockSpec((_BS, dhin), lambda h, i: (i, 0)),
                pl.BlockSpec((_BS, dhin), lambda h, i: ((n // _BS) + i, 0)),
                pl.BlockSpec((1, 2 * dhin, dh), lambda h, i: (h, 0, 0))],
      out_specs=pl.BlockSpec((_BS, dh), lambda h, i: (h * (n // _BS) + i, 0)),
      out_shape=jax.ShapeDtypeStruct((NC * n, dh), jnp.float32),
  )(h_s, h_s, ws)


def _concat_halves(o_s, dh):
  n = o_s.shape[0] // NC

  def body(a_ref, b_ref, o_ref):
    o_ref[:, :dh] = a_ref[...]
    o_ref[:, dh:] = b_ref[...]

  return pl.pallas_call(
      body,
      grid=(n // _BS,),
      in_specs=[pl.BlockSpec((_BS, dh), lambda i: (i, 0)),
                pl.BlockSpec((_BS, dh), lambda i: ((n // _BS) + i, 0))],
      out_specs=pl.BlockSpec((_BS, NC * dh), lambda i: (i, 0)),
      out_shape=jax.ShapeDtypeStruct((n, NC * dh), jnp.float32),
  )(o_s, o_s)


def kernel(x, edge_index, edge_weight, W1, b1, W2, b2):
  node3 = edge_index[0].reshape(NS, NCH, K)
  he3 = edge_index[1].reshape(NS, NCH, K)

  de, dv = _sc_deg(node3, he3)
  w1s = jnp.stack([W1[:, :HID // 2], W1[:, HID // 2:]])
  w2s = jnp.stack([W2[:, :OUT // 2], W2[:, OUT // 2:]])
  xv_s = _mm_halves(x, w1s, HID // 2)
  _, h_s = _sc_layer1(xv_s, node3, he3, de, dv, b1.reshape(NC, HID // 2))
  xv2_s = _mm2_halves(h_s, w2s, OUT // 2)
  _, o_s = _sc_layer2(xv2_s, node3, he3, de, dv, b2.reshape(NC, OUT // 2))
  return _concat_halves(o_s, OUT // 2)

# --- scband reference (transcript-rebuilt; emitter-appended) ---
"""Pipeline reference for scband-hcha-74509092651627 (READ-ONLY COPY).

The authoritative reference and input builder live on the scoring server;
editing this copy changes nothing except your own understanding.
"""

import jax, jax.numpy as jnp
import numpy as np

N = 10000   # nodes
M = 10000   # hyperedges
E = 320000  # incidences
D_IN = 128
HID = 128
OUT = 64


def setup_inputs(seed: int = 0) -> dict:
    key = jax.random.key(seed)
    ks = jax.random.split(key, 8)
    x = jax.random.normal(ks[0], (N, D_IN), dtype=jnp.float32)
    edge_index = jax.random.randint(ks[1], (2, E), 0, N)
    edge_weight = jax.random.uniform(ks[2], (E,), dtype=jnp.float32)
    W1 = jax.random.normal(ks[3], (D_IN, HID), dtype=jnp.float32) * (1.0 / np.sqrt(D_IN))
    b1 = jnp.zeros((HID,), dtype=jnp.float32)
    W2 = jax.random.normal(ks[4], (HID, OUT), dtype=jnp.float32) * (1.0 / np.sqrt(HID))
    b2 = jnp.zeros((OUT,), dtype=jnp.float32)
    return {"x": x, "edge_index": edge_index, "edge_weight": edge_weight,
            "W1": W1, "b1": b1, "W2": W2, "b2": b2}


def _hnn_conv(x, edge_index, W, b):
    # HNN_general_conv: weight_v2e=True, weight_e2v=False, bias_v2e=False, bias_e2v=True
    # two-stage degree-normalized hypergraph aggregation (node->hyperedge->node)
    node_idx = edge_index[0]
    he_idx = edge_index[1]
    xv = x @ W  # weight_v2e
    ones = jnp.ones((edge_index.shape[1],), dtype=x.dtype)
    deg_e = jax.ops.segment_sum(ones, he_idx, num_segments=M)
    deg_v = jax.ops.segment_sum(ones, node_idx, num_segments=N)
    # v2e: mean of incident node features per hyperedge
    xe = jax.ops.segment_sum(jnp.take(xv, node_idx, axis=0), he_idx, num_segments=M)
    xe = xe / jnp.clip(deg_e, 1.0)[:, None]
    # e2v: mean of incident hyperedge features per node, plus bias_e2v
    xo = jax.ops.segment_sum(jnp.take(xe, he_idx, axis=0), node_idx, num_segments=N)
    xo = xo / jnp.clip(deg_v, 1.0)[:, None] + b
    return xo, xe


def reference(x, edge_index, edge_weight, W1, b1, W2, b2):
    # num_layers = 2 -> first conv + last conv; dropout is a no-op in eval mode
    h, xe1 = _hnn_conv(x, edge_index, W1, b1)
    h = jax.nn.elu(h)
    out, xe2 = _hnn_conv(h, edge_index, W2, b2)
    # task != 'bio' -> model returns (x, None); return the node output array
    return out

if __name__ == "__main__":
    import jax
    _d = setup_inputs()
    print(jax.jit(kernel)(*tuple(_d.values())))

</pallas_src>

<mosaic_0001>
#map = affine_map<(d0, d1) -> (0, 0)>
#map1 = affine_map<(d0, d1) -> (0, 0, 0)>
module attributes {stable_mosaic.version = 14 : i64} {
  func.func @body(%arg0: i32, %arg1: i32, %arg2: memref<20000x64xf32, #tpu.memory_space<hbm>>, %arg3: memref<16x250x80xi32, #tpu.memory_space<hbm>>, %arg4: memref<16x250x80xi32, #tpu.memory_space<hbm>>, %arg5: memref<10240x16xf32, #tpu.memory_space<hbm>>, %arg6: memref<10240x16xf32, #tpu.memory_space<hbm>>, %arg7: memref<2x64xf32, #tpu.memory_space<hbm>>, %arg8: memref<20000x64xf32, #tpu.memory_space<hbm>>, %arg9: memref<20000x64xf32, #tpu.memory_space<hbm>>, %arg10: memref<250x80xi32, #tpu.memory_space<vmem>>, %arg11: memref<250x80xi32, #tpu.memory_space<vmem>>, %arg12: memref<80x64xf32, #tpu.memory_space<vmem>>, %arg13: memref<80x64xf32, #tpu.memory_space<vmem>>, %arg14: memref<80x64xf32, #tpu.memory_space<vmem>>, %arg15: memref<80x64xf32, #tpu.memory_space<vmem>>, %arg16: memref<80x64xf32, #tpu.memory_space<vmem>>, %arg17: memref<80x64xf32, #tpu.memory_space<vmem>>, %arg18: memref<80x64xf32, #tpu.memory_space<vmem>>, %arg19: memref<80x64xf32, #tpu.memory_space<vmem>>, %arg20: memref<80x64xf32, #tpu.memory_space<vmem>>, %arg21: memref<80x16xf32, #tpu.memory_space<vmem>>, %arg22: memref<64xf32, #tpu.memory_space<vmem>>, %arg23: memref<10000x64xf32, #tpu.memory_space<vmem_shared>>, %arg24: memref<!tpu.dma_semaphore, #tpu.memory_space<semaphore_mem>>, %arg25: memref<!tpu.dma_semaphore, #tpu.memory_space<semaphore_mem>>, %arg26: memref<!tpu.dma_semaphore, #tpu.memory_space<semaphore_mem>>, %arg27: memref<!tpu.dma_semaphore, #tpu.memory_space<semaphore_mem>>, %arg28: memref<!tpu.dma_semaphore, #tpu.memory_space<semaphore_mem>>, %arg29: memref<!tpu.dma_semaphore, #tpu.memory_space<semaphore_mem>>, %arg30: memref<!tpu.dma_semaphore, #tpu.memory_space<semaphore_mem>>, %arg31: memref<!tpu.dma_semaphore, #tpu.memory_space<semaphore_mem>>) attributes {dimension_semantics = [#tpu.dimension_semantics<core_parallel>, #tpu.dimension_semantics<subcore_parallel>], iteration_bounds = array<i64: 2, 16>, scalar_prefetch = 0 : i64, scratch_operands = 22 : i64, tpu.core_type = #tpu.core_type<sc_vector_subcore>, window_params = [{transform_indices = #map}, {transform_indices = #map1}, {transform_indices = #map1}, {transform_indices = #map}, {transform_indices = #map}, {transform_indices = #map}, {transform_indices = #map}, {transform_indices = #map}]} {
    %broadcast_in_dim3A = arith.constant 0.000000e+00 : f32
    %broadcast_in_dim3A_0 = vector.broadcast %broadcast_in_dim3A : f32 to vector<16xf32>
    "tpu.region"() ({
      %run_scoped3A = tpu.sem_alloc : memref<!tpu.dma_semaphore, #tpu.memory_space<semaphore_mem>>
      %dma_start3A_190 = arith.constant 0 : i32
      %dma_start3A_191 = arith.constant 0 : i32
      %dma_start3A_192 = tpu.memref_slice %arg3[%arg1, %dma_start3A_190, %dma_start3A_191] : memref<16x250x80xi32, #tpu.memory_space<hbm>> -> memref<1x250x80xi32, #tpu.memory_space<hbm>>
      %dma_start3A_193 = tpu.memref_squeeze %dma_start3A_192 : memref<1x250x80xi32, #tpu.memory_space<hbm>> -> memref<250x80xi32, #tpu.memory_space<hbm>>
      %dma_start3A_194 = arith.constant 0 : i32
      %dma_start3A_195 = arith.constant 0 : i32
      %dma_start3A_196 = tpu.memref_slice %arg3[%arg1, %dma_start3A_194, %dma_start3A_195] : memref<16x250x80xi32, #tpu.memory_space<hbm>> -> memref<1x250x80xi32, #tpu.memory_space<hbm>>
      %dma_start3A_197 = tpu.memref_squeeze %dma_start3A_196 : memref<1x250x80xi32, #tpu.memory_space<hbm>> -> memref<250x80xi32, #tpu.memory_space<hbm>>
      tpu.enqueue_dma source(%dma_start3A_197 : memref<250x80xi32, #tpu.memory_space<hbm>>) target(%arg10 : memref<250x80xi32, #tpu.memory_space<vmem>>) target_semaphore(%run_scoped3A : memref<!tpu.dma_semaphore, #tpu.memory_space<semaphore_mem>>)
      %dma_wait3A = arith.constant 0 : i32
      %dma_wait3A_198 = arith.constant 0 : i32
      %dma_wait3A_199 = tpu.memref_slice %arg3[%arg1, %dma_wait3A, %dma_wait3A_198] : memref<16x250x80xi32, #tpu.memory_space<hbm>> -> memref<1x250x80xi32, #tpu.memory_space<hbm>>
      %dma_wait3A_200 = tpu.memref_squeeze %dma_wait3A_199 : memref<1x250x80xi32, #tpu.memory_space<hbm>> -> memref<250x80xi32, #tpu.memory_space<hbm>>
      %dma_wait3A_201 = arith.constant 0 : i32
      %dma_wait3A_202 = arith.constant 0 : i32
      %dma_wait3A_203 = tpu.memref_slice %arg3[%arg1, %dma_wait3A_201, %dma_wait3A_202] : memref<16x250x80xi32, #tpu.memory_space<hbm>> -> memref<1x250x80xi32, #tpu.memory_space<hbm>>
      %dma_wait3A_204 = tpu.memref_squeeze %dma_wait3A_203 : memref<1x250x80xi32, #tpu.memory_space<hbm>> -> memref<250x80xi32, #tpu.memory_space<hbm>>
      tpu.wait_dma2 semaphore(%run_scoped3A : memref<!tpu.dma_semaphore, #tpu.memory_space<semaphore_mem>>) src(%dma_wait3A_204 : memref<250x80xi32, #tpu.memory_space<hbm>>) dst(%arg10 : memref<250x80xi32, #tpu.memory_space<vmem>>)
      tpu.yield
    }) : () -> ()
    "tpu.region"() ({
      %run_scoped3A = tpu.sem_alloc : memref<!tpu.dma_semaphore, #tpu.memory_space<semaphore_mem>>
      %dma_start3A_190 = arith.constant 0 : i32
      %dma_start3A_191 = arith.constant 0 : i32
      %dma_start3A_192 = tpu.memref_slice %arg4[%arg1, %dma_start3A_190, %dma_start3A_191] : memref<16x250x80xi32, #tpu.memory_space<hbm>> -> memref<1x250x80xi32, #tpu.memory_space<hbm>>
      %dma_start3A_193 = tpu.memref_squeeze %dma_start3A_192 : memref<1x250x80xi32, #tpu.memory_space<hbm>> -> memref<250x80xi32, #tpu.memory_space<hbm>>
      %dma_start3A_194 = arith.constant 0 : i32
      %dma_start3A_195 = arith.constant 0 : i32
      %dma_start3A_196 = tpu.memref_slice %arg4[%arg1, %dma_start3A_194, %dma_start3A_195] : memref<16x250x80xi32, #tpu.memory_space<hbm>> -> memref<1x250x80xi32, #tpu.memory_space<hbm>>
      %dma_start3A_197 = tpu.memref_squeeze %dma_start3A_196 : memref<1x250x80xi32, #tpu.memory_space<hbm>> -> memref<250x80xi32, #tpu.memory_space<hbm>>
      tpu.enqueue_dma source(%dma_start3A_197 : memref<250x80xi32, #tpu.memory_space<hbm>>) target(%arg11 : memref<250x80xi32, #tpu.memory_space<vmem>>) target_semaphore(%run_scoped3A : memref<!tpu.dma_semaphore, #tpu.memory_space<semaphore_mem>>)
      %dma_wait3A = arith.constant 0 : i32
      %dma_wait3A_198 = arith.constant 0 : i32
      %dma_wait3A_199 = tpu.memref_slice %arg4[%arg1, %dma_wait3A, %dma_wait3A_198] : memref<16x250x80xi32, #tpu.memory_space<hbm>> -> memref<1x250x80xi32, #tpu.memory_space<hbm>>
      %dma_wait3A_200 = tpu.memref_squeeze %dma_wait3A_199 : memref<1x250x80xi32, #tpu.memory_space<hbm>> -> memref<250x80xi32, #tpu.memory_space<hbm>>
      %dma_wait3A_201 = arith.constant 0 : i32
      %dma_wait3A_202 = arith.constant 0 : i32
      %dma_wait3A_203 = tpu.memref_slice %arg4[%arg1, %dma_wait3A_201, %dma_wait3A_202] : memref<16x250x80xi32, #tpu.memory_space<hbm>> -> memref<1x250x80xi32, #tpu.memory_space<hbm>>
      %dma_wait3A_204 = tpu.memref_squeeze %dma_wait3A_203 : memref<1x250x80xi32, #tpu.memory_space<hbm>> -> memref<250x80xi32, #tpu.memory_space<hbm>>
      tpu.wait_dma2 semaphore(%run_scoped3A : memref<!tpu.dma_semaphore, #tpu.memory_space<semaphore_mem>>) src(%dma_wait3A_204 : memref<250x80xi32, #tpu.memory_space<hbm>>) dst(%arg11 : memref<250x80xi32, #tpu.memory_space<vmem>>)
      tpu.yield
    }) : () -> ()
    "tpu.region"() ({
      %run_scoped3A = tpu.sem_alloc : memref<!tpu.dma_semaphore, #tpu.memory_space<semaphore_mem>>
      %dma_start3A_190 = arith.constant 0 : i32
      %dma_start3A_191 = tpu.memref_slice %arg7[%arg0, %dma_start3A_190] : memref<2x64xf32, #tpu.memory_space<hbm>> -> memref<1x64xf32, #tpu.memory_space<hbm>>
      %dma_start3A_192 = tpu.memref_squeeze %dma_start3A_191 : memref<1x64xf32, #tpu.memory_space<hbm>> -> memref<64xf32, #tpu.memory_space<hbm>>
      %dma_start3A_193 = arith.constant 0 : i32
      %dma_start3A_194 = tpu.memref_slice %arg7[%arg0, %dma_start3A_193] : memref<2x64xf32, #tpu.memory_space<hbm>> -> memref<1x64xf32, #tpu.memory_space<hbm>>
      %dma_start3A_195 = tpu.memref_squeeze %dma_start3A_194 : memref<1x64xf32, #tpu.memory_space<hbm>> -> memref<64xf32, #tpu.memory_space<hbm>>
      tpu.enqueue_dma source(%dma_start3A_195 : memref<64xf32, #tpu.memory_space<hbm>>) target(%arg22 : memref<64xf32, #tpu.memory_space<vmem>>) target_semaphore(%run_scoped3A : memref<!tpu.dma_semaphore, #tpu.memory_space<semaphore_mem>>)
      %dma_wait3A = arith.constant 0 : i32
      %dma_wait3A_196 = tpu.memref_slice %arg7[%arg0, %dma_wait3A] : memref<2x64xf32, #tpu.memory_space<hbm>> -> memref<1x64xf32, #tpu.memory_space<hbm>>
      %dma_wait3A_197 = tpu.memref_squeeze %dma_wait3A_196 : memref<1x64xf32, #tpu.memory_space<hbm>> -> memref<64xf32, #tpu.memory_space<hbm>>
      %dma_wait3A_198 = arith.constant 0 : i32
      %dma_wait3A_199 = tpu.memref_slice %arg7[%arg0, %dma_wait3A_198] : memref<2x64xf32, #tpu.memory_space<hbm>> -> memref<1x64xf32, #tpu.memory_space<hbm>>
      %dma_wait3A_200 = tpu.memref_squeeze %dma_wait3A_199 : memref<1x64xf32, #tpu.memory_space<hbm>> -> memref<64xf32, #tpu.memory_space<hbm>>
      tpu.wait_dma2 semaphore(%run_scoped3A : memref<!tpu.dma_semaphore, #tpu.memory_space<semaphore_mem>>) src(%dma_wait3A_200 : memref<64xf32, #tpu.memory_space<hbm>>) dst(%arg22 : memref<64xf32, #tpu.memory_space<vmem>>)
      tpu.yield
    }) : () -> ()
    %mul3A = arith.constant 10000 : i32
    %mul3A_1 = arith.muli %arg0, %mul3A : i32
    %scan3A = arith.constant 0 : i32
    %scan3A_2 = arith.constant 0 : i32
    %scan3A_3 = arith.constant 250 : i32
    %scan3A_4 = arith.addi %scan3A_2, %scan3A_3 : i32
    %scan3A_5 = arith.constant 1 : i32
    scf.for %scan3A_190 = %scan3A_2 to %scan3A_4 step %scan3A_5  : i32 {
      %get3A = arith.index_cast %scan3A_190 : i32 to index
      %get3A_191 = arith.constant 0 : index
      %get3A_192 = tpu.vector_load %arg10[%get3A, %get3A_191] {strides = array<i32>} : memref<250x80xi32, #tpu.memory_space<vmem>>, vector<1x16xi32>,
      %get3A_193 = vector.shape_cast %get3A_192 : vector<1x16xi32> to vector<16xi32>
      %add3A = vector.broadcast %mul3A_1 : i32 to vector<16xi32>
      %add3A_194 = arith.addi %get3A_193, %add3A : vector<16xi32>
      %swap3A = arith.index_cast %scan3A_190 : i32 to index
      %swap3A_195 = arith.constant 0 : index
      %swap3A_196 = tpu.vector_load %arg10[%swap3A, %swap3A_195] {strides = array<i32>} : memref<250x80xi32, #tpu.memory_space<vmem>>, vector<1x16xi32>,
      %swap3A_197 = vector.shape_cast %swap3A_196 : vector<1x16xi32> to vector<16xi32>
      %swap3A_198 = vector.shape_cast %add3A_194 : vector<16xi32> to vector<1x16xi32>
      tpu.vector_store %arg10[%swap3A, %swap3A_195], %swap3A_198 {strides = array<i32>} : memref<250x80xi32, #tpu.memory_space<vmem>>, vector<1x16xi32>,
      %get3A_199 = arith.index_cast %scan3A_190 : i32 to index
      %get3A_200 = arith.constant 16 : index
      %get3A_201 = tpu.vector_load %arg10[%get3A_199, %get3A_200] {strides = array<i32>} : memref<250x80xi32, #tpu.memory_space<vmem>>, vector<1x16xi32>,
      %get3A_202 = vector.shape_cast %get3A_201 : vector<1x16xi32> to vector<16xi32>
      %add3A_203 = vector.broadcast %mul3A_1 : i32 to vector<16xi32>
      %add3A_204 = arith.addi %get3A_202, %add3A_203 : vector<16xi32>
      %swap3A_205 = arith.index_cast %scan3A_190 : i32 to index
      %swap3A_206 = arith.constant 16 : index
      %swap3A_207 = tpu.vector_load %arg10[%swap3A_205, %swap3A_206] {strides = array<i32>} : memref<250x80xi32, #tpu.memory_space<vmem>>, vector<1x16xi32>,
      %swap3A_208 = vector.shape_cast %swap3A_207 : vector<1x16xi32> to vector<16xi32>
      %swap3A_209 = vector.shape_cast %add3A_204 : vector<16xi32> to vector<1x16xi32>
      tpu.vector_store %arg10[%swap3A_205, %swap3A_206], %swap3A_209 {strides = array<i32>} : memref<250x80xi32, #tpu.memory_space<vmem>>, vector<1x16xi32>,
      %get3A_210 = arith.index_cast %scan3A_190 : i32 to index
      %get3A_211 = arith.constant 32 : index
      %get3A_212 = tpu.vector_load %arg10[%get3A_210, %get3A_211] {strides = array<i32>} : memref<250x80xi32, #tpu.memory_space<vmem>>, vector<1x16xi32>,
      %get3A_213 = vector.shape_cast %get3A_212 : vector<1x16xi32> to vector<16xi32>
      %add3A_214 = vector.broadcast %mul3A_1 : i32 to vector<16xi32>
      %add3A_215 = arith.addi %get3A_213, %add3A_214 : vector<16xi32>
      %swap3A_216 = arith.index_cast %scan3A_190 : i32 to index
      %swap3A_217 = arith.constant 32 : index
      %swap3A_218 = tpu.vector_load %arg10[%swap3A_216, %swap3A_217] {strides = array<i32>} : memref<250x80xi32, #tpu.memory_space<vmem>>, vector<1x16xi32>,
      %swap3A_219 = vector.shape_cast %swap3A_218 : vector<1x16xi32> to vector<16xi32>
      %swap3A_220 = vector.shape_cast %add3A_215 : vector<16xi32> to vector<1x16xi32>
      tpu.vector_store %arg10[%swap3A_216, %swap3A_217], %swap3A_220 {strides = array<i32>} : memref<250x80xi32, #tpu.memory_space<vmem>>, vector<1x16xi32>,
      %get3A_221 = arith.index_cast %scan3A_190 : i32 to index
      %get3A_222 = arith.constant 48 : index
      %get3A_223 = tpu.vector_load %arg10[%get3A_221, %get3A_222] {strides = array<i32>} : memref<250x80xi32, #tpu.memory_space<vmem>>, vector<1x16xi32>,
      %get3A_224 = vector.shape_cast %get3A_223 : vector<1x16xi32> to vector<16xi32>
      %add3A_225 = vector.broadcast %mul3A_1 : i32 to vector<16xi32>
      %add3A_226 = arith.addi %get3A_224, %add3A_225 : vector<16xi32>
      %swap3A_227 = arith.index_cast %scan3A_190 : i32 to index
      %swap3A_228 = arith.constant 48 : index
      %swap3A_229 = tpu.vector_load %arg10[%swap3A_227, %swap3A_228] {strides = array<i32>} : memref<250x80xi32, #tpu.memory_space<vmem>>, vector<1x16xi32>,
      %swap3A_230 = vector.shape_cast %swap3A_229 : vector<1x16xi32> to vector<16xi32>
      %swap3A_231 = vector.shape_cast %add3A_226 : vector<16xi32> to vector<1x16xi32>
      tpu.vector_store %arg10[%swap3A_227, %swap3A_228], %swap3A_231 {strides = array<i32>} : memref<250x80xi32, #tpu.memory_space<vmem>>, vector<1x16xi32>,
      %get3A_232 = arith.index_cast %scan3A_190 : i32 to index
      %get3A_233 = arith.constant 64 : index
      %get3A_234 = tpu.vector_load %arg10[%get3A_232, %get3A_233] {strides = array<i32>} : memref<250x80xi32, #tpu.memory_space<vmem>>, vector<1x16xi32>,
      %get3A_235 = vector.shape_cast %get3A_234 : vector<1x16xi32> to vector<16xi32>
      %add3A_236 = vector.broadcast %mul3A_1 : i32 to vector<16xi32>
      %add3A_237 = arith.addi %get3A_235, %add3A_236 : vector<16xi32>
      %swap3A_238 = arith.index_cast %scan3A_190 : i32 to index
      %swap3A_239 = arith.constant 64 : index
      %swap3A_240 = tpu.vector_load %arg10[%swap3A_238, %swap3A_239] {strides = array<i32>} : memref<250x80xi32, #tpu.memory_space<vmem>>, vector<1x16xi32>,
      %swap3A_241 = vector.shape_cast %swap3A_240 : vector<1x16xi32> to vector<16xi32>
      %swap3A_242 = vector.shape_cast %add3A_237 : vector<16xi32> to vector<1x16xi32>
      tpu.vector_store %arg10[%swap3A_238, %swap3A_239], %swap3A_242 {strides = array<i32>} : memref<250x80xi32, #tpu.memory_space<vmem>>, vector<1x16xi32>,
    }
    %scan3A_6 = arith.constant 250 : i32
    %scan3A_7 = arith.constant 0 : i32
    %scan3A_8 = arith.constant 0 : i32
    %scan3A_9 = arith.constant 80 : i32
    %scan3A_10 = arith.addi %scan3A_8, %scan3A_9 : i32
    %scan3A_11 = arith.constant 1 : i32
    scf.for %scan3A_190 = %scan3A_8 to %scan3A_10 step %scan3A_11  : i32 {
      %swap3A = arith.index_cast %scan3A_190 : i32 to index
      %swap3A_191 = arith.constant 0 : index
      %swap3A_192 = tpu.vector_load %arg20[%swap3A, %swap3A_191] {strides = array<i32>} : memref<80x64xf32, #tpu.memory_space<vmem>>, vector<1x16xf32>,
      %swap3A_193 = vector.shape_cast %swap3A_192 : vector<1x16xf32> to vector<16xf32>
      %swap3A_194 = vector.shape_cast %broadcast_in_dim3A_0 : vector<16xf32> to vector<1x16xf32>
      tpu.vector_store %arg20[%swap3A, %swap3A_191], %swap3A_194 {strides = array<i32>} : memref<80x64xf32, #tpu.memory_space<vmem>>, vector<1x16xf32>,
      %swap3A_195 = arith.index_cast %scan3A_190 : i32 to index
      %swap3A_196 = arith.constant 16 : index
      %swap3A_197 = tpu.vector_load %arg20[%swap3A_195, %swap3A_196] {strides = array<i32>} : memref<80x64xf32, #tpu.memory_space<vmem>>, vector<1x16xf32>,
      %swap3A_198 = vector.shape_cast %swap3A_197 : vector<1x16xf32> to vector<16xf32>
      %swap3A_199 = vector.shape_cast %broadcast_in_dim3A_0 : vector<16xf32> to vector<1x16xf32>
      tpu.vector_store %arg20[%swap3A_195, %swap3A_196], %swap3A_199 {strides = array<i32>} : memref<80x64xf32, #tpu.memory_space<vmem>>, vector<1x16xf32>,
      %swap3A_200 = arith.index_cast %scan3A_190 : i32 to index
      %swap3A_201 = arith.constant 32 : index
      %swap3A_202 = tpu.vector_load %arg20[%swap3A_200, %swap3A_201] {strides = array<i32>} : memref<80x64xf32, #tpu.memory_space<vmem>>, vector<1x16xf32>,
      %swap3A_203 = vector.shape_cast %swap3A_202 : vector<1x16xf32> to vector<16xf32>
      %swap3A_204 = vector.shape_cast %broadcast_in_dim3A_0 : vector<16xf32> to vector<1x16xf32>
      tpu.vector_store %arg20[%swap3A_200, %swap3A_201], %swap3A_204 {strides = array<i32>} : memref<80x64xf32, #tpu.memory_space<vmem>>, vector<1x16xf32>,
      %swap3A_205 = arith.index_cast %scan3A_190 : i32 to index
      %swap3A_206 = arith.constant 48 : index
      %swap3A_207 = tpu.vector_load %arg20[%swap3A_205, %swap3A_206] {strides = array<i32>} : memref<80x64xf32, #tpu.memory_space<vmem>>, vector<1x16xf32>,
      %swap3A_208 = vector.shape_cast %swap3A_207 : vector<1x16xf32> to vector<16xf32>
      %swap3A_209 = vector.shape_cast %broadcast_in_dim3A_0 : vector<16xf32> to vector<1x16xf32>
      tpu.vector_store %arg20[%swap3A_205, %swap3A_206], %swap3A_209 {strides = array<i32>} : memref<80x64xf32, #tpu.memory_space<vmem>>, vector<1x16xf32>,
    }
    %scan3A_12 = arith.constant 80 : i32
    %scan3A_13 = arith.constant 0 : i32
    %scan3A_14 = arith.constant 0 : i32
    %scan3A_15 = arith.constant 8 : i32
    %scan3A_16 = arith.addi %scan3A_14, %scan3A_15 : i32
    %scan3A_17 = arith.constant 1 : i32
    scf.for %scan3A_190 = %scan3A_14 to %scan3A_16 step %scan3A_17  : i32 {
      %mul3A_191 = arith.constant 16 : i32
      %mul3A_192 = arith.muli %scan3A_190, %mul3A_191 : i32
      %add3A = arith.addi %arg1, %mul3A_192 : i32
      %lt3A = arith.constant 125 : i32
      %lt3A_193 = arith.cmpi slt, %add3A, %lt3A : i32
      %convert_element_type3A = arith.extui %lt3A_193 : i1 to i32
      %cond3A = arith.constant 0 : i32
      %cond3A_194 = arith.cmpi ne, %convert_element_type3A, %cond3A : i32
      scf.if %cond3A_194 {
        %mul3A_195 = arith.constant 80 : i32
        %mul3A_196 = arith.muli %add3A, %mul3A_195 : i32
        "tpu.region"() ({
          %run_scoped3A = tpu.sem_alloc : memref<!tpu.dma_semaphore, #tpu.memory_space<semaphore_mem>>
          %dma_start3A_197 = arith.constant 0 : i32
          %dma_start3A_198 = tpu.memref_slice %arg23[%mul3A_196, %dma_start3A_197] : memref<10000x64xf32, #tpu.memory_space<vmem_shared>> -> memref<80x64xf32, #tpu.memory_space<vmem_shared>>
          %dma_start3A_199 = arith.constant 0 : i32
          %dma_start3A_200 = tpu.memref_slice %arg23[%mul3A_196, %dma_start3A_199] : memref<10000x64xf32, #tpu.memory_space<vmem_shared>> -> memref<80x64xf32, #tpu.memory_space<vmem_shared>>
          tpu.enqueue_dma source(%arg20 : memref<80x64xf32, #tpu.memory_space<vmem>>) target(%dma_start3A_200 : memref<80x64xf32, #tpu.memory_space<vmem_shared>>) target_semaphore(%run_scoped3A : memref<!tpu.dma_semaphore, #tpu.memory_space<semaphore_mem>>)
          %dma_wait3A = arith.constant 0 : i32
          %dma_wait3A_201 = tpu.memref_slice %arg23[%mul3A_196, %dma_wait3A] : memref<10000x64xf32, #tpu.memory_space<vmem_shared>> -> memref<80x64xf32, #tpu.memory_space<vmem_shared>>
          %dma_wait3A_202 = arith.constant 0 : i32
          %dma_wait3A_203 = tpu.memref_slice %arg23[%mul3A_196, %dma_wait3A_202] : memref<10000x64xf32, #tpu.memory_space<vmem_shared>> -> memref<80x64xf32, #tpu.memory_space<vmem_shared>>
          tpu.wait_dma2 semaphore(%run_scoped3A : memref<!tpu.dma_semaphore, #tpu.memory_space<semaphore_mem>>) src(%arg20 : memref<80x64xf32, #tpu.memory_space<vmem>>) dst(%dma_wait3A_203 : memref<80x64xf32, #tpu.memory_space<vmem_shared>>)
          tpu.yield
        }) : () -> ()
      } else {
      }
    }
    %scan3A_18 = arith.constant 8 : i32
    %barrier3A = arith.constant 0 : index
    tpu.barrier barrier_id(%barrier3A)
    %dma_start3A = arith.constant 0 : i32
    %dma_start3A_19 = arith.constant 0 : i32
    %dma_start3A_20 = tpu.memref_slice %arg10[%dma_start3A, %dma_start3A_19] : memref<250x80xi32, #tpu.memory_space<vmem>> -> memref<1x80xi32, #tpu.memory_space<vmem>>
    %dma_start3A_21 = tpu.memref_squeeze %dma_start3A_20 : memref<1x80xi32, #tpu.memory_space<vmem>> -> memref<80xi32, #tpu.memory_space<vmem>>
    %dma_start3A_22 = arith.constant 0 : i32
    %dma_start3A_23 = arith.constant 0 : i32
    %dma_start3A_24 = tpu.memref_slice %arg2[%dma_start3A_22, %dma_start3A_23] : memref<20000x64xf32, #tpu.memory_space<hbm>> -> memref<20000x64xf32, #tpu.memory_space<hbm>>
    tpu.enqueue_indirect_dma source(%dma_start3A_24 : memref<20000x64xf32, #tpu.memory_space<hbm>>) target(%arg12 : memref<80x64xf32, #tpu.memory_space<vmem>>) offsets(%dma_start3A_21 : memref<80xi32, #tpu.memory_space<vmem>>) semaphore(%arg24 : memref<!tpu.dma_semaphore, #tpu.memory_space<semaphore_mem>>)
    %dma_start3A_25 = arith.constant 1 : i32
    %dma_start3A_26 = arith.constant 0 : i32
    %dma_start3A_27 = tpu.memref_slice %arg10[%dma_start3A_25, %dma_start3A_26] : memref<250x80xi32, #tpu.memory_space<vmem>> -> memref<1x80xi32, #tpu.memory_space<vmem>>
    %dma_start3A_28 = tpu.memref_squeeze %dma_start3A_27 : memref<1x80xi32, #tpu.memory_space<vmem>> -> memref<80xi32, #tpu.memory_space<vmem>>
    %dma_start3A_29 = arith.constant 0 : i32
    %dma_start3A_30 = arith.constant 0 : i32
    %dma_start3A_31 = tpu.memref_slice %arg2[%dma_start3A_29, %dma_start3A_30] : memref<20000x64xf32, #tpu.memory_space<hbm>> -> memref<20000x64xf32, #tpu.memory_space<hbm>>
    tpu.enqueue_indirect_dma source(%dma_start3A_31 : memref<20000x64xf32, #tpu.memory_space<hbm>>) target(%arg13 : memref<80x64xf32, #tpu.memory_space<vmem>>) offsets(%dma_start3A_28 : memref<80xi32, #tpu.memory_space<vmem>>) semaphore(%arg25 : memref<!tpu.dma_semaphore, #tpu.memory_space<semaphore_mem>>)
    %dma_start3A_32 = arith.constant 2 : i32
    %dma_start3A_33 = arith.constant 0 : i32
    %dma_start3A_34 = tpu.memref_slice %arg10[%dma_start3A_32, %dma_start3A_33] : memref<250x80xi32, #tpu.memory_space<vmem>> -> memref<1x80xi32, #tpu.memory_space<vmem>>
    %dma_start3A_35 = tpu.memref_squeeze %dma_start3A_34 : memref<1x80xi32, #tpu.memory_space<vmem>> -> memref<80xi32, #tpu.memory_space<vmem>>
    %dma_start3A_36 = arith.constant 0 : i32
    %dma_start3A_37 = arith.constant 0 : i32
    %dma_start3A_38 = tpu.memref_slice %arg2[%dma_start3A_36, %dma_start3A_37] : memref<20000x64xf32, #tpu.memory_space<hbm>> -> memref<20000x64xf32, #tpu.memory_space<hbm>>
    tpu.enqueue_indirect_dma source(%dma_start3A_38 : memref<20000x64xf32, #tpu.memory_space<hbm>>) target(%arg14 : memref<80x64xf32, #tpu.memory_space<vmem>>) offsets(%dma_start3A_35 : memref<80xi32, #tpu.memory_space<vmem>>) semaphore(%arg26 : memref<!tpu.dma_semaphore, #tpu.memory_space<semaphore_mem>>)
    %dma_start3A_39 = arith.constant 3 : i32
    %dma_start3A_40 = arith.constant 0 : i32
    %dma_start3A_41 = tpu.memref_slice %arg10[%dma_start3A_39, %dma_start3A_40] : memref<250x80xi32, #tpu.memory_space<vmem>> -> memref<1x80xi32, #tpu.memory_space<vmem>>
    %dma_start3A_42 = tpu.memref_squeeze %dma_start3A_41 : memref<1x80xi32, #tpu.memory_space<vmem>> -> memref<80xi32, #tpu.memory_space<vmem>>
    %dma_start3A_43 = arith.constant 0 : i32
    %dma_start3A_44 = arith.constant 0 : i32
    %dma_start3A_45 = tpu.memref_slice %arg2[%dma_start3A_43, %dma_start3A_44] : memref<20000x64xf32, #tpu.memory_space<hbm>> -> memref<20000x64xf32, #tpu.memory_space<hbm>>
    tpu.enqueue_indirect_dma source(%dma_start3A_45 : memref<20000x64xf32, #tpu.memory_space<hbm>>) target(%arg15 : memref<80x64xf32, #tpu.memory_space<vmem>>) offsets(%dma_start3A_42 : memref<80xi32, #tpu.memory_space<vmem>>) semaphore(%arg27 : memref<!tpu.dma_semaphore, #tpu.memory_space<semaphore_mem>>)
    %dma_start3A_46 = arith.constant 4 : i32
    %dma_start3A_47 = arith.constant 0 : i32
    %dma_start3A_48 = tpu.memref_slice %arg10[%dma_start3A_46, %dma_start3A_47] : memref<250x80xi32, #tpu.memory_space<vmem>> -> memref<1x80xi32, #tpu.memory_space<vmem>>
    %dma_start3A_49 = tpu.memref_squeeze %dma_start3A_48 : memref<1x80xi32, #tpu.memory_space<vmem>> -> memref<80xi32, #tpu.memory_space<vmem>>
    %dma_start3A_50 = arith.constant 0 : i32
    %dma_start3A_51 = arith.constant 0 : i32
    %dma_start3A_52 = tpu.memref_slice %arg2[%dma_start3A_50, %dma_start3A_51] : memref<20000x64xf32, #tpu.memory_space<hbm>> -> memref<20000x64xf32, #tpu.memory_space<hbm>>
    tpu.enqueue_indirect_dma source(%dma_start3A_52 : memref<20000x64xf32, #tpu.memory_space<hbm>>) target(%arg16 : memref<80x64xf32, #tpu.memory_space<vmem>>) offsets(%dma_start3A_49 : memref<80xi32, #tpu.memory_space<vmem>>) semaphore(%arg28 : memref<!tpu.dma_semaphore, #tpu.memory_space<semaphore_mem>>)
    %dma_start3A_53 = arith.constant 5 : i32
    %dma_start3A_54 = arith.constant 0 : i32
    %dma_start3A_55 = tpu.memref_slice %arg10[%dma_start3A_53, %dma_start3A_54] : memref<250x80xi32, #tpu.memory_space<vmem>> -> memref<1x80xi32, #tpu.memory_space<vmem>>
    %dma_start3A_56 = tpu.memref_squeeze %dma_start3A_55 : memref<1x80xi32, #tpu.memory_space<vmem>> -> memref<80xi32, #tpu.memory_space<vmem>>
    %dma_start3A_57 = arith.constant 0 : i32
    %dma_start3A_58 = arith.constant 0 : i32
    %dma_start3A_59 = tpu.memref_slice %arg2[%dma_start3A_57, %dma_start3A_58] : memref<20000x64xf32, #tpu.memory_space<hbm>> -> memref<20000x64xf32, #tpu.memory_space<hbm>>
    tpu.enqueue_indirect_dma source(%dma_start3A_59 : memref<20000x64xf32, #tpu.memory_space<hbm>>) target(%arg17 : memref<80x64xf32, #tpu.memory_space<vmem>>) offsets(%dma_start3A_56 : memref<80xi32, #tpu.memory_space<vmem>>) semaphore(%arg29 : memref<!tpu.dma_semaphore, #tpu.memory_space<semaphore_mem>>)
    %dma_start3A_60 = arith.constant 6 : i32
    %dma_start3A_61 = arith.constant 0 : i32
    %dma_start3A_62 = tpu.memref_slice %arg10[%dma_start3A_60, %dma_start3A_61] : memref<250x80xi32, #tpu.memory_space<vmem>> -> memref<1x80xi32, #tpu.memory_space<vmem>>
    %dma_start3A_63 = tpu.memref_squeeze %dma_start3A_62 : memref<1x80xi32, #tpu.memory_space<vmem>> -> memref<80xi32, #tpu.memory_space<vmem>>
    %dma_start3A_64 = arith.constant 0 : i32
    %dma_start3A_65 = arith.constant 0 : i32
    %dma_start3A_66 = tpu.memref_slice %arg2[%dma_start3A_64, %dma_start3A_65] : memref<20000x64xf32, #tpu.memory_space<hbm>> -> memref<20000x64xf32, #tpu.memory_space<hbm>>
    tpu.enqueue_indirect_dma source(%dma_start3A_66 : memref<20000x64xf32, #tpu.memory_space<hbm>>) target(%arg18 : memref<80x64xf32, #tpu.memory_space<vmem>>) offsets(%dma_start3A_63 : memref<80xi32, #tpu.memory_space<vmem>>) semaphore(%arg30 : memref<!tpu.dma_semaphore, #tpu.memory_space<semaphore_mem>>)
    %dma_start3A_67 = arith.constant 7 : i32
    %dma_start3A_68 = arith.constant 0 : i32
    %dma_start3A_69 = tpu.memref_slice %arg10[%dma_start3A_67, %dma_start3A_68] : memref<250x80xi32, #tpu.memory_space<vmem>> -> memref<1x80xi32, #tpu.memory_space<vmem>>
    %dma_start3A_70 = tpu.memref_squeeze %dma_start3A_69 : memref<1x80xi32, #tpu.memory_space<vmem>> -> memref<80xi32, #tpu.memory_space<vmem>>
    %dma_start3A_71 = arith.constant 0 : i32
    %dma_start3A_72 = arith.constant 0 : i32
    %dma_start3A_73 = tpu.memref_slice %arg2[%dma_start3A_71, %dma_start3A_72] : memref<20000x64xf32, #tpu.memory_space<hbm>> -> memref<20000x64xf32, #tpu.memory_space<hbm>>
    tpu.enqueue_indirect_dma source(%dma_start3A_73 : memref<20000x64xf32, #tpu.memory_space<hbm>>) target(%arg19 : memref<80x64xf32, #tpu.memory_space<vmem>>) offsets(%dma_start3A_70 : memref<80xi32, #tpu.memory_space<vmem>>) semaphore(%arg31 : memref<!tpu.dma_semaphore, #tpu.memory_space<semaphore_mem>>)
    %scan3A_74 = arith.constant 0 : i32
    %scan3A_75 = arith.constant 0 : i32
    %scan3A_76 = arith.constant 32 : i32
    %scan3A_77 = arith.addi %scan3A_75, %scan3A_76 : i32
    %scan3A_78 = arith.constant 1 : i32
    scf.for %scan3A_190 = %scan3A_75 to %scan3A_77 step %scan3A_78  : i32 {
      %mul3A_191 = arith.constant 8 : i32
      %mul3A_192 = arith.muli %scan3A_190, %mul3A_191 : i32
      %add3A = arith.constant 0 : i32
      %add3A_193 = arith.addi %mul3A_192, %add3A : i32
      %lt3A = arith.constant 250 : i32
      %lt3A_194 = arith.cmpi slt, %add3A_193, %lt3A : i32
      %convert_element_type3A = arith.extui %lt3A_194 : i1 to i32
      %cond3A = arith.constant 0 : i32
      %cond3A_195 = arith.cmpi ne, %convert_element_type3A, %cond3A : i32
      scf.if %cond3A_195 {
        %dma_wait3A = arith.constant 0 : i32
        %dma_wait3A_259 = tpu.memref_slice %arg10[%add3A_193, %dma_wait3A] : memref<250x80xi32, #tpu.memory_space<vmem>> -> memref<1x80xi32, #tpu.memory_space<vmem>>
        %dma_wait3A_260 = tpu.memref_squeeze %dma_wait3A_259 : memref<1x80xi32, #tpu.memory_space<vmem>> -> memref<80xi32, #tpu.memory_space<vmem>>
        %dma_wait3A_261 = arith.constant 0 : i32
        %dma_wait3A_262 = arith.constant 0 : i32
        %dma_wait3A_263 = tpu.memref_slice %arg2[%dma_wait3A_261, %dma_wait3A_262] : memref<20000x64xf32, #tpu.memory_space<hbm>> -> memref<20000x64xf32, #tpu.memory_space<hbm>>
        tpu.wait_indirect_dma semaphore(%arg24 : memref<!tpu.dma_semaphore, #tpu.memory_space<semaphore_mem>>) src(%dma_wait3A_263 : memref<20000x64xf32, #tpu.memory_space<hbm>>) dst(%arg12 : memref<80x64xf32, #tpu.memory_space<vmem>>)
        "tpu.region"() ({
          %run_scoped3A = tpu.sem_alloc : memref<!tpu.dma_semaphore, #tpu.memory_space<semaphore_mem>>
          %dma_start3A_271 = arith.constant 0 : i32
          %dma_start3A_272 = tpu.memref_slice %arg11[%add3A_193, %dma_start3A_271] : memref<250x80xi32, #tpu.memory_space<vmem>> -> memref<1x80xi32, #tpu.memory_space<vmem>>
          %dma_start3A_273 = tpu.memref_squeeze %dma_start3A_272 : memref<1x80xi32, #tpu.memory_space<vmem>> -> memref<80xi32, #tpu.memory_space<vmem>>
          %dma_start3A_274 = arith.constant 0 : i32
          %dma_start3A_275 = arith.constant 0 : i32
          %dma_start3A_276 = tpu.memref_slice %arg23[%dma_start3A_274, %dma_start3A_275] : memref<10000x64xf32, #tpu.memory_space<vmem_shared>> -> memref<10000x64xf32, #tpu.memory_space<vmem_shared>>
          tpu.enqueue_indirect_dma source(%arg12 : memref<80x64xf32, #tpu.memory_space<vmem>>) target(%dma_start3A_276 : memref<10000x64xf32, #tpu.memory_space<vmem_shared>>) offsets(%dma_start3A_273 : memref<80xi32, #tpu.memory_space<vmem>>) semaphore(%run_scoped3A : memref<!tpu.dma_semaphore, #tpu.memory_space<semaphore_mem>>) {add = true}
          %dma_wait3A_277 = arith.constant 0 : i32
          %dma_wait3A_278 = tpu.memref_slice %arg11[%add3A_193, %dma_wait3A_277] : memref<250x80xi32, #tpu.memory_space<vmem>> -> memref<1x80xi32, #tpu.memory_space<vmem>>
          %dma_wait3A_279 = tpu.memref_squeeze %dma_wait3A_278 : memref<1x80xi32, #tpu.memory_space<vmem>> -> memref<80xi32, #tpu.memory_space<vmem>>
          %dma_wait3A_280 = arith.constant 0 : i32
          %dma_wait3A_281 = arith.constant 0 : i32
          %dma_wait3A_282 = tpu.memref_slice %arg23[%dma_wait3A_280, %dma_wait3A_281] : memref<10000x64xf32, #tpu.memory_space<vmem_shared>> -> memref<10000x64xf32, #tpu.memory_space<vmem_shared>>
          tpu.wait_indirect_dma semaphore(%run_scoped3A : memref<!tpu.dma_semaphore, #tpu.memory_space<semaphore_mem>>) src(%arg12 : memref<80x64xf32, #tpu.memory_space<vmem>>) dst(%dma_wait3A_282 : memref<10000x64xf32, #tpu.memory_space<vmem_shared>>)
          tpu.yield
        }) : () -> ()
        %add3A_264 = arith.constant 8 : i32
        %add3A_265 = arith.addi %add3A_193, %add3A_264 : i32
        %lt3A_266 = arith.constant 250 : i32
        %lt3A_267 = arith.cmpi slt, %add3A_265, %lt3A_266 : i32
        %convert_element_type3A_268 = arith.extui %lt3A_267 : i1 to i32
        %cond3A_269 = arith.constant 0 : i32
        %cond3A_270 = arith.cmpi ne, %convert_element_type3A_268, %cond3A_269 : i32
        scf.if %cond3A_270 {
          %add3A_271 = arith.constant 8 : i32
          %add3A_272 = arith.addi %add3A_193, %add3A_271 : i32
          %dma_start3A_273 = arith.constant 0 : i32
          %dma_start3A_274 = tpu.memref_slice %arg10[%add3A_272, %dma_start3A_273] : memref<250x80xi32, #tpu.memory_space<vmem>> -> memref<1x80xi32, #tpu.memory_space<vmem>>
          %dma_start3A_275 = tpu.memref_squeeze %dma_start3A_274 : memref<1x80xi32, #tpu.memory_space<vmem>> -> memref<80xi32, #tpu.memory_space<vmem>>
          %dma_start3A_276 = arith.constant 0 : i32
          %dma_start3A_277 = arith.constant 0 : i32
          %dma_start3A_278 = tpu.memref_slice %arg2[%dma_start3A_276, %dma_start3A_277] : memref<20000x64xf32, #tpu.memory_space<hbm>> -> memref<20000x64xf32, #tpu.memory_space<hbm>>
          tpu.enqueue_indirect_dma source(%dma_start3A_278 : memref<20000x64xf32, #tpu.memory_space<hbm>>) target(%arg12 : memref<80x64xf32, #tpu.memory_space<vmem>>) offsets(%dma_start3A_275 : memref<80xi32, #tpu.memory_space<vmem>>) semaphore(%arg24 : memref<!tpu.dma_semaphore, #tpu.memory_space<semaphore_mem>>)
        } else {
        }
      } else {
      }
      %mul3A_196 = arith.constant 8 : i32
      %mul3A_197 = arith.muli %scan3A_190, %mul3A_196 : i32
      %add3A_198 = arith.constant 1 : i32
      %add3A_199 = arith.addi %mul3A_197, %add3A_198 : i32
      %lt3A_200 = arith.constant 250 : i32
      %lt3A_201 = arith.cmpi slt, %add3A_199, %lt3A_200 : i32
      %convert_element_type3A_202 = arith.extui %lt3A_201 : i1 to i32
      %cond3A_203 = arith.constant 0 : i32
      %cond3A_204 = arith.cmpi ne, %convert_element_type3A_202, %cond3A_203 : i32
      scf.if %cond3A_204 {
        %dma_wait3A = arith.constant 0 : i32
        %dma_wait3A_259 = tpu.memref_slice %arg10[%add3A_199, %dma_wait3A] : memref<250x80xi32, #tpu.memory_space<vmem>> -> memref<1x80xi32, #tpu.memory_space<vmem>>
        %dma_wait3A_260 = tpu.memref_squeeze %dma_wait3A_259 : memref<1x80xi32, #tpu.memory_space<vmem>> -> memref<80xi32, #tpu.memory_space<vmem>>
        %dma_wait3A_261 = arith.constant 0 : i32
        %dma_wait3A_262 = arith.constant 0 : i32
        %dma_wait3A_263 = tpu.memref_slice %arg2[%dma_wait3A_261, %dma_wait3A_262] : memref<20000x64xf32, #tpu.memory_space<hbm>> -> memref<20000x64xf32, #tpu.memory_space<hbm>>
        tpu.wait_indirect_dma semaphore(%arg25 : memref<!tpu.dma_semaphore, #tpu.memory_space<semaphore_mem>>) src(%dma_wait3A_263 : memref<20000x64xf32, #tpu.memory_space<hbm>>) dst(%arg13 : memref<80x64xf32, #tpu.memory_space<vmem>>)
        "tpu.region"() ({
          %run_scoped3A = tpu.sem_alloc : memref<!tpu.dma_semaphore, #tpu.memory_space<semaphore_mem>>
          %dma_start3A_271 = arith.constant 0 : i32
          %dma_start3A_272 = tpu.memref_slice %arg11[%add3A_199, %dma_start3A_271] : memref<250x80xi32, #tpu.memory_space<vmem>> -> memref<1x80xi32, #tpu.memory_space<vmem>>
          %dma_start3A_273 = tpu.memref_squeeze %dma_start3A_272 : memref<1x80xi32, #tpu.memory_space<vmem>> -> memref<80xi32, #tpu.memory_space<vmem>>
          %dma_start3A_274 = arith.constant 0 : i32
          %dma_start3A_275 = arith.constant 0 : i32
          %dma_start3A_276 = tpu.memref_slice %arg23[%dma_start3A_274, %dma_start3A_275] : memref<10000x64xf32, #tpu.memory_space<vmem_shared>> -> memref<10000x64xf32, #tpu.memory_space<vmem_shared>>
          tpu.enqueue_indirect_dma source(%arg13 : memref<80x64xf32, #tpu.memory_space<vmem>>) target(%dma_start3A_276 : memref<10000x64xf32, #tpu.memory_space<vmem_shared>>) offsets(%dma_start3A_273 : memref<80xi32, #tpu.memory_space<vmem>>) semaphore(%run_scoped3A : memref<!tpu.dma_semaphore, #tpu.memory_space<semaphore_mem>>) {add = true}
          %dma_wait3A_277 = arith.constant 0 : i32
          %dma_wait3A_278 = tpu.memref_slice %arg11[%add3A_199, %dma_wait3A_277] : memref<250x80xi32, #tpu.memory_space<vmem>> -> memref<1x80xi32, #tpu.memory_space<vmem>>
          %dma_wait3A_279 = tpu.memref_squeeze %dma_wait3A_278 : memref<1x80xi32, #tpu.memory_space<vmem>> -> memref<80xi32, #tpu.memory_space<vmem>>
          %dma_wait3A_280 = arith.constant 0 : i32
          %dma_wait3A_281 = arith.constant 0 : i32
          %dma_wait3A_282 = tpu.memref_slice %arg23[%dma_wait3A_280, %dma_wait3A_281] : memref<10000x64xf32, #tpu.memory_space<vmem_shared>> -> memref<10000x64xf32, #tpu.memory_space<vmem_shared>>
          tpu.wait_indirect_dma semaphore(%run_scoped3A : memref<!tpu.dma_semaphore, #tpu.memory_space<semaphore_mem>>) src(%arg13 : memref<80x64xf32, #tpu.memory_space<vmem>>) dst(%dma_wait3A_282 : memref<10000x64xf32, #tpu.memory_space<vmem_shared>>)
          tpu.yield
        }) : () -> ()
        %add3A_264 = arith.constant 8 : i32
        %add3A_265 = arith.addi %add3A_199, %add3A_264 : i32
        %lt3A_266 = arith.constant 250 : i32
        %lt3A_267 = arith.cmpi slt, %add3A_265, %lt3A_266 : i32
        %convert_element_type3A_268 = arith.extui %lt3A_267 : i1 to i32
        %cond3A_269 = arith.constant 0 : i32
        %cond3A_270 = arith.cmpi ne, %convert_element_type3A_268, %cond3A_269 : i32
        scf.if %cond3A_270 {
          %add3A_271 = arith.constant 8 : i32
          %add3A_272 = arith.addi %add3A_199, %add3A_271 : i32
          %dma_start3A_273 = arith.constant 0 : i32
          %dma_start3A_274 = tpu.memref_slice %arg10[%add3A_272, %dma_start3A_273] : memref<250x80xi32, #tpu.memory_space<vmem>> -> memref<1x80xi32, #tpu.memory_space<vmem>>
          %dma_start3A_275 = tpu.memref_squeeze %dma_start3A_274 : memref<1x80xi32, #tpu.memory_space<vmem>> -> memref<80xi32, #tpu.memory_space<vmem>>
          %dma_start3A_276 = arith.constant 0 : i32
          %dma_start3A_277 = arith.constant 0 : i32
          %dma_start3A_278 = tpu.memref_slice %arg2[%dma_start3A_276, %dma_start3A_277] : memref<20000x64xf32, #tpu.memory_space<hbm>> -> memref<20000x64xf32, #tpu.memory_space<hbm>>
          tpu.enqueue_indirect_dma source(%dma_start3A_278 : memref<20000x64xf32, #tpu.memory_space<hbm>>) target(%arg13 : memref<80x64xf32, #tpu.memory_space<vmem>>) offsets(%dma_start3A_275 : memref<80xi32, #tpu.memory_space<vmem>>) semaphore(%arg25 : memref<!tpu.dma_semaphore, #tpu.memory_space<semaphore_mem>>)
        } else {
        }
      } else {
      }
      %mul3A_205 = arith.constant 8 : i32
      %mul3A_206 = arith.muli %scan3A_190, %mul3A_205 : i32
      %add3A_207 = arith.constant 2 : i32
      %add3A_208 = arith.addi %mul3A_206, %add3A_207 : i32
      %lt3A_209 = arith.constant 250 : i32
      %lt3A_210 = arith.cmpi slt, %add3A_208, %lt3A_209 : i32
      %convert_element_type3A_211 = arith.extui %lt3A_210 : i1 to i32
      %cond3A_212 = arith.constant 0 : i32
      %cond3A_213 = arith.cmpi ne, %convert_element_type3A_211, %cond3A_212 : i32
      scf.if %cond3A_213 {
        %dma_wait3A = arith.constant 0 : i32
        %dma_wait3A_259 = tpu.memref_slice %arg10[%add3A_208, %dma_wait3A] : memref<250x80xi32, #tpu.memory_space<vmem>> -> memref<1x80xi32, #tpu.memory_space<vmem>>
        %dma_wait3A_260 = tpu.memref_squeeze %dma_wait3A_259 : memref<1x80xi32, #tpu.memory_space<vmem>> -> memref<80xi32, #tpu.memory_space<vmem>>
        %dma_wait3A_261 = arith.constant 0 : i32
        %dma_wait3A_262 = arith.constant 0 : i32
        %dma_wait3A_263 = tpu.memref_slice %arg2[%dma_wait3A_261, %dma_wait3A_262] : memref<20000x64xf32, #tpu.memory_space<hbm>> -> memref<20000x64xf32, #tpu.memory_space<hbm>>
        tpu.wait_indirect_dma semaphore(%arg26 : memref<!tpu.dma_semaphore, #tpu.memory_space<semaphore_mem>>) src(%dma_wait3A_263 : memref<20000x64xf32, #tpu.memory_space<hbm>>) dst(%arg14 : memref<80x64xf32, #tpu.memory_space<vmem>>)
        "tpu.region"() ({
          %run_scoped3A = tpu.sem_alloc : memref<!tpu.dma_semaphore, #tpu.memory_space<semaphore_mem>>
          %dma_start3A_271 = arith.constant 0 : i32
          %dma_start3A_272 = tpu.memref_slice %arg11[%add3A_208, %dma_start3A_271] : memref<250x80xi32, #tpu.memory_space<vmem>> -> memref<1x80xi32, #tpu.memory_space<vmem>>
          %dma_start3A_273 = tpu.memref_squeeze %dma_start3A_272 : memref<1x80xi32, #tpu.memory_space<vmem>> -> memref<80xi32, #tpu.memory_space<vmem>>
          %dma_start3A_274 = arith.constant 0 : i32
          %dma_start3A_275 = arith.constant 0 : i32
          %dma_start3A_276 = tpu.memref_slice %arg23[%dma_start3A_274, %dma_start3A_275] : memref<10000x64xf32, #tpu.memory_space<vmem_shared>> -> memref<10000x64xf32, #tpu.memory_space<vmem_shared>>
          tpu.enqueue_indirect_dma source(%arg14 : memref<80x64xf32, #tpu.memory_space<vmem>>) target(%dma_start3A_276 : memref<10000x64xf32, #tpu.memory_space<vmem_shared>>) offsets(%dma_start3A_273 : memref<80xi32, #tpu.memory_space<vmem>>) semaphore(%run_scoped3A : memref<!tpu.dma_semaphore, #tpu.memory_space<semaphore_mem>>) {add = true}
          %dma_wait3A_277 = arith.constant 0 : i32
          %dma_wait3A_278 = tpu.memref_slice %arg11[%add3A_208, %dma_wait3A_277] : memref<250x80xi32, #tpu.memory_space<vmem>> -> memref<1x80xi32, #tpu.memory_space<vmem>>
          %dma_wait3A_279 = tpu.memref_squeeze %dma_wait3A_278 : memref<1x80xi32, #tpu.memory_space<vmem>> -> memref<80xi32, #tpu.memory_space<vmem>>
          %dma_wait3A_280 = arith.constant 0 : i32
          %dma_wait3A_281 = arith.constant 0 : i32
          %dma_wait3A_282 = tpu.memref_slice %arg23[%dma_wait3A_280, %dma_wait3A_281] : memref<10000x64xf32, #tpu.memory_space<vmem_shared>> -> memref<10000x64xf32, #tpu.memory_space<vmem_shared>>
          tpu.wait_indirect_dma semaphore(%run_scoped3A : memref<!tpu.dma_semaphore, #tpu.memory_space<semaphore_mem>>) src(%arg14 : memref<80x64xf32, #tpu.memory_space<vmem>>) dst(%dma_wait3A_282 : memref<10000x64xf32, #tpu.memory_space<vmem_shared>>)
          tpu.yield
        }) : () -> ()
        %add3A_264 = arith.constant 8 : i32
        %add3A_265 = arith.addi %add3A_208, %add3A_264 : i32
        %lt3A_266 = arith.constant 250 : i32
        %lt3A_267 = arith.cmpi slt, %add3A_265, %lt3A_266 : i32
        %convert_element_type3A_268 = arith.extui %lt3A_267 : i1 to i32
        %cond3A_269 = arith.constant 0 : i32
        %cond3A_270 = arith.cmpi ne, %convert_element_type3A_268, %cond3A_269 : i32
        scf.if %cond3A_270 {
          %add3A_271 = arith.constant 8 : i32
          %add3A_272 = arith.addi %add3A_208, %add3A_271 : i32
          %dma_start3A_273 = arith.constant 0 : i32
          %dma_start3A_274 = tpu.memref_slice %arg10[%add3A_272, %dma_start3A_273] : memref<250x80xi32, #tpu.memory_space<vmem>> -> memref<1x80xi32, #tpu.memory_space<vmem>>
          %dma_start3A_275 = tpu.memref_squeeze %dma_start3A_274 : memref<1x80xi32, #tpu.memory_space<vmem>> -> memref<80xi32, #tpu.memory_space<vmem>>
          %dma_start3A_276 = arith.constant 0 : i32
          %dma_start3A_277 = arith.constant 0 : i32
          %dma_start3A_278 = tpu.memref_slice %arg2[%dma_start3A_276, %dma_start3A_277] : memref<20000x64xf32, #tpu.memory_space<hbm>> -> memref<20000x64xf32, #tpu.memory_space<hbm>>
          tpu.enqueue_indirect_dma source(%dma_start3A_278 : memref<20000x64xf32, #tpu.memory_space<hbm>>) target(%arg14 : memref<80x64xf32, #tpu.memory_space<vmem>>) offsets(%dma_start3A_275 : memref<80xi32, #tpu.memory_space<vmem>>) semaphore(%arg26 : memref<!tpu.dma_semaphore, #tpu.memory_space<semaphore_mem>>)
        } else {
        }
      } else {
      }
      %mul3A_214 = arith.constant 8 : i32
      %mul3A_215 = arith.muli %scan3A_190, %mul3A_214 : i32
      %add3A_216 = arith.constant 3 : i32
      %add3A_217 = arith.addi %mul3A_215, %add3A_216 : i32
      %lt3A_218 = arith.constant 250 : i32
      %lt3A_219 = arith.cmpi slt, %add3A_217, %lt3A_218 : i32
      %convert_element_type3A_220 = arith.extui %lt3A_219 : i1 to i32
      %cond3A_221 = arith.constant 0 : i32
      %cond3A_222 = arith.cmpi ne, %convert_element_type3A_220, %cond3A_221 : i32
      scf.if %cond3A_222 {
        %dma_wait3A = arith.constant 0 : i32
        %dma_wait3A_259 = tpu.memref_slice %arg10[%add3A_217, %dma_wait3A] : memref<250x80xi32, #tpu.memory_space<vmem>> -> memref<1x80xi32, #tpu.memory_space<vmem>>
        %dma_wait3A_260 = tpu.memref_squeeze %dma_wait3A_259 : memref<1x80xi32, #tpu.memory_space<vmem>> -> memref<80xi32, #tpu.memory_space<vmem>>
        %dma_wait3A_261 = arith.constant 0 : i32
        %dma_wait3A_262 = arith.constant 0 : i32
        %dma_wait3A_263 = tpu.memref_slice %arg2[%dma_wait3A_261, %dma_wait3A_262] : memref<20000x64xf32, #tpu.memory_space<hbm>> -> memref<20000x64xf32, #tpu.memory_space<hbm>>
        tpu.wait_indirect_dma semaphore(%arg27 : memref<!tpu.dma_semaphore, #tpu.memory_space<semaphore_mem>>) src(%dma_wait3A_263 : memref<20000x64xf32, #tpu.memory_space<hbm>>) dst(%arg15 : memref<80x64xf32, #tpu.memory_space<vmem>>)
        "tpu.region"() ({
          %run_scoped3A = tpu.sem_alloc : memref<!tpu.dma_semaphore, #tpu.memory_space<semaphore_mem>>
          %dma_start3A_271 = arith.constant 0 : i32
          %dma_start3A_272 = tpu.memref_slice %arg11[%add3A_217, %dma_start3A_271] : memref<250x80xi32, #tpu.memory_space<vmem>> -> memref<1x80xi32, #tpu.memory_space<vmem>>
          %dma_start3A_273 = tpu.memref_squeeze %dma_start3A_272 : memref<1x80xi32, #tpu.memory_space<vmem>> -> memref<80xi32, #tpu.memory_space<vmem>>
          %dma_start3A_274 = arith.constant 0 : i32
          %dma_start3A_275 = arith.constant 0 : i32
          %dma_start3A_276 = tpu.memref_slice %arg23[%dma_start3A_274, %dma_start3A_275] : memref<10000x64xf32, #tpu.memory_space<vmem_shared>> -> memref<10000x64xf32, #tpu.memory_space<vmem_shared>>
          tpu.enqueue_indirect_dma source(%arg15 : memref<80x64xf32, #tpu.memory_space<vmem>>) target(%dma_start3A_276 : memref<10000x64xf32, #tpu.memory_space<vmem_shared>>) offsets(%dma_start3A_273 : memref<80xi32, #tpu.memory_space<vmem>>) semaphore(%run_scoped3A : memref<!tpu.dma_semaphore, #tpu.memory_space<semaphore_mem>>) {add = true}
          %dma_wait3A_277 = arith.constant 0 : i32
          %dma_wait3A_278 = tpu.memref_slice %arg11[%add3A_217, %dma_wait3A_277] : memref<250x80xi32, #tpu.memory_space<vmem>> -> memref<1x80xi32, #tpu.memory_space<vmem>>
          %dma_wait3A_279 = tpu.memref_squeeze %dma_wait3A_278 : memref<1x80xi32, #tpu.memory_space<vmem>> -> memref<80xi32, #tpu.memory_space<vmem>>
          %dma_wait3A_280 = arith.constant 0 : i32
          %dma_wait3A_281 = arith.constant 0 : i32
          %dma_wait3A_282 = tpu.memref_slice %arg23[%dma_wait3A_280, %dma_wait3A_281] : memref<10000x64xf32, #tpu.memory_space<vmem_shared>> -> memref<10000x64xf32, #tpu.memory_space<vmem_shared>>
          tpu.wait_indirect_dma semaphore(%run_scoped3A : memref<!tpu.dma_semaphore, #tpu.memory_space<semaphore_mem>>) src(%arg15 : memref<80x64xf32, #tpu.memory_space<vmem>>) dst(%dma_wait3A_282 : memref<10000x64xf32, #tpu.memory_space<vmem_shared>>)
          tpu.yield
        }) : () -> ()
        %add3A_264 = arith.constant 8 : i32
        %add3A_265 = arith.addi %add3A_217, %add3A_264 : i32
        %lt3A_266 = arith.constant 250 : i32
        %lt3A_267 = arith.cmpi slt, %add3A_265, %lt3A_266 : i32
        %convert_element_type3A_268 = arith.extui %lt3A_267 : i1 to i32
        %cond3A_269 = arith.constant 0 : i32
        %cond3A_270 = arith.cmpi ne, %convert_element_type3A_268, %cond3A_269 : i32
        scf.if %cond3A_270 {
          %add3A_271 = arith.constant 8 : i32
          %add3A_272 = arith.addi %add3A_217, %add3A_271 : i32
          %dma_start3A_273 = arith.constant 0 : i32
          %dma_start3A_274 = tpu.memref_slice %arg10[%add3A_272, %dma_start3A_273] : memref<250x80xi32, #tpu.memory_space<vmem>> -> memref<1x80xi32, #tpu.memory_space<vmem>>
          %dma_start3A_275 = tpu.memref_squeeze %dma_start3A_274 : memref<1x80xi32, #tpu.memory_space<vmem>> -> memref<80xi32, #tpu.memory_space<vmem>>
          %dma_start3A_276 = arith.constant 0 : i32
          %dma_start3A_277 = arith.constant 0 : i32
          %dma_start3A_278 = tpu.memref_slice %arg2[%dma_start3A_276, %dma_start3A_277] : memref<20000x64xf32, #tpu.memory_space<hbm>> -> memref<20000x64xf32, #tpu.memory_space<hbm>>
          tpu.enqueue_indirect_dma source(%dma_start3A_278 : memref<20000x64xf32, #tpu.memory_space<hbm>>) target(%arg15 : memref<80x64xf32, #tpu.memory_space<vmem>>) offsets(%dma_start3A_275 : memref<80xi32, #tpu.memory_space<vmem>>) semaphore(%arg27 : memref<!tpu.dma_semaphore, #tpu.memory_space<semaphore_mem>>)
        } else {
        }
      } else {
      }
      %mul3A_223 = arith.constant 8 : i32
      %mul3A_224 = arith.muli %scan3A_190, %mul3A_223 : i32
      %add3A_225 = arith.constant 4 : i32
      %add3A_226 = arith.addi %mul3A_224, %add3A_225 : i32
      %lt3A_227 = arith.constant 250 : i32
      %lt3A_228 = arith.cmpi slt, %add3A_226, %lt3A_227 : i32
      %convert_element_type3A_229 = arith.extui %lt3A_228 : i1 to i32
      %cond3A_230 = arith.constant 0 : i32
      %cond3A_231 = arith.cmpi ne, %convert_element_type3A_229, %cond3A_230 : i32
      scf.if %cond3A_231 {
        %dma_wait3A = arith.constant 0 : i32
        %dma_wait3A_259 = tpu.memref_slice %arg10[%add3A_226, %dma_wait3A] : memref<250x80xi32, #tpu.memory_space<vmem>> -> memref<1x80xi32, #tpu.memory_space<vmem>>
        %dma_wait3A_260 = tpu.memref_squeeze %dma_wait3A_259 : memref<1x80xi32, #tpu.memory_space<vmem>> -> memref<80xi32, #tpu.memory_space<vmem>>
        %dma_wait3A_261 = arith.constant 0 : i32
        %dma_wait3A_262 = arith.constant 0 : i32
        %dma_wait3A_263 = tpu.memref_slice %arg2[%dma_wait3A_261, %dma_wait3A_262] : memref<20000x64xf32, #tpu.memory_space<hbm>> -> memref<20000x64xf32, #tpu.memory_space<hbm>>
        tpu.wait_indirect_dma semaphore(%arg28 : memref<!tpu.dma_semaphore, #tpu.memory_space<semaphore_mem>>) src(%dma_wait3A_263 : memref<20000x64xf32, #tpu.memory_space<hbm>>) dst(%arg16 : memref<80x64xf32, #tpu.memory_space<vmem>>)
        "tpu.region"() ({
          %run_scoped3A = tpu.sem_alloc : memref<!tpu.dma_semaphore, #tpu.memory_space<semaphore_mem>>
          %dma_start3A_271 = arith.constant 0 : i32
          %dma_start3A_272 = tpu.memref_slice %arg11[%add3A_226, %dma_start3A_271] : memref<250x80xi32, #tpu.memory_space<vmem>> -> memref<1x80xi32, #tpu.memory_space<vmem>>
          %dma_start3A_273 = tpu.memref_squeeze %dma_start3A_272 : memref<1x80xi32, #tpu.memory_space<vmem>> -> memref<80xi32, #tpu.memory_space<vmem>>
          %dma_start3A_274 = arith.constant 0 : i32
          %dma_start3A_275 = arith.constant 0 : i32
          %dma_start3A_276 = tpu.memref_slice %arg23[%dma_start3A_274, %dma_start3A_275] : memref<10000x64xf32, #tpu.memory_space<vmem_shared>> -> memref<10000x64xf32, #tpu.memory_space<vmem_shared>>
          tpu.enqueue_indirect_dma source(%arg16 : memref<80x64xf32, #tpu.memory_space<vmem>>) target(%dma_start3A_276 : memref<10000x64xf32, #tpu.memory_space<vmem_shared>>) offsets(%dma_start3A_273 : memref<80xi32, #tpu.memory_space<vmem>>) semaphore(%run_scoped3A : memref<!tpu.dma_semaphore, #tpu.memory_space<semaphore_mem>>) {add = true}
          %dma_wait3A_277 = arith.constant 0 : i32
          %dma_wait3A_278 = tpu.memref_slice %arg11[%add3A_226, %dma_wait3A_277] : memref<250x80xi32, #tpu.memory_space<vmem>> -> memref<1x80xi32, #tpu.memory_space<vmem>>
          %dma_wait3A_279 = tpu.memref_squeeze %dma_wait3A_278 : memref<1x80xi32, #tpu.memory_space<vmem>> -> memref<80xi32, #tpu.memory_space<vmem>>
          %dma_wait3A_280 = arith.constant 0 : i32
          %dma_wait3A_281 = arith.constant 0 : i32
          %dma_wait3A_282 = tpu.memref_slice %arg23[%dma_wait3A_280, %dma_wait3A_281] : memref<10000x64xf32, #tpu.memory_space<vmem_shared>> -> memref<10000x64xf32, #tpu.memory_space<vmem_shared>>
          tpu.wait_indirect_dma semaphore(%run_scoped3A : memref<!tpu.dma_semaphore, #tpu.memory_space<semaphore_mem>>) src(%arg16 : memref<80x64xf32, #tpu.memory_space<vmem>>) dst(%dma_wait3A_282 : memref<10000x64xf32, #tpu.memory_space<vmem_shared>>)
          tpu.yield
        }) : () -> ()
        %add3A_264 = arith.constant 8 : i32
        %add3A_265 = arith.addi %add3A_226, %add3A_264 : i32
        %lt3A_266 = arith.constant 250 : i32
        %lt3A_267 = arith.cmpi slt, %add3A_265, %lt3A_266 : i32
        %convert_element_type3A_268 = arith.extui %lt3A_267 : i1 to i32
        %cond3A_269 = arith.constant 0 : i32
        %cond3A_270 = arith.cmpi ne, %convert_element_type3A_268, %cond3A_269 : i32
        scf.if %cond3A_270 {
          %add3A_271 = arith.constant 8 : i32
          %add3A_272 = arith.addi %add3A_226, %add3A_271 : i32
          %dma_start3A_273 = arith.constant 0 : i32
          %dma_start3A_274 = tpu.memref_slice %arg10[%add3A_272, %dma_start3A_273] : memref<250x80xi32, #tpu.memory_space<vmem>> -> memref<1x80xi32, #tpu.memory_space<vmem>>
          %dma_start3A_275 = tpu.memref_squeeze %dma_start3A_274 : memref<1x80xi32, #tpu.memory_space<vmem>> -> memref<80xi32, #tpu.memory_space<vmem>>
          %dma_start3A_276 = arith.constant 0 : i32
          %dma_start3A_277 = arith.constant 0 : i32
          %dma_start3A_278 = tpu.memref_slice %arg2[%dma_start3A_276, %dma_start3A_277] : memref<20000x64xf32, #tpu.memory_space<hbm>> -> memref<20000x64xf32, #tpu.memory_space<hbm>>
          tpu.enqueue_indirect_dma source(%dma_start3A_278 : memref<20000x64xf32, #tpu.memory_space<hbm>>) target(%arg16 : memref<80x64xf32, #tpu.memory_space<vmem>>) offsets(%dma_start3A_275 : memref<80xi32, #tpu.memory_space<vmem>>) semaphore(%arg28 : memref<!tpu.dma_semaphore, #tpu.memory_space<semaphore_mem>>)
        } else {
        }
      } else {
      }
      %mul3A_232 = arith.constant 8 : i32
      %mul3A_233 = arith.muli %scan3A_190, %mul3A_232 : i32
      %add3A_234 = arith.constant 5 : i32
      %add3A_235 = arith.addi %mul3A_233, %add3A_234 : i32
      %lt3A_236 = arith.constant 250 : i32
      %lt3A_237 = arith.cmpi slt, %add3A_235, %lt3A_236 : i32
      %convert_element_type3A_238 = arith.extui %lt3A_237 : i1 to i32
      %cond3A_239 = arith.constant 0 : i32
      %cond3A_240 = arith.cmpi ne, %convert_element_type3A_238, %cond3A_239 : i32
      scf.if %cond3A_240 {
        %dma_wait3A = arith.constant 0 : i32
        %dma_wait3A_259 = tpu.memref_slice %arg10[%add3A_235, %dma_wait3A] : memref<250x80xi32, #tpu.memory_space<vmem>> -> memref<1x80xi32, #tpu.memory_space<vmem>>
        %dma_wait3A_260 = tpu.memref_squeeze %dma_wait3A_259 : memref<1x80xi32, #tpu.memory_space<vmem>> -> memref<80xi32, #tpu.memory_space<vmem>>
        %dma_wait3A_261 = arith.constant 0 : i32
        %dma_wait3A_262 = arith.constant 0 : i32
        %dma_wait3A_263 = tpu.memref_slice %arg2[%dma_wait3A_261, %dma_wait3A_262] : memref<20000x64xf32, #tpu.memory_space<hbm>> -> memref<20000x64xf32, #tpu.memory_space<hbm>>
        tpu.wait_indirect_dma semaphore(%arg29 : memref<!tpu.dma_semaphore, #tpu.memory_space<semaphore_mem>>) src(%dma_wait3A_263 : memref<20000x64xf32, #tpu.memory_space<hbm>>) dst(%arg17 : memref<80x64xf32, #tpu.memory_space<vmem>>)
        "tpu.region"() ({
          %run_scoped3A = tpu.sem_alloc : memref<!tpu.dma_semaphore, #tpu.memory_space<semaphore_mem>>
          %dma_start3A_271 = arith.constant 0 : i32
          %dma_start3A_272 = tpu.memref_slice %arg11[%add3A_235, %dma_start3A_271] : memref<250x80xi32, #tpu.memory_space<vmem>> -> memref<1x80xi32, #tpu.memory_space<vmem>>
          %dma_start3A_273 = tpu.memref_squeeze %dma_start3A_272 : memref<1x80xi32, #tpu.memory_space<vmem>> -> memref<80xi32, #tpu.memory_space<vmem>>
          %dma_start3A_274 = arith.constant 0 : i32
          %dma_start3A_275 = arith.constant 0 : i32
          %dma_start3A_276 = tpu.memref_slice %arg23[%dma_start3A_274, %dma_start3A_275] : memref<10000x64xf32, #tpu.memory_space<vmem_shared>> -> memref<10000x64xf32, #tpu.memory_space<vmem_shared>>
          tpu.enqueue_indirect_dma source(%arg17 : memref<80x64xf32, #tpu.memory_space<vmem>>) target(%dma_start3A_276 : memref<10000x64xf32, #tpu.memory_space<vmem_shared>>) offsets(%dma_start3A_273 : memref<80xi32, #tpu.memory_space<vmem>>) semaphore(%run_scoped3A : memref<!tpu.dma_semaphore, #tpu.memory_space<semaphore_mem>>) {add = true}
          %dma_wait3A_277 = arith.constant 0 : i32
          %dma_wait3A_278 = tpu.memref_slice %arg11[%add3A_235, %dma_wait3A_277] : memref<250x80xi32, #tpu.memory_space<vmem>> -> memref<1x80xi32, #tpu.memory_space<vmem>>
          %dma_wait3A_279 = tpu.memref_squeeze %dma_wait3A_278 : memref<1x80xi32, #tpu.memory_space<vmem>> -> memref<80xi32, #tpu.memory_space<vmem>>
          %dma_wait3A_280 = arith.constant 0 : i32
          %dma_wait3A_281 = arith.constant 0 : i32
          %dma_wait3A_282 = tpu.memref_slice %arg23[%dma_wait3A_280, %dma_wait3A_281] : memref<10000x64xf32, #tpu.memory_space<vmem_shared>> -> memref<10000x64xf32, #tpu.memory_space<vmem_shared>>
          tpu.wait_indirect_dma semaphore(%run_scoped3A : memref<!tpu.dma_semaphore, #tpu.memory_space<semaphore_mem>>) src(%arg17 : memref<80x64xf32, #tpu.memory_space<vmem>>) dst(%dma_wait3A_282 : memref<10000x64xf32, #tpu.memory_space<vmem_shared>>)
          tpu.yield
        }) : () -> ()
        %add3A_264 = arith.constant 8 : i32
        %add3A_265 = arith.addi %add3A_235, %add3A_264 : i32
        %lt3A_266 = arith.constant 250 : i32
        %lt3A_267 = arith.cmpi slt, %add3A_265, %lt3A_266 : i32
        %convert_element_type3A_268 = arith.extui %lt3A_267 : i1 to i32
        %cond3A_269 = arith.constant 0 : i32
        %cond3A_270 = arith.cmpi ne, %convert_element_type3A_268, %cond3A_269 : i32
        scf.if %cond3A_270 {
          %add3A_271 = arith.constant 8 : i32
          %add3A_272 = arith.addi %add3A_235, %add3A_271 : i32
          %dma_start3A_273 = arith.constant 0 : i32
          %dma_start3A_274 = tpu.memref_slice %arg10[%add3A_272, %dma_start3A_273] : memref<250x80xi32, #tpu.memory_space<vmem>> -> memref<1x80xi32, #tpu.memory_space<vmem>>
          %dma_start3A_275 = tpu.memref_squeeze %dma_start3A_274 : memref<1x80xi32, #tpu.memory_space<vmem>> -> memref<80xi32, #tpu.memory_space<vmem>>
          %dma_start3A_276 = arith.constant 0 : i32
          %dma_start3A_277 = arith.constant 0 : i32
          %dma_start3A_278 = tpu.memref_slice %arg2[%dma_start3A_276, %dma_start3A_277] : memref<20000x64xf32, #tpu.memory_space<hbm>> -> memref<20000x64xf32, #tpu.memory_space<hbm>>
          tpu.enqueue_indirect_dma source(%dma_start3A_278 : memref<20000x64xf32, #tpu.memory_space<hbm>>) target(%arg17 : memref<80x64xf32, #tpu.memory_space<vmem>>) offsets(%dma_start3A_275 : memref<80xi32, #tpu.memory_space<vmem>>) semaphore(%arg29 : memref<!tpu.dma_semaphore, #tpu.memory_space<semaphore_mem>>)
        } else {
        }
      } else {
      }
      %mul3A_241 = arith.constant 8 : i32
      %mul3A_242 = arith.muli %scan3A_190, %mul3A_241 : i32
      %add3A_243 = arith.constant 6 : i32
      %add3A_244 = arith.addi %mul3A_242, %add3A_243 : i32
      %lt3A_245 = arith.constant 250 : i32
      %lt3A_246 = arith.cmpi slt, %add3A_244, %lt3A_245 : i32
      %convert_element_type3A_247 = arith.extui %lt3A_246 : i1 to i32
      %cond3A_248 = arith.constant 0 : i32
      %cond3A_249 = arith.cmpi ne, %convert_element_type3A_247, %cond3A_248 : i32
      scf.if %cond3A_249 {
        %dma_wait3A = arith.constant 0 : i32
        %dma_wait3A_259 = tpu.memref_slice %arg10[%add3A_244, %dma_wait3A] : memref<250x80xi32, #tpu.memory_space<vmem>> -> memref<1x80xi32, #tpu.memory_space<vmem>>
        %dma_wait3A_260 = tpu.memref_squeeze %dma_wait3A_259 : memref<1x80xi32, #tpu.memory_space<vmem>> -> memref<80xi32, #tpu.memory_space<vmem>>
        %dma_wait3A_261 = arith.constant 0 : i32
        %dma_wait3A_262 = arith.constant 0 : i32
        %dma_wait3A_263 = tpu.memref_slice %arg2[%dma_wait3A_261, %dma_wait3A_262] : memref<20000x64xf32, #tpu.memory_space<hbm>> -> memref<20000x64xf32, #tpu.memory_space<hbm>>
        tpu.wait_indirect_dma semaphore(%arg30 : memref<!tpu.dma_semaphore, #tpu.memory_space<semaphore_mem>>) src(%dma_wait3A_263 : memref<20000x64xf32, #tpu.memory_space<hbm>>) dst(%arg18 : memref<80x64xf32, #tpu.memory_space<vmem>>)
        "tpu.region"() ({
          %run_scoped3A = tpu.sem_alloc : memref<!tpu.dma_semaphore, #tpu.memory_space<semaphore_mem>>
          %dma_start3A_271 = arith.constant 0 : i32
          %dma_start3A_272 = tpu.memref_slice %arg11[%add3A_244, %dma_start3A_271] : memref<250x80xi32, #tpu.memory_space<vmem>> -> memref<1x80xi32, #tpu.memory_space<vmem>>
          %dma_start3A_273 = tpu.memref_squeeze %dma_start3A_272 : memref<1x80xi32, #tpu.memory_space<vmem>> -> memref<80xi32, #tpu.memory_space<vmem>>
          %dma_start3A_274 = arith.constant 0 : i32
          %dma_start3A_275 = arith.constant 0 : i32
          %dma_start3A_276 = tpu.memref_slice %arg23[%dma_start3A_274, %dma_start3A_275] : memref<10000x64xf32, #tpu.memory_space<vmem_shared>> -> memref<10000x64xf32, #tpu.memory_space<vmem_shared>>
          tpu.enqueue_indirect_dma source(%arg18 : memref<80x64xf32, #tpu.memory_space<vmem>>) target(%dma_start3A_276 : memref<10000x64xf32, #tpu.memory_space<vmem_shared>>) offsets(%dma_start3A_273 : memref<80xi32, #tpu.memory_space<vmem>>) semaphore(%run_scoped3A : memref<!tpu.dma_semaphore, #tpu.memory_space<semaphore_mem>>) {add = true}
          %dma_wait3A_277 = arith.constant 0 : i32
          %dma_wait3A_278 = tpu.memref_slice %arg11[%add3A_244, %dma_wait3A_277] : memref<250x80xi32, #tpu.memory_space<vmem>> -> memref<1x80xi32, #tpu.memory_space<vmem>>
          %dma_wait3A_279 = tpu.memref_squeeze %dma_wait3A_278 : memref<1x80xi32, #tpu.memory_space<vmem>> -> memref<80xi32, #tpu.memory_space<vmem>>
          %dma_wait3A_280 = arith.constant 0 : i32
          %dma_wait3A_281 = arith.constant 0 : i32
          %dma_wait3A_282 = tpu.memref_slice %arg23[%dma_wait3A_280, %dma_wait3A_281] : memref<10000x64xf32, #tpu.memory_space<vmem_shared>> -> memref<10000x64xf32, #tpu.memory_space<vmem_shared>>
          tpu.wait_indirect_dma semaphore(%run_scoped3A : memref<!tpu.dma_semaphore, #tpu.memory_space<semaphore_mem>>) src(%arg18 : memref<80x64xf32, #tpu.memory_space<vmem>>) dst(%dma_wait3A_282 : memref<10000x64xf32, #tpu.memory_space<vmem_shared>>)
          tpu.yield
        }) : () -> ()
        %add3A_264 = arith.constant 8 : i32
        %add3A_265 = arith.addi %add3A_244, %add3A_264 : i32
        %lt3A_266 = arith.constant 250 : i32
        %lt3A_267 = arith.cmpi slt, %add3A_265, %lt3A_266 : i32
        %convert_element_type3A_268 = arith.extui %lt3A_267 : i1 to i32
        %cond3A_269 = arith.constant 0 : i32
        %cond3A_270 = arith.cmpi ne, %convert_element_type3A_268, %cond3A_269 : i32
        scf.if %cond3A_270 {
          %add3A_271 = arith.constant 8 : i32
          %add3A_272 = arith.addi %add3A_244, %add3A_271 : i32
          %dma_start3A_273 = arith.constant 0 : i32
          %dma_start3A_274 = tpu.memref_slice %arg10[%add3A_272, %dma_start3A_273] : memref<250x80xi32, #tpu.memory_space<vmem>> -> memref<1x80xi32, #tpu.memory_space<vmem>>
          %dma_start3A_275 = tpu.memref_squeeze %dma_start3A_274 : memref<1x80xi32, #tpu.memory_space<vmem>> -> memref<80xi32, #tpu.memory_space<vmem>>
          %dma_start3A_276 = arith.constant 0 : i32
          %dma_start3A_277 = arith.constant 0 : i32
          %dma_start3A_278 = tpu.memref_slice %arg2[%dma_start3A_276, %dma_start3A_277] : memref<20000x64xf32, #tpu.memory_space<hbm>> -> memref<20000x64xf32, #tpu.memory_space<hbm>>
          tpu.enqueue_indirect_dma source(%dma_start3A_278 : memref<20000x64xf32, #tpu.memory_space<hbm>>) target(%arg18 : memref<80x64xf32, #tpu.memory_space<vmem>>) offsets(%dma_start3A_275 : memref<80xi32, #tpu.memory_space<vmem>>) semaphore(%arg30 : memref<!tpu.dma_semaphore, #tpu.memory_space<semaphore_mem>>)
        } else {
        }
      } else {
      }
      %mul3A_250 = arith.constant 8 : i32
      %mul3A_251 = arith.muli %scan3A_190, %mul3A_250 : i32
      %add3A_252 = arith.constant 7 : i32
      %add3A_253 = arith.addi %mul3A_251, %add3A_252 : i32
      %lt3A_254 = arith.constant 250 : i32
      %lt3A_255 = arith.cmpi slt, %add3A_253, %lt3A_254 : i32
      %convert_element_type3A_256 = arith.extui %lt3A_255 : i1 to i32
      %cond3A_257 = arith.constant 0 : i32
      %cond3A_258 = arith.cmpi ne, %convert_element_type3A_256, %cond3A_257 : i32
      scf.if %cond3A_258 {
        %dma_wait3A = arith.constant 0 : i32
        %dma_wait3A_259 = tpu.memref_slice %arg10[%add3A_253, %dma_wait3A] : memref<250x80xi32, #tpu.memory_space<vmem>> -> memref<1x80xi32, #tpu.memory_space<vmem>>
        %dma_wait3A_260 = tpu.memref_squeeze %dma_wait3A_259 : memref<1x80xi32, #tpu.memory_space<vmem>> -> memref<80xi32, #tpu.memory_space<vmem>>
        %dma_wait3A_261 = arith.constant 0 : i32
        %dma_wait3A_262 = arith.constant 0 : i32
        %dma_wait3A_263 = tpu.memref_slice %arg2[%dma_wait3A_261, %dma_wait3A_262] : memref<20000x64xf32, #tpu.memory_space<hbm>> -> memref<20000x64xf32, #tpu.memory_space<hbm>>
        tpu.wait_indirect_dma semaphore(%arg31 : memref<!tpu.dma_semaphore, #tpu.memory_space<semaphore_mem>>) src(%dma_wait3A_263 : memref<20000x64xf32, #tpu.memory_space<hbm>>) dst(%arg19 : memref<80x64xf32, #tpu.memory_space<vmem>>)
        "tpu.region"() ({
          %run_scoped3A = tpu.sem_alloc : memref<!tpu.dma_semaphore, #tpu.memory_space<semaphore_mem>>
          %dma_start3A_271 = arith.constant 0 : i32
          %dma_start3A_272 = tpu.memref_slice %arg11[%add3A_253, %dma_start3A_271] : memref<250x80xi32, #tpu.memory_space<vmem>> -> memref<1x80xi32, #tpu.memory_space<vmem>>
          %dma_start3A_273 = tpu.memref_squeeze %dma_start3A_272 : memref<1x80xi32, #tpu.memory_space<vmem>> -> memref<80xi32, #tpu.memory_space<vmem>>
          %dma_start3A_274 = arith.constant 0 : i32
          %dma_start3A_275 = arith.constant 0 : i32
          %dma_start3A_276 = tpu.memref_slice %arg23[%dma_start3A_274, %dma_start3A_275] : memref<10000x64xf32, #tpu.memory_space<vmem_shared>> -> memref<10000x64xf32, #tpu.memory_space<vmem_shared>>
          tpu.enqueue_indirect_dma source(%arg19 : memref<80x64xf32, #tpu.memory_space<vmem>>) target(%dma_start3A_276 : memref<10000x64xf32, #tpu.memory_space<vmem_shared>>) offsets(%dma_start3A_273 : memref<80xi32, #tpu.memory_space<vmem>>) semaphore(%run_scoped3A : memref<!tpu.dma_semaphore, #tpu.memory_space<semaphore_mem>>) {add = true}
          %dma_wait3A_277 = arith.constant 0 : i32
          %dma_wait3A_278 = tpu.memref_slice %arg11[%add3A_253, %dma_wait3A_277] : memref<250x80xi32, #tpu.memory_space<vmem>> -> memref<1x80xi32, #tpu.memory_space<vmem>>
          %dma_wait3A_279 = tpu.memref_squeeze %dma_wait3A_278 : memref<1x80xi32, #tpu.memory_space<vmem>> -> memref<80xi32, #tpu.memory_space<vmem>>
          %dma_wait3A_280 = arith.constant 0 : i32
          %dma_wait3A_281 = arith.constant 0 : i32
          %dma_wait3A_282 = tpu.memref_slice %arg23[%dma_wait3A_280, %dma_wait3A_281] : memref<10000x64xf32, #tpu.memory_space<vmem_shared>> -> memref<10000x64xf32, #tpu.memory_space<vmem_shared>>
          tpu.wait_indirect_dma semaphore(%run_scoped3A : memref<!tpu.dma_semaphore, #tpu.memory_space<semaphore_mem>>) src(%arg19 : memref<80x64xf32, #tpu.memory_space<vmem>>) dst(%dma_wait3A_282 : memref<10000x64xf32, #tpu.memory_space<vmem_shared>>)
          tpu.yield
        }) : () -> ()
        %add3A_264 = arith.constant 8 : i32
        %add3A_265 = arith.addi %add3A_253, %add3A_264 : i32
        %lt3A_266 = arith.constant 250 : i32
        %lt3A_267 = arith.cmpi slt, %add3A_265, %lt3A_266 : i32
        %convert_element_type3A_268 = arith.extui %lt3A_267 : i1 to i32
        %cond3A_269 = arith.constant 0 : i32
        %cond3A_270 = arith.cmpi ne, %convert_element_type3A_268, %cond3A_269 : i32
        scf.if %cond3A_270 {
          %add3A_271 = arith.constant 8 : i32
          %add3A_272 = arith.addi %add3A_253, %add3A_271 : i32
          %dma_start3A_273 = arith.constant 0 : i32
          %dma_start3A_274 = tpu.memref_slice %arg10[%add3A_272, %dma_start3A_273] : memref<250x80xi32, #tpu.memory_space<vmem>> -> memref<1x80xi32, #tpu.memory_space<vmem>>
          %dma_start3A_275 = tpu.memref_squeeze %dma_start3A_274 : memref<1x80xi32, #tpu.memory_space<vmem>> -> memref<80xi32, #tpu.memory_space<vmem>>
          %dma_start3A_276 = arith.constant 0 : i32
          %dma_start3A_277 = arith.constant 0 : i32
          %dma_start3A_278 = tpu.memref_slice %arg2[%dma_start3A_276, %dma_start3A_277] : memref<20000x64xf32, #tpu.memory_space<hbm>> -> memref<20000x64xf32, #tpu.memory_space<hbm>>
          tpu.enqueue_indirect_dma source(%dma_start3A_278 : memref<20000x64xf32, #tpu.memory_space<hbm>>) target(%arg19 : memref<80x64xf32, #tpu.memory_space<vmem>>) offsets(%dma_start3A_275 : memref<80xi32, #tpu.memory_space<vmem>>) semaphore(%arg31 : memref<!tpu.dma_semaphore, #tpu.memory_space<semaphore_mem>>)
        } else {
        }
      } else {
      }
    }
    %scan3A_79 = arith.constant 32 : i32
    %barrier3A_80 = arith.constant 0 : index
    tpu.barrier barrier_id(%barrier3A_80)
    %mul3A_81 = arith.constant 10000 : i32
    %mul3A_82 = arith.muli %arg0, %mul3A_81 : i32
    %scan3A_83 = arith.constant 0 : i32
    %scan3A_84 = arith.constant 0 : i32
    %scan3A_85 = arith.constant 8 : i32
    %scan3A_86 = arith.addi %scan3A_84, %scan3A_85 : i32
    %scan3A_87 = arith.constant 1 : i32
    scf.for %scan3A_190 = %scan3A_84 to %scan3A_86 step %scan3A_87  : i32 {
      %mul3A_191 = arith.constant 16 : i32
      %mul3A_192 = arith.muli %scan3A_190, %mul3A_191 : i32
      %add3A = arith.addi %arg1, %mul3A_192 : i32
      %lt3A = arith.constant 125 : i32
      %lt3A_193 = arith.cmpi slt, %add3A, %lt3A : i32
      %convert_element_type3A = arith.extui %lt3A_193 : i1 to i32
      %cond3A = arith.constant 0 : i32
      %cond3A_194 = arith.cmpi ne, %convert_element_type3A, %cond3A : i32
      scf.if %cond3A_194 {
        %mul3A_195 = arith.constant 80 : i32
        %mul3A_196 = arith.muli %add3A, %mul3A_195 : i32
        "tpu.region"() ({
          %run_scoped3A = tpu.sem_alloc : memref<!tpu.dma_semaphore, #tpu.memory_space<semaphore_mem>>
          %dma_start3A_204 = arith.constant 0 : i32
          %dma_start3A_205 = tpu.memref_slice %arg23[%mul3A_196, %dma_start3A_204] : memref<10000x64xf32, #tpu.memory_space<vmem_shared>> -> memref<80x64xf32, #tpu.memory_space<vmem_shared>>
          %dma_start3A_206 = arith.constant 0 : i32
          %dma_start3A_207 = tpu.memref_slice %arg23[%mul3A_196, %dma_start3A_206] : memref<10000x64xf32, #tpu.memory_space<vmem_shared>> -> memref<80x64xf32, #tpu.memory_space<vmem_shared>>
          tpu.enqueue_dma source(%dma_start3A_207 : memref<80x64xf32, #tpu.memory_space<vmem_shared>>) target(%arg20 : memref<80x64xf32, #tpu.memory_space<vmem>>) target_semaphore(%run_scoped3A : memref<!tpu.dma_semaphore, #tpu.memory_space<semaphore_mem>>)
          %dma_wait3A = arith.constant 0 : i32
          %dma_wait3A_208 = tpu.memref_slice %arg23[%mul3A_196, %dma_wait3A] : memref<10000x64xf32, #tpu.memory_space<vmem_shared>> -> memref<80x64xf32, #tpu.memory_space<vmem_shared>>
          %dma_wait3A_209 = arith.constant 0 : i32
          %dma_wait3A_210 = tpu.memref_slice %arg23[%mul3A_196, %dma_wait3A_209] : memref<10000x64xf32, #tpu.memory_space<vmem_shared>> -> memref<80x64xf32, #tpu.memory_space<vmem_shared>>
          tpu.wait_dma2 semaphore(%run_scoped3A : memref<!tpu.dma_semaphore, #tpu.memory_space<semaphore_mem>>) src(%dma_wait3A_210 : memref<80x64xf32, #tpu.memory_space<vmem_shared>>) dst(%arg20 : memref<80x64xf32, #tpu.memory_space<vmem>>)
          tpu.yield
        }) : () -> ()
        "tpu.region"() ({
          %run_scoped3A = tpu.sem_alloc : memref<!tpu.dma_semaphore, #tpu.memory_space<semaphore_mem>>
          %dma_start3A_204 = arith.constant 0 : i32
          %dma_start3A_205 = tpu.memref_slice %arg5[%mul3A_196, %dma_start3A_204] : memref<10240x16xf32, #tpu.memory_space<hbm>> -> memref<80x16xf32, #tpu.memory_space<hbm>>
          %dma_start3A_206 = arith.constant 0 : i32
          %dma_start3A_207 = tpu.memref_slice %arg5[%mul3A_196, %dma_start3A_206] : memref<10240x16xf32, #tpu.memory_space<hbm>> -> memref<80x16xf32, #tpu.memory_space<hbm>>
          tpu.enqueue_dma source(%dma_start3A_207 : memref<80x16xf32, #tpu.memory_space<hbm>>) target(%arg21 : memref<80x16xf32, #tpu.memory_space<vmem>>) target_semaphore(%run_scoped3A : memref<!tpu.dma_semaphore, #tpu.memory_space<semaphore_mem>>)
          %dma_wait3A = arith.constant 0 : i32
          %dma_wait3A_208 = tpu.memref_slice %arg5[%mul3A_196, %dma_wait3A] : memref<10240x16xf32, #tpu.memory_space<hbm>> -> memref<80x16xf32, #tpu.memory_space<hbm>>
          %dma_wait3A_209 = arith.constant 0 : i32
          %dma_wait3A_210 = tpu.memref_slice %arg5[%mul3A_196, %dma_wait3A_209] : memref<10240x16xf32, #tpu.memory_space<hbm>> -> memref<80x16xf32, #tpu.memory_space<hbm>>
          tpu.wait_dma2 semaphore(%run_scoped3A : memref<!tpu.dma_semaphore, #tpu.memory_space<semaphore_mem>>) src(%dma_wait3A_210 : memref<80x16xf32, #tpu.memory_space<hbm>>) dst(%arg21 : memref<80x16xf32, #tpu.memory_space<vmem>>)
          tpu.yield
        }) : () -> ()
        %scan3A_197 = arith.constant 0 : i32
        %scan3A_198 = arith.constant 0 : i32
        %scan3A_199 = arith.constant 80 : i32
        %scan3A_200 = arith.addi %scan3A_198, %scan3A_199 : i32
        %scan3A_201 = arith.constant 1 : i32
        scf.for %scan3A_204 = %scan3A_198 to %scan3A_200 step %scan3A_201  : i32 {
          %get3A = arith.index_cast %scan3A_204 : i32 to index
          %get3A_205 = arith.constant 0 : index
          %get3A_206 = tpu.vector_load %arg21[%get3A, %get3A_205] {strides = array<i32>} : memref<80x16xf32, #tpu.memory_space<vmem>>, vector<1x16xf32>,
          %get3A_207 = vector.shape_cast %get3A_206 : vector<1x16xf32> to vector<16xf32>
          %max3A = arith.constant 1.000000e+00 : f32
          %max3A_208 = vector.broadcast %max3A : f32 to vector<16xf32>
          %max3A_209 = arith.maximumf %get3A_207, %max3A_208 : vector<16xf32>
          %div3A = arith.constant 1.000000e+00 : f32
          %div3A_210 = vector.broadcast %div3A : f32 to vector<16xf32>
          %div3A_211 = arith.divf %div3A_210, %max3A_209 : vector<16xf32>
          %get3A_212 = arith.index_cast %scan3A_204 : i32 to index
          %get3A_213 = arith.constant 0 : index
          %get3A_214 = tpu.vector_load %arg20[%get3A_212, %get3A_213] {strides = array<i32>} : memref<80x64xf32, #tpu.memory_space<vmem>>, vector<1x16xf32>,
          %get3A_215 = vector.shape_cast %get3A_214 : vector<1x16xf32> to vector<16xf32>
          %mul3A_216 = arith.mulf %get3A_215, %div3A_211 : vector<16xf32>
          %swap3A = arith.index_cast %scan3A_204 : i32 to index
          %swap3A_217 = arith.constant 0 : index
          %swap3A_218 = tpu.vector_load %arg20[%swap3A, %swap3A_217] {strides = array<i32>} : memref<80x64xf32, #tpu.memory_space<vmem>>, vector<1x16xf32>,
          %swap3A_219 = vector.shape_cast %swap3A_218 : vector<1x16xf32> to vector<16xf32>
          %swap3A_220 = vector.shape_cast %mul3A_216 : vector<16xf32> to vector<1x16xf32>
          tpu.vector_store %arg20[%swap3A, %swap3A_217], %swap3A_220 {strides = array<i32>} : memref<80x64xf32, #tpu.memory_space<vmem>>, vector<1x16xf32>,
          %get3A_221 = arith.index_cast %scan3A_204 : i32 to index
          %get3A_222 = arith.constant 16 : index
          %get3A_223 = tpu.vector_load %arg20[%get3A_221, %get3A_222] {strides = array<i32>} : memref<80x64xf32, #tpu.memory_space<vmem>>, vector<1x16xf32>,
          %get3A_224 = vector.shape_cast %get3A_223 : vector<1x16xf32> to vector<16xf32>
          %mul3A_225 = arith.mulf %get3A_224, %div3A_211 : vector<16xf32>
          %swap3A_226 = arith.index_cast %scan3A_204 : i32 to index
          %swap3A_227 = arith.constant 16 : index
          %swap3A_228 = tpu.vector_load %arg20[%swap3A_226, %swap3A_227] {strides = array<i32>} : memref<80x64xf32, #tpu.memory_space<vmem>>, vector<1x16xf32>,
          %swap3A_229 = vector.shape_cast %swap3A_228 : vector<1x16xf32> to vector<16xf32>
          %swap3A_230 = vector.shape_cast %mul3A_225 : vector<16xf32> to vector<1x16xf32>
          tpu.vector_store %arg20[%swap3A_226, %swap3A_227], %swap3A_230 {strides = array<i32>} : memref<80x64xf32, #tpu.memory_space<vmem>>, vector<1x16xf32>,
          %get3A_231 = arith.index_cast %scan3A_204 : i32 to index
          %get3A_232 = arith.constant 32 : index
          %get3A_233 = tpu.vector_load %arg20[%get3A_231, %get3A_232] {strides = array<i32>} : memref<80x64xf32, #tpu.memory_space<vmem>>, vector<1x16xf32>,
          %get3A_234 = vector.shape_cast %get3A_233 : vector<1x16xf32> to vector<16xf32>
          %mul3A_235 = arith.mulf %get3A_234, %div3A_211 : vector<16xf32>
          %swap3A_236 = arith.index_cast %scan3A_204 : i32 to index
          %swap3A_237 = arith.constant 32 : index
          %swap3A_238 = tpu.vector_load %arg20[%swap3A_236, %swap3A_237] {strides = array<i32>} : memref<80x64xf32, #tpu.memory_space<vmem>>, vector<1x16xf32>,
          %swap3A_239 = vector.shape_cast %swap3A_238 : vector<1x16xf32> to vector<16xf32>
          %swap3A_240 = vector.shape_cast %mul3A_235 : vector<16xf32> to vector<1x16xf32>
          tpu.vector_store %arg20[%swap3A_236, %swap3A_237], %swap3A_240 {strides = array<i32>} : memref<80x64xf32, #tpu.memory_space<vmem>>, vector<1x16xf32>,
          %get3A_241 = arith.index_cast %scan3A_204 : i32 to index
          %get3A_242 = arith.constant 48 : index
          %get3A_243 = tpu.vector_load %arg20[%get3A_241, %get3A_242] {strides = array<i32>} : memref<80x64xf32, #tpu.memory_space<vmem>>, vector<1x16xf32>,
          %get3A_244 = vector.shape_cast %get3A_243 : vector<1x16xf32> to vector<16xf32>
          %mul3A_245 = arith.mulf %get3A_244, %div3A_211 : vector<16xf32>
          %swap3A_246 = arith.index_cast %scan3A_204 : i32 to index
          %swap3A_247 = arith.constant 48 : index
          %swap3A_248 = tpu.vector_load %arg20[%swap3A_246, %swap3A_247] {strides = array<i32>} : memref<80x64xf32, #tpu.memory_space<vmem>>, vector<1x16xf32>,
          %swap3A_249 = vector.shape_cast %swap3A_248 : vector<1x16xf32> to vector<16xf32>
          %swap3A_250 = vector.shape_cast %mul3A_245 : vector<16xf32> to vector<1x16xf32>
          tpu.vector_store %arg20[%swap3A_246, %swap3A_247], %swap3A_250 {strides = array<i32>} : memref<80x64xf32, #tpu.memory_space<vmem>>, vector<1x16xf32>,
        }
        %scan3A_202 = arith.constant 80 : i32
        %add3A_203 = arith.addi %mul3A_82, %mul3A_196 : i32
        "tpu.region"() ({
          %run_scoped3A = tpu.sem_alloc : memref<!tpu.dma_semaphore, #tpu.memory_space<semaphore_mem>>
          %dma_start3A_204 = arith.constant 0 : i32
          %dma_start3A_205 = tpu.memref_slice %arg8[%add3A_203, %dma_start3A_204] : memref<20000x64xf32, #tpu.memory_space<hbm>> -> memref<80x64xf32, #tpu.memory_space<hbm>>
          %dma_start3A_206 = arith.constant 0 : i32
          %dma_start3A_207 = tpu.memref_slice %arg8[%add3A_203, %dma_start3A_206] : memref<20000x64xf32, #tpu.memory_space<hbm>> -> memref<80x64xf32, #tpu.memory_space<hbm>>
          tpu.enqueue_dma source(%arg20 : memref<80x64xf32, #tpu.memory_space<vmem>>) target(%dma_start3A_207 : memref<80x64xf32, #tpu.memory_space<hbm>>) target_semaphore(%run_scoped3A : memref<!tpu.dma_semaphore, #tpu.memory_space<semaphore_mem>>)
          %dma_wait3A = arith.constant 0 : i32
          %dma_wait3A_208 = tpu.memref_slice %arg8[%add3A_203, %dma_wait3A] : memref<20000x64xf32, #tpu.memory_space<hbm>> -> memref<80x64xf32, #tpu.memory_space<hbm>>
          %dma_wait3A_209 = arith.constant 0 : i32
          %dma_wait3A_210 = tpu.memref_slice %arg8[%add3A_203, %dma_wait3A_209] : memref<20000x64xf32, #tpu.memory_space<hbm>> -> memref<80x64xf32, #tpu.memory_space<hbm>>
          tpu.wait_dma2 semaphore(%run_scoped3A : memref<!tpu.dma_semaphore, #tpu.memory_space<semaphore_mem>>) src(%arg20 : memref<80x64xf32, #tpu.memory_space<vmem>>) dst(%dma_wait3A_210 : memref<80x64xf32, #tpu.memory_space<hbm>>)
          tpu.yield
        }) : () -> ()
      } else {
      }
    }
    %scan3A_88 = arith.constant 8 : i32
    %mul3A_89 = arith.constant 10000 : i32
    %mul3A_90 = arith.muli %arg0, %mul3A_89 : i32
    %scan3A_91 = arith.constant 0 : i32
    %scan3A_92 = arith.constant 0 : i32
    %scan3A_93 = arith.constant 250 : i32
    %scan3A_94 = arith.addi %scan3A_92, %scan3A_93 : i32
    %scan3A_95 = arith.constant 1 : i32
    scf.for %scan3A_190 = %scan3A_92 to %scan3A_94 step %scan3A_95  : i32 {
      %get3A = arith.index_cast %scan3A_190 : i32 to index
      %get3A_191 = arith.constant 0 : index
      %get3A_192 = tpu.vector_load %arg11[%get3A, %get3A_191] {strides = array<i32>} : memref<250x80xi32, #tpu.memory_space<vmem>>, vector<1x16xi32>,
      %get3A_193 = vector.shape_cast %get3A_192 : vector<1x16xi32> to vector<16xi32>
      %add3A = vector.broadcast %mul3A_90 : i32 to vector<16xi32>
      %add3A_194 = arith.addi %get3A_193, %add3A : vector<16xi32>
      %swap3A = arith.index_cast %scan3A_190 : i32 to index
      %swap3A_195 = arith.constant 0 : index
      %swap3A_196 = tpu.vector_load %arg11[%swap3A, %swap3A_195] {strides = array<i32>} : memref<250x80xi32, #tpu.memory_space<vmem>>, vector<1x16xi32>,
      %swap3A_197 = vector.shape_cast %swap3A_196 : vector<1x16xi32> to vector<16xi32>
      %swap3A_198 = vector.shape_cast %add3A_194 : vector<16xi32> to vector<1x16xi32>
      tpu.vector_store %arg11[%swap3A, %swap3A_195], %swap3A_198 {strides = array<i32>} : memref<250x80xi32, #tpu.memory_space<vmem>>, vector<1x16xi32>,
      %get3A_199 = arith.index_cast %scan3A_190 : i32 to index
      %get3A_200 = arith.constant 16 : index
      %get3A_201 = tpu.vector_load %arg11[%get3A_199, %get3A_200] {strides = array<i32>} : memref<250x80xi32, #tpu.memory_space<vmem>>, vector<1x16xi32>,
      %get3A_202 = vector.shape_cast %get3A_201 : vector<1x16xi32> to vector<16xi32>
      %add3A_203 = vector.broadcast %mul3A_90 : i32 to vector<16xi32>
      %add3A_204 = arith.addi %get3A_202, %add3A_203 : vector<16xi32>
      %swap3A_205 = arith.index_cast %scan3A_190 : i32 to index
      %swap3A_206 = arith.constant 16 : index
      %swap3A_207 = tpu.vector_load %arg11[%swap3A_205, %swap3A_206] {strides = array<i32>} : memref<250x80xi32, #tpu.memory_space<vmem>>, vector<1x16xi32>,
      %swap3A_208 = vector.shape_cast %swap3A_207 : vector<1x16xi32> to vector<16xi32>
      %swap3A_209 = vector.shape_cast %add3A_204 : vector<16xi32> to vector<1x16xi32>
      tpu.vector_store %arg11[%swap3A_205, %swap3A_206], %swap3A_209 {strides = array<i32>} : memref<250x80xi32, #tpu.memory_space<vmem>>, vector<1x16xi32>,
      %get3A_210 = arith.index_cast %scan3A_190 : i32 to index
      %get3A_211 = arith.constant 32 : index
      %get3A_212 = tpu.vector_load %arg11[%get3A_210, %get3A_211] {strides = array<i32>} : memref<250x80xi32, #tpu.memory_space<vmem>>, vector<1x16xi32>,
      %get3A_213 = vector.shape_cast %get3A_212 : vector<1x16xi32> to vector<16xi32>
      %add3A_214 = vector.broadcast %mul3A_90 : i32 to vector<16xi32>
      %add3A_215 = arith.addi %get3A_213, %add3A_214 : vector<16xi32>
      %swap3A_216 = arith.index_cast %scan3A_190 : i32 to index
      %swap3A_217 = arith.constant 32 : index
      %swap3A_218 = tpu.vector_load %arg11[%swap3A_216, %swap3A_217] {strides = array<i32>} : memref<250x80xi32, #tpu.memory_space<vmem>>, vector<1x16xi32>,
      %swap3A_219 = vector.shape_cast %swap3A_218 : vector<1x16xi32> to vector<16xi32>
      %swap3A_220 = vector.shape_cast %add3A_215 : vector<16xi32> to vector<1x16xi32>
      tpu.vector_store %arg11[%swap3A_216, %swap3A_217], %swap3A_220 {strides = array<i32>} : memref<250x80xi32, #tpu.memory_space<vmem>>, vector<1x16xi32>,
      %get3A_221 = arith.index_cast %scan3A_190 : i32 to index
      %get3A_222 = arith.constant 48 : index
      %get3A_223 = tpu.vector_load %arg11[%get3A_221, %get3A_222] {strides = array<i32>} : memref<250x80xi32, #tpu.memory_space<vmem>>, vector<1x16xi32>,
      %get3A_224 = vector.shape_cast %get3A_223 : vector<1x16xi32> to vector<16xi32>
      %add3A_225 = vector.broadcast %mul3A_90 : i32 to vector<16xi32>
      %add3A_226 = arith.addi %get3A_224, %add3A_225 : vector<16xi32>
      %swap3A_227 = arith.index_cast %scan3A_190 : i32 to index
      %swap3A_228 = arith.constant 48 : index
      %swap3A_229 = tpu.vector_load %arg11[%swap3A_227, %swap3A_228] {strides = array<i32>} : memref<250x80xi32, #tpu.memory_space<vmem>>, vector<1x16xi32>,
      %swap3A_230 = vector.shape_cast %swap3A_229 : vector<1x16xi32> to vector<16xi32>
      %swap3A_231 = vector.shape_cast %add3A_226 : vector<16xi32> to vector<1x16xi32>
      tpu.vector_store %arg11[%swap3A_227, %swap3A_228], %swap3A_231 {strides = array<i32>} : memref<250x80xi32, #tpu.memory_space<vmem>>, vector<1x16xi32>,
      %get3A_232 = arith.index_cast %scan3A_190 : i32 to index
      %get3A_233 = arith.constant 64 : index
      %get3A_234 = tpu.vector_load %arg11[%get3A_232, %get3A_233] {strides = array<i32>} : memref<250x80xi32, #tpu.memory_space<vmem>>, vector<1x16xi32>,
      %get3A_235 = vector.shape_cast %get3A_234 : vector<1x16xi32> to vector<16xi32>
      %add3A_236 = vector.broadcast %mul3A_90 : i32 to vector<16xi32>
      %add3A_237 = arith.addi %get3A_235, %add3A_236 : vector<16xi32>
      %swap3A_238 = arith.index_cast %scan3A_190 : i32 to index
      %swap3A_239 = arith.constant 64 : index
      %swap3A_240 = tpu.vector_load %arg11[%swap3A_238, %swap3A_239] {strides = array<i32>} : memref<250x80xi32, #tpu.memory_space<vmem>>, vector<1x16xi32>,
      %swap3A_241 = vector.shape_cast %swap3A_240 : vector<1x16xi32> to vector<16xi32>
      %swap3A_242 = vector.shape_cast %add3A_237 : vector<16xi32> to vector<1x16xi32>
      tpu.vector_store %arg11[%swap3A_238, %swap3A_239], %swap3A_242 {strides = array<i32>} : memref<250x80xi32, #tpu.memory_space<vmem>>, vector<1x16xi32>,
    }
    %scan3A_96 = arith.constant 250 : i32
    %scan3A_97 = arith.constant 0 : i32
    %scan3A_98 = arith.constant 0 : i32
    %scan3A_99 = arith.constant 80 : i32
    %scan3A_100 = arith.addi %scan3A_98, %scan3A_99 : i32
    %scan3A_101 = arith.constant 1 : i32
    scf.for %scan3A_190 = %scan3A_98 to %scan3A_100 step %scan3A_101  : i32 {
      %swap3A = arith.index_cast %scan3A_190 : i32 to index
      %swap3A_191 = arith.constant 0 : index
      %swap3A_192 = tpu.vector_load %arg20[%swap3A, %swap3A_191] {strides = array<i32>} : memref<80x64xf32, #tpu.memory_space<vmem>>, vector<1x16xf32>,
      %swap3A_193 = vector.shape_cast %swap3A_192 : vector<1x16xf32> to vector<16xf32>
      %swap3A_194 = vector.shape_cast %broadcast_in_dim3A_0 : vector<16xf32> to vector<1x16xf32>
      tpu.vector_store %arg20[%swap3A, %swap3A_191], %swap3A_194 {strides = array<i32>} : memref<80x64xf32, #tpu.memory_space<vmem>>, vector<1x16xf32>,
      %swap3A_195 = arith.index_cast %scan3A_190 : i32 to index
      %swap3A_196 = arith.constant 16 : index
      %swap3A_197 = tpu.vector_load %arg20[%swap3A_195, %swap3A_196] {strides = array<i32>} : memref<80x64xf32, #tpu.memory_space<vmem>>, vector<1x16xf32>,
      %swap3A_198 = vector.shape_cast %swap3A_197 : vector<1x16xf32> to vector<16xf32>
      %swap3A_199 = vector.shape_cast %broadcast_in_dim3A_0 : vector<16xf32> to vector<1x16xf32>
      tpu.vector_store %arg20[%swap3A_195, %swap3A_196], %swap3A_199 {strides = array<i32>} : memref<80x64xf32, #tpu.memory_space<vmem>>, vector<1x16xf32>,
      %swap3A_200 = arith.index_cast %scan3A_190 : i32 to index
      %swap3A_201 = arith.constant 32 : index
      %swap3A_202 = tpu.vector_load %arg20[%swap3A_200, %swap3A_201] {strides = array<i32>} : memref<80x64xf32, #tpu.memory_space<vmem>>, vector<1x16xf32>,
      %swap3A_203 = vector.shape_cast %swap3A_202 : vector<1x16xf32> to vector<16xf32>
      %swap3A_204 = vector.shape_cast %broadcast_in_dim3A_0 : vector<16xf32> to vector<1x16xf32>
      tpu.vector_store %arg20[%swap3A_200, %swap3A_201], %swap3A_204 {strides = array<i32>} : memref<80x64xf32, #tpu.memory_space<vmem>>, vector<1x16xf32>,
      %swap3A_205 = arith.index_cast %scan3A_190 : i32 to index
      %swap3A_206 = arith.constant 48 : index
      %swap3A_207 = tpu.vector_load %arg20[%swap3A_205, %swap3A_206] {strides = array<i32>} : memref<80x64xf32, #tpu.memory_space<vmem>>, vector<1x16xf32>,
      %swap3A_208 = vector.shape_cast %swap3A_207 : vector<1x16xf32> to vector<16xf32>
      %swap3A_209 = vector.shape_cast %broadcast_in_dim3A_0 : vector<16xf32> to vector<1x16xf32>
      tpu.vector_store %arg20[%swap3A_205, %swap3A_206], %swap3A_209 {strides = array<i32>} : memref<80x64xf32, #tpu.memory_space<vmem>>, vector<1x16xf32>,
    }
    %scan3A_102 = arith.constant 80 : i32
    %scan3A_103 = arith.constant 0 : i32
    %scan3A_104 = arith.constant 0 : i32
    %scan3A_105 = arith.constant 8 : i32
    %scan3A_106 = arith.addi %scan3A_104, %scan3A_105 : i32
    %scan3A_107 = arith.constant 1 : i32
    scf.for %scan3A_190 = %scan3A_104 to %scan3A_106 step %scan3A_107  : i32 {
      %mul3A_191 = arith.constant 16 : i32
      %mul3A_192 = arith.muli %scan3A_190, %mul3A_191 : i32
      %add3A = arith.addi %arg1, %mul3A_192 : i32
      %lt3A = arith.constant 125 : i32
      %lt3A_193 = arith.cmpi slt, %add3A, %lt3A : i32
      %convert_element_type3A = arith.extui %lt3A_193 : i1 to i32
      %cond3A = arith.constant 0 : i32
      %cond3A_194 = arith.cmpi ne, %convert_element_type3A, %cond3A : i32
      scf.if %cond3A_194 {
        %mul3A_195 = arith.constant 80 : i32
        %mul3A_196 = arith.muli %add3A, %mul3A_195 : i32
        "tpu.region"() ({
          %run_scoped3A = tpu.sem_alloc : memref<!tpu.dma_semaphore, #tpu.memory_space<semaphore_mem>>
          %dma_start3A_197 = arith.constant 0 : i32
          %dma_start3A_198 = tpu.memref_slice %arg23[%mul3A_196, %dma_start3A_197] : memref<10000x64xf32, #tpu.memory_space<vmem_shared>> -> memref<80x64xf32, #tpu.memory_space<vmem_shared>>
          %dma_start3A_199 = arith.constant 0 : i32
          %dma_start3A_200 = tpu.memref_slice %arg23[%mul3A_196, %dma_start3A_199] : memref<10000x64xf32, #tpu.memory_space<vmem_shared>> -> memref<80x64xf32, #tpu.memory_space<vmem_shared>>
          tpu.enqueue_dma source(%arg20 : memref<80x64xf32, #tpu.memory_space<vmem>>) target(%dma_start3A_200 : memref<80x64xf32, #tpu.memory_space<vmem_shared>>) target_semaphore(%run_scoped3A : memref<!tpu.dma_semaphore, #tpu.memory_space<semaphore_mem>>)
          %dma_wait3A = arith.constant 0 : i32
          %dma_wait3A_201 = tpu.memref_slice %arg23[%mul3A_196, %dma_wait3A] : memref<10000x64xf32, #tpu.memory_space<vmem_shared>> -> memref<80x64xf32, #tpu.memory_space<vmem_shared>>
          %dma_wait3A_202 = arith.constant 0 : i32
          %dma_wait3A_203 = tpu.memref_slice %arg23[%mul3A_196, %dma_wait3A_202] : memref<10000x64xf32, #tpu.memory_space<vmem_shared>> -> memref<80x64xf32, #tpu.memory_space<vmem_shared>>
          tpu.wait_dma2 semaphore(%run_scoped3A : memref<!tpu.dma_semaphore, #tpu.memory_space<semaphore_mem>>) src(%arg20 : memref<80x64xf32, #tpu.memory_space<vmem>>) dst(%dma_wait3A_203 : memref<80x64xf32, #tpu.memory_space<vmem_shared>>)
          tpu.yield
        }) : () -> ()
      } else {
      }
    }
    %scan3A_108 = arith.constant 8 : i32
    %mul3A_109 = arith.constant 10000 : i32
    %mul3A_110 = arith.muli %arg0, %mul3A_109 : i32
    %neg3A = arith.constant 0 : i32
    %neg3A_111 = arith.subi %neg3A, %mul3A_110 : i32
    %scan3A_112 = arith.constant 0 : i32
    %scan3A_113 = arith.constant 0 : i32
    %scan3A_114 = arith.constant 250 : i32
    %scan3A_115 = arith.addi %scan3A_113, %scan3A_114 : i32
    %scan3A_116 = arith.constant 1 : i32
    scf.for %scan3A_190 = %scan3A_113 to %scan3A_115 step %scan3A_116  : i32 {
      %get3A = arith.index_cast %scan3A_190 : i32 to index
      %get3A_191 = arith.constant 0 : index
      %get3A_192 = tpu.vector_load %arg10[%get3A, %get3A_191] {strides = array<i32>} : memref<250x80xi32, #tpu.memory_space<vmem>>, vector<1x16xi32>,
      %get3A_193 = vector.shape_cast %get3A_192 : vector<1x16xi32> to vector<16xi32>
      %add3A = vector.broadcast %neg3A_111 : i32 to vector<16xi32>
      %add3A_194 = arith.addi %get3A_193, %add3A : vector<16xi32>
      %swap3A = arith.index_cast %scan3A_190 : i32 to index
      %swap3A_195 = arith.constant 0 : index
      %swap3A_196 = tpu.vector_load %arg10[%swap3A, %swap3A_195] {strides = array<i32>} : memref<250x80xi32, #tpu.memory_space<vmem>>, vector<1x16xi32>,
      %swap3A_197 = vector.shape_cast %swap3A_196 : vector<1x16xi32> to vector<16xi32>
      %swap3A_198 = vector.shape_cast %add3A_194 : vector<16xi32> to vector<1x16xi32>
      tpu.vector_store %arg10[%swap3A, %swap3A_195], %swap3A_198 {strides = array<i32>} : memref<250x80xi32, #tpu.memory_space<vmem>>, vector<1x16xi32>,
      %get3A_199 = arith.index_cast %scan3A_190 : i32 to index
      %get3A_200 = arith.constant 16 : index
      %get3A_201 = tpu.vector_load %arg10[%get3A_199, %get3A_200] {strides = array<i32>} : memref<250x80xi32, #tpu.memory_space<vmem>>, vector<1x16xi32>,
      %get3A_202 = vector.shape_cast %get3A_201 : vector<1x16xi32> to vector<16xi32>
      %add3A_203 = vector.broadcast %neg3A_111 : i32 to vector<16xi32>
      %add3A_204 = arith.addi %get3A_202, %add3A_203 : vector<16xi32>
      %swap3A_205 = arith.index_cast %scan3A_190 : i32 to index
      %swap3A_206 = arith.constant 16 : index
      %swap3A_207 = tpu.vector_load %arg10[%swap3A_205, %swap3A_206] {strides = array<i32>} : memref<250x80xi32, #tpu.memory_space<vmem>>, vector<1x16xi32>,
      %swap3A_208 = vector.shape_cast %swap3A_207 : vector<1x16xi32> to vector<16xi32>
      %swap3A_209 = vector.shape_cast %add3A_204 : vector<16xi32> to vector<1x16xi32>
      tpu.vector_store %arg10[%swap3A_205, %swap3A_206], %swap3A_209 {strides = array<i32>} : memref<250x80xi32, #tpu.memory_space<vmem>>, vector<1x16xi32>,
      %get3A_210 = arith.index_cast %scan3A_190 : i32 to index
      %get3A_211 = arith.constant 32 : index
      %get3A_212 = tpu.vector_load %arg10[%get3A_210, %get3A_211] {strides = array<i32>} : memref<250x80xi32, #tpu.memory_space<vmem>>, vector<1x16xi32>,
      %get3A_213 = vector.shape_cast %get3A_212 : vector<1x16xi32> to vector<16xi32>
      %add3A_214 = vector.broadcast %neg3A_111 : i32 to vector<16xi32>
      %add3A_215 = arith.addi %get3A_213, %add3A_214 : vector<16xi32>
      %swap3A_216 = arith.index_cast %scan3A_190 : i32 to index
      %swap3A_217 = arith.constant 32 : index
      %swap3A_218 = tpu.vector_load %arg10[%swap3A_216, %swap3A_217] {strides = array<i32>} : memref<250x80xi32, #tpu.memory_space<vmem>>, vector<1x16xi32>,
      %swap3A_219 = vector.shape_cast %swap3A_218 : vector<1x16xi32> to vector<16xi32>
      %swap3A_220 = vector.shape_cast %add3A_215 : vector<16xi32> to vector<1x16xi32>
      tpu.vector_store %arg10[%swap3A_216, %swap3A_217], %swap3A_220 {strides = array<i32>} : memref<250x80xi32, #tpu.memory_space<vmem>>, vector<1x16xi32>,
      %get3A_221 = arith.index_cast %scan3A_190 : i32 to index
      %get3A_222 = arith.constant 48 : index
      %get3A_223 = tpu.vector_load %arg10[%get3A_221, %get3A_222] {strides = array<i32>} : memref<250x80xi32, #tpu.memory_space<vmem>>, vector<1x16xi32>,
      %get3A_224 = vector.shape_cast %get3A_223 : vector<1x16xi32> to vector<16xi32>
      %add3A_225 = vector.broadcast %neg3A_111 : i32 to vector<16xi32>
      %add3A_226 = arith.addi %get3A_224, %add3A_225 : vector<16xi32>
      %swap3A_227 = arith.index_cast %scan3A_190 : i32 to index
      %swap3A_228 = arith.constant 48 : index
      %swap3A_229 = tpu.vector_load %arg10[%swap3A_227, %swap3A_228] {strides = array<i32>} : memref<250x80xi32, #tpu.memory_space<vmem>>, vector<1x16xi32>,
      %swap3A_230 = vector.shape_cast %swap3A_229 : vector<1x16xi32> to vector<16xi32>
      %swap3A_231 = vector.shape_cast %add3A_226 : vector<16xi32> to vector<1x16xi32>
      tpu.vector_store %arg10[%swap3A_227, %swap3A_228], %swap3A_231 {strides = array<i32>} : memref<250x80xi32, #tpu.memory_space<vmem>>, vector<1x16xi32>,
      %get3A_232 = arith.index_cast %scan3A_190 : i32 to index
      %get3A_233 = arith.constant 64 : index
      %get3A_234 = tpu.vector_load %arg10[%get3A_232, %get3A_233] {strides = array<i32>} : memref<250x80xi32, #tpu.memory_space<vmem>>, vector<1x16xi32>,
      %get3A_235 = vector.shape_cast %get3A_234 : vector<1x16xi32> to vector<16xi32>
      %add3A_236 = vector.broadcast %neg3A_111 : i32 to vector<16xi32>
      %add3A_237 = arith.addi %get3A_235, %add3A_236 : vector<16xi32>
      %swap3A_238 = arith.index_cast %scan3A_190 : i32 to index
      %swap3A_239 = arith.constant 64 : index
      %swap3A_240 = tpu.vector_load %arg10[%swap3A_238, %swap3A_239] {strides = array<i32>} : memref<250x80xi32, #tpu.memory_space<vmem>>, vector<1x16xi32>,
      %swap3A_241 = vector.shape_cast %swap3A_240 : vector<1x16xi32> to vector<16xi32>
      %swap3A_242 = vector.shape_cast %add3A_237 : vector<16xi32> to vector<1x16xi32>
      tpu.vector_store %arg10[%swap3A_238, %swap3A_239], %swap3A_242 {strides = array<i32>} : memref<250x80xi32, #tpu.memory_space<vmem>>, vector<1x16xi32>,
    }
    %scan3A_117 = arith.constant 250 : i32
    %barrier3A_118 = arith.constant 0 : index
    tpu.barrier barrier_id(%barrier3A_118)
    %dma_start3A_119 = arith.constant 0 : i32
    %dma_start3A_120 = arith.constant 0 : i32
    %dma_start3A_121 = tpu.memref_slice %arg11[%dma_start3A_119, %dma_start3A_120] : memref<250x80xi32, #tpu.memory_space<vmem>> -> memref<1x80xi32, #tpu.memory_space<vmem>>
    %dma_start3A_122 = tpu.memref_squeeze %dma_start3A_121 : memref<1x80xi32, #tpu.memory_space<vmem>> -> memref<80xi32, #tpu.memory_space<vmem>>
    %dma_start3A_123 = arith.constant 0 : i32
    %dma_start3A_124 = arith.constant 0 : i32
    %dma_start3A_125 = tpu.memref_slice %arg8[%dma_start3A_123, %dma_start3A_124] : memref<20000x64xf32, #tpu.memory_space<hbm>> -> memref<20000x64xf32, #tpu.memory_space<hbm>>
    tpu.enqueue_indirect_dma source(%dma_start3A_125 : memref<20000x64xf32, #tpu.memory_space<hbm>>) target(%arg12 : memref<80x64xf32, #tpu.memory_space<vmem>>) offsets(%dma_start3A_122 : memref<80xi32, #tpu.memory_space<vmem>>) semaphore(%arg24 : memref<!tpu.dma_semaphore, #tpu.memory_space<semaphore_mem>>)
    %dma_start3A_126 = arith.constant 1 : i32
    %dma_start3A_127 = arith.constant 0 : i32
    %dma_start3A_128 = tpu.memref_slice %arg11[%dma_start3A_126, %dma_start3A_127] : memref<250x80xi32, #tpu.memory_space<vmem>> -> memref<1x80xi32, #tpu.memory_space<vmem>>
    %dma_start3A_129 = tpu.memref_squeeze %dma_start3A_128 : memref<1x80xi32, #tpu.memory_space<vmem>> -> memref<80xi32, #tpu.memory_space<vmem>>
    %dma_start3A_130 = arith.constant 0 : i32
    %dma_start3A_131 = arith.constant 0 : i32
    %dma_start3A_132 = tpu.memref_slice %arg8[%dma_start3A_130, %dma_start3A_131] : memref<20000x64xf32, #tpu.memory_space<hbm>> -> memref<20000x64xf32, #tpu.memory_space<hbm>>
    tpu.enqueue_indirect_dma source(%dma_start3A_132 : memref<20000x64xf32, #tpu.memory_space<hbm>>) target(%arg13 : memref<80x64xf32, #tpu.memory_space<vmem>>) offsets(%dma_start3A_129 : memref<80xi32, #tpu.memory_space<vmem>>) semaphore(%arg25 : memref<!tpu.dma_semaphore, #tpu.memory_space<semaphore_mem>>)
    %dma_start3A_133 = arith.constant 2 : i32
    %dma_start3A_134 = arith.constant 0 : i32
    %dma_start3A_135 = tpu.memref_slice %arg11[%dma_start3A_133, %dma_start3A_134] : memref<250x80xi32, #tpu.memory_space<vmem>> -> memref<1x80xi32, #tpu.memory_space<vmem>>
    %dma_start3A_136 = tpu.memref_squeeze %dma_start3A_135 : memref<1x80xi32, #tpu.memory_space<vmem>> -> memref<80xi32, #tpu.memory_space<vmem>>
    %dma_start3A_137 = arith.constant 0 : i32
    %dma_start3A_138 = arith.constant 0 : i32
    %dma_start3A_139 = tpu.memref_slice %arg8[%dma_start3A_137, %dma_start3A_138] : memref<20000x64xf32, #tpu.memory_space<hbm>> -> memref<20000x64xf32, #tpu.memory_space<hbm>>
    tpu.enqueue_indirect_dma source(%dma_start3A_139 : memref<20000x64xf32, #tpu.memory_space<hbm>>) target(%arg14 : memref<80x64xf32, #tpu.memory_space<vmem>>) offsets(%dma_start3A_136 : memref<80xi32, #tpu.memory_space<vmem>>) semaphore(%arg26 : memref<!tpu.dma_semaphore, #tpu.memory_space<semaphore_mem>>)
    %dma_start3A_140 = arith.constant 3 : i32
    %dma_start3A_141 = arith.constant 0 : i32
    %dma_start3A_142 = tpu.memref_slice %arg11[%dma_start3A_140, %dma_start3A_141] : memref<250x80xi32, #tpu.memory_space<vmem>> -> memref<1x80xi32, #tpu.memory_space<vmem>>
    %dma_start3A_143 = tpu.memref_squeeze %dma_start3A_142 : memref<1x80xi32, #tpu.memory_space<vmem>> -> memref<80xi32, #tpu.memory_space<vmem>>
    %dma_start3A_144 = arith.constant 0 : i32
    %dma_start3A_145 = arith.constant 0 : i32
    %dma_start3A_146 = tpu.memref_slice %arg8[%dma_start3A_144, %dma_start3A_145] : memref<20000x64xf32, #tpu.memory_space<hbm>> -> memref<20000x64xf32, #tpu.memory_space<hbm>>
    tpu.enqueue_indirect_dma source(%dma_start3A_146 : memref<20000x64xf32, #tpu.memory_space<hbm>>) target(%arg15 : memref<80x64xf32, #tpu.memory_space<vmem>>) offsets(%dma_start3A_143 : memref<80xi32, #tpu.memory_space<vmem>>) semaphore(%arg27 : memref<!tpu.dma_semaphore, #tpu.memory_space<semaphore_mem>>)
    %dma_start3A_147 = arith.constant 4 : i32
    %dma_start3A_148 = arith.constant 0 : i32
    %dma_start3A_149 = tpu.memref_slice %arg11[%dma_start3A_147, %dma_start3A_148] : memref<250x80xi32, #tpu.memory_space<vmem>> -> memref<1x80xi32, #tpu.memory_space<vmem>>
    %dma_start3A_150 = tpu.memref_squeeze %dma_start3A_149 : memref<1x80xi32, #tpu.memory_space<vmem>> -> memref<80xi32, #tpu.memory_space<vmem>>
    %dma_start3A_151 = arith.constant 0 : i32
    %dma_start3A_152 = arith.constant 0 : i32
    %dma_start3A_153 = tpu.memref_slice %arg8[%dma_start3A_151, %dma_start3A_152] : memref<20000x64xf32, #tpu.memory_space<hbm>> -> memref<20000x64xf32, #tpu.memory_space<hbm>>
    tpu.enqueue_indirect_dma source(%dma_start3A_153 : memref<20000x64xf32, #tpu.memory_space<hbm>>) target(%arg16 : memref<80x64xf32, #tpu.memory_space<vmem>>) offsets(%dma_start3A_150 : memref<80xi32, #tpu.memory_space<vmem>>) semaphore(%arg28 : memref<!tpu.dma_semaphore, #tpu.memory_space<semaphore_mem>>)
    %dma_start3A_154 = arith.constant 5 : i32
    %dma_start3A_155 = arith.constant 0 : i32
    %dma_start3A_156 = tpu.memref_slice %arg11[%dma_start3A_154, %dma_start3A_155] : memref<250x80xi32, #tpu.memory_space<vmem>> -> memref<1x80xi32, #tpu.memory_space<vmem>>
    %dma_start3A_157 = tpu.memref_squeeze %dma_start3A_156 : memref<1x80xi32, #tpu.memory_space<vmem>> -> memref<80xi32, #tpu.memory_space<vmem>>
    %dma_start3A_158 = arith.constant 0 : i32
    %dma_start3A_159 = arith.constant 0 : i32
    %dma_start3A_160 = tpu.memref_slice %arg8[%dma_start3A_158, %dma_start3A_159] : memref<20000x64xf32, #tpu.memory_space<hbm>> -> memref<20000x64xf32, #tpu.memory_space<hbm>>
    tpu.enqueue_indirect_dma source(%dma_start3A_160 : memref<20000x64xf32, #tpu.memory_space<hbm>>) target(%arg17 : memref<80x64xf32, #tpu.memory_space<vmem>>) offsets(%dma_start3A_157 : memref<80xi32, #tpu.memory_space<vmem>>) semaphore(%arg29 : memref<!tpu.dma_semaphore, #tpu.memory_space<semaphore_mem>>)
    %dma_start3A_161 = arith.constant 6 : i32
    %dma_start3A_162 = arith.constant 0 : i32
    %dma_start3A_163 = tpu.memref_slice %arg11[%dma_start3A_161, %dma_start3A_162] : memref<250x80xi32, #tpu.memory_space<vmem>> -> memref<1x80xi32, #tpu.memory_space<vmem>>
    %dma_start3A_164 = tpu.memref_squeeze %dma_start3A_163 : memref<1x80xi32, #tpu.memory_space<vmem>> -> memref<80xi32, #tpu.memory_space<vmem>>
    %dma_start3A_165 = arith.constant 0 : i32
    %dma_start3A_166 = arith.constant 0 : i32
    %dma_start3A_167 = tpu.memref_slice %arg8[%dma_start3A_165, %dma_start3A_166] : memref<20000x64xf32, #tpu.memory_space<hbm>> -> memref<20000x64xf32, #tpu.memory_space<hbm>>
    tpu.enqueue_indirect_dma source(%dma_start3A_167 : memref<20000x64xf32, #tpu.memory_space<hbm>>) target(%arg18 : memref<80x64xf32, #tpu.memory_space<vmem>>) offsets(%dma_start3A_164 : memref<80xi32, #tpu.memory_space<vmem>>) semaphore(%arg30 : memref<!tpu.dma_semaphore, #tpu.memory_space<semaphore_mem>>)
    %dma_start3A_168 = arith.constant 7 : i32
    %dma_start3A_169 = arith.constant 0 : i32
    %dma_start3A_170 = tpu.memref_slice %arg11[%dma_start3A_168, %dma_start3A_169] : memref<250x80xi32, #tpu.memory_space<vmem>> -> memref<1x80xi32, #tpu.memory_space<vmem>>
    %dma_start3A_171 = tpu.memref_squeeze %dma_start3A_170 : memref<1x80xi32, #tpu.memory_space<vmem>> -> memref<80xi32, #tpu.memory_space<vmem>>
    %dma_start3A_172 = arith.constant 0 : i32
    %dma_start3A_173 = arith.constant 0 : i32
    %dma_start3A_174 = tpu.memref_slice %arg8[%dma_start3A_172, %dma_start3A_173] : memref<20000x64xf32, #tpu.memory_space<hbm>> -> memref<20000x64xf32, #tpu.memory_space<hbm>>
    tpu.enqueue_indirect_dma source(%dma_start3A_174 : memref<20000x64xf32, #tpu.memory_space<hbm>>) target(%arg19 : memref<80x64xf32, #tpu.memory_space<vmem>>) offsets(%dma_start3A_171 : memref<80xi32, #tpu.memory_space<vmem>>) semaphore(%arg31 : memref<!tpu.dma_semaphore, #tpu.memory_space<semaphore_mem>>)
    %scan3A_175 = arith.constant 0 : i32
    %scan3A_176 = arith.constant 0 : i32
    %scan3A_177 = arith.constant 32 : i32
    %scan3A_178 = arith.addi %scan3A_176, %scan3A_177 : i32
    %scan3A_179 = arith.constant 1 : i32
    scf.for %scan3A_190 = %scan3A_176 to %scan3A_178 step %scan3A_179  : i32 {
      %mul3A_191 = arith.constant 8 : i32
      %mul3A_192 = arith.muli %scan3A_190, %mul3A_191 : i32
      %add3A = arith.constant 0 : i32
      %add3A_193 = arith.addi %mul3A_192, %add3A : i32
      %lt3A = arith.constant 250 : i32
      %lt3A_194 = arith.cmpi slt, %add3A_193, %lt3A : i32
      %convert_element_type3A = arith.extui %lt3A_194 : i1 to i32
      %cond3A = arith.constant 0 : i32
      %cond3A_195 = arith.cmpi ne, %convert_element_type3A, %cond3A : i32
      scf.if %cond3A_195 {
        %dma_wait3A = arith.constant 0 : i32
        %dma_wait3A_259 = tpu.memref_slice %arg11[%add3A_193, %dma_wait3A] : memref<250x80xi32, #tpu.memory_space<vmem>> -> memref<1x80xi32, #tpu.memory_space<vmem>>
        %dma_wait3A_260 = tpu.memref_squeeze %dma_wait3A_259 : memref<1x80xi32, #tpu.memory_space<vmem>> -> memref<80xi32, #tpu.memory_space<vmem>>
        %dma_wait3A_261 = arith.constant 0 : i32
        %dma_wait3A_262 = arith.constant 0 : i32
        %dma_wait3A_263 = tpu.memref_slice %arg8[%dma_wait3A_261, %dma_wait3A_262] : memref<20000x64xf32, #tpu.memory_space<hbm>> -> memref<20000x64xf32, #tpu.memory_space<hbm>>
        tpu.wait_indirect_dma semaphore(%arg24 : memref<!tpu.dma_semaphore, #tpu.memory_space<semaphore_mem>>) src(%dma_wait3A_263 : memref<20000x64xf32, #tpu.memory_space<hbm>>) dst(%arg12 : memref<80x64xf32, #tpu.memory_space<vmem>>)
        "tpu.region"() ({
          %run_scoped3A = tpu.sem_alloc : memref<!tpu.dma_semaphore, #tpu.memory_space<semaphore_mem>>
          %dma_start3A_271 = arith.constant 0 : i32
          %dma_start3A_272 = tpu.memref_slice %arg10[%add3A_193, %dma_start3A_271] : memref<250x80xi32, #tpu.memory_space<vmem>> -> memref<1x80xi32, #tpu.memory_space<vmem>>
          %dma_start3A_273 = tpu.memref_squeeze %dma_start3A_272 : memref<1x80xi32, #tpu.memory_space<vmem>> -> memref<80xi32, #tpu.memory_space<vmem>>
          %dma_start3A_274 = arith.constant 0 : i32
          %dma_start3A_275 = arith.constant 0 : i32
          %dma_start3A_276 = tpu.memref_slice %arg23[%dma_start3A_274, %dma_start3A_275] : memref<10000x64xf32, #tpu.memory_space<vmem_shared>> -> memref<10000x64xf32, #tpu.memory_space<vmem_shared>>
          tpu.enqueue_indirect_dma source(%arg12 : memref<80x64xf32, #tpu.memory_space<vmem>>) target(%dma_start3A_276 : memref<10000x64xf32, #tpu.memory_space<vmem_shared>>) offsets(%dma_start3A_273 : memref<80xi32, #tpu.memory_space<vmem>>) semaphore(%run_scoped3A : memref<!tpu.dma_semaphore, #tpu.memory_space<semaphore_mem>>) {add = true}
          %dma_wait3A_277 = arith.constant 0 : i32
          %dma_wait3A_278 = tpu.memref_slice %arg10[%add3A_193, %dma_wait3A_277] : memref<250x80xi32, #tpu.memory_space<vmem>> -> memref<1x80xi32, #tpu.memory_space<vmem>>
          %dma_wait3A_279 = tpu.memref_squeeze %dma_wait3A_278 : memref<1x80xi32, #tpu.memory_space<vmem>> -> memref<80xi32, #tpu.memory_space<vmem>>
          %dma_wait3A_280 = arith.constant 0 : i32
          %dma_wait3A_281 = arith.constant 0 : i32
          %dma_wait3A_282 = tpu.memref_slice %arg23[%dma_wait3A_280, %dma_wait3A_281] : memref<10000x64xf32, #tpu.memory_space<vmem_shared>> -> memref<10000x64xf32, #tpu.memory_space<vmem_shared>>
          tpu.wait_indirect_dma semaphore(%run_scoped3A : memref<!tpu.dma_semaphore, #tpu.memory_space<semaphore_mem>>) src(%arg12 : memref<80x64xf32, #tpu.memory_space<vmem>>) dst(%dma_wait3A_282 : memref<10000x64xf32, #tpu.memory_space<vmem_shared>>)
          tpu.yield
        }) : () -> ()
        %add3A_264 = arith.constant 8 : i32
        %add3A_265 = arith.addi %add3A_193, %add3A_264 : i32
        %lt3A_266 = arith.constant 250 : i32
        %lt3A_267 = arith.cmpi slt, %add3A_265, %lt3A_266 : i32
        %convert_element_type3A_268 = arith.extui %lt3A_267 : i1 to i32
        %cond3A_269 = arith.constant 0 : i32
        %cond3A_270 = arith.cmpi ne, %convert_element_type3A_268, %cond3A_269 : i32
        scf.if %cond3A_270 {
          %add3A_271 = arith.constant 8 : i32
          %add3A_272 = arith.addi %add3A_193, %add3A_271 : i32
          %dma_start3A_273 = arith.constant 0 : i32
          %dma_start3A_274 = tpu.memref_slice %arg11[%add3A_272, %dma_start3A_273] : memref<250x80xi32, #tpu.memory_space<vmem>> -> memref<1x80xi32, #tpu.memory_space<vmem>>
          %dma_start3A_275 = tpu.memref_squeeze %dma_start3A_274 : memref<1x80xi32, #tpu.memory_space<vmem>> -> memref<80xi32, #tpu.memory_space<vmem>>
          %dma_start3A_276 = arith.constant 0 : i32
          %dma_start3A_277 = arith.constant 0 : i32
          %dma_start3A_278 = tpu.memref_slice %arg8[%dma_start3A_276, %dma_start3A_277] : memref<20000x64xf32, #tpu.memory_space<hbm>> -> memref<20000x64xf32, #tpu.memory_space<hbm>>
          tpu.enqueue_indirect_dma source(%dma_start3A_278 : memref<20000x64xf32, #tpu.memory_space<hbm>>) target(%arg12 : memref<80x64xf32, #tpu.memory_space<vmem>>) offsets(%dma_start3A_275 : memref<80xi32, #tpu.memory_space<vmem>>) semaphore(%arg24 : memref<!tpu.dma_semaphore, #tpu.memory_space<semaphore_mem>>)
        } else {
        }
      } else {
      }
      %mul3A_196 = arith.constant 8 : i32
      %mul3A_197 = arith.muli %scan3A_190, %mul3A_196 : i32
      %add3A_198 = arith.constant 1 : i32
      %add3A_199 = arith.addi %mul3A_197, %add3A_198 : i32
      %lt3A_200 = arith.constant 250 : i32
      %lt3A_201 = arith.cmpi slt, %add3A_199, %lt3A_200 : i32
      %convert_element_type3A_202 = arith.extui %lt3A_201 : i1 to i32
      %cond3A_203 = arith.constant 0 : i32
      %cond3A_204 = arith.cmpi ne, %convert_element_type3A_202, %cond3A_203 : i32
      scf.if %cond3A_204 {
        %dma_wait3A = arith.constant 0 : i32
        %dma_wait3A_259 = tpu.memref_slice %arg11[%add3A_199, %dma_wait3A] : memref<250x80xi32, #tpu.memory_space<vmem>> -> memref<1x80xi32, #tpu.memory_space<vmem>>
        %dma_wait3A_260 = tpu.memref_squeeze %dma_wait3A_259 : memref<1x80xi32, #tpu.memory_space<vmem>> -> memref<80xi32, #tpu.memory_space<vmem>>
        %dma_wait3A_261 = arith.constant 0 : i32
        %dma_wait3A_262 = arith.constant 0 : i32
        %dma_wait3A_263 = tpu.memref_slice %arg8[%dma_wait3A_261, %dma_wait3A_262] : memref<20000x64xf32, #tpu.memory_space<hbm>> -> memref<20000x64xf32, #tpu.memory_space<hbm>>
        tpu.wait_indirect_dma semaphore(%arg25 : memref<!tpu.dma_semaphore, #tpu.memory_space<semaphore_mem>>) src(%dma_wait3A_263 : memref<20000x64xf32, #tpu.memory_space<hbm>>) dst(%arg13 : memref<80x64xf32, #tpu.memory_space<vmem>>)
        "tpu.region"() ({
          %run_scoped3A = tpu.sem_alloc : memref<!tpu.dma_semaphore, #tpu.memory_space<semaphore_mem>>
          %dma_start3A_271 = arith.constant 0 : i32
          %dma_start3A_272 = tpu.memref_slice %arg10[%add3A_199, %dma_start3A_271] : memref<250x80xi32, #tpu.memory_space<vmem>> -> memref<1x80xi32, #tpu.memory_space<vmem>>
          %dma_start3A_273 = tpu.memref_squeeze %dma_start3A_272 : memref<1x80xi32, #tpu.memory_space<vmem>> -> memref<80xi32, #tpu.memory_space<vmem>>
          %dma_start3A_274 = arith.constant 0 : i32
          %dma_start3A_275 = arith.constant 0 : i32
          %dma_start3A_276 = tpu.memref_slice %arg23[%dma_start3A_274, %dma_start3A_275] : memref<10000x64xf32, #tpu.memory_space<vmem_shared>> -> memref<10000x64xf32, #tpu.memory_space<vmem_shared>>
          tpu.enqueue_indirect_dma source(%arg13 : memref<80x64xf32, #tpu.memory_space<vmem>>) target(%dma_start3A_276 : memref<10000x64xf32, #tpu.memory_space<vmem_shared>>) offsets(%dma_start3A_273 : memref<80xi32, #tpu.memory_space<vmem>>) semaphore(%run_scoped3A : memref<!tpu.dma_semaphore, #tpu.memory_space<semaphore_mem>>) {add = true}
          %dma_wait3A_277 = arith.constant 0 : i32
          %dma_wait3A_278 = tpu.memref_slice %arg10[%add3A_199, %dma_wait3A_277] : memref<250x80xi32, #tpu.memory_space<vmem>> -> memref<1x80xi32, #tpu.memory_space<vmem>>
          %dma_wait3A_279 = tpu.memref_squeeze %dma_wait3A_278 : memref<1x80xi32, #tpu.memory_space<vmem>> -> memref<80xi32, #tpu.memory_space<vmem>>
          %dma_wait3A_280 = arith.constant 0 : i32
          %dma_wait3A_281 = arith.constant 0 : i32
          %dma_wait3A_282 = tpu.memref_slice %arg23[%dma_wait3A_280, %dma_wait3A_281] : memref<10000x64xf32, #tpu.memory_space<vmem_shared>> -> memref<10000x64xf32, #tpu.memory_space<vmem_shared>>
          tpu.wait_indirect_dma semaphore(%run_scoped3A : memref<!tpu.dma_semaphore, #tpu.memory_space<semaphore_mem>>) src(%arg13 : memref<80x64xf32, #tpu.memory_space<vmem>>) dst(%dma_wait3A_282 : memref<10000x64xf32, #tpu.memory_space<vmem_shared>>)
          tpu.yield
        }) : () -> ()
        %add3A_264 = arith.constant 8 : i32
        %add3A_265 = arith.addi %add3A_199, %add3A_264 : i32
        %lt3A_266 = arith.constant 250 : i32
        %lt3A_267 = arith.cmpi slt, %add3A_265, %lt3A_266 : i32
        %convert_element_type3A_268 = arith.extui %lt3A_267 : i1 to i32
        %cond3A_269 = arith.constant 0 : i32
        %cond3A_270 = arith.cmpi ne, %convert_element_type3A_268, %cond3A_269 : i32
        scf.if %cond3A_270 {
          %add3A_271 = arith.constant 8 : i32
          %add3A_272 = arith.addi %add3A_199, %add3A_271 : i32
          %dma_start3A_273 = arith.constant 0 : i32
          %dma_start3A_274 = tpu.memref_slice %arg11[%add3A_272, %dma_start3A_273] : memref<250x80xi32, #tpu.memory_space<vmem>> -> memref<1x80xi32, #tpu.memory_space<vmem>>
          %dma_start3A_275 = tpu.memref_squeeze %dma_start3A_274 : memref<1x80xi32, #tpu.memory_space<vmem>> -> memref<80xi32, #tpu.memory_space<vmem>>
          %dma_start3A_276 = arith.constant 0 : i32
          %dma_start3A_277 = arith.constant 0 : i32
          %dma_start3A_278 = tpu.memref_slice %arg8[%dma_start3A_276, %dma_start3A_277] : memref<20000x64xf32, #tpu.memory_space<hbm>> -> memref<20000x64xf32, #tpu.memory_space<hbm>>
          tpu.enqueue_indirect_dma source(%dma_start3A_278 : memref<20000x64xf32, #tpu.memory_space<hbm>>) target(%arg13 : memref<80x64xf32, #tpu.memory_space<vmem>>) offsets(%dma_start3A_275 : memref<80xi32, #tpu.memory_space<vmem>>) semaphore(%arg25 : memref<!tpu.dma_semaphore, #tpu.memory_space<semaphore_mem>>)
        } else {
        }
      } else {
      }
      %mul3A_205 = arith.constant 8 : i32
      %mul3A_206 = arith.muli %scan3A_190, %mul3A_205 : i32
      %add3A_207 = arith.constant 2 : i32
      %add3A_208 = arith.addi %mul3A_206, %add3A_207 : i32
      %lt3A_209 = arith.constant 250 : i32
      %lt3A_210 = arith.cmpi slt, %add3A_208, %lt3A_209 : i32
      %convert_element_type3A_211 = arith.extui %lt3A_210 : i1 to i32
      %cond3A_212 = arith.constant 0 : i32
      %cond3A_213 = arith.cmpi ne, %convert_element_type3A_211, %cond3A_212 : i32
      scf.if %cond3A_213 {
        %dma_wait3A = arith.constant 0 : i32
        %dma_wait3A_259 = tpu.memref_slice %arg11[%add3A_208, %dma_wait3A] : memref<250x80xi32, #tpu.memory_space<vmem>> -> memref<1x80xi32, #tpu.memory_space<vmem>>
        %dma_wait3A_260 = tpu.memref_squeeze %dma_wait3A_259 : memref<1x80xi32, #tpu.memory_space<vmem>> -> memref<80xi32, #tpu.memory_space<vmem>>
        %dma_wait3A_261 = arith.constant 0 : i32
        %dma_wait3A_262 = arith.constant 0 : i32
        %dma_wait3A_263 = tpu.memref_slice %arg8[%dma_wait3A_261, %dma_wait3A_262] : memref<20000x64xf32, #tpu.memory_space<hbm>> -> memref<20000x64xf32, #tpu.memory_space<hbm>>
        tpu.wait_indirect_dma semaphore(%arg26 : memref<!tpu.dma_semaphore, #tpu.memory_space<semaphore_mem>>) src(%dma_wait3A_263 : memref<20000x64xf32, #tpu.memory_space<hbm>>) dst(%arg14 : memref<80x64xf32, #tpu.memory_space<vmem>>)
        "tpu.region"() ({
          %run_scoped3A = tpu.sem_alloc : memref<!tpu.dma_semaphore, #tpu.memory_space<semaphore_mem>>
          %dma_start3A_271 = arith.constant 0 : i32
          %dma_start3A_272 = tpu.memref_slice %arg10[%add3A_208, %dma_start3A_271] : memref<250x80xi32, #tpu.memory_space<vmem>> -> memref<1x80xi32, #tpu.memory_space<vmem>>
          %dma_start3A_273 = tpu.memref_squeeze %dma_start3A_272 : memref<1x80xi32, #tpu.memory_space<vmem>> -> memref<80xi32, #tpu.memory_space<vmem>>
          %dma_start3A_274 = arith.constant 0 : i32
          %dma_start3A_275 = arith.constant 0 : i32
          %dma_start3A_276 = tpu.memref_slice %arg23[%dma_start3A_274, %dma_start3A_275] : memref<10000x64xf32, #tpu.memory_space<vmem_shared>> -> memref<10000x64xf32, #tpu.memory_space<vmem_shared>>
          tpu.enqueue_indirect_dma source(%arg14 : memref<80x64xf32, #tpu.memory_space<vmem>>) target(%dma_start3A_276 : memref<10000x64xf32, #tpu.memory_space<vmem_shared>>) offsets(%dma_start3A_273 : memref<80xi32, #tpu.memory_space<vmem>>) semaphore(%run_scoped3A : memref<!tpu.dma_semaphore, #tpu.memory_space<semaphore_mem>>) {add = true}
          %dma_wait3A_277 = arith.constant 0 : i32
          %dma_wait3A_278 = tpu.memref_slice %arg10[%add3A_208, %dma_wait3A_277] : memref<250x80xi32, #tpu.memory_space<vmem>> -> memref<1x80xi32, #tpu.memory_space<vmem>>
          %dma_wait3A_279 = tpu.memref_squeeze %dma_wait3A_278 : memref<1x80xi32, #tpu.memory_space<vmem>> -> memref<80xi32, #tpu.memory_space<vmem>>
          %dma_wait3A_280 = arith.constant 0 : i32
          %dma_wait3A_281 = arith.constant 0 : i32
          %dma_wait3A_282 = tpu.memref_slice %arg23[%dma_wait3A_280, %dma_wait3A_281] : memref<10000x64xf32, #tpu.memory_space<vmem_shared>> -> memref<10000x64xf32, #tpu.memory_space<vmem_shared>>
          tpu.wait_indirect_dma semaphore(%run_scoped3A : memref<!tpu.dma_semaphore, #tpu.memory_space<semaphore_mem>>) src(%arg14 : memref<80x64xf32, #tpu.memory_space<vmem>>) dst(%dma_wait3A_282 : memref<10000x64xf32, #tpu.memory_space<vmem_shared>>)
          tpu.yield
        }) : () -> ()
        %add3A_264 = arith.constant 8 : i32
        %add3A_265 = arith.addi %add3A_208, %add3A_264 : i32
        %lt3A_266 = arith.constant 250 : i32
        %lt3A_267 = arith.cmpi slt, %add3A_265, %lt3A_266 : i32
        %convert_element_type3A_268 = arith.extui %lt3A_267 : i1 to i32
        %cond3A_269 = arith.constant 0 : i32
        %cond3A_270 = arith.cmpi ne, %convert_element_type3A_268, %cond3A_269 : i32
        scf.if %cond3A_270 {
          %add3A_271 = arith.constant 8 : i32
          %add3A_272 = arith.addi %add3A_208, %add3A_271 : i32
          %dma_start3A_273 = arith.constant 0 : i32
          %dma_start3A_274 = tpu.memref_slice %arg11[%add3A_272, %dma_start3A_273] : memref<250x80xi32, #tpu.memory_space<vmem>> -> memref<1x80xi32, #tpu.memory_space<vmem>>
          %dma_start3A_275 = tpu.memref_squeeze %dma_start3A_274 : memref<1x80xi32, #tpu.memory_space<vmem>> -> memref<80xi32, #tpu.memory_space<vmem>>
          %dma_start3A_276 = arith.constant 0 : i32
          %dma_start3A_277 = arith.constant 0 : i32
          %dma_start3A_278 = tpu.memref_slice %arg8[%dma_start3A_276, %dma_start3A_277] : memref<20000x64xf32, #tpu.memory_space<hbm>> -> memref<20000x64xf32, #tpu.memory_space<hbm>>
          tpu.enqueue_indirect_dma source(%dma_start3A_278 : memref<20000x64xf32, #tpu.memory_space<hbm>>) target(%arg14 : memref<80x64xf32, #tpu.memory_space<vmem>>) offsets(%dma_start3A_275 : memref<80xi32, #tpu.memory_space<vmem>>) semaphore(%arg26 : memref<!tpu.dma_semaphore, #tpu.memory_space<semaphore_mem>>)
        } else {
        }
      } else {
      }
      %mul3A_214 = arith.constant 8 : i32
      %mul3A_215 = arith.muli %scan3A_190, %mul3A_214 : i32
      %add3A_216 = arith.constant 3 : i32
      %add3A_217 = arith.addi %mul3A_215, %add3A_216 : i32
      %lt3A_218 = arith.constant 250 : i32
      %lt3A_219 = arith.cmpi slt, %add3A_217, %lt3A_218 : i32
      %convert_element_type3A_220 = arith.extui %lt3A_219 : i1 to i32
      %cond3A_221 = arith.constant 0 : i32
      %cond3A_222 = arith.cmpi ne, %convert_element_type3A_220, %cond3A_221 : i32
      scf.if %cond3A_222 {
        %dma_wait3A = arith.constant 0 : i32
        %dma_wait3A_259 = tpu.memref_slice %arg11[%add3A_217, %dma_wait3A] : memref<250x80xi32, #tpu.memory_space<vmem>> -> memref<1x80xi32, #tpu.memory_space<vmem>>
        %dma_wait3A_260 = tpu.memref_squeeze %dma_wait3A_259 : memref<1x80xi32, #tpu.memory_space<vmem>> -> memref<80xi32, #tpu.memory_space<vmem>>
        %dma_wait3A_261 = arith.constant 0 : i32
        %dma_wait3A_262 = arith.constant 0 : i32
        %dma_wait3A_263 = tpu.memref_slice %arg8[%dma_wait3A_261, %dma_wait3A_262] : memref<20000x64xf32, #tpu.memory_space<hbm>> -> memref<20000x64xf32, #tpu.memory_space<hbm>>
        tpu.wait_indirect_dma semaphore(%arg27 : memref<!tpu.dma_semaphore, #tpu.memory_space<semaphore_mem>>) src(%dma_wait3A_263 : memref<20000x64xf32, #tpu.memory_space<hbm>>) dst(%arg15 : memref<80x64xf32, #tpu.memory_space<vmem>>)
        "tpu.region"() ({
          %run_scoped3A = tpu.sem_alloc : memref<!tpu.dma_semaphore, #tpu.memory_space<semaphore_mem>>
          %dma_start3A_271 = arith.constant 0 : i32
          %dma_start3A_272 = tpu.memref_slice %arg10[%add3A_217, %dma_start3A_271] : memref<250x80xi32, #tpu.memory_space<vmem>> -> memref<1x80xi32, #tpu.memory_space<vmem>>
          %dma_start3A_273 = tpu.memref_squeeze %dma_start3A_272 : memref<1x80xi32, #tpu.memory_space<vmem>> -> memref<80xi32, #tpu.memory_space<vmem>>
          %dma_start3A_274 = arith.constant 0 : i32
          %dma_start3A_275 = arith.constant 0 : i32
          %dma_start3A_276 = tpu.memref_slice %arg23[%dma_start3A_274, %dma_start3A_275] : memref<10000x64xf32, #tpu.memory_space<vmem_shared>> -> memref<10000x64xf32, #tpu.memory_space<vmem_shared>>
          tpu.enqueue_indirect_dma source(%arg15 : memref<80x64xf32, #tpu.memory_space<vmem>>) target(%dma_start3A_276 : memref<10000x64xf32, #tpu.memory_space<vmem_shared>>) offsets(%dma_start3A_273 : memref<80xi32, #tpu.memory_space<vmem>>) semaphore(%run_scoped3A : memref<!tpu.dma_semaphore, #tpu.memory_space<semaphore_mem>>) {add = true}
          %dma_wait3A_277 = arith.constant 0 : i32
          %dma_wait3A_278 = tpu.memref_slice %arg10[%add3A_217, %dma_wait3A_277] : memref<250x80xi32, #tpu.memory_space<vmem>> -> memref<1x80xi32, #tpu.memory_space<vmem>>
          %dma_wait3A_279 = tpu.memref_squeeze %dma_wait3A_278 : memref<1x80xi32, #tpu.memory_space<vmem>> -> memref<80xi32, #tpu.memory_space<vmem>>
          %dma_wait3A_280 = arith.constant 0 : i32
          %dma_wait3A_281 = arith.constant 0 : i32
          %dma_wait3A_282 = tpu.memref_slice %arg23[%dma_wait3A_280, %dma_wait3A_281] : memref<10000x64xf32, #tpu.memory_space<vmem_shared>> -> memref<10000x64xf32, #tpu.memory_space<vmem_shared>>
          tpu.wait_indirect_dma semaphore(%run_scoped3A : memref<!tpu.dma_semaphore, #tpu.memory_space<semaphore_mem>>) src(%arg15 : memref<80x64xf32, #tpu.memory_space<vmem>>) dst(%dma_wait3A_282 : memref<10000x64xf32, #tpu.memory_space<vmem_shared>>)
          tpu.yield
        }) : () -> ()
        %add3A_264 = arith.constant 8 : i32
        %add3A_265 = arith.addi %add3A_217, %add3A_264 : i32
        %lt3A_266 = arith.constant 250 : i32
        %lt3A_267 = arith.cmpi slt, %add3A_265, %lt3A_266 : i32
        %convert_element_type3A_268 = arith.extui %lt3A_267 : i1 to i32
        %cond3A_269 = arith.constant 0 : i32
        %cond3A_270 = arith.cmpi ne, %convert_element_type3A_268, %cond3A_269 : i32
        scf.if %cond3A_270 {
          %add3A_271 = arith.constant 8 : i32
          %add3A_272 = arith.addi %add3A_217, %add3A_271 : i32
          %dma_start3A_273 = arith.constant 0 : i32
          %dma_start3A_274 = tpu.memref_slice %arg11[%add3A_272, %dma_start3A_273] : memref<250x80xi32, #tpu.memory_space<vmem>> -> memref<1x80xi32, #tpu.memory_space<vmem>>
          %dma_start3A_275 = tpu.memref_squeeze %dma_start3A_274 : memref<1x80xi32, #tpu.memory_space<vmem>> -> memref<80xi32, #tpu.memory_space<vmem>>
          %dma_start3A_276 = arith.constant 0 : i32
          %dma_start3A_277 = arith.constant 0 : i32
          %dma_start3A_278 = tpu.memref_slice %arg8[%dma_start3A_276, %dma_start3A_277] : memref<20000x64xf32, #tpu.memory_space<hbm>> -> memref<20000x64xf32, #tpu.memory_space<hbm>>
          tpu.enqueue_indirect_dma source(%dma_start3A_278 : memref<20000x64xf32, #tpu.memory_space<hbm>>) target(%arg15 : memref<80x64xf32, #tpu.memory_space<vmem>>) offsets(%dma_start3A_275 : memref<80xi32, #tpu.memory_space<vmem>>) semaphore(%arg27 : memref<!tpu.dma_semaphore, #tpu.memory_space<semaphore_mem>>)
        } else {
        }
      } else {
      }
      %mul3A_223 = arith.constant 8 : i32
      %mul3A_224 = arith.muli %scan3A_190, %mul3A_223 : i32
      %add3A_225 = arith.constant 4 : i32
      %add3A_226 = arith.addi %mul3A_224, %add3A_225 : i32
      %lt3A_227 = arith.constant 250 : i32
      %lt3A_228 = arith.cmpi slt, %add3A_226, %lt3A_227 : i32
      %convert_element_type3A_229 = arith.extui %lt3A_228 : i1 to i32
      %cond3A_230 = arith.constant 0 : i32
      %cond3A_231 = arith.cmpi ne, %convert_element_type3A_229, %cond3A_230 : i32
      scf.if %cond3A_231 {
        %dma_wait3A = arith.constant 0 : i32
        %dma_wait3A_259 = tpu.memref_slice %arg11[%add3A_226, %dma_wait3A] : memref<250x80xi32, #tpu.memory_space<vmem>> -> memref<1x80xi32, #tpu.memory_space<vmem>>
        %dma_wait3A_260 = tpu.memref_squeeze %dma_wait3A_259 : memref<1x80xi32, #tpu.memory_space<vmem>> -> memref<80xi32, #tpu.memory_space<vmem>>
        %dma_wait3A_261 = arith.constant 0 : i32
        %dma_wait3A_262 = arith.constant 0 : i32
        %dma_wait3A_263 = tpu.memref_slice %arg8[%dma_wait3A_261, %dma_wait3A_262] : memref<20000x64xf32, #tpu.memory_space<hbm>> -> memref<20000x64xf32, #tpu.memory_space<hbm>>
        tpu.wait_indirect_dma semaphore(%arg28 : memref<!tpu.dma_semaphore, #tpu.memory_space<semaphore_mem>>) src(%dma_wait3A_263 : memref<20000x64xf32, #tpu.memory_space<hbm>>) dst(%arg16 : memref<80x64xf32, #tpu.memory_space<vmem>>)
        "tpu.region"() ({
          %run_scoped3A = tpu.sem_alloc : memref<!tpu.dma_semaphore, #tpu.memory_space<semaphore_mem>>
          %dma_start3A_271 = arith.constant 0 : i32
          %dma_start3A_272 = tpu.memref_slice %arg10[%add3A_226, %dma_start3A_271] : memref<250x80xi32, #tpu.memory_space<vmem>> -> memref<1x80xi32, #tpu.memory_space<vmem>>
          %dma_start3A_273 = tpu.memref_squeeze %dma_start3A_272 : memref<1x80xi32, #tpu.memory_space<vmem>> -> memref<80xi32, #tpu.memory_space<vmem>>
          %dma_start3A_274 = arith.constant 0 : i32
          %dma_start3A_275 = arith.constant 0 : i32
          %dma_start3A_276 = tpu.memref_slice %arg23[%dma_start3A_274, %dma_start3A_275] : memref<10000x64xf32, #tpu.memory_space<vmem_shared>> -> memref<10000x64xf32, #tpu.memory_space<vmem_shared>>
          tpu.enqueue_indirect_dma source(%arg16 : memref<80x64xf32, #tpu.memory_space<vmem>>) target(%dma_start3A_276 : memref<10000x64xf32, #tpu.memory_space<vmem_shared>>) offsets(%dma_start3A_273 : memref<80xi32, #tpu.memory_space<vmem>>) semaphore(%run_scoped3A : memref<!tpu.dma_semaphore, #tpu.memory_space<semaphore_mem>>) {add = true}
          %dma_wait3A_277 = arith.constant 0 : i32
          %dma_wait3A_278 = tpu.memref_slice %arg10[%add3A_226, %dma_wait3A_277] : memref<250x80xi32, #tpu.memory_space<vmem>> -> memref<1x80xi32, #tpu.memory_space<vmem>>
          %dma_wait3A_279 = tpu.memref_squeeze %dma_wait3A_278 : memref<1x80xi32, #tpu.memory_space<vmem>> -> memref<80xi32, #tpu.memory_space<vmem>>
          %dma_wait3A_280 = arith.constant 0 : i32
          %dma_wait3A_281 = arith.constant 0 : i32
          %dma_wait3A_282 = tpu.memref_slice %arg23[%dma_wait3A_280, %dma_wait3A_281] : memref<10000x64xf32, #tpu.memory_space<vmem_shared>> -> memref<10000x64xf32, #tpu.memory_space<vmem_shared>>
          tpu.wait_indirect_dma semaphore(%run_scoped3A : memref<!tpu.dma_semaphore, #tpu.memory_space<semaphore_mem>>) src(%arg16 : memref<80x64xf32, #tpu.memory_space<vmem>>) dst(%dma_wait3A_282 : memref<10000x64xf32, #tpu.memory_space<vmem_shared>>)
          tpu.yield
        }) : () -> ()
        %add3A_264 = arith.constant 8 : i32
        %add3A_265 = arith.addi %add3A_226, %add3A_264 : i32
        %lt3A_266 = arith.constant 250 : i32
        %lt3A_267 = arith.cmpi slt, %add3A_265, %lt3A_266 : i32
        %convert_element_type3A_268 = arith.extui %lt3A_267 : i1 to i32
        %cond3A_269 = arith.constant 0 : i32
        %cond3A_270 = arith.cmpi ne, %convert_element_type3A_268, %cond3A_269 : i32
        scf.if %cond3A_270 {
          %add3A_271 = arith.constant 8 : i32
          %add3A_272 = arith.addi %add3A_226, %add3A_271 : i32
          %dma_start3A_273 = arith.constant 0 : i32
          %dma_start3A_274 = tpu.memref_slice %arg11[%add3A_272, %dma_start3A_273] : memref<250x80xi32, #tpu.memory_space<vmem>> -> memref<1x80xi32, #tpu.memory_space<vmem>>
          %dma_start3A_275 = tpu.memref_squeeze %dma_start3A_274 : memref<1x80xi32, #tpu.memory_space<vmem>> -> memref<80xi32, #tpu.memory_space<vmem>>
          %dma_start3A_276 = arith.constant 0 : i32
          %dma_start3A_277 = arith.constant 0 : i32
          %dma_start3A_278 = tpu.memref_slice %arg8[%dma_start3A_276, %dma_start3A_277] : memref<20000x64xf32, #tpu.memory_space<hbm>> -> memref<20000x64xf32, #tpu.memory_space<hbm>>
          tpu.enqueue_indirect_dma source(%dma_start3A_278 : memref<20000x64xf32, #tpu.memory_space<hbm>>) target(%arg16 : memref<80x64xf32, #tpu.memory_space<vmem>>) offsets(%dma_start3A_275 : memref<80xi32, #tpu.memory_space<vmem>>) semaphore(%arg28 : memref<!tpu.dma_semaphore, #tpu.memory_space<semaphore_mem>>)
        } else {
        }
      } else {
      }
      %mul3A_232 = arith.constant 8 : i32
      %mul3A_233 = arith.muli %scan3A_190, %mul3A_232 : i32
      %add3A_234 = arith.constant 5 : i32
      %add3A_235 = arith.addi %mul3A_233, %add3A_234 : i32
      %lt3A_236 = arith.constant 250 : i32
      %lt3A_237 = arith.cmpi slt, %add3A_235, %lt3A_236 : i32
      %convert_element_type3A_238 = arith.extui %lt3A_237 : i1 to i32
      %cond3A_239 = arith.constant 0 : i32
      %cond3A_240 = arith.cmpi ne, %convert_element_type3A_238, %cond3A_239 : i32
      scf.if %cond3A_240 {
        %dma_wait3A = arith.constant 0 : i32
        %dma_wait3A_259 = tpu.memref_slice %arg11[%add3A_235, %dma_wait3A] : memref<250x80xi32, #tpu.memory_space<vmem>> -> memref<1x80xi32, #tpu.memory_space<vmem>>
        %dma_wait3A_260 = tpu.memref_squeeze %dma_wait3A_259 : memref<1x80xi32, #tpu.memory_space<vmem>> -> memref<80xi32, #tpu.memory_space<vmem>>
        %dma_wait3A_261 = arith.constant 0 : i32
        %dma_wait3A_262 = arith.constant 0 : i32
        %dma_wait3A_263 = tpu.memref_slice %arg8[%dma_wait3A_261, %dma_wait3A_262] : memref<20000x64xf32, #tpu.memory_space<hbm>> -> memref<20000x64xf32, #tpu.memory_space<hbm>>
        tpu.wait_indirect_dma semaphore(%arg29 : memref<!tpu.dma_semaphore, #tpu.memory_space<semaphore_mem>>) src(%dma_wait3A_263 : memref<20000x64xf32, #tpu.memory_space<hbm>>) dst(%arg17 : memref<80x64xf32, #tpu.memory_space<vmem>>)
        "tpu.region"() ({
          %run_scoped3A = tpu.sem_alloc : memref<!tpu.dma_semaphore, #tpu.memory_space<semaphore_mem>>
          %dma_start3A_271 = arith.constant 0 : i32
          %dma_start3A_272 = tpu.memref_slice %arg10[%add3A_235, %dma_start3A_271] : memref<250x80xi32, #tpu.memory_space<vmem>> -> memref<1x80xi32, #tpu.memory_space<vmem>>
          %dma_start3A_273 = tpu.memref_squeeze %dma_start3A_272 : memref<1x80xi32, #tpu.memory_space<vmem>> -> memref<80xi32, #tpu.memory_space<vmem>>
          %dma_start3A_274 = arith.constant 0 : i32
          %dma_start3A_275 = arith.constant 0 : i32
          %dma_start3A_276 = tpu.memref_slice %arg23[%dma_start3A_274, %dma_start3A_275] : memref<10000x64xf32, #tpu.memory_space<vmem_shared>> -> memref<10000x64xf32, #tpu.memory_space<vmem_shared>>
          tpu.enqueue_indirect_dma source(%arg17 : memref<80x64xf32, #tpu.memory_space<vmem>>) target(%dma_start3A_276 : memref<10000x64xf32, #tpu.memory_space<vmem_shared>>) offsets(%dma_start3A_273 : memref<80xi32, #tpu.memory_space<vmem>>) semaphore(%run_scoped3A : memref<!tpu.dma_semaphore, #tpu.memory_space<semaphore_mem>>) {add = true}
          %dma_wait3A_277 = arith.constant 0 : i32
          %dma_wait3A_278 = tpu.memref_slice %arg10[%add3A_235, %dma_wait3A_277] : memref<250x80xi32, #tpu.memory_space<vmem>> -> memref<1x80xi32, #tpu.memory_space<vmem>>
          %dma_wait3A_279 = tpu.memref_squeeze %dma_wait3A_278 : memref<1x80xi32, #tpu.memory_space<vmem>> -> memref<80xi32, #tpu.memory_space<vmem>>
          %dma_wait3A_280 = arith.constant 0 : i32
          %dma_wait3A_281 = arith.constant 0 : i32
          %dma_wait3A_282 = tpu.memref_slice %arg23[%dma_wait3A_280, %dma_wait3A_281] : memref<10000x64xf32, #tpu.memory_space<vmem_shared>> -> memref<10000x64xf32, #tpu.memory_space<vmem_shared>>
          tpu.wait_indirect_dma semaphore(%run_scoped3A : memref<!tpu.dma_semaphore, #tpu.memory_space<semaphore_mem>>) src(%arg17 : memref<80x64xf32, #tpu.memory_space<vmem>>) dst(%dma_wait3A_282 : memref<10000x64xf32, #tpu.memory_space<vmem_shared>>)
          tpu.yield
        }) : () -> ()
        %add3A_264 = arith.constant 8 : i32
        %add3A_265 = arith.addi %add3A_235, %add3A_264 : i32
        %lt3A_266 = arith.constant 250 : i32
        %lt3A_267 = arith.cmpi slt, %add3A_265, %lt3A_266 : i32
        %convert_element_type3A_268 = arith.extui %lt3A_267 : i1 to i32
        %cond3A_269 = arith.constant 0 : i32
        %cond3A_270 = arith.cmpi ne, %convert_element_type3A_268, %cond3A_269 : i32
        scf.if %cond3A_270 {
          %add3A_271 = arith.constant 8 : i32
          %add3A_272 = arith.addi %add3A_235, %add3A_271 : i32
          %dma_start3A_273 = arith.constant 0 : i32
          %dma_start3A_274 = tpu.memref_slice %arg11[%add3A_272, %dma_start3A_273] : memref<250x80xi32, #tpu.memory_space<vmem>> -> memref<1x80xi32, #tpu.memory_space<vmem>>
          %dma_start3A_275 = tpu.memref_squeeze %dma_start3A_274 : memref<1x80xi32, #tpu.memory_space<vmem>> -> memref<80xi32, #tpu.memory_space<vmem>>
          %dma_start3A_276 = arith.constant 0 : i32
          %dma_start3A_277 = arith.constant 0 : i32
          %dma_start3A_278 = tpu.memref_slice %arg8[%dma_start3A_276, %dma_start3A_277] : memref<20000x64xf32, #tpu.memory_space<hbm>> -> memref<20000x64xf32, #tpu.memory_space<hbm>>
          tpu.enqueue_indirect_dma source(%dma_start3A_278 : memref<20000x64xf32, #tpu.memory_space<hbm>>) target(%arg17 : memref<80x64xf32, #tpu.memory_space<vmem>>) offsets(%dma_start3A_275 : memref<80xi32, #tpu.memory_space<vmem>>) semaphore(%arg29 : memref<!tpu.dma_semaphore, #tpu.memory_space<semaphore_mem>>)
        } else {
        }
      } else {
      }
      %mul3A_241 = arith.constant 8 : i32
      %mul3A_242 = arith.muli %scan3A_190, %mul3A_241 : i32
      %add3A_243 = arith.constant 6 : i32
      %add3A_244 = arith.addi %mul3A_242, %add3A_243 : i32
      %lt3A_245 = arith.constant 250 : i32
      %lt3A_246 = arith.cmpi slt, %add3A_244, %lt3A_245 : i32
      %convert_element_type3A_247 = arith.extui %lt3A_246 : i1 to i32
      %cond3A_248 = arith.constant 0 : i32
      %cond3A_249 = arith.cmpi ne, %convert_element_type3A_247, %cond3A_248 : i32
      scf.if %cond3A_249 {
        %dma_wait3A = arith.constant 0 : i32
        %dma_wait3A_259 = tpu.memref_slice %arg11[%add3A_244, %dma_wait3A] : memref<250x80xi32, #tpu.memory_space<vmem>> -> memref<1x80xi32, #tpu.memory_space<vmem>>
        %dma_wait3A_260 = tpu.memref_squeeze %dma_wait3A_259 : memref<1x80xi32, #tpu.memory_space<vmem>> -> memref<80xi32, #tpu.memory_space<vmem>>
        %dma_wait3A_261 = arith.constant 0 : i32
        %dma_wait3A_262 = arith.constant 0 : i32
        %dma_wait3A_263 = tpu.memref_slice %arg8[%dma_wait3A_261, %dma_wait3A_262] : memref<20000x64xf32, #tpu.memory_space<hbm>> -> memref<20000x64xf32, #tpu.memory_space<hbm>>
        tpu.wait_indirect_dma semaphore(%arg30 : memref<!tpu.dma_semaphore, #tpu.memory_space<semaphore_mem>>) src(%dma_wait3A_263 : memref<20000x64xf32, #tpu.memory_space<hbm>>) dst(%arg18 : memref<80x64xf32, #tpu.memory_space<vmem>>)
        "tpu.region"() ({
          %run_scoped3A = tpu.sem_alloc : memref<!tpu.dma_semaphore, #tpu.memory_space<semaphore_mem>>
          %dma_start3A_271 = arith.constant 0 : i32
          %dma_start3A_272 = tpu.memref_slice %arg10[%add3A_244, %dma_start3A_271] : memref<250x80xi32, #tpu.memory_space<vmem>> -> memref<1x80xi32, #tpu.memory_space<vmem>>
          %dma_start3A_273 = tpu.memref_squeeze %dma_start3A_272 : memref<1x80xi32, #tpu.memory_space<vmem>> -> memref<80xi32, #tpu.memory_space<vmem>>
          %dma_start3A_274 = arith.constant 0 : i32
          %dma_start3A_275 = arith.constant 0 : i32
          %dma_start3A_276 = tpu.memref_slice %arg23[%dma_start3A_274, %dma_start3A_275] : memref<10000x64xf32, #tpu.memory_space<vmem_shared>> -> memref<10000x64xf32, #tpu.memory_space<vmem_shared>>
          tpu.enqueue_indirect_dma source(%arg18 : memref<80x64xf32, #tpu.memory_space<vmem>>) target(%dma_start3A_276 : memref<10000x64xf32, #tpu.memory_space<vmem_shared>>) offsets(%dma_start3A_273 : memref<80xi32, #tpu.memory_space<vmem>>) semaphore(%run_scoped3A : memref<!tpu.dma_semaphore, #tpu.memory_space<semaphore_mem>>) {add = true}
          %dma_wait3A_277 = arith.constant 0 : i32
          %dma_wait3A_278 = tpu.memref_slice %arg10[%add3A_244, %dma_wait3A_277] : memref<250x80xi32, #tpu.memory_space<vmem>> -> memref<1x80xi32, #tpu.memory_space<vmem>>
          %dma_wait3A_279 = tpu.memref_squeeze %dma_wait3A_278 : memref<1x80xi32, #tpu.memory_space<vmem>> -> memref<80xi32, #tpu.memory_space<vmem>>
          %dma_wait3A_280 = arith.constant 0 : i32
          %dma_wait3A_281 = arith.constant 0 : i32
          %dma_wait3A_282 = tpu.memref_slice %arg23[%dma_wait3A_280, %dma_wait3A_281] : memref<10000x64xf32, #tpu.memory_space<vmem_shared>> -> memref<10000x64xf32, #tpu.memory_space<vmem_shared>>
          tpu.wait_indirect_dma semaphore(%run_scoped3A : memref<!tpu.dma_semaphore, #tpu.memory_space<semaphore_mem>>) src(%arg18 : memref<80x64xf32, #tpu.memory_space<vmem>>) dst(%dma_wait3A_282 : memref<10000x64xf32, #tpu.memory_space<vmem_shared>>)
          tpu.yield
        }) : () -> ()
        %add3A_264 = arith.constant 8 : i32
        %add3A_265 = arith.addi %add3A_244, %add3A_264 : i32
        %lt3A_266 = arith.constant 250 : i32
        %lt3A_267 = arith.cmpi slt, %add3A_265, %lt3A_266 : i32
        %convert_element_type3A_268 = arith.extui %lt3A_267 : i1 to i32
        %cond3A_269 = arith.constant 0 : i32
        %cond3A_270 = arith.cmpi ne, %convert_element_type3A_268, %cond3A_269 : i32
        scf.if %cond3A_270 {
          %add3A_271 = arith.constant 8 : i32
          %add3A_272 = arith.addi %add3A_244, %add3A_271 : i32
          %dma_start3A_273 = arith.constant 0 : i32
          %dma_start3A_274 = tpu.memref_slice %arg11[%add3A_272, %dma_start3A_273] : memref<250x80xi32, #tpu.memory_space<vmem>> -> memref<1x80xi32, #tpu.memory_space<vmem>>
          %dma_start3A_275 = tpu.memref_squeeze %dma_start3A_274 : memref<1x80xi32, #tpu.memory_space<vmem>> -> memref<80xi32, #tpu.memory_space<vmem>>
          %dma_start3A_276 = arith.constant 0 : i32
          %dma_start3A_277 = arith.constant 0 : i32
          %dma_start3A_278 = tpu.memref_slice %arg8[%dma_start3A_276, %dma_start3A_277] : memref<20000x64xf32, #tpu.memory_space<hbm>> -> memref<20000x64xf32, #tpu.memory_space<hbm>>
          tpu.enqueue_indirect_dma source(%dma_start3A_278 : memref<20000x64xf32, #tpu.memory_space<hbm>>) target(%arg18 : memref<80x64xf32, #tpu.memory_space<vmem>>) offsets(%dma_start3A_275 : memref<80xi32, #tpu.memory_space<vmem>>) semaphore(%arg30 : memref<!tpu.dma_semaphore, #tpu.memory_space<semaphore_mem>>)
        } else {
        }
      } else {
      }
      %mul3A_250 = arith.constant 8 : i32
      %mul3A_251 = arith.muli %scan3A_190, %mul3A_250 : i32
      %add3A_252 = arith.constant 7 : i32
      %add3A_253 = arith.addi %mul3A_251, %add3A_252 : i32
      %lt3A_254 = arith.constant 250 : i32
      %lt3A_255 = arith.cmpi slt, %add3A_253, %lt3A_254 : i32
      %convert_element_type3A_256 = arith.extui %lt3A_255 : i1 to i32
      %cond3A_257 = arith.constant 0 : i32
      %cond3A_258 = arith.cmpi ne, %convert_element_type3A_256, %cond3A_257 : i32
      scf.if %cond3A_258 {
        %dma_wait3A = arith.constant 0 : i32
        %dma_wait3A_259 = tpu.memref_slice %arg11[%add3A_253, %dma_wait3A] : memref<250x80xi32, #tpu.memory_space<vmem>> -> memref<1x80xi32, #tpu.memory_space<vmem>>
        %dma_wait3A_260 = tpu.memref_squeeze %dma_wait3A_259 : memref<1x80xi32, #tpu.memory_space<vmem>> -> memref<80xi32, #tpu.memory_space<vmem>>
        %dma_wait3A_261 = arith.constant 0 : i32
        %dma_wait3A_262 = arith.constant 0 : i32
        %dma_wait3A_263 = tpu.memref_slice %arg8[%dma_wait3A_261, %dma_wait3A_262] : memref<20000x64xf32, #tpu.memory_space<hbm>> -> memref<20000x64xf32, #tpu.memory_space<hbm>>
        tpu.wait_indirect_dma semaphore(%arg31 : memref<!tpu.dma_semaphore, #tpu.memory_space<semaphore_mem>>) src(%dma_wait3A_263 : memref<20000x64xf32, #tpu.memory_space<hbm>>) dst(%arg19 : memref<80x64xf32, #tpu.memory_space<vmem>>)
        "tpu.region"() ({
          %run_scoped3A = tpu.sem_alloc : memref<!tpu.dma_semaphore, #tpu.memory_space<semaphore_mem>>
          %dma_start3A_271 = arith.constant 0 : i32
          %dma_start3A_272 = tpu.memref_slice %arg10[%add3A_253, %dma_start3A_271] : memref<250x80xi32, #tpu.memory_space<vmem>> -> memref<1x80xi32, #tpu.memory_space<vmem>>
          %dma_start3A_273 = tpu.memref_squeeze %dma_start3A_272 : memref<1x80xi32, #tpu.memory_space<vmem>> -> memref<80xi32, #tpu.memory_space<vmem>>
          %dma_start3A_274 = arith.constant 0 : i32
          %dma_start3A_275 = arith.constant 0 : i32
          %dma_start3A_276 = tpu.memref_slice %arg23[%dma_start3A_274, %dma_start3A_275] : memref<10000x64xf32, #tpu.memory_space<vmem_shared>> -> memref<10000x64xf32, #tpu.memory_space<vmem_shared>>
          tpu.enqueue_indirect_dma source(%arg19 : memref<80x64xf32, #tpu.memory_space<vmem>>) target(%dma_start3A_276 : memref<10000x64xf32, #tpu.memory_space<vmem_shared>>) offsets(%dma_start3A_273 : memref<80xi32, #tpu.memory_space<vmem>>) semaphore(%run_scoped3A : memref<!tpu.dma_semaphore, #tpu.memory_space<semaphore_mem>>) {add = true}
          %dma_wait3A_277 = arith.constant 0 : i32
          %dma_wait3A_278 = tpu.memref_slice %arg10[%add3A_253, %dma_wait3A_277] : memref<250x80xi32, #tpu.memory_space<vmem>> -> memref<1x80xi32, #tpu.memory_space<vmem>>
          %dma_wait3A_279 = tpu.memref_squeeze %dma_wait3A_278 : memref<1x80xi32, #tpu.memory_space<vmem>> -> memref<80xi32, #tpu.memory_space<vmem>>
          %dma_wait3A_280 = arith.constant 0 : i32
          %dma_wait3A_281 = arith.constant 0 : i32
          %dma_wait3A_282 = tpu.memref_slice %arg23[%dma_wait3A_280, %dma_wait3A_281] : memref<10000x64xf32, #tpu.memory_space<vmem_shared>> -> memref<10000x64xf32, #tpu.memory_space<vmem_shared>>
          tpu.wait_indirect_dma semaphore(%run_scoped3A : memref<!tpu.dma_semaphore, #tpu.memory_space<semaphore_mem>>) src(%arg19 : memref<80x64xf32, #tpu.memory_space<vmem>>) dst(%dma_wait3A_282 : memref<10000x64xf32, #tpu.memory_space<vmem_shared>>)
          tpu.yield
        }) : () -> ()
        %add3A_264 = arith.constant 8 : i32
        %add3A_265 = arith.addi %add3A_253, %add3A_264 : i32
        %lt3A_266 = arith.constant 250 : i32
        %lt3A_267 = arith.cmpi slt, %add3A_265, %lt3A_266 : i32
        %convert_element_type3A_268 = arith.extui %lt3A_267 : i1 to i32
        %cond3A_269 = arith.constant 0 : i32
        %cond3A_270 = arith.cmpi ne, %convert_element_type3A_268, %cond3A_269 : i32
        scf.if %cond3A_270 {
          %add3A_271 = arith.constant 8 : i32
          %add3A_272 = arith.addi %add3A_253, %add3A_271 : i32
          %dma_start3A_273 = arith.constant 0 : i32
          %dma_start3A_274 = tpu.memref_slice %arg11[%add3A_272, %dma_start3A_273] : memref<250x80xi32, #tpu.memory_space<vmem>> -> memref<1x80xi32, #tpu.memory_space<vmem>>
          %dma_start3A_275 = tpu.memref_squeeze %dma_start3A_274 : memref<1x80xi32, #tpu.memory_space<vmem>> -> memref<80xi32, #tpu.memory_space<vmem>>
          %dma_start3A_276 = arith.constant 0 : i32
          %dma_start3A_277 = arith.constant 0 : i32
          %dma_start3A_278 = tpu.memref_slice %arg8[%dma_start3A_276, %dma_start3A_277] : memref<20000x64xf32, #tpu.memory_space<hbm>> -> memref<20000x64xf32, #tpu.memory_space<hbm>>
          tpu.enqueue_indirect_dma source(%dma_start3A_278 : memref<20000x64xf32, #tpu.memory_space<hbm>>) target(%arg19 : memref<80x64xf32, #tpu.memory_space<vmem>>) offsets(%dma_start3A_275 : memref<80xi32, #tpu.memory_space<vmem>>) semaphore(%arg31 : memref<!tpu.dma_semaphore, #tpu.memory_space<semaphore_mem>>)
        } else {
        }
      } else {
      }
    }
    %scan3A_180 = arith.constant 32 : i32
    %barrier3A_181 = arith.constant 0 : index
    tpu.barrier barrier_id(%barrier3A_181)
    %mul3A_182 = arith.constant 10000 : i32
    %mul3A_183 = arith.muli %arg0, %mul3A_182 : i32
    %scan3A_184 = arith.constant 0 : i32
    %scan3A_185 = arith.constant 0 : i32
    %scan3A_186 = arith.constant 8 : i32
    %scan3A_187 = arith.addi %scan3A_185, %scan3A_186 : i32
    %scan3A_188 = arith.constant 1 : i32
    scf.for %scan3A_190 = %scan3A_185 to %scan3A_187 step %scan3A_188  : i32 {
      %mul3A_191 = arith.constant 16 : i32
      %mul3A_192 = arith.muli %scan3A_190, %mul3A_191 : i32
      %add3A = arith.addi %arg1, %mul3A_192 : i32
      %lt3A = arith.constant 125 : i32
      %lt3A_193 = arith.cmpi slt, %add3A, %lt3A : i32
      %convert_element_type3A = arith.extui %lt3A_193 : i1 to i32
      %cond3A = arith.constant 0 : i32
      %cond3A_194 = arith.cmpi ne, %convert_element_type3A, %cond3A : i32
      scf.if %cond3A_194 {
        %mul3A_195 = arith.constant 80 : i32
        %mul3A_196 = arith.muli %add3A, %mul3A_195 : i32
        "tpu.region"() ({
          %run_scoped3A = tpu.sem_alloc : memref<!tpu.dma_semaphore, #tpu.memory_space<semaphore_mem>>
          %dma_start3A_204 = arith.constant 0 : i32
          %dma_start3A_205 = tpu.memref_slice %arg23[%mul3A_196, %dma_start3A_204] : memref<10000x64xf32, #tpu.memory_space<vmem_shared>> -> memref<80x64xf32, #tpu.memory_space<vmem_shared>>
          %dma_start3A_206 = arith.constant 0 : i32
          %dma_start3A_207 = tpu.memref_slice %arg23[%mul3A_196, %dma_start3A_206] : memref<10000x64xf32, #tpu.memory_space<vmem_shared>> -> memref<80x64xf32, #tpu.memory_space<vmem_shared>>
          tpu.enqueue_dma source(%dma_start3A_207 : memref<80x64xf32, #tpu.memory_space<vmem_shared>>) target(%arg20 : memref<80x64xf32, #tpu.memory_space<vmem>>) target_semaphore(%run_scoped3A : memref<!tpu.dma_semaphore, #tpu.memory_space<semaphore_mem>>)
          %dma_wait3A = arith.constant 0 : i32
          %dma_wait3A_208 = tpu.memref_slice %arg23[%mul3A_196, %dma_wait3A] : memref<10000x64xf32, #tpu.memory_space<vmem_shared>> -> memref<80x64xf32, #tpu.memory_space<vmem_shared>>
          %dma_wait3A_209 = arith.constant 0 : i32
          %dma_wait3A_210 = tpu.memref_slice %arg23[%mul3A_196, %dma_wait3A_209] : memref<10000x64xf32, #tpu.memory_space<vmem_shared>> -> memref<80x64xf32, #tpu.memory_space<vmem_shared>>
          tpu.wait_dma2 semaphore(%run_scoped3A : memref<!tpu.dma_semaphore, #tpu.memory_space<semaphore_mem>>) src(%dma_wait3A_210 : memref<80x64xf32, #tpu.memory_space<vmem_shared>>) dst(%arg20 : memref<80x64xf32, #tpu.memory_space<vmem>>)
          tpu.yield
        }) : () -> ()
        "tpu.region"() ({
          %run_scoped3A = tpu.sem_alloc : memref<!tpu.dma_semaphore, #tpu.memory_space<semaphore_mem>>
          %dma_start3A_204 = arith.constant 0 : i32
          %dma_start3A_205 = tpu.memref_slice %arg6[%mul3A_196, %dma_start3A_204] : memref<10240x16xf32, #tpu.memory_space<hbm>> -> memref<80x16xf32, #tpu.memory_space<hbm>>
          %dma_start3A_206 = arith.constant 0 : i32
          %dma_start3A_207 = tpu.memref_slice %arg6[%mul3A_196, %dma_start3A_206] : memref<10240x16xf32, #tpu.memory_space<hbm>> -> memref<80x16xf32, #tpu.memory_space<hbm>>
          tpu.enqueue_dma source(%dma_start3A_207 : memref<80x16xf32, #tpu.memory_space<hbm>>) target(%arg21 : memref<80x16xf32, #tpu.memory_space<vmem>>) target_semaphore(%run_scoped3A : memref<!tpu.dma_semaphore, #tpu.memory_space<semaphore_mem>>)
          %dma_wait3A = arith.constant 0 : i32
          %dma_wait3A_208 = tpu.memref_slice %arg6[%mul3A_196, %dma_wait3A] : memref<10240x16xf32, #tpu.memory_space<hbm>> -> memref<80x16xf32, #tpu.memory_space<hbm>>
          %dma_wait3A_209 = arith.constant 0 : i32
          %dma_wait3A_210 = tpu.memref_slice %arg6[%mul3A_196, %dma_wait3A_209] : memref<10240x16xf32, #tpu.memory_space<hbm>> -> memref<80x16xf32, #tpu.memory_space<hbm>>
          tpu.wait_dma2 semaphore(%run_scoped3A : memref<!tpu.dma_semaphore, #tpu.memory_space<semaphore_mem>>) src(%dma_wait3A_210 : memref<80x16xf32, #tpu.memory_space<hbm>>) dst(%arg21 : memref<80x16xf32, #tpu.memory_space<vmem>>)
          tpu.yield
        }) : () -> ()
        %scan3A_197 = arith.constant 0 : i32
        %scan3A_198 = arith.constant 0 : i32
        %scan3A_199 = arith.constant 80 : i32
        %scan3A_200 = arith.addi %scan3A_198, %scan3A_199 : i32
        %scan3A_201 = arith.constant 1 : i32
        scf.for %scan3A_204 = %scan3A_198 to %scan3A_200 step %scan3A_201  : i32 {
          %get3A = arith.index_cast %scan3A_204 : i32 to index
          %get3A_205 = arith.constant 0 : index
          %get3A_206 = tpu.vector_load %arg21[%get3A, %get3A_205] {strides = array<i32>} : memref<80x16xf32, #tpu.memory_space<vmem>>, vector<1x16xf32>,
          %get3A_207 = vector.shape_cast %get3A_206 : vector<1x16xf32> to vector<16xf32>
          %max3A = arith.constant 1.000000e+00 : f32
          %max3A_208 = vector.broadcast %max3A : f32 to vector<16xf32>
          %max3A_209 = arith.maximumf %get3A_207, %max3A_208 : vector<16xf32>
          %div3A = arith.constant 1.000000e+00 : f32
          %div3A_210 = vector.broadcast %div3A : f32 to vector<16xf32>
          %div3A_211 = arith.divf %div3A_210, %max3A_209 : vector<16xf32>
          %get3A_212 = arith.index_cast %scan3A_204 : i32 to index
          %get3A_213 = arith.constant 0 : index
          %get3A_214 = tpu.vector_load %arg20[%get3A_212, %get3A_213] {strides = array<i32>} : memref<80x64xf32, #tpu.memory_space<vmem>>, vector<1x16xf32>,
          %get3A_215 = vector.shape_cast %get3A_214 : vector<1x16xf32> to vector<16xf32>
          %mul3A_216 = arith.mulf %get3A_215, %div3A_211 : vector<16xf32>
          %get3A_217 = arith.constant 0 : index
          %get3A_218 = tpu.vector_load %arg22[%get3A_217] {strides = array<i32>} : memref<64xf32, #tpu.memory_space<vmem>>, vector<16xf32>,
          %get3A_219 = vector.shape_cast %get3A_218 : vector<16xf32> to vector<16xf32>
          %add3A_220 = arith.addf %mul3A_216, %get3A_219 : vector<16xf32>
          %gt3A = arith.constant 0.000000e+00 : f32
          %gt3A_221 = vector.broadcast %gt3A : f32 to vector<16xf32>
          %gt3A_222 = arith.cmpf ogt, %add3A_220, %gt3A_221 : vector<16xf32>
          %exp3A = math.exp %add3A_220 : vector<16xf32>
          %sub3A = arith.constant 1.000000e+00 : f32
          %sub3A_223 = vector.broadcast %sub3A : f32 to vector<16xf32>
          %sub3A_224 = arith.subf %exp3A, %sub3A_223 : vector<16xf32>
          %select_n3A = arith.select %gt3A_222, %add3A_220, %sub3A_224 : vector<16xi1>, vector<16xf32>
          %swap3A = arith.index_cast %scan3A_204 : i32 to index
          %swap3A_225 = arith.constant 0 : index
          %swap3A_226 = tpu.vector_load %arg20[%swap3A, %swap3A_225] {strides = array<i32>} : memref<80x64xf32, #tpu.memory_space<vmem>>, vector<1x16xf32>,
          %swap3A_227 = vector.shape_cast %swap3A_226 : vector<1x16xf32> to vector<16xf32>
          %swap3A_228 = vector.shape_cast %select_n3A : vector<16xf32> to vector<1x16xf32>
          tpu.vector_store %arg20[%swap3A, %swap3A_225], %swap3A_228 {strides = array<i32>} : memref<80x64xf32, #tpu.memory_space<vmem>>, vector<1x16xf32>,
          %get3A_229 = arith.index_cast %scan3A_204 : i32 to index
          %get3A_230 = arith.constant 16 : index
          %get3A_231 = tpu.vector_load %arg20[%get3A_229, %get3A_230] {strides = array<i32>} : memref<80x64xf32, #tpu.memory_space<vmem>>, vector<1x16xf32>,
          %get3A_232 = vector.shape_cast %get3A_231 : vector<1x16xf32> to vector<16xf32>
          %mul3A_233 = arith.mulf %get3A_232, %div3A_211 : vector<16xf32>
          %get3A_234 = arith.constant 16 : index
          %get3A_235 = tpu.vector_load %arg22[%get3A_234] {strides = array<i32>} : memref<64xf32, #tpu.memory_space<vmem>>, vector<16xf32>,
          %get3A_236 = vector.shape_cast %get3A_235 : vector<16xf32> to vector<16xf32>
          %add3A_237 = arith.addf %mul3A_233, %get3A_236 : vector<16xf32>
          %gt3A_238 = arith.constant 0.000000e+00 : f32
          %gt3A_239 = vector.broadcast %gt3A_238 : f32 to vector<16xf32>
          %gt3A_240 = arith.cmpf ogt, %add3A_237, %gt3A_239 : vector<16xf32>
          %exp3A_241 = math.exp %add3A_237 : vector<16xf32>
          %sub3A_242 = arith.constant 1.000000e+00 : f32
          %sub3A_243 = vector.broadcast %sub3A_242 : f32 to vector<16xf32>
          %sub3A_244 = arith.subf %exp3A_241, %sub3A_243 : vector<16xf32>
          %select_n3A_245 = arith.select %gt3A_240, %add3A_237, %sub3A_244 : vector<16xi1>, vector<16xf32>
          %swap3A_246 = arith.index_cast %scan3A_204 : i32 to index
          %swap3A_247 = arith.constant 16 : index
          %swap3A_248 = tpu.vector_load %arg20[%swap3A_246, %swap3A_247] {strides = array<i32>} : memref<80x64xf32, #tpu.memory_space<vmem>>, vector<1x16xf32>,
          %swap3A_249 = vector.shape_cast %swap3A_248 : vector<1x16xf32> to vector<16xf32>
          %swap3A_250 = vector.shape_cast %select_n3A_245 : vector<16xf32> to vector<1x16xf32>
          tpu.vector_store %arg20[%swap3A_246, %swap3A_247], %swap3A_250 {strides = array<i32>} : memref<80x64xf32, #tpu.memory_space<vmem>>, vector<1x16xf32>,
          %get3A_251 = arith.index_cast %scan3A_204 : i32 to index
          %get3A_252 = arith.constant 32 : index
          %get3A_253 = tpu.vector_load %arg20[%get3A_251, %get3A_252] {strides = array<i32>} : memref<80x64xf32, #tpu.memory_space<vmem>>, vector<1x16xf32>,
          %get3A_254 = vector.shape_cast %get3A_253 : vector<1x16xf32> to vector<16xf32>
          %mul3A_255 = arith.mulf %get3A_254, %div3A_211 : vector<16xf32>
          %get3A_256 = arith.constant 32 : index
          %get3A_257 = tpu.vector_load %arg22[%get3A_256] {strides = array<i32>} : memref<64xf32, #tpu.memory_space<vmem>>, vector<16xf32>,
          %get3A_258 = vector.shape_cast %get3A_257 : vector<16xf32> to vector<16xf32>
          %add3A_259 = arith.addf %mul3A_255, %get3A_258 : vector<16xf32>
          %gt3A_260 = arith.constant 0.000000e+00 : f32
          %gt3A_261 = vector.broadcast %gt3A_260 : f32 to vector<16xf32>
          %gt3A_262 = arith.cmpf ogt, %add3A_259, %gt3A_261 : vector<16xf32>
          %exp3A_263 = math.exp %add3A_259 : vector<16xf32>
          %sub3A_264 = arith.constant 1.000000e+00 : f32
          %sub3A_265 = vector.broadcast %sub3A_264 : f32 to vector<16xf32>
          %sub3A_266 = arith.subf %exp3A_263, %sub3A_265 : vector<16xf32>
          %select_n3A_267 = arith.select %gt3A_262, %add3A_259, %sub3A_266 : vector<16xi1>, vector<16xf32>
          %swap3A_268 = arith.index_cast %scan3A_204 : i32 to index
          %swap3A_269 = arith.constant 32 : index
          %swap3A_270 = tpu.vector_load %arg20[%swap3A_268, %swap3A_269] {strides = array<i32>} : memref<80x64xf32, #tpu.memory_space<vmem>>, vector<1x16xf32>,
          %swap3A_271 = vector.shape_cast %swap3A_270 : vector<1x16xf32> to vector<16xf32>
          %swap3A_272 = vector.shape_cast %select_n3A_267 : vector<16xf32> to vector<1x16xf32>
          tpu.vector_store %arg20[%swap3A_268, %swap3A_269], %swap3A_272 {strides = array<i32>} : memref<80x64xf32, #tpu.memory_space<vmem>>, vector<1x16xf32>,
          %get3A_273 = arith.index_cast %scan3A_204 : i32 to index
          %get3A_274 = arith.constant 48 : index
          %get3A_275 = tpu.vector_load %arg20[%get3A_273, %get3A_274] {strides = array<i32>} : memref<80x64xf32, #tpu.memory_space<vmem>>, vector<1x16xf32>,
          %get3A_276 = vector.shape_cast %get3A_275 : vector<1x16xf32> to vector<16xf32>
          %mul3A_277 = arith.mulf %get3A_276, %div3A_211 : vector<16xf32>
          %get3A_278 = arith.constant 48 : index
          %get3A_279 = tpu.vector_load %arg22[%get3A_278] {strides = array<i32>} : memref<64xf32, #tpu.memory_space<vmem>>, vector<16xf32>,
          %get3A_280 = vector.shape_cast %get3A_279 : vector<16xf32> to vector<16xf32>
          %add3A_281 = arith.addf %mul3A_277, %get3A_280 : vector<16xf32>
          %gt3A_282 = arith.constant 0.000000e+00 : f32
          %gt3A_283 = vector.broadcast %gt3A_282 : f32 to vector<16xf32>
          %gt3A_284 = arith.cmpf ogt, %add3A_281, %gt3A_283 : vector<16xf32>
          %exp3A_285 = math.exp %add3A_281 : vector<16xf32>
          %sub3A_286 = arith.constant 1.000000e+00 : f32
          %sub3A_287 = vector.broadcast %sub3A_286 : f32 to vector<16xf32>
          %sub3A_288 = arith.subf %exp3A_285, %sub3A_287 : vector<16xf32>
          %select_n3A_289 = arith.select %gt3A_284, %add3A_281, %sub3A_288 : vector<16xi1>, vector<16xf32>
          %swap3A_290 = arith.index_cast %scan3A_204 : i32 to index
          %swap3A_291 = arith.constant 48 : index
          %swap3A_292 = tpu.vector_load %arg20[%swap3A_290, %swap3A_291] {strides = array<i32>} : memref<80x64xf32, #tpu.memory_space<vmem>>, vector<1x16xf32>,
          %swap3A_293 = vector.shape_cast %swap3A_292 : vector<1x16xf32> to vector<16xf32>
          %swap3A_294 = vector.shape_cast %select_n3A_289 : vector<16xf32> to vector<1x16xf32>
          tpu.vector_store %arg20[%swap3A_290, %swap3A_291], %swap3A_294 {strides = array<i32>} : memref<80x64xf32, #tpu.memory_space<vmem>>, vector<1x16xf32>,
        }
        %scan3A_202 = arith.constant 80 : i32
        %add3A_203 = arith.addi %mul3A_183, %mul3A_196 : i32
        "tpu.region"() ({
          %run_scoped3A = tpu.sem_alloc : memref<!tpu.dma_semaphore, #tpu.memory_space<semaphore_mem>>
          %dma_start3A_204 = arith.constant 0 : i32
          %dma_start3A_205 = tpu.memref_slice %arg9[%add3A_203, %dma_start3A_204] : memref<20000x64xf32, #tpu.memory_space<hbm>> -> memref<80x64xf32, #tpu.memory_space<hbm>>
          %dma_start3A_206 = arith.constant 0 : i32
          %dma_start3A_207 = tpu.memref_slice %arg9[%add3A_203, %dma_start3A_206] : memref<20000x64xf32, #tpu.memory_space<hbm>> -> memref<80x64xf32, #tpu.memory_space<hbm>>
          tpu.enqueue_dma source(%arg20 : memref<80x64xf32, #tpu.memory_space<vmem>>) target(%dma_start3A_207 : memref<80x64xf32, #tpu.memory_space<hbm>>) target_semaphore(%run_scoped3A : memref<!tpu.dma_semaphore, #tpu.memory_space<semaphore_mem>>)
          %dma_wait3A = arith.constant 0 : i32
          %dma_wait3A_208 = tpu.memref_slice %arg9[%add3A_203, %dma_wait3A] : memref<20000x64xf32, #tpu.memory_space<hbm>> -> memref<80x64xf32, #tpu.memory_space<hbm>>
          %dma_wait3A_209 = arith.constant 0 : i32
          %dma_wait3A_210 = tpu.memref_slice %arg9[%add3A_203, %dma_wait3A_209] : memref<20000x64xf32, #tpu.memory_space<hbm>> -> memref<80x64xf32, #tpu.memory_space<hbm>>
          tpu.wait_dma2 semaphore(%run_scoped3A : memref<!tpu.dma_semaphore, #tpu.memory_space<semaphore_mem>>) src(%arg20 : memref<80x64xf32, #tpu.memory_space<vmem>>) dst(%dma_wait3A_210 : memref<80x64xf32, #tpu.memory_space<hbm>>)
          tpu.yield
        }) : () -> ()
      } else {
      }
    }
    %scan3A_189 = arith.constant 8 : i32
    return
  }
}

#map = affine_map<(d0, d1) -> (0, 0, 0)>
#map1 = affine_map<(d0, d1) -> (0, 0)>
module attributes {stable_mosaic.version = 14 : i64} {
  func.func @body(%arg0: i32, %arg1: i32, %arg2: memref<16x250x80xi32, #tpu.memory_space<hbm>>, %arg3: memref<16x250x80xi32, #tpu.memory_space<hbm>>, %arg4: memref<10240x16xf32, #tpu.memory_space<hbm>>, %arg5: memref<10240x16xf32, #tpu.memory_space<hbm>>, %arg6: memref<250x80xi32, #tpu.memory_space<vmem>>, %arg7: memref<80x16xf32, #tpu.memory_space<vmem>>, %arg8: memref<640x16xf32, #tpu.memory_space<vmem>>, %arg9: memref<10240x16xf32, #tpu.memory_space<vmem_shared>>, %arg10: memref<!tpu.dma_semaphore, #tpu.memory_space<semaphore_mem>>) attributes {dimension_semantics = [#tpu.dimension_semantics<core_parallel>, #tpu.dimension_semantics<subcore_parallel>], iteration_bounds = array<i64: 2, 16>, scalar_prefetch = 0 : i64, scratch_operands = 5 : i64, tpu.core_type = #tpu.core_type<sc_vector_subcore>, window_params = [{transform_indices = #map}, {transform_indices = #map}, {transform_indices = #map1}, {transform_indices = #map1}]} {
    %broadcast_in_dim3A = arith.constant 0.000000e+00 : f32
    %broadcast_in_dim3A_0 = vector.broadcast %broadcast_in_dim3A : f32 to vector<16xf32>
    %broadcast_in_dim3A_1 = arith.constant 1.000000e+00 : f32
    %broadcast_in_dim3A_2 = vector.broadcast %broadcast_in_dim3A_1 : f32 to vector<16xf32>
    %eq3A = arith.constant 0 : i32
    %eq3A_3 = arith.cmpi eq, %arg0, %eq3A : i32
    %convert_element_type3A = arith.extui %eq3A_3 : i1 to i32
    %cond3A = arith.constant 0 : i32
    %cond3A_4 = arith.cmpi ne, %convert_element_type3A, %cond3A : i32
    scf.if %cond3A_4 {
      "tpu.region"() ({
        %run_scoped3A = tpu.sem_alloc : memref<!tpu.dma_semaphore, #tpu.memory_space<semaphore_mem>>
        %dma_start3A = arith.constant 0 : i32
        %dma_start3A_47 = arith.constant 0 : i32
        %dma_start3A_48 = tpu.memref_slice %arg3[%arg1, %dma_start3A, %dma_start3A_47] : memref<16x250x80xi32, #tpu.memory_space<hbm>> -> memref<1x250x80xi32, #tpu.memory_space<hbm>>
        %dma_start3A_49 = tpu.memref_squeeze %dma_start3A_48 : memref<1x250x80xi32, #tpu.memory_space<hbm>> -> memref<250x80xi32, #tpu.memory_space<hbm>>
        %dma_start3A_50 = arith.constant 0 : i32
        %dma_start3A_51 = arith.constant 0 : i32
        %dma_start3A_52 = tpu.memref_slice %arg3[%arg1, %dma_start3A_50, %dma_start3A_51] : memref<16x250x80xi32, #tpu.memory_space<hbm>> -> memref<1x250x80xi32, #tpu.memory_space<hbm>>
        %dma_start3A_53 = tpu.memref_squeeze %dma_start3A_52 : memref<1x250x80xi32, #tpu.memory_space<hbm>> -> memref<250x80xi32, #tpu.memory_space<hbm>>
        tpu.enqueue_dma source(%dma_start3A_53 : memref<250x80xi32, #tpu.memory_space<hbm>>) target(%arg6 : memref<250x80xi32, #tpu.memory_space<vmem>>) target_semaphore(%run_scoped3A : memref<!tpu.dma_semaphore, #tpu.memory_space<semaphore_mem>>)
        %dma_wait3A = arith.constant 0 : i32
        %dma_wait3A_54 = arith.constant 0 : i32
        %dma_wait3A_55 = tpu.memref_slice %arg3[%arg1, %dma_wait3A, %dma_wait3A_54] : memref<16x250x80xi32, #tpu.memory_space<hbm>> -> memref<1x250x80xi32, #tpu.memory_space<hbm>>
        %dma_wait3A_56 = tpu.memref_squeeze %dma_wait3A_55 : memref<1x250x80xi32, #tpu.memory_space<hbm>> -> memref<250x80xi32, #tpu.memory_space<hbm>>
        %dma_wait3A_57 = arith.constant 0 : i32
        %dma_wait3A_58 = arith.constant 0 : i32
        %dma_wait3A_59 = tpu.memref_slice %arg3[%arg1, %dma_wait3A_57, %dma_wait3A_58] : memref<16x250x80xi32, #tpu.memory_space<hbm>> -> memref<1x250x80xi32, #tpu.memory_space<hbm>>
        %dma_wait3A_60 = tpu.memref_squeeze %dma_wait3A_59 : memref<1x250x80xi32, #tpu.memory_space<hbm>> -> memref<250x80xi32, #tpu.memory_space<hbm>>
        tpu.wait_dma2 semaphore(%run_scoped3A : memref<!tpu.dma_semaphore, #tpu.memory_space<semaphore_mem>>) src(%dma_wait3A_60 : memref<250x80xi32, #tpu.memory_space<hbm>>) dst(%arg6 : memref<250x80xi32, #tpu.memory_space<vmem>>)
        tpu.yield
      }) : () -> ()
    } else {
    }
    %eq3A_5 = arith.constant 1 : i32
    %eq3A_6 = arith.cmpi eq, %arg0, %eq3A_5 : i32
    %convert_element_type3A_7 = arith.extui %eq3A_6 : i1 to i32
    %cond3A_8 = arith.constant 0 : i32
    %cond3A_9 = arith.cmpi ne, %convert_element_type3A_7, %cond3A_8 : i32
    scf.if %cond3A_9 {
      "tpu.region"() ({
        %run_scoped3A = tpu.sem_alloc : memref<!tpu.dma_semaphore, #tpu.memory_space<semaphore_mem>>
        %dma_start3A = arith.constant 0 : i32
        %dma_start3A_47 = arith.constant 0 : i32
        %dma_start3A_48 = tpu.memref_slice %arg2[%arg1, %dma_start3A, %dma_start3A_47] : memref<16x250x80xi32, #tpu.memory_space<hbm>> -> memref<1x250x80xi32, #tpu.memory_space<hbm>>
        %dma_start3A_49 = tpu.memref_squeeze %dma_start3A_48 : memref<1x250x80xi32, #tpu.memory_space<hbm>> -> memref<250x80xi32, #tpu.memory_space<hbm>>
        %dma_start3A_50 = arith.constant 0 : i32
        %dma_start3A_51 = arith.constant 0 : i32
        %dma_start3A_52 = tpu.memref_slice %arg2[%arg1, %dma_start3A_50, %dma_start3A_51] : memref<16x250x80xi32, #tpu.memory_space<hbm>> -> memref<1x250x80xi32, #tpu.memory_space<hbm>>
        %dma_start3A_53 = tpu.memref_squeeze %dma_start3A_52 : memref<1x250x80xi32, #tpu.memory_space<hbm>> -> memref<250x80xi32, #tpu.memory_space<hbm>>
        tpu.enqueue_dma source(%dma_start3A_53 : memref<250x80xi32, #tpu.memory_space<hbm>>) target(%arg6 : memref<250x80xi32, #tpu.memory_space<vmem>>) target_semaphore(%run_scoped3A : memref<!tpu.dma_semaphore, #tpu.memory_space<semaphore_mem>>)
        %dma_wait3A = arith.constant 0 : i32
        %dma_wait3A_54 = arith.constant 0 : i32
        %dma_wait3A_55 = tpu.memref_slice %arg2[%arg1, %dma_wait3A, %dma_wait3A_54] : memref<16x250x80xi32, #tpu.memory_space<hbm>> -> memref<1x250x80xi32, #tpu.memory_space<hbm>>
        %dma_wait3A_56 = tpu.memref_squeeze %dma_wait3A_55 : memref<1x250x80xi32, #tpu.memory_space<hbm>> -> memref<250x80xi32, #tpu.memory_space<hbm>>
        %dma_wait3A_57 = arith.constant 0 : i32
        %dma_wait3A_58 = arith.constant 0 : i32
        %dma_wait3A_59 = tpu.memref_slice %arg2[%arg1, %dma_wait3A_57, %dma_wait3A_58] : memref<16x250x80xi32, #tpu.memory_space<hbm>> -> memref<1x250x80xi32, #tpu.memory_space<hbm>>
        %dma_wait3A_60 = tpu.memref_squeeze %dma_wait3A_59 : memref<1x250x80xi32, #tpu.memory_space<hbm>> -> memref<250x80xi32, #tpu.memory_space<hbm>>
        tpu.wait_dma2 semaphore(%run_scoped3A : memref<!tpu.dma_semaphore, #tpu.memory_space<semaphore_mem>>) src(%dma_wait3A_60 : memref<250x80xi32, #tpu.memory_space<hbm>>) dst(%arg6 : memref<250x80xi32, #tpu.memory_space<vmem>>)
        tpu.yield
      }) : () -> ()
    } else {
    }
    %scan3A = arith.constant 0 : i32
    %scan3A_10 = arith.constant 0 : i32
    %scan3A_11 = arith.constant 80 : i32
    %scan3A_12 = arith.addi %scan3A_10, %scan3A_11 : i32
    %scan3A_13 = arith.constant 1 : i32
    scf.for %scan3A_47 = %scan3A_10 to %scan3A_12 step %scan3A_13  : i32 {
      %swap3A = arith.index_cast %scan3A_47 : i32 to index
      %swap3A_48 = arith.constant 0 : index
      %swap3A_49 = tpu.vector_load %arg7[%swap3A, %swap3A_48] {strides = array<i32>} : memref<80x16xf32, #tpu.memory_space<vmem>>, vector<1x16xf32>,
      %swap3A_50 = vector.shape_cast %swap3A_49 : vector<1x16xf32> to vector<16xf32>
      %swap3A_51 = vector.shape_cast %broadcast_in_dim3A_2 : vector<16xf32> to vector<1x16xf32>
      tpu.vector_store %arg7[%swap3A, %swap3A_48], %swap3A_51 {strides = array<i32>} : memref<80x16xf32, #tpu.memory_space<vmem>>, vector<1x16xf32>,
    }
    %scan3A_14 = arith.constant 80 : i32
    %scan3A_15 = arith.constant 0 : i32
    %scan3A_16 = arith.constant 0 : i32
    %scan3A_17 = arith.constant 640 : i32
    %scan3A_18 = arith.addi %scan3A_16, %scan3A_17 : i32
    %scan3A_19 = arith.constant 1 : i32
    scf.for %scan3A_47 = %scan3A_16 to %scan3A_18 step %scan3A_19  : i32 {
      %swap3A = arith.index_cast %scan3A_47 : i32 to index
      %swap3A_48 = arith.constant 0 : index
      %swap3A_49 = tpu.vector_load %arg8[%swap3A, %swap3A_48] {strides = array<i32>} : memref<640x16xf32, #tpu.memory_space<vmem>>, vector<1x16xf32>,
      %swap3A_50 = vector.shape_cast %swap3A_49 : vector<1x16xf32> to vector<16xf32>
      %swap3A_51 = vector.shape_cast %broadcast_in_dim3A_0 : vector<16xf32> to vector<1x16xf32>
      tpu.vector_store %arg8[%swap3A, %swap3A_48], %swap3A_51 {strides = array<i32>} : memref<640x16xf32, #tpu.memory_space<vmem>>, vector<1x16xf32>,
    }
    %scan3A_20 = arith.constant 640 : i32
    %mul3A = arith.constant 640 : i32
    %mul3A_21 = arith.muli %arg1, %mul3A : i32
    "tpu.region"() ({
      %run_scoped3A = tpu.sem_alloc : memref<!tpu.dma_semaphore, #tpu.memory_space<semaphore_mem>>
      %dma_start3A = arith.constant 0 : i32
      %dma_start3A_47 = tpu.memref_slice %arg9[%mul3A_21, %dma_start3A] : memref<10240x16xf32, #tpu.memory_space<vmem_shared>> -> memref<640x16xf32, #tpu.memory_space<vmem_shared>>
      %dma_start3A_48 = arith.constant 0 : i32
      %dma_start3A_49 = tpu.memref_slice %arg9[%mul3A_21, %dma_start3A_48] : memref<10240x16xf32, #tpu.memory_space<vmem_shared>> -> memref<640x16xf32, #tpu.memory_space<vmem_shared>>
      tpu.enqueue_dma source(%arg8 : memref<640x16xf32, #tpu.memory_space<vmem>>) target(%dma_start3A_49 : memref<640x16xf32, #tpu.memory_space<vmem_shared>>) target_semaphore(%run_scoped3A : memref<!tpu.dma_semaphore, #tpu.memory_space<semaphore_mem>>)
      %dma_wait3A = arith.constant 0 : i32
      %dma_wait3A_50 = tpu.memref_slice %arg9[%mul3A_21, %dma_wait3A] : memref<10240x16xf32, #tpu.memory_space<vmem_shared>> -> memref<640x16xf32, #tpu.memory_space<vmem_shared>>
      %dma_wait3A_51 = arith.constant 0 : i32
      %dma_wait3A_52 = tpu.memref_slice %arg9[%mul3A_21, %dma_wait3A_51] : memref<10240x16xf32, #tpu.memory_space<vmem_shared>> -> memref<640x16xf32, #tpu.memory_space<vmem_shared>>
      tpu.wait_dma2 semaphore(%run_scoped3A : memref<!tpu.dma_semaphore, #tpu.memory_space<semaphore_mem>>) src(%arg8 : memref<640x16xf32, #tpu.memory_space<vmem>>) dst(%dma_wait3A_52 : memref<640x16xf32, #tpu.memory_space<vmem_shared>>)
      tpu.yield
    }) : () -> ()
    %barrier3A = arith.constant 0 : index
    tpu.barrier barrier_id(%barrier3A)
    %scan3A_22 = arith.constant 0 : i32
    %scan3A_23 = arith.constant 0 : i32
    %scan3A_24 = arith.constant 250 : i32
    %scan3A_25 = arith.addi %scan3A_23, %scan3A_24 : i32
    %scan3A_26 = arith.constant 1 : i32
    scf.for %scan3A_47 = %scan3A_23 to %scan3A_25 step %scan3A_26  : i32 {
      %dma_start3A = arith.constant 0 : i32
      %dma_start3A_48 = tpu.memref_slice %arg6[%scan3A_47, %dma_start3A] : memref<250x80xi32, #tpu.memory_space<vmem>> -> memref<1x80xi32, #tpu.memory_space<vmem>>
      %dma_start3A_49 = tpu.memref_squeeze %dma_start3A_48 : memref<1x80xi32, #tpu.memory_space<vmem>> -> memref<80xi32, #tpu.memory_space<vmem>>
      %dma_start3A_50 = arith.constant 0 : i32
      %dma_start3A_51 = arith.constant 0 : i32
      %dma_start3A_52 = tpu.memref_slice %arg9[%dma_start3A_50, %dma_start3A_51] : memref<10240x16xf32, #tpu.memory_space<vmem_shared>> -> memref<10240x16xf32, #tpu.memory_space<vmem_shared>>
      tpu.enqueue_indirect_dma source(%arg7 : memref<80x16xf32, #tpu.memory_space<vmem>>) target(%dma_start3A_52 : memref<10240x16xf32, #tpu.memory_space<vmem_shared>>) offsets(%dma_start3A_49 : memref<80xi32, #tpu.memory_space<vmem>>) semaphore(%arg10 : memref<!tpu.dma_semaphore, #tpu.memory_space<semaphore_mem>>) {add = true}
    }
    %scan3A_27 = arith.constant 250 : i32
    %scan3A_28 = arith.constant 0 : i32
    %scan3A_29 = arith.constant 0 : i32
    %scan3A_30 = arith.constant 250 : i32
    %scan3A_31 = arith.addi %scan3A_29, %scan3A_30 : i32
    %scan3A_32 = arith.constant 1 : i32
    scf.for %scan3A_47 = %scan3A_29 to %scan3A_31 step %scan3A_32  : i32 {
      %dma_wait3A = arith.constant 0 : i32
      %dma_wait3A_48 = arith.constant 0 : i32
      %dma_wait3A_49 = tpu.memref_slice %arg6[%dma_wait3A, %dma_wait3A_48] : memref<250x80xi32, #tpu.memory_space<vmem>> -> memref<1x80xi32, #tpu.memory_space<vmem>>
      %dma_wait3A_50 = tpu.memref_squeeze %dma_wait3A_49 : memref<1x80xi32, #tpu.memory_space<vmem>> -> memref<80xi32, #tpu.memory_space<vmem>>
      %dma_wait3A_51 = arith.constant 0 : i32
      %dma_wait3A_52 = arith.constant 0 : i32
      %dma_wait3A_53 = tpu.memref_slice %arg9[%dma_wait3A_51, %dma_wait3A_52] : memref<10240x16xf32, #tpu.memory_space<vmem_shared>> -> memref<10240x16xf32, #tpu.memory_space<vmem_shared>>
      tpu.wait_indirect_dma semaphore(%arg10 : memref<!tpu.dma_semaphore, #tpu.memory_space<semaphore_mem>>) src(%arg7 : memref<80x16xf32, #tpu.memory_space<vmem>>) dst(%dma_wait3A_53 : memref<10240x16xf32, #tpu.memory_space<vmem_shared>>)
    }
    %scan3A_33 = arith.constant 250 : i32
    %barrier3A_34 = arith.constant 0 : index
    tpu.barrier barrier_id(%barrier3A_34)
    %mul3A_35 = arith.constant 640 : i32
    %mul3A_36 = arith.muli %arg1, %mul3A_35 : i32
    "tpu.region"() ({
      %run_scoped3A = tpu.sem_alloc : memref<!tpu.dma_semaphore, #tpu.memory_space<semaphore_mem>>
      %dma_start3A = arith.constant 0 : i32
      %dma_start3A_47 = tpu.memref_slice %arg9[%mul3A_36, %dma_start3A] : memref<10240x16xf32, #tpu.memory_space<vmem_shared>> -> memref<640x16xf32, #tpu.memory_space<vmem_shared>>
      %dma_start3A_48 = arith.constant 0 : i32
      %dma_start3A_49 = tpu.memref_slice %arg9[%mul3A_36, %dma_start3A_48] : memref<10240x16xf32, #tpu.memory_space<vmem_shared>> -> memref<640x16xf32, #tpu.memory_space<vmem_shared>>
      tpu.enqueue_dma source(%dma_start3A_49 : memref<640x16xf32, #tpu.memory_space<vmem_shared>>) target(%arg8 : memref<640x16xf32, #tpu.memory_space<vmem>>) target_semaphore(%run_scoped3A : memref<!tpu.dma_semaphore, #tpu.memory_space<semaphore_mem>>)
      %dma_wait3A = arith.constant 0 : i32
      %dma_wait3A_50 = tpu.memref_slice %arg9[%mul3A_36, %dma_wait3A] : memref<10240x16xf32, #tpu.memory_space<vmem_shared>> -> memref<640x16xf32, #tpu.memory_space<vmem_shared>>
      %dma_wait3A_51 = arith.constant 0 : i32
      %dma_wait3A_52 = tpu.memref_slice %arg9[%mul3A_36, %dma_wait3A_51] : memref<10240x16xf32, #tpu.memory_space<vmem_shared>> -> memref<640x16xf32, #tpu.memory_space<vmem_shared>>
      tpu.wait_dma2 semaphore(%run_scoped3A : memref<!tpu.dma_semaphore, #tpu.memory_space<semaphore_mem>>) src(%dma_wait3A_52 : memref<640x16xf32, #tpu.memory_space<vmem_shared>>) dst(%arg8 : memref<640x16xf32, #tpu.memory_space<vmem>>)
      tpu.yield
    }) : () -> ()
    %eq3A_37 = arith.constant 0 : i32
    %eq3A_38 = arith.cmpi eq, %arg0, %eq3A_37 : i32
    %convert_element_type3A_39 = arith.extui %eq3A_38 : i1 to i32
    %cond3A_40 = arith.constant 0 : i32
    %cond3A_41 = arith.cmpi ne, %convert_element_type3A_39, %cond3A_40 : i32
    scf.if %cond3A_41 {
      %mul3A_47 = arith.constant 640 : i32
      %mul3A_48 = arith.muli %arg1, %mul3A_47 : i32
      "tpu.region"() ({
        %run_scoped3A = tpu.sem_alloc : memref<!tpu.dma_semaphore, #tpu.memory_space<semaphore_mem>>
        %dma_start3A = arith.constant 0 : i32
        %dma_start3A_49 = tpu.memref_slice %arg4[%mul3A_48, %dma_start3A] : memref<10240x16xf32, #tpu.memory_space<hbm>> -> memref<640x16xf32, #tpu.memory_space<hbm>>
        %dma_start3A_50 = arith.constant 0 : i32
        %dma_start3A_51 = tpu.memref_slice %arg4[%mul3A_48, %dma_start3A_50] : memref<10240x16xf32, #tpu.memory_space<hbm>> -> memref<640x16xf32, #tpu.memory_space<hbm>>
        tpu.enqueue_dma source(%arg8 : memref<640x16xf32, #tpu.memory_space<vmem>>) target(%dma_start3A_51 : memref<640x16xf32, #tpu.memory_space<hbm>>) target_semaphore(%run_scoped3A : memref<!tpu.dma_semaphore, #tpu.memory_space<semaphore_mem>>)
        %dma_wait3A = arith.constant 0 : i32
        %dma_wait3A_52 = tpu.memref_slice %arg4[%mul3A_48, %dma_wait3A] : memref<10240x16xf32, #tpu.memory_space<hbm>> -> memref<640x16xf32, #tpu.memory_space<hbm>>
        %dma_wait3A_53 = arith.constant 0 : i32
        %dma_wait3A_54 = tpu.memref_slice %arg4[%mul3A_48, %dma_wait3A_53] : memref<10240x16xf32, #tpu.memory_space<hbm>> -> memref<640x16xf32, #tpu.memory_space<hbm>>
        tpu.wait_dma2 semaphore(%run_scoped3A : memref<!tpu.dma_semaphore, #tpu.memory_space<semaphore_mem>>) src(%arg8 : memref<640x16xf32, #tpu.memory_space<vmem>>) dst(%dma_wait3A_54 : memref<640x16xf32, #tpu.memory_space<hbm>>)
        tpu.yield
      }) : () -> ()
    } else {
    }
    %eq3A_42 = arith.constant 1 : i32
    %eq3A_43 = arith.cmpi eq, %arg0, %eq3A_42 : i32
    %convert_element_type3A_44 = arith.extui %eq3A_43 : i1 to i32
    %cond3A_45 = arith.constant 0 : i32
    %cond3A_46 = arith.cmpi ne, %convert_element_type3A_44, %cond3A_45 : i32
    scf.if %cond3A_46 {
      %mul3A_47 = arith.constant 640 : i32
      %mul3A_48 = arith.muli %arg1, %mul3A_47 : i32
      "tpu.region"() ({
        %run_scoped3A = tpu.sem_alloc : memref<!tpu.dma_semaphore, #tpu.memory_space<semaphore_mem>>
        %dma_start3A = arith.constant 0 : i32
        %dma_start3A_49 = tpu.memref_slice %arg5[%mul3A_48, %dma_start3A] : memref<10240x16xf32, #tpu.memory_space<hbm>> -> memref<640x16xf32, #tpu.memory_space<hbm>>
        %dma_start3A_50 = arith.constant 0 : i32
        %dma_start3A_51 = tpu.memref_slice %arg5[%mul3A_48, %dma_start3A_50] : memref<10240x16xf32, #tpu.memory_space<hbm>> -> memref<640x16xf32, #tpu.memory_space<hbm>>
        tpu.enqueue_dma source(%arg8 : memref<640x16xf32, #tpu.memory_space<vmem>>) target(%dma_start3A_51 : memref<640x16xf32, #tpu.memory_space<hbm>>) target_semaphore(%run_scoped3A : memref<!tpu.dma_semaphore, #tpu.memory_space<semaphore_mem>>)
        %dma_wait3A = arith.constant 0 : i32
        %dma_wait3A_52 = tpu.memref_slice %arg5[%mul3A_48, %dma_wait3A] : memref<10240x16xf32, #tpu.memory_space<hbm>> -> memref<640x16xf32, #tpu.memory_space<hbm>>
        %dma_wait3A_53 = arith.constant 0 : i32
        %dma_wait3A_54 = tpu.memref_slice %arg5[%mul3A_48, %dma_wait3A_53] : memref<10240x16xf32, #tpu.memory_space<hbm>> -> memref<640x16xf32, #tpu.memory_space<hbm>>
        tpu.wait_dma2 semaphore(%run_scoped3A : memref<!tpu.dma_semaphore, #tpu.memory_space<semaphore_mem>>) src(%arg8 : memref<640x16xf32, #tpu.memory_space<vmem>>) dst(%dma_wait3A_54 : memref<640x16xf32, #tpu.memory_space<hbm>>)
        tpu.yield
      }) : () -> ()
    } else {
    }
    return
  }
}

#map = affine_map<(d0, d1) -> (0, 0)>
#map1 = affine_map<(d0, d1) -> (0, 0, 0)>
module attributes {stable_mosaic.version = 14 : i64} {
  func.func @body(%arg0: i32, %arg1: i32, %arg2: memref<20000x32xf32, #tpu.memory_space<hbm>>, %arg3: memref<16x250x80xi32, #tpu.memory_space<hbm>>, %arg4: memref<16x250x80xi32, #tpu.memory_space<hbm>>, %arg5: memref<10240x16xf32, #tpu.memory_space<hbm>>, %arg6: memref<10240x16xf32, #tpu.memory_space<hbm>>, %arg7: memref<2x32xf32, #tpu.memory_space<hbm>>, %arg8: memref<20000x32xf32, #tpu.memory_space<hbm>>, %arg9: memref<20000x32xf32, #tpu.memory_space<hbm>>, %arg10: memref<250x80xi32, #tpu.memory_space<vmem>>, %arg11: memref<250x80xi32, #tpu.memory_space<vmem>>, %arg12: memref<80x32xf32, #tpu.memory_space<vmem>>, %arg13: memref<80x32xf32, #tpu.memory_space<vmem>>, %arg14: memref<80x32xf32, #tpu.memory_space<vmem>>, %arg15: memref<80x32xf32, #tpu.memory_space<vmem>>, %arg16: memref<80x32xf32, #tpu.memory_space<vmem>>, %arg17: memref<80x32xf32, #tpu.memory_space<vmem>>, %arg18: memref<80x32xf32, #tpu.memory_space<vmem>>, %arg19: memref<80x32xf32, #tpu.memory_space<vmem>>, %arg20: memref<80x32xf32, #tpu.memory_space<vmem>>, %arg21: memref<80x16xf32, #tpu.memory_space<vmem>>, %arg22: memref<32xf32, #tpu.memory_space<vmem>>, %arg23: memref<10000x32xf32, #tpu.memory_space<vmem_shared>>, %arg24: memref<!tpu.dma_semaphore, #tpu.memory_space<semaphore_mem>>, %arg25: memref<!tpu.dma_semaphore, #tpu.memory_space<semaphore_mem>>, %arg26: memref<!tpu.dma_semaphore, #tpu.memory_space<semaphore_mem>>, %arg27: memref<!tpu.dma_semaphore, #tpu.memory_space<semaphore_mem>>, %arg28: memref<!tpu.dma_semaphore, #tpu.memory_space<semaphore_mem>>, %arg29: memref<!tpu.dma_semaphore, #tpu.memory_space<semaphore_mem>>, %arg30: memref<!tpu.dma_semaphore, #tpu.memory_space<semaphore_mem>>, %arg31: memref<!tpu.dma_semaphore, #tpu.memory_space<semaphore_mem>>) attributes {dimension_semantics = [#tpu.dimension_semantics<core_parallel>, #tpu.dimension_semantics<subcore_parallel>], iteration_bounds = array<i64: 2, 16>, scalar_prefetch = 0 : i64, scratch_operands = 22 : i64, tpu.core_type = #tpu.core_type<sc_vector_subcore>, window_params = [{transform_indices = #map}, {transform_indices = #map1}, {transform_indices = #map1}, {transform_indices = #map}, {transform_indices = #map}, {transform_indices = #map}, {transform_indices = #map}, {transform_indices = #map}]} {
    %broadcast_in_dim3A = arith.constant 0.000000e+00 : f32
    %broadcast_in_dim3A_0 = vector.broadcast %broadcast_in_dim3A : f32 to vector<16xf32>
    "tpu.region"() ({
      %run_scoped3A = tpu.sem_alloc : memref<!tpu.dma_semaphore, #tpu.memory_space<semaphore_mem>>
      %dma_start3A_190 = arith.constant 0 : i32
      %dma_start3A_191 = arith.constant 0 : i32
      %dma_start3A_192 = tpu.memref_slice %arg3[%arg1, %dma_start3A_190, %dma_start3A_191] : memref<16x250x80xi32, #tpu.memory_space<hbm>> -> memref<1x250x80xi32, #tpu.memory_space<hbm>>
      %dma_start3A_193 = tpu.memref_squeeze %dma_start3A_192 : memref<1x250x80xi32, #tpu.memory_space<hbm>> -> memref<250x80xi32, #tpu.memory_space<hbm>>
      %dma_start3A_194 = arith.constant 0 : i32
      %dma_start3A_195 = arith.constant 0 : i32
      %dma_start3A_196 = tpu.memref_slice %arg3[%arg1, %dma_start3A_194, %dma_start3A_195] : memref<16x250x80xi32, #tpu.memory_space<hbm>> -> memref<1x250x80xi32, #tpu.memory_space<hbm>>
      %dma_start3A_197 = tpu.memref_squeeze %dma_start3A_196 : memref<1x250x80xi32, #tpu.memory_space<hbm>> -> memref<250x80xi32, #tpu.memory_space<hbm>>
      tpu.enqueue_dma source(%dma_start3A_197 : memref<250x80xi32, #tpu.memory_space<hbm>>) target(%arg10 : memref<250x80xi32, #tpu.memory_space<vmem>>) target_semaphore(%run_scoped3A : memref<!tpu.dma_semaphore, #tpu.memory_space<semaphore_mem>>)
      %dma_wait3A = arith.constant 0 : i32
      %dma_wait3A_198 = arith.constant 0 : i32
      %dma_wait3A_199 = tpu.memref_slice %arg3[%arg1, %dma_wait3A, %dma_wait3A_198] : memref<16x250x80xi32, #tpu.memory_space<hbm>> -> memref<1x250x80xi32, #tpu.memory_space<hbm>>
      %dma_wait3A_200 = tpu.memref_squeeze %dma_wait3A_199 : memref<1x250x80xi32, #tpu.memory_space<hbm>> -> memref<250x80xi32, #tpu.memory_space<hbm>>
      %dma_wait3A_201 = arith.constant 0 : i32
      %dma_wait3A_202 = arith.constant 0 : i32
      %dma_wait3A_203 = tpu.memref_slice %arg3[%arg1, %dma_wait3A_201, %dma_wait3A_202] : memref<16x250x80xi32, #tpu.memory_space<hbm>> -> memref<1x250x80xi32, #tpu.memory_space<hbm>>
      %dma_wait3A_204 = tpu.memref_squeeze %dma_wait3A_203 : memref<1x250x80xi32, #tpu.memory_space<hbm>> -> memref<250x80xi32, #tpu.memory_space<hbm>>
      tpu.wait_dma2 semaphore(%run_scoped3A : memref<!tpu.dma_semaphore, #tpu.memory_space<semaphore_mem>>) src(%dma_wait3A_204 : memref<250x80xi32, #tpu.memory_space<hbm>>) dst(%arg10 : memref<250x80xi32, #tpu.memory_space<vmem>>)
      tpu.yield
    }) : () -> ()
    "tpu.region"() ({
      %run_scoped3A = tpu.sem_alloc : memref<!tpu.dma_semaphore, #tpu.memory_space<semaphore_mem>>
      %dma_start3A_190 = arith.constant 0 : i32
      %dma_start3A_191 = arith.constant 0 : i32
      %dma_start3A_192 = tpu.memref_slice %arg4[%arg1, %dma_start3A_190, %dma_start3A_191] : memref<16x250x80xi32, #tpu.memory_space<hbm>> -> memref<1x250x80xi32, #tpu.memory_space<hbm>>
      %dma_start3A_193 = tpu.memref_squeeze %dma_start3A_192 : memref<1x250x80xi32, #tpu.memory_space<hbm>> -> memref<250x80xi32, #tpu.memory_space<hbm>>
      %dma_start3A_194 = arith.constant 0 : i32
      %dma_start3A_195 = arith.constant 0 : i32
      %dma_start3A_196 = tpu.memref_slice %arg4[%arg1, %dma_start3A_194, %dma_start3A_195] : memref<16x250x80xi32, #tpu.memory_space<hbm>> -> memref<1x250x80xi32, #tpu.memory_space<hbm>>
      %dma_start3A_197 = tpu.memref_squeeze %dma_start3A_196 : memref<1x250x80xi32, #tpu.memory_space<hbm>> -> memref<250x80xi32, #tpu.memory_space<hbm>>
      tpu.enqueue_dma source(%dma_start3A_197 : memref<250x80xi32, #tpu.memory_space<hbm>>) target(%arg11 : memref<250x80xi32, #tpu.memory_space<vmem>>) target_semaphore(%run_scoped3A : memref<!tpu.dma_semaphore, #tpu.memory_space<semaphore_mem>>)
      %dma_wait3A = arith.constant 0 : i32
      %dma_wait3A_198 = arith.constant 0 : i32
      %dma_wait3A_199 = tpu.memref_slice %arg4[%arg1, %dma_wait3A, %dma_wait3A_198] : memref<16x250x80xi32, #tpu.memory_space<hbm>> -> memref<1x250x80xi32, #tpu.memory_space<hbm>>
      %dma_wait3A_200 = tpu.memref_squeeze %dma_wait3A_199 : memref<1x250x80xi32, #tpu.memory_space<hbm>> -> memref<250x80xi32, #tpu.memory_space<hbm>>
      %dma_wait3A_201 = arith.constant 0 : i32
      %dma_wait3A_202 = arith.constant 0 : i32
      %dma_wait3A_203 = tpu.memref_slice %arg4[%arg1, %dma_wait3A_201, %dma_wait3A_202] : memref<16x250x80xi32, #tpu.memory_space<hbm>> -> memref<1x250x80xi32, #tpu.memory_space<hbm>>
      %dma_wait3A_204 = tpu.memref_squeeze %dma_wait3A_203 : memref<1x250x80xi32, #tpu.memory_space<hbm>> -> memref<250x80xi32, #tpu.memory_space<hbm>>
      tpu.wait_dma2 semaphore(%run_scoped3A : memref<!tpu.dma_semaphore, #tpu.memory_space<semaphore_mem>>) src(%dma_wait3A_204 : memref<250x80xi32, #tpu.memory_space<hbm>>) dst(%arg11 : memref<250x80xi32, #tpu.memory_space<vmem>>)
      tpu.yield
    }) : () -> ()
    "tpu.region"() ({
      %run_scoped3A = tpu.sem_alloc : memref<!tpu.dma_semaphore, #tpu.memory_space<semaphore_mem>>
      %dma_start3A_190 = arith.constant 0 : i32
      %dma_start3A_191 = tpu.memref_slice %arg7[%arg0, %dma_start3A_190] : memref<2x32xf32, #tpu.memory_space<hbm>> -> memref<1x32xf32, #tpu.memory_space<hbm>>
      %dma_start3A_192 = tpu.memref_squeeze %dma_start3A_191 : memref<1x32xf32, #tpu.memory_space<hbm>> -> memref<32xf32, #tpu.memory_space<hbm>>
      %dma_start3A_193 = arith.constant 0 : i32
      %dma_start3A_194 = tpu.memref_slice %arg7[%arg0, %dma_start3A_193] : memref<2x32xf32, #tpu.memory_space<hbm>> -> memref<1x32xf32, #tpu.memory_space<hbm>>
      %dma_start3A_195 = tpu.memref_squeeze %dma_start3A_194 : memref<1x32xf32, #tpu.memory_space<hbm>> -> memref<32xf32, #tpu.memory_space<hbm>>
      tpu.enqueue_dma source(%dma_start3A_195 : memref<32xf32, #tpu.memory_space<hbm>>) target(%arg22 : memref<32xf32, #tpu.memory_space<vmem>>) target_semaphore(%run_scoped3A : memref<!tpu.dma_semaphore, #tpu.memory_space<semaphore_mem>>)
      %dma_wait3A = arith.constant 0 : i32
      %dma_wait3A_196 = tpu.memref_slice %arg7[%arg0, %dma_wait3A] : memref<2x32xf32, #tpu.memory_space<hbm>> -> memref<1x32xf32, #tpu.memory_space<hbm>>
      %dma_wait3A_197 = tpu.memref_squeeze %dma_wait3A_196 : memref<1x32xf32, #tpu.memory_space<hbm>> -> memref<32xf32, #tpu.memory_space<hbm>>
      %dma_wait3A_198 = arith.constant 0 : i32
      %dma_wait3A_199 = tpu.memref_slice %arg7[%arg0, %dma_wait3A_198] : memref<2x32xf32, #tpu.memory_space<hbm>> -> memref<1x32xf32, #tpu.memory_space<hbm>>
      %dma_wait3A_200 = tpu.memref_squeeze %dma_wait3A_199 : memref<1x32xf32, #tpu.memory_space<hbm>> -> memref<32xf32, #tpu.memory_space<hbm>>
      tpu.wait_dma2 semaphore(%run_scoped3A : memref<!tpu.dma_semaphore, #tpu.memory_space<semaphore_mem>>) src(%dma_wait3A_200 : memref<32xf32, #tpu.memory_space<hbm>>) dst(%arg22 : memref<32xf32, #tpu.memory_space<vmem>>)
      tpu.yield
    }) : () -> ()
    %mul3A = arith.constant 10000 : i32
    %mul3A_1 = arith.muli %arg0, %mul3A : i32
    %scan3A = arith.constant 0 : i32
    %scan3A_2 = arith.constant 0 : i32
    %scan3A_3 = arith.constant 250 : i32
    %scan3A_4 = arith.addi %scan3A_2, %scan3A_3 : i32
    %scan3A_5 = arith.constant 1 : i32
    scf.for %scan3A_190 = %scan3A_2 to %scan3A_4 step %scan3A_5  : i32 {
      %get3A = arith.index_cast %scan3A_190 : i32 to index
      %get3A_191 = arith.constant 0 : index
      %get3A_192 = tpu.vector_load %arg10[%get3A, %get3A_191] {strides = array<i32>} : memref<250x80xi32, #tpu.memory_space<vmem>>, vector<1x16xi32>,
      %get3A_193 = vector.shape_cast %get3A_192 : vector<1x16xi32> to vector<16xi32>
      %add3A = vector.broadcast %mul3A_1 : i32 to vector<16xi32>
      %add3A_194 = arith.addi %get3A_193, %add3A : vector<16xi32>
      %swap3A = arith.index_cast %scan3A_190 : i32 to index
      %swap3A_195 = arith.constant 0 : index
      %swap3A_196 = tpu.vector_load %arg10[%swap3A, %swap3A_195] {strides = array<i32>} : memref<250x80xi32, #tpu.memory_space<vmem>>, vector<1x16xi32>,
      %swap3A_197 = vector.shape_cast %swap3A_196 : vector<1x16xi32> to vector<16xi32>
      %swap3A_198 = vector.shape_cast %add3A_194 : vector<16xi32> to vector<1x16xi32>
      tpu.vector_store %arg10[%swap3A, %swap3A_195], %swap3A_198 {strides = array<i32>} : memref<250x80xi32, #tpu.memory_space<vmem>>, vector<1x16xi32>,
      %get3A_199 = arith.index_cast %scan3A_190 : i32 to index
      %get3A_200 = arith.constant 16 : index
      %get3A_201 = tpu.vector_load %arg10[%get3A_199, %get3A_200] {strides = array<i32>} : memref<250x80xi32, #tpu.memory_space<vmem>>, vector<1x16xi32>,
      %get3A_202 = vector.shape_cast %get3A_201 : vector<1x16xi32> to vector<16xi32>
      %add3A_203 = vector.broadcast %mul3A_1 : i32 to vector<16xi32>
      %add3A_204 = arith.addi %get3A_202, %add3A_203 : vector<16xi32>
      %swap3A_205 = arith.index_cast %scan3A_190 : i32 to index
      %swap3A_206 = arith.constant 16 : index
      %swap3A_207 = tpu.vector_load %arg10[%swap3A_205, %swap3A_206] {strides = array<i32>} : memref<250x80xi32, #tpu.memory_space<vmem>>, vector<1x16xi32>,
      %swap3A_208 = vector.shape_cast %swap3A_207 : vector<1x16xi32> to vector<16xi32>
      %swap3A_209 = vector.shape_cast %add3A_204 : vector<16xi32> to vector<1x16xi32>
      tpu.vector_store %arg10[%swap3A_205, %swap3A_206], %swap3A_209 {strides = array<i32>} : memref<250x80xi32, #tpu.memory_space<vmem>>, vector<1x16xi32>,
      %get3A_210 = arith.index_cast %scan3A_190 : i32 to index
      %get3A_211 = arith.constant 32 : index
      %get3A_212 = tpu.vector_load %arg10[%get3A_210, %get3A_211] {strides = array<i32>} : memref<250x80xi32, #tpu.memory_space<vmem>>, vector<1x16xi32>,
      %get3A_213 = vector.shape_cast %get3A_212 : vector<1x16xi32> to vector<16xi32>
      %add3A_214 = vector.broadcast %mul3A_1 : i32 to vector<16xi32>
      %add3A_215 = arith.addi %get3A_213, %add3A_214 : vector<16xi32>
      %swap3A_216 = arith.index_cast %scan3A_190 : i32 to index
      %swap3A_217 = arith.constant 32 : index
      %swap3A_218 = tpu.vector_load %arg10[%swap3A_216, %swap3A_217] {strides = array<i32>} : memref<250x80xi32, #tpu.memory_space<vmem>>, vector<1x16xi32>,
      %swap3A_219 = vector.shape_cast %swap3A_218 : vector<1x16xi32> to vector<16xi32>
      %swap3A_220 = vector.shape_cast %add3A_215 : vector<16xi32> to vector<1x16xi32>
      tpu.vector_store %arg10[%swap3A_216, %swap3A_217], %swap3A_220 {strides = array<i32>} : memref<250x80xi32, #tpu.memory_space<vmem>>, vector<1x16xi32>,
      %get3A_221 = arith.index_cast %scan3A_190 : i32 to index
      %get3A_222 = arith.constant 48 : index
      %get3A_223 = tpu.vector_load %arg10[%get3A_221, %get3A_222] {strides = array<i32>} : memref<250x80xi32, #tpu.memory_space<vmem>>, vector<1x16xi32>,
      %get3A_224 = vector.shape_cast %get3A_223 : vector<1x16xi32> to vector<16xi32>
      %add3A_225 = vector.broadcast %mul3A_1 : i32 to vector<16xi32>
      %add3A_226 = arith.addi %get3A_224, %add3A_225 : vector<16xi32>
      %swap3A_227 = arith.index_cast %scan3A_190 : i32 to index
      %swap3A_228 = arith.constant 48 : index
      %swap3A_229 = tpu.vector_load %arg10[%swap3A_227, %swap3A_228] {strides = array<i32>} : memref<250x80xi32, #tpu.memory_space<vmem>>, vector<1x16xi32>,
      %swap3A_230 = vector.shape_cast %swap3A_229 : vector<1x16xi32> to vector<16xi32>
      %swap3A_231 = vector.shape_cast %add3A_226 : vector<16xi32> to vector<1x16xi32>
      tpu.vector_store %arg10[%swap3A_227, %swap3A_228], %swap3A_231 {strides = array<i32>} : memref<250x80xi32, #tpu.memory_space<vmem>>, vector<1x16xi32>,
      %get3A_232 = arith.index_cast %scan3A_190 : i32 to index
      %get3A_233 = arith.constant 64 : index
      %get3A_234 = tpu.vector_load %arg10[%get3A_232, %get3A_233] {strides = array<i32>} : memref<250x80xi32, #tpu.memory_space<vmem>>, vector<1x16xi32>,
      %get3A_235 = vector.shape_cast %get3A_234 : vector<1x16xi32> to vector<16xi32>
      %add3A_236 = vector.broadcast %mul3A_1 : i32 to vector<16xi32>
      %add3A_237 = arith.addi %get3A_235, %add3A_236 : vector<16xi32>
      %swap3A_238 = arith.index_cast %scan3A_190 : i32 to index
      %swap3A_239 = arith.constant 64 : index
      %swap3A_240 = tpu.vector_load %arg10[%swap3A_238, %swap3A_239] {strides = array<i32>} : memref<250x80xi32, #tpu.memory_space<vmem>>, vector<1x16xi32>,
      %swap3A_241 = vector.shape_cast %swap3A_240 : vector<1x16xi32> to vector<16xi32>
      %swap3A_242 = vector.shape_cast %add3A_237 : vector<16xi32> to vector<1x16xi32>
      tpu.vector_store %arg10[%swap3A_238, %swap3A_239], %swap3A_242 {strides = array<i32>} : memref<250x80xi32, #tpu.memory_space<vmem>>, vector<1x16xi32>,
    }
    %scan3A_6 = arith.constant 250 : i32
    %scan3A_7 = arith.constant 0 : i32
    %scan3A_8 = arith.constant 0 : i32
    %scan3A_9 = arith.constant 80 : i32
    %scan3A_10 = arith.addi %scan3A_8, %scan3A_9 : i32
    %scan3A_11 = arith.constant 1 : i32
    scf.for %scan3A_190 = %scan3A_8 to %scan3A_10 step %scan3A_11  : i32 {
      %swap3A = arith.index_cast %scan3A_190 : i32 to index
      %swap3A_191 = arith.constant 0 : index
      %swap3A_192 = tpu.vector_load %arg20[%swap3A, %swap3A_191] {strides = array<i32>} : memref<80x32xf32, #tpu.memory_space<vmem>>, vector<1x16xf32>,
      %swap3A_193 = vector.shape_cast %swap3A_192 : vector<1x16xf32> to vector<16xf32>
      %swap3A_194 = vector.shape_cast %broadcast_in_dim3A_0 : vector<16xf32> to vector<1x16xf32>
      tpu.vector_store %arg20[%swap3A, %swap3A_191], %swap3A_194 {strides = array<i32>} : memref<80x32xf32, #tpu.memory_space<vmem>>, vector<1x16xf32>,
      %swap3A_195 = arith.index_cast %scan3A_190 : i32 to index
      %swap3A_196 = arith.constant 16 : index
      %swap3A_197 = tpu.vector_load %arg20[%swap3A_195, %swap3A_196] {strides = array<i32>} : memref<80x32xf32, #tpu.memory_space<vmem>>, vector<1x16xf32>,
      %swap3A_198 = vector.shape_cast %swap3A_197 : vector<1x16xf32> to vector<16xf32>
      %swap3A_199 = vector.shape_cast %broadcast_in_dim3A_0 : vector<16xf32> to vector<1x16xf32>
      tpu.vector_store %arg20[%swap3A_195, %swap3A_196], %swap3A_199 {strides = array<i32>} : memref<80x32xf32, #tpu.memory_space<vmem>>, vector<1x16xf32>,
    }
    %scan3A_12 = arith.constant 80 : i32
    %scan3A_13 = arith.constant 0 : i32
    %scan3A_14 = arith.constant 0 : i32
    %scan3A_15 = arith.constant 8 : i32
    %scan3A_16 = arith.addi %scan3A_14, %scan3A_15 : i32
    %scan3A_17 = arith.constant 1 : i32
    scf.for %scan3A_190 = %scan3A_14 to %scan3A_16 step %scan3A_17  : i32 {
      %mul3A_191 = arith.constant 16 : i32
      %mul3A_192 = arith.muli %scan3A_190, %mul3A_191 : i32
      %add3A = arith.addi %arg1, %mul3A_192 : i32
      %lt3A = arith.constant 125 : i32
      %lt3A_193 = arith.cmpi slt, %add3A, %lt3A : i32
      %convert_element_type3A = arith.extui %lt3A_193 : i1 to i32
      %cond3A = arith.constant 0 : i32
      %cond3A_194 = arith.cmpi ne, %convert_element_type3A, %cond3A : i32
      scf.if %cond3A_194 {
        %mul3A_195 = arith.constant 80 : i32
        %mul3A_196 = arith.muli %add3A, %mul3A_195 : i32
        "tpu.region"() ({
          %run_scoped3A = tpu.sem_alloc : memref<!tpu.dma_semaphore, #tpu.memory_space<semaphore_mem>>
          %dma_start3A_197 = arith.constant 0 : i32
          %dma_start3A_198 = tpu.memref_slice %arg23[%mul3A_196, %dma_start3A_197] : memref<10000x32xf32, #tpu.memory_space<vmem_shared>> -> memref<80x32xf32, #tpu.memory_space<vmem_shared>>
          %dma_start3A_199 = arith.constant 0 : i32
          %dma_start3A_200 = tpu.memref_slice %arg23[%mul3A_196, %dma_start3A_199] : memref<10000x32xf32, #tpu.memory_space<vmem_shared>> -> memref<80x32xf32, #tpu.memory_space<vmem_shared>>
          tpu.enqueue_dma source(%arg20 : memref<80x32xf32, #tpu.memory_space<vmem>>) target(%dma_start3A_200 : memref<80x32xf32, #tpu.memory_space<vmem_shared>>) target_semaphore(%run_scoped3A : memref<!tpu.dma_semaphore, #tpu.memory_space<semaphore_mem>>)
          %dma_wait3A = arith.constant 0 : i32
          %dma_wait3A_201 = tpu.memref_slice %arg23[%mul3A_196, %dma_wait3A] : memref<10000x32xf32, #tpu.memory_space<vmem_shared>> -> memref<80x32xf32, #tpu.memory_space<vmem_shared>>
          %dma_wait3A_202 = arith.constant 0 : i32
          %dma_wait3A_203 = tpu.memref_slice %arg23[%mul3A_196, %dma_wait3A_202] : memref<10000x32xf32, #tpu.memory_space<vmem_shared>> -> memref<80x32xf32, #tpu.memory_space<vmem_shared>>
          tpu.wait_dma2 semaphore(%run_scoped3A : memref<!tpu.dma_semaphore, #tpu.memory_space<semaphore_mem>>) src(%arg20 : memref<80x32xf32, #tpu.memory_space<vmem>>) dst(%dma_wait3A_203 : memref<80x32xf32, #tpu.memory_space<vmem_shared>>)
          tpu.yield
        }) : () -> ()
      } else {
      }
    }
    %scan3A_18 = arith.constant 8 : i32
    %barrier3A = arith.constant 0 : index
    tpu.barrier barrier_id(%barrier3A)
    %dma_start3A = arith.constant 0 : i32
    %dma_start3A_19 = arith.constant 0 : i32
    %dma_start3A_20 = tpu.memref_slice %arg10[%dma_start3A, %dma_start3A_19] : memref<250x80xi32, #tpu.memory_space<vmem>> -> memref<1x80xi32, #tpu.memory_space<vmem>>
    %dma_start3A_21 = tpu.memref_squeeze %dma_start3A_20 : memref<1x80xi32, #tpu.memory_space<vmem>> -> memref<80xi32, #tpu.memory_space<vmem>>
    %dma_start3A_22 = arith.constant 0 : i32
    %dma_start3A_23 = arith.constant 0 : i32
    %dma_start3A_24 = tpu.memref_slice %arg2[%dma_start3A_22, %dma_start3A_23] : memref<20000x32xf32, #tpu.memory_space<hbm>> -> memref<20000x32xf32, #tpu.memory_space<hbm>>
    tpu.enqueue_indirect_dma source(%dma_start3A_24 : memref<20000x32xf32, #tpu.memory_space<hbm>>) target(%arg12 : memref<80x32xf32, #tpu.memory_space<vmem>>) offsets(%dma_start3A_21 : memref<80xi32, #tpu.memory_space<vmem>>) semaphore(%arg24 : memref<!tpu.dma_semaphore, #tpu.memory_space<semaphore_mem>>)
    %dma_start3A_25 = arith.constant 1 : i32
    %dma_start3A_26 = arith.constant 0 : i32
    %dma_start3A_27 = tpu.memref_slice %arg10[%dma_start3A_25, %dma_start3A_26] : memref<250x80xi32, #tpu.memory_space<vmem>> -> memref<1x80xi32, #tpu.memory_space<vmem>>
    %dma_start3A_28 = tpu.memref_squeeze %dma_start3A_27 : memref<1x80xi32, #tpu.memory_space<vmem>> -> memref<80xi32, #tpu.memory_space<vmem>>
    %dma_start3A_29 = arith.constant 0 : i32
    %dma_start3A_30 = arith.constant 0 : i32
    %dma_start3A_31 = tpu.memref_slice %arg2[%dma_start3A_29, %dma_start3A_30] : memref<20000x32xf32, #tpu.memory_space<hbm>> -> memref<20000x32xf32, #tpu.memory_space<hbm>>
    tpu.enqueue_indirect_dma source(%dma_start3A_31 : memref<20000x32xf32, #tpu.memory_space<hbm>>) target(%arg13 : memref<80x32xf32, #tpu.memory_space<vmem>>) offsets(%dma_start3A_28 : memref<80xi32, #tpu.memory_space<vmem>>) semaphore(%arg25 : memref<!tpu.dma_semaphore, #tpu.memory_space<semaphore_mem>>)
    %dma_start3A_32 = arith.constant 2 : i32
    %dma_start3A_33 = arith.constant 0 : i32
    %dma_start3A_34 = tpu.memref_slice %arg10[%dma_start3A_32, %dma_start3A_33] : memref<250x80xi32, #tpu.memory_space<vmem>> -> memref<1x80xi32, #tpu.memory_space<vmem>>
    %dma_start3A_35 = tpu.memref_squeeze %dma_start3A_34 : memref<1x80xi32, #tpu.memory_space<vmem>> -> memref<80xi32, #tpu.memory_space<vmem>>
    %dma_start3A_36 = arith.constant 0 : i32
    %dma_start3A_37 = arith.constant 0 : i32
    %dma_start3A_38 = tpu.memref_slice %arg2[%dma_start3A_36, %dma_start3A_37] : memref<20000x32xf32, #tpu.memory_space<hbm>> -> memref<20000x32xf32, #tpu.memory_space<hbm>>
    tpu.enqueue_indirect_dma source(%dma_start3A_38 : memref<20000x32xf32, #tpu.memory_space<hbm>>) target(%arg14 : memref<80x32xf32, #tpu.memory_space<vmem>>) offsets(%dma_start3A_35 : memref<80xi32, #tpu.memory_space<vmem>>) semaphore(%arg26 : memref<!tpu.dma_semaphore, #tpu.memory_space<semaphore_mem>>)
    %dma_start3A_39 = arith.constant 3 : i32
    %dma_start3A_40 = arith.constant 0 : i32
    %dma_start3A_41 = tpu.memref_slice %arg10[%dma_start3A_39, %dma_start3A_40] : memref<250x80xi32, #tpu.memory_space<vmem>> -> memref<1x80xi32, #tpu.memory_space<vmem>>
    %dma_start3A_42 = tpu.memref_squeeze %dma_start3A_41 : memref<1x80xi32, #tpu.memory_space<vmem>> -> memref<80xi32, #tpu.memory_space<vmem>>
    %dma_start3A_43 = arith.constant 0 : i32
    %dma_start3A_44 = arith.constant 0 : i32
    %dma_start3A_45 = tpu.memref_slice %arg2[%dma_start3A_43, %dma_start3A_44] : memref<20000x32xf32, #tpu.memory_space<hbm>> -> memref<20000x32xf32, #tpu.memory_space<hbm>>
    tpu.enqueue_indirect_dma source(%dma_start3A_45 : memref<20000x32xf32, #tpu.memory_space<hbm>>) target(%arg15 : memref<80x32xf32, #tpu.memory_space<vmem>>) offsets(%dma_start3A_42 : memref<80xi32, #tpu.memory_space<vmem>>) semaphore(%arg27 : memref<!tpu.dma_semaphore, #tpu.memory_space<semaphore_mem>>)
    %dma_start3A_46 = arith.constant 4 : i32
    %dma_start3A_47 = arith.constant 0 : i32
    %dma_start3A_48 = tpu.memref_slice %arg10[%dma_start3A_46, %dma_start3A_47] : memref<250x80xi32, #tpu.memory_space<vmem>> -> memref<1x80xi32, #tpu.memory_space<vmem>>
    %dma_start3A_49 = tpu.memref_squeeze %dma_start3A_48 : memref<1x80xi32, #tpu.memory_space<vmem>> -> memref<80xi32, #tpu.memory_space<vmem>>
    %dma_start3A_50 = arith.constant 0 : i32
    %dma_start3A_51 = arith.constant 0 : i32
    %dma_start3A_52 = tpu.memref_slice %arg2[%dma_start3A_50, %dma_start3A_51] : memref<20000x32xf32, #tpu.memory_space<hbm>> -> memref<20000x32xf32, #tpu.memory_space<hbm>>
    tpu.enqueue_indirect_dma source(%dma_start3A_52 : memref<20000x32xf32, #tpu.memory_space<hbm>>) target(%arg16 : memref<80x32xf32, #tpu.memory_space<vmem>>) offsets(%dma_start3A_49 : memref<80xi32, #tpu.memory_space<vmem>>) semaphore(%arg28 : memref<!tpu.dma_semaphore, #tpu.memory_space<semaphore_mem>>)
    %dma_start3A_53 = arith.constant 5 : i32
    %dma_start3A_54 = arith.constant 0 : i32
    %dma_start3A_55 = tpu.memref_slice %arg10[%dma_start3A_53, %dma_start3A_54] : memref<250x80xi32, #tpu.memory_space<vmem>> -> memref<1x80xi32, #tpu.memory_space<vmem>>
    %dma_start3A_56 = tpu.memref_squeeze %dma_start3A_55 : memref<1x80xi32, #tpu.memory_space<vmem>> -> memref<80xi32, #tpu.memory_space<vmem>>
    %dma_start3A_57 = arith.constant 0 : i32
    %dma_start3A_58 = arith.constant 0 : i32
    %dma_start3A_59 = tpu.memref_slice %arg2[%dma_start3A_57, %dma_start3A_58] : memref<20000x32xf32, #tpu.memory_space<hbm>> -> memref<20000x32xf32, #tpu.memory_space<hbm>>
    tpu.enqueue_indirect_dma source(%dma_start3A_59 : memref<20000x32xf32, #tpu.memory_space<hbm>>) target(%arg17 : memref<80x32xf32, #tpu.memory_space<vmem>>) offsets(%dma_start3A_56 : memref<80xi32, #tpu.memory_space<vmem>>) semaphore(%arg29 : memref<!tpu.dma_semaphore, #tpu.memory_space<semaphore_mem>>)
    %dma_start3A_60 = arith.constant 6 : i32
    %dma_start3A_61 = arith.constant 0 : i32
    %dma_start3A_62 = tpu.memref_slice %arg10[%dma_start3A_60, %dma_start3A_61] : memref<250x80xi32, #tpu.memory_space<vmem>> -> memref<1x80xi32, #tpu.memory_space<vmem>>
    %dma_start3A_63 = tpu.memref_squeeze %dma_start3A_62 : memref<1x80xi32, #tpu.memory_space<vmem>> -> memref<80xi32, #tpu.memory_space<vmem>>
    %dma_start3A_64 = arith.constant 0 : i32
    %dma_start3A_65 = arith.constant 0 : i32
    %dma_start3A_66 = tpu.memref_slice %arg2[%dma_start3A_64, %dma_start3A_65] : memref<20000x32xf32, #tpu.memory_space<hbm>> -> memref<20000x32xf32, #tpu.memory_space<hbm>>
    tpu.enqueue_indirect_dma source(%dma_start3A_66 : memref<20000x32xf32, #tpu.memory_space<hbm>>) target(%arg18 : memref<80x32xf32, #tpu.memory_space<vmem>>) offsets(%dma_start3A_63 : memref<80xi32, #tpu.memory_space<vmem>>) semaphore(%arg30 : memref<!tpu.dma_semaphore, #tpu.memory_space<semaphore_mem>>)
    %dma_start3A_67 = arith.constant 7 : i32
    %dma_start3A_68 = arith.constant 0 : i32
    %dma_start3A_69 = tpu.memref_slice %arg10[%dma_start3A_67, %dma_start3A_68] : memref<250x80xi32, #tpu.memory_space<vmem>> -> memref<1x80xi32, #tpu.memory_space<vmem>>
    %dma_start3A_70 = tpu.memref_squeeze %dma_start3A_69 : memref<1x80xi32, #tpu.memory_space<vmem>> -> memref<80xi32, #tpu.memory_space<vmem>>
    %dma_start3A_71 = arith.constant 0 : i32
    %dma_start3A_72 = arith.constant 0 : i32
    %dma_start3A_73 = tpu.memref_slice %arg2[%dma_start3A_71, %dma_start3A_72] : memref<20000x32xf32, #tpu.memory_space<hbm>> -> memref<20000x32xf32, #tpu.memory_space<hbm>>
    tpu.enqueue_indirect_dma source(%dma_start3A_73 : memref<20000x32xf32, #tpu.memory_space<hbm>>) target(%arg19 : memref<80x32xf32, #tpu.memory_space<vmem>>) offsets(%dma_start3A_70 : memref<80xi32, #tpu.memory_space<vmem>>) semaphore(%arg31 : memref<!tpu.dma_semaphore, #tpu.memory_space<semaphore_mem>>)
    %scan3A_74 = arith.constant 0 : i32
    %scan3A_75 = arith.constant 0 : i32
    %scan3A_76 = arith.constant 32 : i32
    %scan3A_77 = arith.addi %scan3A_75, %scan3A_76 : i32
    %scan3A_78 = arith.constant 1 : i32
    scf.for %scan3A_190 = %scan3A_75 to %scan3A_77 step %scan3A_78  : i32 {
      %mul3A_191 = arith.constant 8 : i32
      %mul3A_192 = arith.muli %scan3A_190, %mul3A_191 : i32
      %add3A = arith.constant 0 : i32
      %add3A_193 = arith.addi %mul3A_192, %add3A : i32
      %lt3A = arith.constant 250 : i32
      %lt3A_194 = arith.cmpi slt, %add3A_193, %lt3A : i32
      %convert_element_type3A = arith.extui %lt3A_194 : i1 to i32
      %cond3A = arith.constant 0 : i32
      %cond3A_195 = arith.cmpi ne, %convert_element_type3A, %cond3A : i32
      scf.if %cond3A_195 {
        %dma_wait3A = arith.constant 0 : i32
        %dma_wait3A_259 = tpu.memref_slice %arg10[%add3A_193, %dma_wait3A] : memref<250x80xi32, #tpu.memory_space<vmem>> -> memref<1x80xi32, #tpu.memory_space<vmem>>
        %dma_wait3A_260 = tpu.memref_squeeze %dma_wait3A_259 : memref<1x80xi32, #tpu.memory_space<vmem>> -> memref<80xi32, #tpu.memory_space<vmem>>
        %dma_wait3A_261 = arith.constant 0 : i32
        %dma_wait3A_262 = arith.constant 0 : i32
        %dma_wait3A_263 = tpu.memref_slice %arg2[%dma_wait3A_261, %dma_wait3A_262] : memref<20000x32xf32, #tpu.memory_space<hbm>> -> memref<20000x32xf32, #tpu.memory_space<hbm>>
        tpu.wait_indirect_dma semaphore(%arg24 : memref<!tpu.dma_semaphore, #tpu.memory_space<semaphore_mem>>) src(%dma_wait3A_263 : memref<20000x32xf32, #tpu.memory_space<hbm>>) dst(%arg12 : memref<80x32xf32, #tpu.memory_space<vmem>>)
        "tpu.region"() ({
          %run_scoped3A = tpu.sem_alloc : memref<!tpu.dma_semaphore, #tpu.memory_space<semaphore_mem>>
          %dma_start3A_271 = arith.constant 0 : i32
          %dma_start3A_272 = tpu.memref_slice %arg11[%add3A_193, %dma_start3A_271] : memref<250x80xi32, #tpu.memory_space<vmem>> -> memref<1x80xi32, #tpu.memory_space<vmem>>
          %dma_start3A_273 = tpu.memref_squeeze %dma_start3A_272 : memref<1x80xi32, #tpu.memory_space<vmem>> -> memref<80xi32, #tpu.memory_space<vmem>>
          %dma_start3A_274 = arith.constant 0 : i32
          %dma_start3A_275 = arith.constant 0 : i32
          %dma_start3A_276 = tpu.memref_slice %arg23[%dma_start3A_274, %dma_start3A_275] : memref<10000x32xf32, #tpu.memory_space<vmem_shared>> -> memref<10000x32xf32, #tpu.memory_space<vmem_shared>>
          tpu.enqueue_indirect_dma source(%arg12 : memref<80x32xf32, #tpu.memory_space<vmem>>) target(%dma_start3A_276 : memref<10000x32xf32, #tpu.memory_space<vmem_shared>>) offsets(%dma_start3A_273 : memref<80xi32, #tpu.memory_space<vmem>>) semaphore(%run_scoped3A : memref<!tpu.dma_semaphore, #tpu.memory_space<semaphore_mem>>) {add = true}
          %dma_wait3A_277 = arith.constant 0 : i32
          %dma_wait3A_278 = tpu.memref_slice %arg11[%add3A_193, %dma_wait3A_277] : memref<250x80xi32, #tpu.memory_space<vmem>> -> memref<1x80xi32, #tpu.memory_space<vmem>>
          %dma_wait3A_279 = tpu.memref_squeeze %dma_wait3A_278 : memref<1x80xi32, #tpu.memory_space<vmem>> -> memref<80xi32, #tpu.memory_space<vmem>>
          %dma_wait3A_280 = arith.constant 0 : i32
          %dma_wait3A_281 = arith.constant 0 : i32
          %dma_wait3A_282 = tpu.memref_slice %arg23[%dma_wait3A_280, %dma_wait3A_281] : memref<10000x32xf32, #tpu.memory_space<vmem_shared>> -> memref<10000x32xf32, #tpu.memory_space<vmem_shared>>
          tpu.wait_indirect_dma semaphore(%run_scoped3A : memref<!tpu.dma_semaphore, #tpu.memory_space<semaphore_mem>>) src(%arg12 : memref<80x32xf32, #tpu.memory_space<vmem>>) dst(%dma_wait3A_282 : memref<10000x32xf32, #tpu.memory_space<vmem_shared>>)
          tpu.yield
        }) : () -> ()
        %add3A_264 = arith.constant 8 : i32
        %add3A_265 = arith.addi %add3A_193, %add3A_264 : i32
        %lt3A_266 = arith.constant 250 : i32
        %lt3A_267 = arith.cmpi slt, %add3A_265, %lt3A_266 : i32
        %convert_element_type3A_268 = arith.extui %lt3A_267 : i1 to i32
        %cond3A_269 = arith.constant 0 : i32
        %cond3A_270 = arith.cmpi ne, %convert_element_type3A_268, %cond3A_269 : i32
        scf.if %cond3A_270 {
          %add3A_271 = arith.constant 8 : i32
          %add3A_272 = arith.addi %add3A_193, %add3A_271 : i32
          %dma_start3A_273 = arith.constant 0 : i32
          %dma_start3A_274 = tpu.memref_slice %arg10[%add3A_272, %dma_start3A_273] : memref<250x80xi32, #tpu.memory_space<vmem>> -> memref<1x80xi32, #tpu.memory_space<vmem>>
          %dma_start3A_275 = tpu.memref_squeeze %dma_start3A_274 : memref<1x80xi32, #tpu.memory_space<vmem>> -> memref<80xi32, #tpu.memory_space<vmem>>
          %dma_start3A_276 = arith.constant 0 : i32
          %dma_start3A_277 = arith.constant 0 : i32
          %dma_start3A_278 = tpu.memref_slice %arg2[%dma_start3A_276, %dma_start3A_277] : memref<20000x32xf32, #tpu.memory_space<hbm>> -> memref<20000x32xf32, #tpu.memory_space<hbm>>
          tpu.enqueue_indirect_dma source(%dma_start3A_278 : memref<20000x32xf32, #tpu.memory_space<hbm>>) target(%arg12 : memref<80x32xf32, #tpu.memory_space<vmem>>) offsets(%dma_start3A_275 : memref<80xi32, #tpu.memory_space<vmem>>) semaphore(%arg24 : memref<!tpu.dma_semaphore, #tpu.memory_space<semaphore_mem>>)
        } else {
        }
      } else {
      }
      %mul3A_196 = arith.constant 8 : i32
      %mul3A_197 = arith.muli %scan3A_190, %mul3A_196 : i32
      %add3A_198 = arith.constant 1 : i32
      %add3A_199 = arith.addi %mul3A_197, %add3A_198 : i32
      %lt3A_200 = arith.constant 250 : i32
      %lt3A_201 = arith.cmpi slt, %add3A_199, %lt3A_200 : i32
      %convert_element_type3A_202 = arith.extui %lt3A_201 : i1 to i32
      %cond3A_203 = arith.constant 0 : i32
      %cond3A_204 = arith.cmpi ne, %convert_element_type3A_202, %cond3A_203 : i32
      scf.if %cond3A_204 {
        %dma_wait3A = arith.constant 0 : i32
        %dma_wait3A_259 = tpu.memref_slice %arg10[%add3A_199, %dma_wait3A] : memref<250x80xi32, #tpu.memory_space<vmem>> -> memref<1x80xi32, #tpu.memory_space<vmem>>
        %dma_wait3A_260 = tpu.memref_squeeze %dma_wait3A_259 : memref<1x80xi32, #tpu.memory_space<vmem>> -> memref<80xi32, #tpu.memory_space<vmem>>
        %dma_wait3A_261 = arith.constant 0 : i32
        %dma_wait3A_262 = arith.constant 0 : i32
        %dma_wait3A_263 = tpu.memref_slice %arg2[%dma_wait3A_261, %dma_wait3A_262] : memref<20000x32xf32, #tpu.memory_space<hbm>> -> memref<20000x32xf32, #tpu.memory_space<hbm>>
        tpu.wait_indirect_dma semaphore(%arg25 : memref<!tpu.dma_semaphore, #tpu.memory_space<semaphore_mem>>) src(%dma_wait3A_263 : memref<20000x32xf32, #tpu.memory_space<hbm>>) dst(%arg13 : memref<80x32xf32, #tpu.memory_space<vmem>>)
        "tpu.region"() ({
          %run_scoped3A = tpu.sem_alloc : memref<!tpu.dma_semaphore, #tpu.memory_space<semaphore_mem>>
          %dma_start3A_271 = arith.constant 0 : i32
          %dma_start3A_272 = tpu.memref_slice %arg11[%add3A_199, %dma_start3A_271] : memref<250x80xi32, #tpu.memory_space<vmem>> -> memref<1x80xi32, #tpu.memory_space<vmem>>
          %dma_start3A_273 = tpu.memref_squeeze %dma_start3A_272 : memref<1x80xi32, #tpu.memory_space<vmem>> -> memref<80xi32, #tpu.memory_space<vmem>>
          %dma_start3A_274 = arith.constant 0 : i32
          %dma_start3A_275 = arith.constant 0 : i32
          %dma_start3A_276 = tpu.memref_slice %arg23[%dma_start3A_274, %dma_start3A_275] : memref<10000x32xf32, #tpu.memory_space<vmem_shared>> -> memref<10000x32xf32, #tpu.memory_space<vmem_shared>>
          tpu.enqueue_indirect_dma source(%arg13 : memref<80x32xf32, #tpu.memory_space<vmem>>) target(%dma_start3A_276 : memref<10000x32xf32, #tpu.memory_space<vmem_shared>>) offsets(%dma_start3A_273 : memref<80xi32, #tpu.memory_space<vmem>>) semaphore(%run_scoped3A : memref<!tpu.dma_semaphore, #tpu.memory_space<semaphore_mem>>) {add = true}
          %dma_wait3A_277 = arith.constant 0 : i32
          %dma_wait3A_278 = tpu.memref_slice %arg11[%add3A_199, %dma_wait3A_277] : memref<250x80xi32, #tpu.memory_space<vmem>> -> memref<1x80xi32, #tpu.memory_space<vmem>>
          %dma_wait3A_279 = tpu.memref_squeeze %dma_wait3A_278 : memref<1x80xi32, #tpu.memory_space<vmem>> -> memref<80xi32, #tpu.memory_space<vmem>>
          %dma_wait3A_280 = arith.constant 0 : i32
          %dma_wait3A_281 = arith.constant 0 : i32
          %dma_wait3A_282 = tpu.memref_slice %arg23[%dma_wait3A_280, %dma_wait3A_281] : memref<10000x32xf32, #tpu.memory_space<vmem_shared>> -> memref<10000x32xf32, #tpu.memory_space<vmem_shared>>
          tpu.wait_indirect_dma semaphore(%run_scoped3A : memref<!tpu.dma_semaphore, #tpu.memory_space<semaphore_mem>>) src(%arg13 : memref<80x32xf32, #tpu.memory_space<vmem>>) dst(%dma_wait3A_282 : memref<10000x32xf32, #tpu.memory_space<vmem_shared>>)
          tpu.yield
        }) : () -> ()
        %add3A_264 = arith.constant 8 : i32
        %add3A_265 = arith.addi %add3A_199, %add3A_264 : i32
        %lt3A_266 = arith.constant 250 : i32
        %lt3A_267 = arith.cmpi slt, %add3A_265, %lt3A_266 : i32
        %convert_element_type3A_268 = arith.extui %lt3A_267 : i1 to i32
        %cond3A_269 = arith.constant 0 : i32
        %cond3A_270 = arith.cmpi ne, %convert_element_type3A_268, %cond3A_269 : i32
        scf.if %cond3A_270 {
          %add3A_271 = arith.constant 8 : i32
          %add3A_272 = arith.addi %add3A_199, %add3A_271 : i32
          %dma_start3A_273 = arith.constant 0 : i32
          %dma_start3A_274 = tpu.memref_slice %arg10[%add3A_272, %dma_start3A_273] : memref<250x80xi32, #tpu.memory_space<vmem>> -> memref<1x80xi32, #tpu.memory_space<vmem>>
          %dma_start3A_275 = tpu.memref_squeeze %dma_start3A_274 : memref<1x80xi32, #tpu.memory_space<vmem>> -> memref<80xi32, #tpu.memory_space<vmem>>
          %dma_start3A_276 = arith.constant 0 : i32
          %dma_start3A_277 = arith.constant 0 : i32
          %dma_start3A_278 = tpu.memref_slice %arg2[%dma_start3A_276, %dma_start3A_277] : memref<20000x32xf32, #tpu.memory_space<hbm>> -> memref<20000x32xf32, #tpu.memory_space<hbm>>
          tpu.enqueue_indirect_dma source(%dma_start3A_278 : memref<20000x32xf32, #tpu.memory_space<hbm>>) target(%arg13 : memref<80x32xf32, #tpu.memory_space<vmem>>) offsets(%dma_start3A_275 : memref<80xi32, #tpu.memory_space<vmem>>) semaphore(%arg25 : memref<!tpu.dma_semaphore, #tpu.memory_space<semaphore_mem>>)
        } else {
        }
      } else {
      }
      %mul3A_205 = arith.constant 8 : i32
      %mul3A_206 = arith.muli %scan3A_190, %mul3A_205 : i32
      %add3A_207 = arith.constant 2 : i32
      %add3A_208 = arith.addi %mul3A_206, %add3A_207 : i32
      %lt3A_209 = arith.constant 250 : i32
      %lt3A_210 = arith.cmpi slt, %add3A_208, %lt3A_209 : i32
      %convert_element_type3A_211 = arith.extui %lt3A_210 : i1 to i32
      %cond3A_212 = arith.constant 0 : i32
      %cond3A_213 = arith.cmpi ne, %convert_element_type3A_211, %cond3A_212 : i32
      scf.if %cond3A_213 {
        %dma_wait3A = arith.constant 0 : i32
        %dma_wait3A_259 = tpu.memref_slice %arg10[%add3A_208, %dma_wait3A] : memref<250x80xi32, #tpu.memory_space<vmem>> -> memref<1x80xi32, #tpu.memory_space<vmem>>
        %dma_wait3A_260 = tpu.memref_squeeze %dma_wait3A_259 : memref<1x80xi32, #tpu.memory_space<vmem>> -> memref<80xi32, #tpu.memory_space<vmem>>
        %dma_wait3A_261 = arith.constant 0 : i32
        %dma_wait3A_262 = arith.constant 0 : i32
        %dma_wait3A_263 = tpu.memref_slice %arg2[%dma_wait3A_261, %dma_wait3A_262] : memref<20000x32xf32, #tpu.memory_space<hbm>> -> memref<20000x32xf32, #tpu.memory_space<hbm>>
        tpu.wait_indirect_dma semaphore(%arg26 : memref<!tpu.dma_semaphore, #tpu.memory_space<semaphore_mem>>) src(%dma_wait3A_263 : memref<20000x32xf32, #tpu.memory_space<hbm>>) dst(%arg14 : memref<80x32xf32, #tpu.memory_space<vmem>>)
        "tpu.region"() ({
          %run_scoped3A = tpu.sem_alloc : memref<!tpu.dma_semaphore, #tpu.memory_space<semaphore_mem>>
          %dma_start3A_271 = arith.constant 0 : i32
          %dma_start3A_272 = tpu.memref_slice %arg11[%add3A_208, %dma_start3A_271] : memref<250x80xi32, #tpu.memory_space<vmem>> -> memref<1x80xi32, #tpu.memory_space<vmem>>
          %dma_start3A_273 = tpu.memref_squeeze %dma_start3A_272 : memref<1x80xi32, #tpu.memory_space<vmem>> -> memref<80xi32, #tpu.memory_space<vmem>>
          %dma_start3A_274 = arith.constant 0 : i32
          %dma_start3A_275 = arith.constant 0 : i32
          %dma_start3A_276 = tpu.memref_slice %arg23[%dma_start3A_274, %dma_start3A_275] : memref<10000x32xf32, #tpu.memory_space<vmem_shared>> -> memref<10000x32xf32, #tpu.memory_space<vmem_shared>>
          tpu.enqueue_indirect_dma source(%arg14 : memref<80x32xf32, #tpu.memory_space<vmem>>) target(%dma_start3A_276 : memref<10000x32xf32, #tpu.memory_space<vmem_shared>>) offsets(%dma_start3A_273 : memref<80xi32, #tpu.memory_space<vmem>>) semaphore(%run_scoped3A : memref<!tpu.dma_semaphore, #tpu.memory_space<semaphore_mem>>) {add = true}
          %dma_wait3A_277 = arith.constant 0 : i32
          %dma_wait3A_278 = tpu.memref_slice %arg11[%add3A_208, %dma_wait3A_277] : memref<250x80xi32, #tpu.memory_space<vmem>> -> memref<1x80xi32, #tpu.memory_space<vmem>>
          %dma_wait3A_279 = tpu.memref_squeeze %dma_wait3A_278 : memref<1x80xi32, #tpu.memory_space<vmem>> -> memref<80xi32, #tpu.memory_space<vmem>>
          %dma_wait3A_280 = arith.constant 0 : i32
          %dma_wait3A_281 = arith.constant 0 : i32
          %dma_wait3A_282 = tpu.memref_slice %arg23[%dma_wait3A_280, %dma_wait3A_281] : memref<10000x32xf32, #tpu.memory_space<vmem_shared>> -> memref<10000x32xf32, #tpu.memory_space<vmem_shared>>
          tpu.wait_indirect_dma semaphore(%run_scoped3A : memref<!tpu.dma_semaphore, #tpu.memory_space<semaphore_mem>>) src(%arg14 : memref<80x32xf32, #tpu.memory_space<vmem>>) dst(%dma_wait3A_282 : memref<10000x32xf32, #tpu.memory_space<vmem_shared>>)
          tpu.yield
        }) : () -> ()
        %add3A_264 = arith.constant 8 : i32
        %add3A_265 = arith.addi %add3A_208, %add3A_264 : i32
        %lt3A_266 = arith.constant 250 : i32
        %lt3A_267 = arith.cmpi slt, %add3A_265, %lt3A_266 : i32
        %convert_element_type3A_268 = arith.extui %lt3A_267 : i1 to i32
        %cond3A_269 = arith.constant 0 : i32
        %cond3A_270 = arith.cmpi ne, %convert_element_type3A_268, %cond3A_269 : i32
        scf.if %cond3A_270 {
          %add3A_271 = arith.constant 8 : i32
          %add3A_272 = arith.addi %add3A_208, %add3A_271 : i32
          %dma_start3A_273 = arith.constant 0 : i32
          %dma_start3A_274 = tpu.memref_slice %arg10[%add3A_272, %dma_start3A_273] : memref<250x80xi32, #tpu.memory_space<vmem>> -> memref<1x80xi32, #tpu.memory_space<vmem>>
          %dma_start3A_275 = tpu.memref_squeeze %dma_start3A_274 : memref<1x80xi32, #tpu.memory_space<vmem>> -> memref<80xi32, #tpu.memory_space<vmem>>
          %dma_start3A_276 = arith.constant 0 : i32
          %dma_start3A_277 = arith.constant 0 : i32
          %dma_start3A_278 = tpu.memref_slice %arg2[%dma_start3A_276, %dma_start3A_277] : memref<20000x32xf32, #tpu.memory_space<hbm>> -> memref<20000x32xf32, #tpu.memory_space<hbm>>
          tpu.enqueue_indirect_dma source(%dma_start3A_278 : memref<20000x32xf32, #tpu.memory_space<hbm>>) target(%arg14 : memref<80x32xf32, #tpu.memory_space<vmem>>) offsets(%dma_start3A_275 : memref<80xi32, #tpu.memory_space<vmem>>) semaphore(%arg26 : memref<!tpu.dma_semaphore, #tpu.memory_space<semaphore_mem>>)
        } else {
        }
      } else {
      }
      %mul3A_214 = arith.constant 8 : i32
      %mul3A_215 = arith.muli %scan3A_190, %mul3A_214 : i32
      %add3A_216 = arith.constant 3 : i32
      %add3A_217 = arith.addi %mul3A_215, %add3A_216 : i32
      %lt3A_218 = arith.constant 250 : i32
      %lt3A_219 = arith.cmpi slt, %add3A_217, %lt3A_218 : i32
      %convert_element_type3A_220 = arith.extui %lt3A_219 : i1 to i32
      %cond3A_221 = arith.constant 0 : i32
      %cond3A_222 = arith.cmpi ne, %convert_element_type3A_220, %cond3A_221 : i32
      scf.if %cond3A_222 {
        %dma_wait3A = arith.constant 0 : i32
        %dma_wait3A_259 = tpu.memref_slice %arg10[%add3A_217, %dma_wait3A] : memref<250x80xi32, #tpu.memory_space<vmem>> -> memref<1x80xi32, #tpu.memory_space<vmem>>
        %dma_wait3A_260 = tpu.memref_squeeze %dma_wait3A_259 : memref<1x80xi32, #tpu.memory_space<vmem>> -> memref<80xi32, #tpu.memory_space<vmem>>
        %dma_wait3A_261 = arith.constant 0 : i32
        %dma_wait3A_262 = arith.constant 0 : i32
        %dma_wait3A_263 = tpu.memref_slice %arg2[%dma_wait3A_261, %dma_wait3A_262] : memref<20000x32xf32, #tpu.memory_space<hbm>> -> memref<20000x32xf32, #tpu.memory_space<hbm>>
        tpu.wait_indirect_dma semaphore(%arg27 : memref<!tpu.dma_semaphore, #tpu.memory_space<semaphore_mem>>) src(%dma_wait3A_263 : memref<20000x32xf32, #tpu.memory_space<hbm>>) dst(%arg15 : memref<80x32xf32, #tpu.memory_space<vmem>>)
        "tpu.region"() ({
          %run_scoped3A = tpu.sem_alloc : memref<!tpu.dma_semaphore, #tpu.memory_space<semaphore_mem>>
          %dma_start3A_271 = arith.constant 0 : i32
          %dma_start3A_272 = tpu.memref_slice %arg11[%add3A_217, %dma_start3A_271] : memref<250x80xi32, #tpu.memory_space<vmem>> -> memref<1x80xi32, #tpu.memory_space<vmem>>
          %dma_start3A_273 = tpu.memref_squeeze %dma_start3A_272 : memref<1x80xi32, #tpu.memory_space<vmem>> -> memref<80xi32, #tpu.memory_space<vmem>>
          %dma_start3A_274 = arith.constant 0 : i32
          %dma_start3A_275 = arith.constant 0 : i32
          %dma_start3A_276 = tpu.memref_slice %arg23[%dma_start3A_274, %dma_start3A_275] : memref<10000x32xf32, #tpu.memory_space<vmem_shared>> -> memref<10000x32xf32, #tpu.memory_space<vmem_shared>>
          tpu.enqueue_indirect_dma source(%arg15 : memref<80x32xf32, #tpu.memory_space<vmem>>) target(%dma_start3A_276 : memref<10000x32xf32, #tpu.memory_space<vmem_shared>>) offsets(%dma_start3A_273 : memref<80xi32, #tpu.memory_space<vmem>>) semaphore(%run_scoped3A : memref<!tpu.dma_semaphore, #tpu.memory_space<semaphore_mem>>) {add = true}
          %dma_wait3A_277 = arith.constant 0 : i32
          %dma_wait3A_278 = tpu.memref_slice %arg11[%add3A_217, %dma_wait3A_277] : memref<250x80xi32, #tpu.memory_space<vmem>> -> memref<1x80xi32, #tpu.memory_space<vmem>>
          %dma_wait3A_279 = tpu.memref_squeeze %dma_wait3A_278 : memref<1x80xi32, #tpu.memory_space<vmem>> -> memref<80xi32, #tpu.memory_space<vmem>>
          %dma_wait3A_280 = arith.constant 0 : i32
          %dma_wait3A_281 = arith.constant 0 : i32
          %dma_wait3A_282 = tpu.memref_slice %arg23[%dma_wait3A_280, %dma_wait3A_281] : memref<10000x32xf32, #tpu.memory_space<vmem_shared>> -> memref<10000x32xf32, #tpu.memory_space<vmem_shared>>
          tpu.wait_indirect_dma semaphore(%run_scoped3A : memref<!tpu.dma_semaphore, #tpu.memory_space<semaphore_mem>>) src(%arg15 : memref<80x32xf32, #tpu.memory_space<vmem>>) dst(%dma_wait3A_282 : memref<10000x32xf32, #tpu.memory_space<vmem_shared>>)
          tpu.yield
        }) : () -> ()
        %add3A_264 = arith.constant 8 : i32
        %add3A_265 = arith.addi %add3A_217, %add3A_264 : i32
        %lt3A_266 = arith.constant 250 : i32
        %lt3A_267 = arith.cmpi slt, %add3A_265, %lt3A_266 : i32
        %convert_element_type3A_268 = arith.extui %lt3A_267 : i1 to i32
        %cond3A_269 = arith.constant 0 : i32
        %cond3A_270 = arith.cmpi ne, %convert_element_type3A_268, %cond3A_269 : i32
        scf.if %cond3A_270 {
          %add3A_271 = arith.constant 8 : i32
          %add3A_272 = arith.addi %add3A_217, %add3A_271 : i32
          %dma_start3A_273 = arith.constant 0 : i32
          %dma_start3A_274 = tpu.memref_slice %arg10[%add3A_272, %dma_start3A_273] : memref<250x80xi32, #tpu.memory_space<vmem>> -> memref<1x80xi32, #tpu.memory_space<vmem>>
          %dma_start3A_275 = tpu.memref_squeeze %dma_start3A_274 : memref<1x80xi32, #tpu.memory_space<vmem>> -> memref<80xi32, #tpu.memory_space<vmem>>
          %dma_start3A_276 = arith.constant 0 : i32
          %dma_start3A_277 = arith.constant 0 : i32
          %dma_start3A_278 = tpu.memref_slice %arg2[%dma_start3A_276, %dma_start3A_277] : memref<20000x32xf32, #tpu.memory_space<hbm>> -> memref<20000x32xf32, #tpu.memory_space<hbm>>
          tpu.enqueue_indirect_dma source(%dma_start3A_278 : memref<20000x32xf32, #tpu.memory_space<hbm>>) target(%arg15 : memref<80x32xf32, #tpu.memory_space<vmem>>) offsets(%dma_start3A_275 : memref<80xi32, #tpu.memory_space<vmem>>) semaphore(%arg27 : memref<!tpu.dma_semaphore, #tpu.memory_space<semaphore_mem>>)
        } else {
        }
      } else {
      }
      %mul3A_223 = arith.constant 8 : i32
      %mul3A_224 = arith.muli %scan3A_190, %mul3A_223 : i32
      %add3A_225 = arith.constant 4 : i32
      %add3A_226 = arith.addi %mul3A_224, %add3A_225 : i32
      %lt3A_227 = arith.constant 250 : i32
      %lt3A_228 = arith.cmpi slt, %add3A_226, %lt3A_227 : i32
      %convert_element_type3A_229 = arith.extui %lt3A_228 : i1 to i32
      %cond3A_230 = arith.constant 0 : i32
      %cond3A_231 = arith.cmpi ne, %convert_element_type3A_229, %cond3A_230 : i32
      scf.if %cond3A_231 {
        %dma_wait3A = arith.constant 0 : i32
        %dma_wait3A_259 = tpu.memref_slice %arg10[%add3A_226, %dma_wait3A] : memref<250x80xi32, #tpu.memory_space<vmem>> -> memref<1x80xi32, #tpu.memory_space<vmem>>
        %dma_wait3A_260 = tpu.memref_squeeze %dma_wait3A_259 : memref<1x80xi32, #tpu.memory_space<vmem>> -> memref<80xi32, #tpu.memory_space<vmem>>
        %dma_wait3A_261 = arith.constant 0 : i32
        %dma_wait3A_262 = arith.constant 0 : i32
        %dma_wait3A_263 = tpu.memref_slice %arg2[%dma_wait3A_261, %dma_wait3A_262] : memref<20000x32xf32, #tpu.memory_space<hbm>> -> memref<20000x32xf32, #tpu.memory_space<hbm>>
        tpu.wait_indirect_dma semaphore(%arg28 : memref<!tpu.dma_semaphore, #tpu.memory_space<semaphore_mem>>) src(%dma_wait3A_263 : memref<20000x32xf32, #tpu.memory_space<hbm>>) dst(%arg16 : memref<80x32xf32, #tpu.memory_space<vmem>>)
        "tpu.region"() ({
          %run_scoped3A = tpu.sem_alloc : memref<!tpu.dma_semaphore, #tpu.memory_space<semaphore_mem>>
          %dma_start3A_271 = arith.constant 0 : i32
          %dma_start3A_272 = tpu.memref_slice %arg11[%add3A_226, %dma_start3A_271] : memref<250x80xi32, #tpu.memory_space<vmem>> -> memref<1x80xi32, #tpu.memory_space<vmem>>
          %dma_start3A_273 = tpu.memref_squeeze %dma_start3A_272 : memref<1x80xi32, #tpu.memory_space<vmem>> -> memref<80xi32, #tpu.memory_space<vmem>>
          %dma_start3A_274 = arith.constant 0 : i32
          %dma_start3A_275 = arith.constant 0 : i32
          %dma_start3A_276 = tpu.memref_slice %arg23[%dma_start3A_274, %dma_start3A_275] : memref<10000x32xf32, #tpu.memory_space<vmem_shared>> -> memref<10000x32xf32, #tpu.memory_space<vmem_shared>>
          tpu.enqueue_indirect_dma source(%arg16 : memref<80x32xf32, #tpu.memory_space<vmem>>) target(%dma_start3A_276 : memref<10000x32xf32, #tpu.memory_space<vmem_shared>>) offsets(%dma_start3A_273 : memref<80xi32, #tpu.memory_space<vmem>>) semaphore(%run_scoped3A : memref<!tpu.dma_semaphore, #tpu.memory_space<semaphore_mem>>) {add = true}
          %dma_wait3A_277 = arith.constant 0 : i32
          %dma_wait3A_278 = tpu.memref_slice %arg11[%add3A_226, %dma_wait3A_277] : memref<250x80xi32, #tpu.memory_space<vmem>> -> memref<1x80xi32, #tpu.memory_space<vmem>>
          %dma_wait3A_279 = tpu.memref_squeeze %dma_wait3A_278 : memref<1x80xi32, #tpu.memory_space<vmem>> -> memref<80xi32, #tpu.memory_space<vmem>>
          %dma_wait3A_280 = arith.constant 0 : i32
          %dma_wait3A_281 = arith.constant 0 : i32
          %dma_wait3A_282 = tpu.memref_slice %arg23[%dma_wait3A_280, %dma_wait3A_281] : memref<10000x32xf32, #tpu.memory_space<vmem_shared>> -> memref<10000x32xf32, #tpu.memory_space<vmem_shared>>
          tpu.wait_indirect_dma semaphore(%run_scoped3A : memref<!tpu.dma_semaphore, #tpu.memory_space<semaphore_mem>>) src(%arg16 : memref<80x32xf32, #tpu.memory_space<vmem>>) dst(%dma_wait3A_282 : memref<10000x32xf32, #tpu.memory_space<vmem_shared>>)
          tpu.yield
        }) : () -> ()
        %add3A_264 = arith.constant 8 : i32
        %add3A_265 = arith.addi %add3A_226, %add3A_264 : i32
        %lt3A_266 = arith.constant 250 : i32
        %lt3A_267 = arith.cmpi slt, %add3A_265, %lt3A_266 : i32
        %convert_element_type3A_268 = arith.extui %lt3A_267 : i1 to i32
        %cond3A_269 = arith.constant 0 : i32
        %cond3A_270 = arith.cmpi ne, %convert_element_type3A_268, %cond3A_269 : i32
        scf.if %cond3A_270 {
          %add3A_271 = arith.constant 8 : i32
          %add3A_272 = arith.addi %add3A_226, %add3A_271 : i32
          %dma_start3A_273 = arith.constant 0 : i32
          %dma_start3A_274 = tpu.memref_slice %arg10[%add3A_272, %dma_start3A_273] : memref<250x80xi32, #tpu.memory_space<vmem>> -> memref<1x80xi32, #tpu.memory_space<vmem>>
          %dma_start3A_275 = tpu.memref_squeeze %dma_start3A_274 : memref<1x80xi32, #tpu.memory_space<vmem>> -> memref<80xi32, #tpu.memory_space<vmem>>
          %dma_start3A_276 = arith.constant 0 : i32
          %dma_start3A_277 = arith.constant 0 : i32
          %dma_start3A_278 = tpu.memref_slice %arg2[%dma_start3A_276, %dma_start3A_277] : memref<20000x32xf32, #tpu.memory_space<hbm>> -> memref<20000x32xf32, #tpu.memory_space<hbm>>
          tpu.enqueue_indirect_dma source(%dma_start3A_278 : memref<20000x32xf32, #tpu.memory_space<hbm>>) target(%arg16 : memref<80x32xf32, #tpu.memory_space<vmem>>) offsets(%dma_start3A_275 : memref<80xi32, #tpu.memory_space<vmem>>) semaphore(%arg28 : memref<!tpu.dma_semaphore, #tpu.memory_space<semaphore_mem>>)
        } else {
        }
      } else {
      }
      %mul3A_232 = arith.constant 8 : i32
      %mul3A_233 = arith.muli %scan3A_190, %mul3A_232 : i32
      %add3A_234 = arith.constant 5 : i32
      %add3A_235 = arith.addi %mul3A_233, %add3A_234 : i32
      %lt3A_236 = arith.constant 250 : i32
      %lt3A_237 = arith.cmpi slt, %add3A_235, %lt3A_236 : i32
      %convert_element_type3A_238 = arith.extui %lt3A_237 : i1 to i32
      %cond3A_239 = arith.constant 0 : i32
      %cond3A_240 = arith.cmpi ne, %convert_element_type3A_238, %cond3A_239 : i32
      scf.if %cond3A_240 {
        %dma_wait3A = arith.constant 0 : i32
        %dma_wait3A_259 = tpu.memref_slice %arg10[%add3A_235, %dma_wait3A] : memref<250x80xi32, #tpu.memory_space<vmem>> -> memref<1x80xi32, #tpu.memory_space<vmem>>
        %dma_wait3A_260 = tpu.memref_squeeze %dma_wait3A_259 : memref<1x80xi32, #tpu.memory_space<vmem>> -> memref<80xi32, #tpu.memory_space<vmem>>
        %dma_wait3A_261 = arith.constant 0 : i32
        %dma_wait3A_262 = arith.constant 0 : i32
        %dma_wait3A_263 = tpu.memref_slice %arg2[%dma_wait3A_261, %dma_wait3A_262] : memref<20000x32xf32, #tpu.memory_space<hbm>> -> memref<20000x32xf32, #tpu.memory_space<hbm>>
        tpu.wait_indirect_dma semaphore(%arg29 : memref<!tpu.dma_semaphore, #tpu.memory_space<semaphore_mem>>) src(%dma_wait3A_263 : memref<20000x32xf32, #tpu.memory_space<hbm>>) dst(%arg17 : memref<80x32xf32, #tpu.memory_space<vmem>>)
        "tpu.region"() ({
          %run_scoped3A = tpu.sem_alloc : memref<!tpu.dma_semaphore, #tpu.memory_space<semaphore_mem>>
          %dma_start3A_271 = arith.constant 0 : i32
          %dma_start3A_272 = tpu.memref_slice %arg11[%add3A_235, %dma_start3A_271] : memref<250x80xi32, #tpu.memory_space<vmem>> -> memref<1x80xi32, #tpu.memory_space<vmem>>
          %dma_start3A_273 = tpu.memref_squeeze %dma_start3A_272 : memref<1x80xi32, #tpu.memory_space<vmem>> -> memref<80xi32, #tpu.memory_space<vmem>>
          %dma_start3A_274 = arith.constant 0 : i32
          %dma_start3A_275 = arith.constant 0 : i32
          %dma_start3A_276 = tpu.memref_slice %arg23[%dma_start3A_274, %dma_start3A_275] : memref<10000x32xf32, #tpu.memory_space<vmem_shared>> -> memref<10000x32xf32, #tpu.memory_space<vmem_shared>>
          tpu.enqueue_indirect_dma source(%arg17 : memref<80x32xf32, #tpu.memory_space<vmem>>) target(%dma_start3A_276 : memref<10000x32xf32, #tpu.memory_space<vmem_shared>>) offsets(%dma_start3A_273 : memref<80xi32, #tpu.memory_space<vmem>>) semaphore(%run_scoped3A : memref<!tpu.dma_semaphore, #tpu.memory_space<semaphore_mem>>) {add = true}
          %dma_wait3A_277 = arith.constant 0 : i32
          %dma_wait3A_278 = tpu.memref_slice %arg11[%add3A_235, %dma_wait3A_277] : memref<250x80xi32, #tpu.memory_space<vmem>> -> memref<1x80xi32, #tpu.memory_space<vmem>>
          %dma_wait3A_279 = tpu.memref_squeeze %dma_wait3A_278 : memref<1x80xi32, #tpu.memory_space<vmem>> -> memref<80xi32, #tpu.memory_space<vmem>>
          %dma_wait3A_280 = arith.constant 0 : i32
          %dma_wait3A_281 = arith.constant 0 : i32
          %dma_wait3A_282 = tpu.memref_slice %arg23[%dma_wait3A_280, %dma_wait3A_281] : memref<10000x32xf32, #tpu.memory_space<vmem_shared>> -> memref<10000x32xf32, #tpu.memory_space<vmem_shared>>
          tpu.wait_indirect_dma semaphore(%run_scoped3A : memref<!tpu.dma_semaphore, #tpu.memory_space<semaphore_mem>>) src(%arg17 : memref<80x32xf32, #tpu.memory_space<vmem>>) dst(%dma_wait3A_282 : memref<10000x32xf32, #tpu.memory_space<vmem_shared>>)
          tpu.yield
        }) : () -> ()
        %add3A_264 = arith.constant 8 : i32
        %add3A_265 = arith.addi %add3A_235, %add3A_264 : i32
        %lt3A_266 = arith.constant 250 : i32
        %lt3A_267 = arith.cmpi slt, %add3A_265, %lt3A_266 : i32
        %convert_element_type3A_268 = arith.extui %lt3A_267 : i1 to i32
        %cond3A_269 = arith.constant 0 : i32
        %cond3A_270 = arith.cmpi ne, %convert_element_type3A_268, %cond3A_269 : i32
        scf.if %cond3A_270 {
          %add3A_271 = arith.constant 8 : i32
          %add3A_272 = arith.addi %add3A_235, %add3A_271 : i32
          %dma_start3A_273 = arith.constant 0 : i32
          %dma_start3A_274 = tpu.memref_slice %arg10[%add3A_272, %dma_start3A_273] : memref<250x80xi32, #tpu.memory_space<vmem>> -> memref<1x80xi32, #tpu.memory_space<vmem>>
          %dma_start3A_275 = tpu.memref_squeeze %dma_start3A_274 : memref<1x80xi32, #tpu.memory_space<vmem>> -> memref<80xi32, #tpu.memory_space<vmem>>
          %dma_start3A_276 = arith.constant 0 : i32
          %dma_start3A_277 = arith.constant 0 : i32
          %dma_start3A_278 = tpu.memref_slice %arg2[%dma_start3A_276, %dma_start3A_277] : memref<20000x32xf32, #tpu.memory_space<hbm>> -> memref<20000x32xf32, #tpu.memory_space<hbm>>
          tpu.enqueue_indirect_dma source(%dma_start3A_278 : memref<20000x32xf32, #tpu.memory_space<hbm>>) target(%arg17 : memref<80x32xf32, #tpu.memory_space<vmem>>) offsets(%dma_start3A_275 : memref<80xi32, #tpu.memory_space<vmem>>) semaphore(%arg29 : memref<!tpu.dma_semaphore, #tpu.memory_space<semaphore_mem>>)
        } else {
        }
      } else {
      }
      %mul3A_241 = arith.constant 8 : i32
      %mul3A_242 = arith.muli %scan3A_190, %mul3A_241 : i32
      %add3A_243 = arith.constant 6 : i32
      %add3A_244 = arith.addi %mul3A_242, %add3A_243 : i32
      %lt3A_245 = arith.constant 250 : i32
      %lt3A_246 = arith.cmpi slt, %add3A_244, %lt3A_245 : i32
      %convert_element_type3A_247 = arith.extui %lt3A_246 : i1 to i32
      %cond3A_248 = arith.constant 0 : i32
      %cond3A_249 = arith.cmpi ne, %convert_element_type3A_247, %cond3A_248 : i32
      scf.if %cond3A_249 {
        %dma_wait3A = arith.constant 0 : i32
        %dma_wait3A_259 = tpu.memref_slice %arg10[%add3A_244, %dma_wait3A] : memref<250x80xi32, #tpu.memory_space<vmem>> -> memref<1x80xi32, #tpu.memory_space<vmem>>
        %dma_wait3A_260 = tpu.memref_squeeze %dma_wait3A_259 : memref<1x80xi32, #tpu.memory_space<vmem>> -> memref<80xi32, #tpu.memory_space<vmem>>
        %dma_wait3A_261 = arith.constant 0 : i32
        %dma_wait3A_262 = arith.constant 0 : i32
        %dma_wait3A_263 = tpu.memref_slice %arg2[%dma_wait3A_261, %dma_wait3A_262] : memref<20000x32xf32, #tpu.memory_space<hbm>> -> memref<20000x32xf32, #tpu.memory_space<hbm>>
        tpu.wait_indirect_dma semaphore(%arg30 : memref<!tpu.dma_semaphore, #tpu.memory_space<semaphore_mem>>) src(%dma_wait3A_263 : memref<20000x32xf32, #tpu.memory_space<hbm>>) dst(%arg18 : memref<80x32xf32, #tpu.memory_space<vmem>>)
        "tpu.region"() ({
          %run_scoped3A = tpu.sem_alloc : memref<!tpu.dma_semaphore, #tpu.memory_space<semaphore_mem>>
          %dma_start3A_271 = arith.constant 0 : i32
          %dma_start3A_272 = tpu.memref_slice %arg11[%add3A_244, %dma_start3A_271] : memref<250x80xi32, #tpu.memory_space<vmem>> -> memref<1x80xi32, #tpu.memory_space<vmem>>
          %dma_start3A_273 = tpu.memref_squeeze %dma_start3A_272 : memref<1x80xi32, #tpu.memory_space<vmem>> -> memref<80xi32, #tpu.memory_space<vmem>>
          %dma_start3A_274 = arith.constant 0 : i32
          %dma_start3A_275 = arith.constant 0 : i32
          %dma_start3A_276 = tpu.memref_slice %arg23[%dma_start3A_274, %dma_start3A_275] : memref<10000x32xf32, #tpu.memory_space<vmem_shared>> -> memref<10000x32xf32, #tpu.memory_space<vmem_shared>>
          tpu.enqueue_indirect_dma source(%arg18 : memref<80x32xf32, #tpu.memory_space<vmem>>) target(%dma_start3A_276 : memref<10000x32xf32, #tpu.memory_space<vmem_shared>>) offsets(%dma_start3A_273 : memref<80xi32, #tpu.memory_space<vmem>>) semaphore(%run_scoped3A : memref<!tpu.dma_semaphore, #tpu.memory_space<semaphore_mem>>) {add = true}
          %dma_wait3A_277 = arith.constant 0 : i32
          %dma_wait3A_278 = tpu.memref_slice %arg11[%add3A_244, %dma_wait3A_277] : memref<250x80xi32, #tpu.memory_space<vmem>> -> memref<1x80xi32, #tpu.memory_space<vmem>>
          %dma_wait3A_279 = tpu.memref_squeeze %dma_wait3A_278 : memref<1x80xi32, #tpu.memory_space<vmem>> -> memref<80xi32, #tpu.memory_space<vmem>>
          %dma_wait3A_280 = arith.constant 0 : i32
          %dma_wait3A_281 = arith.constant 0 : i32
          %dma_wait3A_282 = tpu.memref_slice %arg23[%dma_wait3A_280, %dma_wait3A_281] : memref<10000x32xf32, #tpu.memory_space<vmem_shared>> -> memref<10000x32xf32, #tpu.memory_space<vmem_shared>>
          tpu.wait_indirect_dma semaphore(%run_scoped3A : memref<!tpu.dma_semaphore, #tpu.memory_space<semaphore_mem>>) src(%arg18 : memref<80x32xf32, #tpu.memory_space<vmem>>) dst(%dma_wait3A_282 : memref<10000x32xf32, #tpu.memory_space<vmem_shared>>)
          tpu.yield
        }) : () -> ()
        %add3A_264 = arith.constant 8 : i32
        %add3A_265 = arith.addi %add3A_244, %add3A_264 : i32
        %lt3A_266 = arith.constant 250 : i32
        %lt3A_267 = arith.cmpi slt, %add3A_265, %lt3A_266 : i32
        %convert_element_type3A_268 = arith.extui %lt3A_267 : i1 to i32
        %cond3A_269 = arith.constant 0 : i32
        %cond3A_270 = arith.cmpi ne, %convert_element_type3A_268, %cond3A_269 : i32
        scf.if %cond3A_270 {
          %add3A_271 = arith.constant 8 : i32
          %add3A_272 = arith.addi %add3A_244, %add3A_271 : i32
          %dma_start3A_273 = arith.constant 0 : i32
          %dma_start3A_274 = tpu.memref_slice %arg10[%add3A_272, %dma_start3A_273] : memref<250x80xi32, #tpu.memory_space<vmem>> -> memref<1x80xi32, #tpu.memory_space<vmem>>
          %dma_start3A_275 = tpu.memref_squeeze %dma_start3A_274 : memref<1x80xi32, #tpu.memory_space<vmem>> -> memref<80xi32, #tpu.memory_space<vmem>>
          %dma_start3A_276 = arith.constant 0 : i32
          %dma_start3A_277 = arith.constant 0 : i32
          %dma_start3A_278 = tpu.memref_slice %arg2[%dma_start3A_276, %dma_start3A_277] : memref<20000x32xf32, #tpu.memory_space<hbm>> -> memref<20000x32xf32, #tpu.memory_space<hbm>>
          tpu.enqueue_indirect_dma source(%dma_start3A_278 : memref<20000x32xf32, #tpu.memory_space<hbm>>) target(%arg18 : memref<80x32xf32, #tpu.memory_space<vmem>>) offsets(%dma_start3A_275 : memref<80xi32, #tpu.memory_space<vmem>>) semaphore(%arg30 : memref<!tpu.dma_semaphore, #tpu.memory_space<semaphore_mem>>)
        } else {
        }
      } else {
      }
      %mul3A_250 = arith.constant 8 : i32
      %mul3A_251 = arith.muli %scan3A_190, %mul3A_250 : i32
      %add3A_252 = arith.constant 7 : i32
      %add3A_253 = arith.addi %mul3A_251, %add3A_252 : i32
      %lt3A_254 = arith.constant 250 : i32
      %lt3A_255 = arith.cmpi slt, %add3A_253, %lt3A_254 : i32
      %convert_element_type3A_256 = arith.extui %lt3A_255 : i1 to i32
      %cond3A_257 = arith.constant 0 : i32
      %cond3A_258 = arith.cmpi ne, %convert_element_type3A_256, %cond3A_257 : i32
      scf.if %cond3A_258 {
        %dma_wait3A = arith.constant 0 : i32
        %dma_wait3A_259 = tpu.memref_slice %arg10[%add3A_253, %dma_wait3A] : memref<250x80xi32, #tpu.memory_space<vmem>> -> memref<1x80xi32, #tpu.memory_space<vmem>>
        %dma_wait3A_260 = tpu.memref_squeeze %dma_wait3A_259 : memref<1x80xi32, #tpu.memory_space<vmem>> -> memref<80xi32, #tpu.memory_space<vmem>>
        %dma_wait3A_261 = arith.constant 0 : i32
        %dma_wait3A_262 = arith.constant 0 : i32
        %dma_wait3A_263 = tpu.memref_slice %arg2[%dma_wait3A_261, %dma_wait3A_262] : memref<20000x32xf32, #tpu.memory_space<hbm>> -> memref<20000x32xf32, #tpu.memory_space<hbm>>
        tpu.wait_indirect_dma semaphore(%arg31 : memref<!tpu.dma_semaphore, #tpu.memory_space<semaphore_mem>>) src(%dma_wait3A_263 : memref<20000x32xf32, #tpu.memory_space<hbm>>) dst(%arg19 : memref<80x32xf32, #tpu.memory_space<vmem>>)
        "tpu.region"() ({
          %run_scoped3A = tpu.sem_alloc : memref<!tpu.dma_semaphore, #tpu.memory_space<semaphore_mem>>
          %dma_start3A_271 = arith.constant 0 : i32
          %dma_start3A_272 = tpu.memref_slice %arg11[%add3A_253, %dma_start3A_271] : memref<250x80xi32, #tpu.memory_space<vmem>> -> memref<1x80xi32, #tpu.memory_space<vmem>>
          %dma_start3A_273 = tpu.memref_squeeze %dma_start3A_272 : memref<1x80xi32, #tpu.memory_space<vmem>> -> memref<80xi32, #tpu.memory_space<vmem>>
          %dma_start3A_274 = arith.constant 0 : i32
          %dma_start3A_275 = arith.constant 0 : i32
          %dma_start3A_276 = tpu.memref_slice %arg23[%dma_start3A_274, %dma_start3A_275] : memref<10000x32xf32, #tpu.memory_space<vmem_shared>> -> memref<10000x32xf32, #tpu.memory_space<vmem_shared>>
          tpu.enqueue_indirect_dma source(%arg19 : memref<80x32xf32, #tpu.memory_space<vmem>>) target(%dma_start3A_276 : memref<10000x32xf32, #tpu.memory_space<vmem_shared>>) offsets(%dma_start3A_273 : memref<80xi32, #tpu.memory_space<vmem>>) semaphore(%run_scoped3A : memref<!tpu.dma_semaphore, #tpu.memory_space<semaphore_mem>>) {add = true}
          %dma_wait3A_277 = arith.constant 0 : i32
          %dma_wait3A_278 = tpu.memref_slice %arg11[%add3A_253, %dma_wait3A_277] : memref<250x80xi32, #tpu.memory_space<vmem>> -> memref<1x80xi32, #tpu.memory_space<vmem>>
          %dma_wait3A_279 = tpu.memref_squeeze %dma_wait3A_278 : memref<1x80xi32, #tpu.memory_space<vmem>> -> memref<80xi32, #tpu.memory_space<vmem>>
          %dma_wait3A_280 = arith.constant 0 : i32
          %dma_wait3A_281 = arith.constant 0 : i32
          %dma_wait3A_282 = tpu.memref_slice %arg23[%dma_wait3A_280, %dma_wait3A_281] : memref<10000x32xf32, #tpu.memory_space<vmem_shared>> -> memref<10000x32xf32, #tpu.memory_space<vmem_shared>>
          tpu.wait_indirect_dma semaphore(%run_scoped3A : memref<!tpu.dma_semaphore, #tpu.memory_space<semaphore_mem>>) src(%arg19 : memref<80x32xf32, #tpu.memory_space<vmem>>) dst(%dma_wait3A_282 : memref<10000x32xf32, #tpu.memory_space<vmem_shared>>)
          tpu.yield
        }) : () -> ()
        %add3A_264 = arith.constant 8 : i32
        %add3A_265 = arith.addi %add3A_253, %add3A_264 : i32
        %lt3A_266 = arith.constant 250 : i32
        %lt3A_267 = arith.cmpi slt, %add3A_265, %lt3A_266 : i32
        %convert_element_type3A_268 = arith.extui %lt3A_267 : i1 to i32
        %cond3A_269 = arith.constant 0 : i32
        %cond3A_270 = arith.cmpi ne, %convert_element_type3A_268, %cond3A_269 : i32
        scf.if %cond3A_270 {
          %add3A_271 = arith.constant 8 : i32
          %add3A_272 = arith.addi %add3A_253, %add3A_271 : i32
          %dma_start3A_273 = arith.constant 0 : i32
          %dma_start3A_274 = tpu.memref_slice %arg10[%add3A_272, %dma_start3A_273] : memref<250x80xi32, #tpu.memory_space<vmem>> -> memref<1x80xi32, #tpu.memory_space<vmem>>
          %dma_start3A_275 = tpu.memref_squeeze %dma_start3A_274 : memref<1x80xi32, #tpu.memory_space<vmem>> -> memref<80xi32, #tpu.memory_space<vmem>>
          %dma_start3A_276 = arith.constant 0 : i32
          %dma_start3A_277 = arith.constant 0 : i32
          %dma_start3A_278 = tpu.memref_slice %arg2[%dma_start3A_276, %dma_start3A_277] : memref<20000x32xf32, #tpu.memory_space<hbm>> -> memref<20000x32xf32, #tpu.memory_space<hbm>>
          tpu.enqueue_indirect_dma source(%dma_start3A_278 : memref<20000x32xf32, #tpu.memory_space<hbm>>) target(%arg19 : memref<80x32xf32, #tpu.memory_space<vmem>>) offsets(%dma_start3A_275 : memref<80xi32, #tpu.memory_space<vmem>>) semaphore(%arg31 : memref<!tpu.dma_semaphore, #tpu.memory_space<semaphore_mem>>)
        } else {
        }
      } else {
      }
    }
    %scan3A_79 = arith.constant 32 : i32
    %barrier3A_80 = arith.constant 0 : index
    tpu.barrier barrier_id(%barrier3A_80)
    %mul3A_81 = arith.constant 10000 : i32
    %mul3A_82 = arith.muli %arg0, %mul3A_81 : i32
    %scan3A_83 = arith.constant 0 : i32
    %scan3A_84 = arith.constant 0 : i32
    %scan3A_85 = arith.constant 8 : i32
    %scan3A_86 = arith.addi %scan3A_84, %scan3A_85 : i32
    %scan3A_87 = arith.constant 1 : i32
    scf.for %scan3A_190 = %scan3A_84 to %scan3A_86 step %scan3A_87  : i32 {
      %mul3A_191 = arith.constant 16 : i32
      %mul3A_192 = arith.muli %scan3A_190, %mul3A_191 : i32
      %add3A = arith.addi %arg1, %mul3A_192 : i32
      %lt3A = arith.constant 125 : i32
      %lt3A_193 = arith.cmpi slt, %add3A, %lt3A : i32
      %convert_element_type3A = arith.extui %lt3A_193 : i1 to i32
      %cond3A = arith.constant 0 : i32
      %cond3A_194 = arith.cmpi ne, %convert_element_type3A, %cond3A : i32
      scf.if %cond3A_194 {
        %mul3A_195 = arith.constant 80 : i32
        %mul3A_196 = arith.muli %add3A, %mul3A_195 : i32
        "tpu.region"() ({
          %run_scoped3A = tpu.sem_alloc : memref<!tpu.dma_semaphore, #tpu.memory_space<semaphore_mem>>
          %dma_start3A_204 = arith.constant 0 : i32
          %dma_start3A_205 = tpu.memref_slice %arg23[%mul3A_196, %dma_start3A_204] : memref<10000x32xf32, #tpu.memory_space<vmem_shared>> -> memref<80x32xf32, #tpu.memory_space<vmem_shared>>
          %dma_start3A_206 = arith.constant 0 : i32
          %dma_start3A_207 = tpu.memref_slice %arg23[%mul3A_196, %dma_start3A_206] : memref<10000x32xf32, #tpu.memory_space<vmem_shared>> -> memref<80x32xf32, #tpu.memory_space<vmem_shared>>
          tpu.enqueue_dma source(%dma_start3A_207 : memref<80x32xf32, #tpu.memory_space<vmem_shared>>) target(%arg20 : memref<80x32xf32, #tpu.memory_space<vmem>>) target_semaphore(%run_scoped3A : memref<!tpu.dma_semaphore, #tpu.memory_space<semaphore_mem>>)
          %dma_wait3A = arith.constant 0 : i32
          %dma_wait3A_208 = tpu.memref_slice %arg23[%mul3A_196, %dma_wait3A] : memref<10000x32xf32, #tpu.memory_space<vmem_shared>> -> memref<80x32xf32, #tpu.memory_space<vmem_shared>>
          %dma_wait3A_209 = arith.constant 0 : i32
          %dma_wait3A_210 = tpu.memref_slice %arg23[%mul3A_196, %dma_wait3A_209] : memref<10000x32xf32, #tpu.memory_space<vmem_shared>> -> memref<80x32xf32, #tpu.memory_space<vmem_shared>>
          tpu.wait_dma2 semaphore(%run_scoped3A : memref<!tpu.dma_semaphore, #tpu.memory_space<semaphore_mem>>) src(%dma_wait3A_210 : memref<80x32xf32, #tpu.memory_space<vmem_shared>>) dst(%arg20 : memref<80x32xf32, #tpu.memory_space<vmem>>)
          tpu.yield
        }) : () -> ()
        "tpu.region"() ({
          %run_scoped3A = tpu.sem_alloc : memref<!tpu.dma_semaphore, #tpu.memory_space<semaphore_mem>>
          %dma_start3A_204 = arith.constant 0 : i32
          %dma_start3A_205 = tpu.memref_slice %arg5[%mul3A_196, %dma_start3A_204] : memref<10240x16xf32, #tpu.memory_space<hbm>> -> memref<80x16xf32, #tpu.memory_space<hbm>>
          %dma_start3A_206 = arith.constant 0 : i32
          %dma_start3A_207 = tpu.memref_slice %arg5[%mul3A_196, %dma_start3A_206] : memref<10240x16xf32, #tpu.memory_space<hbm>> -> memref<80x16xf32, #tpu.memory_space<hbm>>
          tpu.enqueue_dma source(%dma_start3A_207 : memref<80x16xf32, #tpu.memory_space<hbm>>) target(%arg21 : memref<80x16xf32, #tpu.memory_space<vmem>>) target_semaphore(%run_scoped3A : memref<!tpu.dma_semaphore, #tpu.memory_space<semaphore_mem>>)
          %dma_wait3A = arith.constant 0 : i32
          %dma_wait3A_208 = tpu.memref_slice %arg5[%mul3A_196, %dma_wait3A] : memref<10240x16xf32, #tpu.memory_space<hbm>> -> memref<80x16xf32, #tpu.memory_space<hbm>>
          %dma_wait3A_209 = arith.constant 0 : i32
          %dma_wait3A_210 = tpu.memref_slice %arg5[%mul3A_196, %dma_wait3A_209] : memref<10240x16xf32, #tpu.memory_space<hbm>> -> memref<80x16xf32, #tpu.memory_space<hbm>>
          tpu.wait_dma2 semaphore(%run_scoped3A : memref<!tpu.dma_semaphore, #tpu.memory_space<semaphore_mem>>) src(%dma_wait3A_210 : memref<80x16xf32, #tpu.memory_space<hbm>>) dst(%arg21 : memref<80x16xf32, #tpu.memory_space<vmem>>)
          tpu.yield
        }) : () -> ()
        %scan3A_197 = arith.constant 0 : i32
        %scan3A_198 = arith.constant 0 : i32
        %scan3A_199 = arith.constant 80 : i32
        %scan3A_200 = arith.addi %scan3A_198, %scan3A_199 : i32
        %scan3A_201 = arith.constant 1 : i32
        scf.for %scan3A_204 = %scan3A_198 to %scan3A_200 step %scan3A_201  : i32 {
          %get3A = arith.index_cast %scan3A_204 : i32 to index
          %get3A_205 = arith.constant 0 : index
          %get3A_206 = tpu.vector_load %arg21[%get3A, %get3A_205] {strides = array<i32>} : memref<80x16xf32, #tpu.memory_space<vmem>>, vector<1x16xf32>,
          %get3A_207 = vector.shape_cast %get3A_206 : vector<1x16xf32> to vector<16xf32>
          %max3A = arith.constant 1.000000e+00 : f32
          %max3A_208 = vector.broadcast %max3A : f32 to vector<16xf32>
          %max3A_209 = arith.maximumf %get3A_207, %max3A_208 : vector<16xf32>
          %div3A = arith.constant 1.000000e+00 : f32
          %div3A_210 = vector.broadcast %div3A : f32 to vector<16xf32>
          %div3A_211 = arith.divf %div3A_210, %max3A_209 : vector<16xf32>
          %get3A_212 = arith.index_cast %scan3A_204 : i32 to index
          %get3A_213 = arith.constant 0 : index
          %get3A_214 = tpu.vector_load %arg20[%get3A_212, %get3A_213] {strides = array<i32>} : memref<80x32xf32, #tpu.memory_space<vmem>>, vector<1x16xf32>,
          %get3A_215 = vector.shape_cast %get3A_214 : vector<1x16xf32> to vector<16xf32>
          %mul3A_216 = arith.mulf %get3A_215, %div3A_211 : vector<16xf32>
          %swap3A = arith.index_cast %scan3A_204 : i32 to index
          %swap3A_217 = arith.constant 0 : index
          %swap3A_218 = tpu.vector_load %arg20[%swap3A, %swap3A_217] {strides = array<i32>} : memref<80x32xf32, #tpu.memory_space<vmem>>, vector<1x16xf32>,
          %swap3A_219 = vector.shape_cast %swap3A_218 : vector<1x16xf32> to vector<16xf32>
          %swap3A_220 = vector.shape_cast %mul3A_216 : vector<16xf32> to vector<1x16xf32>
          tpu.vector_store %arg20[%swap3A, %swap3A_217], %swap3A_220 {strides = array<i32>} : memref<80x32xf32, #tpu.memory_space<vmem>>, vector<1x16xf32>,
          %get3A_221 = arith.index_cast %scan3A_204 : i32 to index
          %get3A_222 = arith.constant 16 : index
          %get3A_223 = tpu.vector_load %arg20[%get3A_221, %get3A_222] {strides = array<i32>} : memref<80x32xf32, #tpu.memory_space<vmem>>, vector<1x16xf32>,
          %get3A_224 = vector.shape_cast %get3A_223 : vector<1x16xf32> to vector<16xf32>
          %mul3A_225 = arith.mulf %get3A_224, %div3A_211 : vector<16xf32>
          %swap3A_226 = arith.index_cast %scan3A_204 : i32 to index
          %swap3A_227 = arith.constant 16 : index
          %swap3A_228 = tpu.vector_load %arg20[%swap3A_226, %swap3A_227] {strides = array<i32>} : memref<80x32xf32, #tpu.memory_space<vmem>>, vector<1x16xf32>,
          %swap3A_229 = vector.shape_cast %swap3A_228 : vector<1x16xf32> to vector<16xf32>
          %swap3A_230 = vector.shape_cast %mul3A_225 : vector<16xf32> to vector<1x16xf32>
          tpu.vector_store %arg20[%swap3A_226, %swap3A_227], %swap3A_230 {strides = array<i32>} : memref<80x32xf32, #tpu.memory_space<vmem>>, vector<1x16xf32>,
        }
        %scan3A_202 = arith.constant 80 : i32
        %add3A_203 = arith.addi %mul3A_82, %mul3A_196 : i32
        "tpu.region"() ({
          %run_scoped3A = tpu.sem_alloc : memref<!tpu.dma_semaphore, #tpu.memory_space<semaphore_mem>>
          %dma_start3A_204 = arith.constant 0 : i32
          %dma_start3A_205 = tpu.memref_slice %arg8[%add3A_203, %dma_start3A_204] : memref<20000x32xf32, #tpu.memory_space<hbm>> -> memref<80x32xf32, #tpu.memory_space<hbm>>
          %dma_start3A_206 = arith.constant 0 : i32
          %dma_start3A_207 = tpu.memref_slice %arg8[%add3A_203, %dma_start3A_206] : memref<20000x32xf32, #tpu.memory_space<hbm>> -> memref<80x32xf32, #tpu.memory_space<hbm>>
          tpu.enqueue_dma source(%arg20 : memref<80x32xf32, #tpu.memory_space<vmem>>) target(%dma_start3A_207 : memref<80x32xf32, #tpu.memory_space<hbm>>) target_semaphore(%run_scoped3A : memref<!tpu.dma_semaphore, #tpu.memory_space<semaphore_mem>>)
          %dma_wait3A = arith.constant 0 : i32
          %dma_wait3A_208 = tpu.memref_slice %arg8[%add3A_203, %dma_wait3A] : memref<20000x32xf32, #tpu.memory_space<hbm>> -> memref<80x32xf32, #tpu.memory_space<hbm>>
          %dma_wait3A_209 = arith.constant 0 : i32
          %dma_wait3A_210 = tpu.memref_slice %arg8[%add3A_203, %dma_wait3A_209] : memref<20000x32xf32, #tpu.memory_space<hbm>> -> memref<80x32xf32, #tpu.memory_space<hbm>>
          tpu.wait_dma2 semaphore(%run_scoped3A : memref<!tpu.dma_semaphore, #tpu.memory_space<semaphore_mem>>) src(%arg20 : memref<80x32xf32, #tpu.memory_space<vmem>>) dst(%dma_wait3A_210 : memref<80x32xf32, #tpu.memory_space<hbm>>)
          tpu.yield
        }) : () -> ()
      } else {
      }
    }
    %scan3A_88 = arith.constant 8 : i32
    %mul3A_89 = arith.constant 10000 : i32
    %mul3A_90 = arith.muli %arg0, %mul3A_89 : i32
    %scan3A_91 = arith.constant 0 : i32
    %scan3A_92 = arith.constant 0 : i32
    %scan3A_93 = arith.constant 250 : i32
    %scan3A_94 = arith.addi %scan3A_92, %scan3A_93 : i32
    %scan3A_95 = arith.constant 1 : i32
    scf.for %scan3A_190 = %scan3A_92 to %scan3A_94 step %scan3A_95  : i32 {
      %get3A = arith.index_cast %scan3A_190 : i32 to index
      %get3A_191 = arith.constant 0 : index
      %get3A_192 = tpu.vector_load %arg11[%get3A, %get3A_191] {strides = array<i32>} : memref<250x80xi32, #tpu.memory_space<vmem>>, vector<1x16xi32>,
      %get3A_193 = vector.shape_cast %get3A_192 : vector<1x16xi32> to vector<16xi32>
      %add3A = vector.broadcast %mul3A_90 : i32 to vector<16xi32>
      %add3A_194 = arith.addi %get3A_193, %add3A : vector<16xi32>
      %swap3A = arith.index_cast %scan3A_190 : i32 to index
      %swap3A_195 = arith.constant 0 : index
      %swap3A_196 = tpu.vector_load %arg11[%swap3A, %swap3A_195] {strides = array<i32>} : memref<250x80xi32, #tpu.memory_space<vmem>>, vector<1x16xi32>,
      %swap3A_197 = vector.shape_cast %swap3A_196 : vector<1x16xi32> to vector<16xi32>
      %swap3A_198 = vector.shape_cast %add3A_194 : vector<16xi32> to vector<1x16xi32>
      tpu.vector_store %arg11[%swap3A, %swap3A_195], %swap3A_198 {strides = array<i32>} : memref<250x80xi32, #tpu.memory_space<vmem>>, vector<1x16xi32>,
      %get3A_199 = arith.index_cast %scan3A_190 : i32 to index
      %get3A_200 = arith.constant 16 : index
      %get3A_201 = tpu.vector_load %arg11[%get3A_199, %get3A_200] {strides = array<i32>} : memref<250x80xi32, #tpu.memory_space<vmem>>, vector<1x16xi32>,
      %get3A_202 = vector.shape_cast %get3A_201 : vector<1x16xi32> to vector<16xi32>
      %add3A_203 = vector.broadcast %mul3A_90 : i32 to vector<16xi32>
      %add3A_204 = arith.addi %get3A_202, %add3A_203 : vector<16xi32>
      %swap3A_205 = arith.index_cast %scan3A_190 : i32 to index
      %swap3A_206 = arith.constant 16 : index
      %swap3A_207 = tpu.vector_load %arg11[%swap3A_205, %swap3A_206] {strides = array<i32>} : memref<250x80xi32, #tpu.memory_space<vmem>>, vector<1x16xi32>,
      %swap3A_208 = vector.shape_cast %swap3A_207 : vector<1x16xi32> to vector<16xi32>
      %swap3A_209 = vector.shape_cast %add3A_204 : vector<16xi32> to vector<1x16xi32>
      tpu.vector_store %arg11[%swap3A_205, %swap3A_206], %swap3A_209 {strides = array<i32>} : memref<250x80xi32, #tpu.memory_space<vmem>>, vector<1x16xi32>,
      %get3A_210 = arith.index_cast %scan3A_190 : i32 to index
      %get3A_211 = arith.constant 32 : index
      %get3A_212 = tpu.vector_load %arg11[%get3A_210, %get3A_211] {strides = array<i32>} : memref<250x80xi32, #tpu.memory_space<vmem>>, vector<1x16xi32>,
      %get3A_213 = vector.shape_cast %get3A_212 : vector<1x16xi32> to vector<16xi32>
      %add3A_214 = vector.broadcast %mul3A_90 : i32 to vector<16xi32>
      %add3A_215 = arith.addi %get3A_213, %add3A_214 : vector<16xi32>
      %swap3A_216 = arith.index_cast %scan3A_190 : i32 to index
      %swap3A_217 = arith.constant 32 : index
      %swap3A_218 = tpu.vector_load %arg11[%swap3A_216, %swap3A_217] {strides = array<i32>} : memref<250x80xi32, #tpu.memory_space<vmem>>, vector<1x16xi32>,
      %swap3A_219 = vector.shape_cast %swap3A_218 : vector<1x16xi32> to vector<16xi32>
      %swap3A_220 = vector.shape_cast %add3A_215 : vector<16xi32> to vector<1x16xi32>
      tpu.vector_store %arg11[%swap3A_216, %swap3A_217], %swap3A_220 {strides = array<i32>} : memref<250x80xi32, #tpu.memory_space<vmem>>, vector<1x16xi32>,
      %get3A_221 = arith.index_cast %scan3A_190 : i32 to index
      %get3A_222 = arith.constant 48 : index
      %get3A_223 = tpu.vector_load %arg11[%get3A_221, %get3A_222] {strides = array<i32>} : memref<250x80xi32, #tpu.memory_space<vmem>>, vector<1x16xi32>,
      %get3A_224 = vector.shape_cast %get3A_223 : vector<1x16xi32> to vector<16xi32>
      %add3A_225 = vector.broadcast %mul3A_90 : i32 to vector<16xi32>
      %add3A_226 = arith.addi %get3A_224, %add3A_225 : vector<16xi32>
      %swap3A_227 = arith.index_cast %scan3A_190 : i32 to index
      %swap3A_228 = arith.constant 48 : index
      %swap3A_229 = tpu.vector_load %arg11[%swap3A_227, %swap3A_228] {strides = array<i32>} : memref<250x80xi32, #tpu.memory_space<vmem>>, vector<1x16xi32>,
      %swap3A_230 = vector.shape_cast %swap3A_229 : vector<1x16xi32> to vector<16xi32>
      %swap3A_231 = vector.shape_cast %add3A_226 : vector<16xi32> to vector<1x16xi32>
      tpu.vector_store %arg11[%swap3A_227, %swap3A_228], %swap3A_231 {strides = array<i32>} : memref<250x80xi32, #tpu.memory_space<vmem>>, vector<1x16xi32>,
      %get3A_232 = arith.index_cast %scan3A_190 : i32 to index
      %get3A_233 = arith.constant 64 : index
      %get3A_234 = tpu.vector_load %arg11[%get3A_232, %get3A_233] {strides = array<i32>} : memref<250x80xi32, #tpu.memory_space<vmem>>, vector<1x16xi32>,
      %get3A_235 = vector.shape_cast %get3A_234 : vector<1x16xi32> to vector<16xi32>
      %add3A_236 = vector.broadcast %mul3A_90 : i32 to vector<16xi32>
      %add3A_237 = arith.addi %get3A_235, %add3A_236 : vector<16xi32>
      %swap3A_238 = arith.index_cast %scan3A_190 : i32 to index
      %swap3A_239 = arith.constant 64 : index
      %swap3A_240 = tpu.vector_load %arg11[%swap3A_238, %swap3A_239] {strides = array<i32>} : memref<250x80xi32, #tpu.memory_space<vmem>>, vector<1x16xi32>,
      %swap3A_241 = vector.shape_cast %swap3A_240 : vector<1x16xi32> to vector<16xi32>
      %swap3A_242 = vector.shape_cast %add3A_237 : vector<16xi32> to vector<1x16xi32>
      tpu.vector_store %arg11[%swap3A_238, %swap3A_239], %swap3A_242 {strides = array<i32>} : memref<250x80xi32, #tpu.memory_space<vmem>>, vector<1x16xi32>,
    }
    %scan3A_96 = arith.constant 250 : i32
    %scan3A_97 = arith.constant 0 : i32
    %scan3A_98 = arith.constant 0 : i32
    %scan3A_99 = arith.constant 80 : i32
    %scan3A_100 = arith.addi %scan3A_98, %scan3A_99 : i32
    %scan3A_101 = arith.constant 1 : i32
    scf.for %scan3A_190 = %scan3A_98 to %scan3A_100 step %scan3A_101  : i32 {
      %swap3A = arith.index_cast %scan3A_190 : i32 to index
      %swap3A_191 = arith.constant 0 : index
      %swap3A_192 = tpu.vector_load %arg20[%swap3A, %swap3A_191] {strides = array<i32>} : memref<80x32xf32, #tpu.memory_space<vmem>>, vector<1x16xf32>,
      %swap3A_193 = vector.shape_cast %swap3A_192 : vector<1x16xf32> to vector<16xf32>
      %swap3A_194 = vector.shape_cast %broadcast_in_dim3A_0 : vector<16xf32> to vector<1x16xf32>
      tpu.vector_store %arg20[%swap3A, %swap3A_191], %swap3A_194 {strides = array<i32>} : memref<80x32xf32, #tpu.memory_space<vmem>>, vector<1x16xf32>,
      %swap3A_195 = arith.index_cast %scan3A_190 : i32 to index
      %swap3A_196 = arith.constant 16 : index
      %swap3A_197 = tpu.vector_load %arg20[%swap3A_195, %swap3A_196] {strides = array<i32>} : memref<80x32xf32, #tpu.memory_space<vmem>>, vector<1x16xf32>,
      %swap3A_198 = vector.shape_cast %swap3A_197 : vector<1x16xf32> to vector<16xf32>
      %swap3A_199 = vector.shape_cast %broadcast_in_dim3A_0 : vector<16xf32> to vector<1x16xf32>
      tpu.vector_store %arg20[%swap3A_195, %swap3A_196], %swap3A_199 {strides = array<i32>} : memref<80x32xf32, #tpu.memory_space<vmem>>, vector<1x16xf32>,
    }
    %scan3A_102 = arith.constant 80 : i32
    %scan3A_103 = arith.constant 0 : i32
    %scan3A_104 = arith.constant 0 : i32
    %scan3A_105 = arith.constant 8 : i32
    %scan3A_106 = arith.addi %scan3A_104, %scan3A_105 : i32
    %scan3A_107 = arith.constant 1 : i32
    scf.for %scan3A_190 = %scan3A_104 to %scan3A_106 step %scan3A_107  : i32 {
      %mul3A_191 = arith.constant 16 : i32
      %mul3A_192 = arith.muli %scan3A_190, %mul3A_191 : i32
      %add3A = arith.addi %arg1, %mul3A_192 : i32
      %lt3A = arith.constant 125 : i32
      %lt3A_193 = arith.cmpi slt, %add3A, %lt3A : i32
      %convert_element_type3A = arith.extui %lt3A_193 : i1 to i32
      %cond3A = arith.constant 0 : i32
      %cond3A_194 = arith.cmpi ne, %convert_element_type3A, %cond3A : i32
      scf.if %cond3A_194 {
        %mul3A_195 = arith.constant 80 : i32
        %mul3A_196 = arith.muli %add3A, %mul3A_195 : i32
        "tpu.region"() ({
          %run_scoped3A = tpu.sem_alloc : memref<!tpu.dma_semaphore, #tpu.memory_space<semaphore_mem>>
          %dma_start3A_197 = arith.constant 0 : i32
          %dma_start3A_198 = tpu.memref_slice %arg23[%mul3A_196, %dma_start3A_197] : memref<10000x32xf32, #tpu.memory_space<vmem_shared>> -> memref<80x32xf32, #tpu.memory_space<vmem_shared>>
          %dma_start3A_199 = arith.constant 0 : i32
          %dma_start3A_200 = tpu.memref_slice %arg23[%mul3A_196, %dma_start3A_199] : memref<10000x32xf32, #tpu.memory_space<vmem_shared>> -> memref<80x32xf32, #tpu.memory_space<vmem_shared>>
          tpu.enqueue_dma source(%arg20 : memref<80x32xf32, #tpu.memory_space<vmem>>) target(%dma_start3A_200 : memref<80x32xf32, #tpu.memory_space<vmem_shared>>) target_semaphore(%run_scoped3A : memref<!tpu.dma_semaphore, #tpu.memory_space<semaphore_mem>>)
          %dma_wait3A = arith.constant 0 : i32
          %dma_wait3A_201 = tpu.memref_slice %arg23[%mul3A_196, %dma_wait3A] : memref<10000x32xf32, #tpu.memory_space<vmem_shared>> -> memref<80x32xf32, #tpu.memory_space<vmem_shared>>
          %dma_wait3A_202 = arith.constant 0 : i32
          %dma_wait3A_203 = tpu.memref_slice %arg23[%mul3A_196, %dma_wait3A_202] : memref<10000x32xf32, #tpu.memory_space<vmem_shared>> -> memref<80x32xf32, #tpu.memory_space<vmem_shared>>
          tpu.wait_dma2 semaphore(%run_scoped3A : memref<!tpu.dma_semaphore, #tpu.memory_space<semaphore_mem>>) src(%arg20 : memref<80x32xf32, #tpu.memory_space<vmem>>) dst(%dma_wait3A_203 : memref<80x32xf32, #tpu.memory_space<vmem_shared>>)
          tpu.yield
        }) : () -> ()
      } else {
      }
    }
    %scan3A_108 = arith.constant 8 : i32
    %mul3A_109 = arith.constant 10000 : i32
    %mul3A_110 = arith.muli %arg0, %mul3A_109 : i32
    %neg3A = arith.constant 0 : i32
    %neg3A_111 = arith.subi %neg3A, %mul3A_110 : i32
    %scan3A_112 = arith.constant 0 : i32
    %scan3A_113 = arith.constant 0 : i32
    %scan3A_114 = arith.constant 250 : i32
    %scan3A_115 = arith.addi %scan3A_113, %scan3A_114 : i32
    %scan3A_116 = arith.constant 1 : i32
    scf.for %scan3A_190 = %scan3A_113 to %scan3A_115 step %scan3A_116  : i32 {
      %get3A = arith.index_cast %scan3A_190 : i32 to index
      %get3A_191 = arith.constant 0 : index
      %get3A_192 = tpu.vector_load %arg10[%get3A, %get3A_191] {strides = array<i32>} : memref<250x80xi32, #tpu.memory_space<vmem>>, vector<1x16xi32>,
      %get3A_193 = vector.shape_cast %get3A_192 : vector<1x16xi32> to vector<16xi32>
      %add3A = vector.broadcast %neg3A_111 : i32 to vector<16xi32>
      %add3A_194 = arith.addi %get3A_193, %add3A : vector<16xi32>
      %swap3A = arith.index_cast %scan3A_190 : i32 to index
      %swap3A_195 = arith.constant 0 : index
      %swap3A_196 = tpu.vector_load %arg10[%swap3A, %swap3A_195] {strides = array<i32>} : memref<250x80xi32, #tpu.memory_space<vmem>>, vector<1x16xi32>,
      %swap3A_197 = vector.shape_cast %swap3A_196 : vector<1x16xi32> to vector<16xi32>
      %swap3A_198 = vector.shape_cast %add3A_194 : vector<16xi32> to vector<1x16xi32>
      tpu.vector_store %arg10[%swap3A, %swap3A_195], %swap3A_198 {strides = array<i32>} : memref<250x80xi32, #tpu.memory_space<vmem>>, vector<1x16xi32>,
      %get3A_199 = arith.index_cast %scan3A_190 : i32 to index
      %get3A_200 = arith.constant 16 : index
      %get3A_201 = tpu.vector_load %arg10[%get3A_199, %get3A_200] {strides = array<i32>} : memref<250x80xi32, #tpu.memory_space<vmem>>, vector<1x16xi32>,
      %get3A_202 = vector.shape_cast %get3A_201 : vector<1x16xi32> to vector<16xi32>
      %add3A_203 = vector.broadcast %neg3A_111 : i32 to vector<16xi32>
      %add3A_204 = arith.addi %get3A_202, %add3A_203 : vector<16xi32>
      %swap3A_205 = arith.index_cast %scan3A_190 : i32 to index
      %swap3A_206 = arith.constant 16 : index
      %swap3A_207 = tpu.vector_load %arg10[%swap3A_205, %swap3A_206] {strides = array<i32>} : memref<250x80xi32, #tpu.memory_space<vmem>>, vector<1x16xi32>,
      %swap3A_208 = vector.shape_cast %swap3A_207 : vector<1x16xi32> to vector<16xi32>
      %swap3A_209 = vector.shape_cast %add3A_204 : vector<16xi32> to vector<1x16xi32>
      tpu.vector_store %arg10[%swap3A_205, %swap3A_206], %swap3A_209 {strides = array<i32>} : memref<250x80xi32, #tpu.memory_space<vmem>>, vector<1x16xi32>,
      %get3A_210 = arith.index_cast %scan3A_190 : i32 to index
      %get3A_211 = arith.constant 32 : index
      %get3A_212 = tpu.vector_load %arg10[%get3A_210, %get3A_211] {strides = array<i32>} : memref<250x80xi32, #tpu.memory_space<vmem>>, vector<1x16xi32>,
      %get3A_213 = vector.shape_cast %get3A_212 : vector<1x16xi32> to vector<16xi32>
      %add3A_214 = vector.broadcast %neg3A_111 : i32 to vector<16xi32>
      %add3A_215 = arith.addi %get3A_213, %add3A_214 : vector<16xi32>
      %swap3A_216 = arith.index_cast %scan3A_190 : i32 to index
      %swap3A_217 = arith.constant 32 : index
      %swap3A_218 = tpu.vector_load %arg10[%swap3A_216, %swap3A_217] {strides = array<i32>} : memref<250x80xi32, #tpu.memory_space<vmem>>, vector<1x16xi32>,
      %swap3A_219 = vector.shape_cast %swap3A_218 : vector<1x16xi32> to vector<16xi32>
      %swap3A_220 = vector.shape_cast %add3A_215 : vector<16xi32> to vector<1x16xi32>
      tpu.vector_store %arg10[%swap3A_216, %swap3A_217], %swap3A_220 {strides = array<i32>} : memref<250x80xi32, #tpu.memory_space<vmem>>, vector<1x16xi32>,
      %get3A_221 = arith.index_cast %scan3A_190 : i32 to index
      %get3A_222 = arith.constant 48 : index
      %get3A_223 = tpu.vector_load %arg10[%get3A_221, %get3A_222] {strides = array<i32>} : memref<250x80xi32, #tpu.memory_space<vmem>>, vector<1x16xi32>,
      %get3A_224 = vector.shape_cast %get3A_223 : vector<1x16xi32> to vector<16xi32>
      %add3A_225 = vector.broadcast %neg3A_111 : i32 to vector<16xi32>
      %add3A_226 = arith.addi %get3A_224, %add3A_225 : vector<16xi32>
      %swap3A_227 = arith.index_cast %scan3A_190 : i32 to index
      %swap3A_228 = arith.constant 48 : index
      %swap3A_229 = tpu.vector_load %arg10[%swap3A_227, %swap3A_228] {strides = array<i32>} : memref<250x80xi32, #tpu.memory_space<vmem>>, vector<1x16xi32>,
      %swap3A_230 = vector.shape_cast %swap3A_229 : vector<1x16xi32> to vector<16xi32>
      %swap3A_231 = vector.shape_cast %add3A_226 : vector<16xi32> to vector<1x16xi32>
      tpu.vector_store %arg10[%swap3A_227, %swap3A_228], %swap3A_231 {strides = array<i32>} : memref<250x80xi32, #tpu.memory_space<vmem>>, vector<1x16xi32>,
      %get3A_232 = arith.index_cast %scan3A_190 : i32 to index
      %get3A_233 = arith.constant 64 : index
      %get3A_234 = tpu.vector_load %arg10[%get3A_232, %get3A_233] {strides = array<i32>} : memref<250x80xi32, #tpu.memory_space<vmem>>, vector<1x16xi32>,
      %get3A_235 = vector.shape_cast %get3A_234 : vector<1x16xi32> to vector<16xi32>
      %add3A_236 = vector.broadcast %neg3A_111 : i32 to vector<16xi32>
      %add3A_237 = arith.addi %get3A_235, %add3A_236 : vector<16xi32>
      %swap3A_238 = arith.index_cast %scan3A_190 : i32 to index
      %swap3A_239 = arith.constant 64 : index
      %swap3A_240 = tpu.vector_load %arg10[%swap3A_238, %swap3A_239] {strides = array<i32>} : memref<250x80xi32, #tpu.memory_space<vmem>>, vector<1x16xi32>,
      %swap3A_241 = vector.shape_cast %swap3A_240 : vector<1x16xi32> to vector<16xi32>
      %swap3A_242 = vector.shape_cast %add3A_237 : vector<16xi32> to vector<1x16xi32>
      tpu.vector_store %arg10[%swap3A_238, %swap3A_239], %swap3A_242 {strides = array<i32>} : memref<250x80xi32, #tpu.memory_space<vmem>>, vector<1x16xi32>,
    }
    %scan3A_117 = arith.constant 250 : i32
    %barrier3A_118 = arith.constant 0 : index
    tpu.barrier barrier_id(%barrier3A_118)
    %dma_start3A_119 = arith.constant 0 : i32
    %dma_start3A_120 = arith.constant 0 : i32
    %dma_start3A_121 = tpu.memref_slice %arg11[%dma_start3A_119, %dma_start3A_120] : memref<250x80xi32, #tpu.memory_space<vmem>> -> memref<1x80xi32, #tpu.memory_space<vmem>>
    %dma_start3A_122 = tpu.memref_squeeze %dma_start3A_121 : memref<1x80xi32, #tpu.memory_space<vmem>> -> memref<80xi32, #tpu.memory_space<vmem>>
    %dma_start3A_123 = arith.constant 0 : i32
    %dma_start3A_124 = arith.constant 0 : i32
    %dma_start3A_125 = tpu.memref_slice %arg8[%dma_start3A_123, %dma_start3A_124] : memref<20000x32xf32, #tpu.memory_space<hbm>> -> memref<20000x32xf32, #tpu.memory_space<hbm>>
    tpu.enqueue_indirect_dma source(%dma_start3A_125 : memref<20000x32xf32, #tpu.memory_space<hbm>>) target(%arg12 : memref<80x32xf32, #tpu.memory_space<vmem>>) offsets(%dma_start3A_122 : memref<80xi32, #tpu.memory_space<vmem>>) semaphore(%arg24 : memref<!tpu.dma_semaphore, #tpu.memory_space<semaphore_mem>>)
    %dma_start3A_126 = arith.constant 1 : i32
    %dma_start3A_127 = arith.constant 0 : i32
    %dma_start3A_128 = tpu.memref_slice %arg11[%dma_start3A_126, %dma_start3A_127] : memref<250x80xi32, #tpu.memory_space<vmem>> -> memref<1x80xi32, #tpu.memory_space<vmem>>
    %dma_start3A_129 = tpu.memref_squeeze %dma_start3A_128 : memref<1x80xi32, #tpu.memory_space<vmem>> -> memref<80xi32, #tpu.memory_space<vmem>>
    %dma_start3A_130 = arith.constant 0 : i32
    %dma_start3A_131 = arith.constant 0 : i32
    %dma_start3A_132 = tpu.memref_slice %arg8[%dma_start3A_130, %dma_start3A_131] : memref<20000x32xf32, #tpu.memory_space<hbm>> -> memref<20000x32xf32, #tpu.memory_space<hbm>>
    tpu.enqueue_indirect_dma source(%dma_start3A_132 : memref<20000x32xf32, #tpu.memory_space<hbm>>) target(%arg13 : memref<80x32xf32, #tpu.memory_space<vmem>>) offsets(%dma_start3A_129 : memref<80xi32, #tpu.memory_space<vmem>>) semaphore(%arg25 : memref<!tpu.dma_semaphore, #tpu.memory_space<semaphore_mem>>)
    %dma_start3A_133 = arith.constant 2 : i32
    %dma_start3A_134 = arith.constant 0 : i32
    %dma_start3A_135 = tpu.memref_slice %arg11[%dma_start3A_133, %dma_start3A_134] : memref<250x80xi32, #tpu.memory_space<vmem>> -> memref<1x80xi32, #tpu.memory_space<vmem>>
    %dma_start3A_136 = tpu.memref_squeeze %dma_start3A_135 : memref<1x80xi32, #tpu.memory_space<vmem>> -> memref<80xi32, #tpu.memory_space<vmem>>
    %dma_start3A_137 = arith.constant 0 : i32
    %dma_start3A_138 = arith.constant 0 : i32
    %dma_start3A_139 = tpu.memref_slice %arg8[%dma_start3A_137, %dma_start3A_138] : memref<20000x32xf32, #tpu.memory_space<hbm>> -> memref<20000x32xf32, #tpu.memory_space<hbm>>
    tpu.enqueue_indirect_dma source(%dma_start3A_139 : memref<20000x32xf32, #tpu.memory_space<hbm>>) target(%arg14 : memref<80x32xf32, #tpu.memory_space<vmem>>) offsets(%dma_start3A_136 : memref<80xi32, #tpu.memory_space<vmem>>) semaphore(%arg26 : memref<!tpu.dma_semaphore, #tpu.memory_space<semaphore_mem>>)
    %dma_start3A_140 = arith.constant 3 : i32
    %dma_start3A_141 = arith.constant 0 : i32
    %dma_start3A_142 = tpu.memref_slice %arg11[%dma_start3A_140, %dma_start3A_141] : memref<250x80xi32, #tpu.memory_space<vmem>> -> memref<1x80xi32, #tpu.memory_space<vmem>>
    %dma_start3A_143 = tpu.memref_squeeze %dma_start3A_142 : memref<1x80xi32, #tpu.memory_space<vmem>> -> memref<80xi32, #tpu.memory_space<vmem>>
    %dma_start3A_144 = arith.constant 0 : i32
    %dma_start3A_145 = arith.constant 0 : i32
    %dma_start3A_146 = tpu.memref_slice %arg8[%dma_start3A_144, %dma_start3A_145] : memref<20000x32xf32, #tpu.memory_space<hbm>> -> memref<20000x32xf32, #tpu.memory_space<hbm>>
    tpu.enqueue_indirect_dma source(%dma_start3A_146 : memref<20000x32xf32, #tpu.memory_space<hbm>>) target(%arg15 : memref<80x32xf32, #tpu.memory_space<vmem>>) offsets(%dma_start3A_143 : memref<80xi32, #tpu.memory_space<vmem>>) semaphore(%arg27 : memref<!tpu.dma_semaphore, #tpu.memory_space<semaphore_mem>>)
    %dma_start3A_147 = arith.constant 4 : i32
    %dma_start3A_148 = arith.constant 0 : i32
    %dma_start3A_149 = tpu.memref_slice %arg11[%dma_start3A_147, %dma_start3A_148] : memref<250x80xi32, #tpu.memory_space<vmem>> -> memref<1x80xi32, #tpu.memory_space<vmem>>
    %dma_start3A_150 = tpu.memref_squeeze %dma_start3A_149 : memref<1x80xi32, #tpu.memory_space<vmem>> -> memref<80xi32, #tpu.memory_space<vmem>>
    %dma_start3A_151 = arith.constant 0 : i32
    %dma_start3A_152 = arith.constant 0 : i32
    %dma_start3A_153 = tpu.memref_slice %arg8[%dma_start3A_151, %dma_start3A_152] : memref<20000x32xf32, #tpu.memory_space<hbm>> -> memref<20000x32xf32, #tpu.memory_space<hbm>>
    tpu.enqueue_indirect_dma source(%dma_start3A_153 : memref<20000x32xf32, #tpu.memory_space<hbm>>) target(%arg16 : memref<80x32xf32, #tpu.memory_space<vmem>>) offsets(%dma_start3A_150 : memref<80xi32, #tpu.memory_space<vmem>>) semaphore(%arg28 : memref<!tpu.dma_semaphore, #tpu.memory_space<semaphore_mem>>)
    %dma_start3A_154 = arith.constant 5 : i32
    %dma_start3A_155 = arith.constant 0 : i32
    %dma_start3A_156 = tpu.memref_slice %arg11[%dma_start3A_154, %dma_start3A_155] : memref<250x80xi32, #tpu.memory_space<vmem>> -> memref<1x80xi32, #tpu.memory_space<vmem>>
    %dma_start3A_157 = tpu.memref_squeeze %dma_start3A_156 : memref<1x80xi32, #tpu.memory_space<vmem>> -> memref<80xi32, #tpu.memory_space<vmem>>
    %dma_start3A_158 = arith.constant 0 : i32
    %dma_start3A_159 = arith.constant 0 : i32
    %dma_start3A_160 = tpu.memref_slice %arg8[%dma_start3A_158, %dma_start3A_159] : memref<20000x32xf32, #tpu.memory_space<hbm>> -> memref<20000x32xf32, #tpu.memory_space<hbm>>
    tpu.enqueue_indirect_dma source(%dma_start3A_160 : memref<20000x32xf32, #tpu.memory_space<hbm>>) target(%arg17 : memref<80x32xf32, #tpu.memory_space<vmem>>) offsets(%dma_start3A_157 : memref<80xi32, #tpu.memory_space<vmem>>) semaphore(%arg29 : memref<!tpu.dma_semaphore, #tpu.memory_space<semaphore_mem>>)
    %dma_start3A_161 = arith.constant 6 : i32
    %dma_start3A_162 = arith.constant 0 : i32
    %dma_start3A_163 = tpu.memref_slice %arg11[%dma_start3A_161, %dma_start3A_162] : memref<250x80xi32, #tpu.memory_space<vmem>> -> memref<1x80xi32, #tpu.memory_space<vmem>>
    %dma_start3A_164 = tpu.memref_squeeze %dma_start3A_163 : memref<1x80xi32, #tpu.memory_space<vmem>> -> memref<80xi32, #tpu.memory_space<vmem>>
    %dma_start3A_165 = arith.constant 0 : i32
    %dma_start3A_166 = arith.constant 0 : i32
    %dma_start3A_167 = tpu.memref_slice %arg8[%dma_start3A_165, %dma_start3A_166] : memref<20000x32xf32, #tpu.memory_space<hbm>> -> memref<20000x32xf32, #tpu.memory_space<hbm>>
    tpu.enqueue_indirect_dma source(%dma_start3A_167 : memref<20000x32xf32, #tpu.memory_space<hbm>>) target(%arg18 : memref<80x32xf32, #tpu.memory_space<vmem>>) offsets(%dma_start3A_164 : memref<80xi32, #tpu.memory_space<vmem>>) semaphore(%arg30 : memref<!tpu.dma_semaphore, #tpu.memory_space<semaphore_mem>>)
    %dma_start3A_168 = arith.constant 7 : i32
    %dma_start3A_169 = arith.constant 0 : i32
    %dma_start3A_170 = tpu.memref_slice %arg11[%dma_start3A_168, %dma_start3A_169] : memref<250x80xi32, #tpu.memory_space<vmem>> -> memref<1x80xi32, #tpu.memory_space<vmem>>
    %dma_start3A_171 = tpu.memref_squeeze %dma_start3A_170 : memref<1x80xi32, #tpu.memory_space<vmem>> -> memref<80xi32, #tpu.memory_space<vmem>>
    %dma_start3A_172 = arith.constant 0 : i32
    %dma_start3A_173 = arith.constant 0 : i32
    %dma_start3A_174 = tpu.memref_slice %arg8[%dma_start3A_172, %dma_start3A_173] : memref<20000x32xf32, #tpu.memory_space<hbm>> -> memref<20000x32xf32, #tpu.memory_space<hbm>>
    tpu.enqueue_indirect_dma source(%dma_start3A_174 : memref<20000x32xf32, #tpu.memory_space<hbm>>) target(%arg19 : memref<80x32xf32, #tpu.memory_space<vmem>>) offsets(%dma_start3A_171 : memref<80xi32, #tpu.memory_space<vmem>>) semaphore(%arg31 : memref<!tpu.dma_semaphore, #tpu.memory_space<semaphore_mem>>)
    %scan3A_175 = arith.constant 0 : i32
    %scan3A_176 = arith.constant 0 : i32
    %scan3A_177 = arith.constant 32 : i32
    %scan3A_178 = arith.addi %scan3A_176, %scan3A_177 : i32
    %scan3A_179 = arith.constant 1 : i32
    scf.for %scan3A_190 = %scan3A_176 to %scan3A_178 step %scan3A_179  : i32 {
      %mul3A_191 = arith.constant 8 : i32
      %mul3A_192 = arith.muli %scan3A_190, %mul3A_191 : i32
      %add3A = arith.constant 0 : i32
      %add3A_193 = arith.addi %mul3A_192, %add3A : i32
      %lt3A = arith.constant 250 : i32
      %lt3A_194 = arith.cmpi slt, %add3A_193, %lt3A : i32
      %convert_element_type3A = arith.extui %lt3A_194 : i1 to i32
      %cond3A = arith.constant 0 : i32
      %cond3A_195 = arith.cmpi ne, %convert_element_type3A, %cond3A : i32
      scf.if %cond3A_195 {
        %dma_wait3A = arith.constant 0 : i32
        %dma_wait3A_259 = tpu.memref_slice %arg11[%add3A_193, %dma_wait3A] : memref<250x80xi32, #tpu.memory_space<vmem>> -> memref<1x80xi32, #tpu.memory_space<vmem>>
        %dma_wait3A_260 = tpu.memref_squeeze %dma_wait3A_259 : memref<1x80xi32, #tpu.memory_space<vmem>> -> memref<80xi32, #tpu.memory_space<vmem>>
        %dma_wait3A_261 = arith.constant 0 : i32
        %dma_wait3A_262 = arith.constant 0 : i32
        %dma_wait3A_263 = tpu.memref_slice %arg8[%dma_wait3A_261, %dma_wait3A_262] : memref<20000x32xf32, #tpu.memory_space<hbm>> -> memref<20000x32xf32, #tpu.memory_space<hbm>>
        tpu.wait_indirect_dma semaphore(%arg24 : memref<!tpu.dma_semaphore, #tpu.memory_space<semaphore_mem>>) src(%dma_wait3A_263 : memref<20000x32xf32, #tpu.memory_space<hbm>>) dst(%arg12 : memref<80x32xf32, #tpu.memory_space<vmem>>)
        "tpu.region"() ({
          %run_scoped3A = tpu.sem_alloc : memref<!tpu.dma_semaphore, #tpu.memory_space<semaphore_mem>>
          %dma_start3A_271 = arith.constant 0 : i32
          %dma_start3A_272 = tpu.memref_slice %arg10[%add3A_193, %dma_start3A_271] : memref<250x80xi32, #tpu.memory_space<vmem>> -> memref<1x80xi32, #tpu.memory_space<vmem>>
          %dma_start3A_273 = tpu.memref_squeeze %dma_start3A_272 : memref<1x80xi32, #tpu.memory_space<vmem>> -> memref<80xi32, #tpu.memory_space<vmem>>
          %dma_start3A_274 = arith.constant 0 : i32
          %dma_start3A_275 = arith.constant 0 : i32
          %dma_start3A_276 = tpu.memref_slice %arg23[%dma_start3A_274, %dma_start3A_275] : memref<10000x32xf32, #tpu.memory_space<vmem_shared>> -> memref<10000x32xf32, #tpu.memory_space<vmem_shared>>
          tpu.enqueue_indirect_dma source(%arg12 : memref<80x32xf32, #tpu.memory_space<vmem>>) target(%dma_start3A_276 : memref<10000x32xf32, #tpu.memory_space<vmem_shared>>) offsets(%dma_start3A_273 : memref<80xi32, #tpu.memory_space<vmem>>) semaphore(%run_scoped3A : memref<!tpu.dma_semaphore, #tpu.memory_space<semaphore_mem>>) {add = true}
          %dma_wait3A_277 = arith.constant 0 : i32
          %dma_wait3A_278 = tpu.memref_slice %arg10[%add3A_193, %dma_wait3A_277] : memref<250x80xi32, #tpu.memory_space<vmem>> -> memref<1x80xi32, #tpu.memory_space<vmem>>
          %dma_wait3A_279 = tpu.memref_squeeze %dma_wait3A_278 : memref<1x80xi32, #tpu.memory_space<vmem>> -> memref<80xi32, #tpu.memory_space<vmem>>
          %dma_wait3A_280 = arith.constant 0 : i32
          %dma_wait3A_281 = arith.constant 0 : i32
          %dma_wait3A_282 = tpu.memref_slice %arg23[%dma_wait3A_280, %dma_wait3A_281] : memref<10000x32xf32, #tpu.memory_space<vmem_shared>> -> memref<10000x32xf32, #tpu.memory_space<vmem_shared>>
          tpu.wait_indirect_dma semaphore(%run_scoped3A : memref<!tpu.dma_semaphore, #tpu.memory_space<semaphore_mem>>) src(%arg12 : memref<80x32xf32, #tpu.memory_space<vmem>>) dst(%dma_wait3A_282 : memref<10000x32xf32, #tpu.memory_space<vmem_shared>>)
          tpu.yield
        }) : () -> ()
        %add3A_264 = arith.constant 8 : i32
        %add3A_265 = arith.addi %add3A_193, %add3A_264 : i32
        %lt3A_266 = arith.constant 250 : i32
        %lt3A_267 = arith.cmpi slt, %add3A_265, %lt3A_266 : i32
        %convert_element_type3A_268 = arith.extui %lt3A_267 : i1 to i32
        %cond3A_269 = arith.constant 0 : i32
        %cond3A_270 = arith.cmpi ne, %convert_element_type3A_268, %cond3A_269 : i32
        scf.if %cond3A_270 {
          %add3A_271 = arith.constant 8 : i32
          %add3A_272 = arith.addi %add3A_193, %add3A_271 : i32
          %dma_start3A_273 = arith.constant 0 : i32
          %dma_start3A_274 = tpu.memref_slice %arg11[%add3A_272, %dma_start3A_273] : memref<250x80xi32, #tpu.memory_space<vmem>> -> memref<1x80xi32, #tpu.memory_space<vmem>>
          %dma_start3A_275 = tpu.memref_squeeze %dma_start3A_274 : memref<1x80xi32, #tpu.memory_space<vmem>> -> memref<80xi32, #tpu.memory_space<vmem>>
          %dma_start3A_276 = arith.constant 0 : i32
          %dma_start3A_277 = arith.constant 0 : i32
          %dma_start3A_278 = tpu.memref_slice %arg8[%dma_start3A_276, %dma_start3A_277] : memref<20000x32xf32, #tpu.memory_space<hbm>> -> memref<20000x32xf32, #tpu.memory_space<hbm>>
          tpu.enqueue_indirect_dma source(%dma_start3A_278 : memref<20000x32xf32, #tpu.memory_space<hbm>>) target(%arg12 : memref<80x32xf32, #tpu.memory_space<vmem>>) offsets(%dma_start3A_275 : memref<80xi32, #tpu.memory_space<vmem>>) semaphore(%arg24 : memref<!tpu.dma_semaphore, #tpu.memory_space<semaphore_mem>>)
        } else {
        }
      } else {
      }
      %mul3A_196 = arith.constant 8 : i32
      %mul3A_197 = arith.muli %scan3A_190, %mul3A_196 : i32
      %add3A_198 = arith.constant 1 : i32
      %add3A_199 = arith.addi %mul3A_197, %add3A_198 : i32
      %lt3A_200 = arith.constant 250 : i32
      %lt3A_201 = arith.cmpi slt, %add3A_199, %lt3A_200 : i32
      %convert_element_type3A_202 = arith.extui %lt3A_201 : i1 to i32
      %cond3A_203 = arith.constant 0 : i32
      %cond3A_204 = arith.cmpi ne, %convert_element_type3A_202, %cond3A_203 : i32
      scf.if %cond3A_204 {
        %dma_wait3A = arith.constant 0 : i32
        %dma_wait3A_259 = tpu.memref_slice %arg11[%add3A_199, %dma_wait3A] : memref<250x80xi32, #tpu.memory_space<vmem>> -> memref<1x80xi32, #tpu.memory_space<vmem>>
        %dma_wait3A_260 = tpu.memref_squeeze %dma_wait3A_259 : memref<1x80xi32, #tpu.memory_space<vmem>> -> memref<80xi32, #tpu.memory_space<vmem>>
        %dma_wait3A_261 = arith.constant 0 : i32
        %dma_wait3A_262 = arith.constant 0 : i32
        %dma_wait3A_263 = tpu.memref_slice %arg8[%dma_wait3A_261, %dma_wait3A_262] : memref<20000x32xf32, #tpu.memory_space<hbm>> -> memref<20000x32xf32, #tpu.memory_space<hbm>>
        tpu.wait_indirect_dma semaphore(%arg25 : memref<!tpu.dma_semaphore, #tpu.memory_space<semaphore_mem>>) src(%dma_wait3A_263 : memref<20000x32xf32, #tpu.memory_space<hbm>>) dst(%arg13 : memref<80x32xf32, #tpu.memory_space<vmem>>)
        "tpu.region"() ({
          %run_scoped3A = tpu.sem_alloc : memref<!tpu.dma_semaphore, #tpu.memory_space<semaphore_mem>>
          %dma_start3A_271 = arith.constant 0 : i32
          %dma_start3A_272 = tpu.memref_slice %arg10[%add3A_199, %dma_start3A_271] : memref<250x80xi32, #tpu.memory_space<vmem>> -> memref<1x80xi32, #tpu.memory_space<vmem>>
          %dma_start3A_273 = tpu.memref_squeeze %dma_start3A_272 : memref<1x80xi32, #tpu.memory_space<vmem>> -> memref<80xi32, #tpu.memory_space<vmem>>
          %dma_start3A_274 = arith.constant 0 : i32
          %dma_start3A_275 = arith.constant 0 : i32
          %dma_start3A_276 = tpu.memref_slice %arg23[%dma_start3A_274, %dma_start3A_275] : memref<10000x32xf32, #tpu.memory_space<vmem_shared>> -> memref<10000x32xf32, #tpu.memory_space<vmem_shared>>
          tpu.enqueue_indirect_dma source(%arg13 : memref<80x32xf32, #tpu.memory_space<vmem>>) target(%dma_start3A_276 : memref<10000x32xf32, #tpu.memory_space<vmem_shared>>) offsets(%dma_start3A_273 : memref<80xi32, #tpu.memory_space<vmem>>) semaphore(%run_scoped3A : memref<!tpu.dma_semaphore, #tpu.memory_space<semaphore_mem>>) {add = true}
          %dma_wait3A_277 = arith.constant 0 : i32
          %dma_wait3A_278 = tpu.memref_slice %arg10[%add3A_199, %dma_wait3A_277] : memref<250x80xi32, #tpu.memory_space<vmem>> -> memref<1x80xi32, #tpu.memory_space<vmem>>
          %dma_wait3A_279 = tpu.memref_squeeze %dma_wait3A_278 : memref<1x80xi32, #tpu.memory_space<vmem>> -> memref<80xi32, #tpu.memory_space<vmem>>
          %dma_wait3A_280 = arith.constant 0 : i32
          %dma_wait3A_281 = arith.constant 0 : i32
          %dma_wait3A_282 = tpu.memref_slice %arg23[%dma_wait3A_280, %dma_wait3A_281] : memref<10000x32xf32, #tpu.memory_space<vmem_shared>> -> memref<10000x32xf32, #tpu.memory_space<vmem_shared>>
          tpu.wait_indirect_dma semaphore(%run_scoped3A : memref<!tpu.dma_semaphore, #tpu.memory_space<semaphore_mem>>) src(%arg13 : memref<80x32xf32, #tpu.memory_space<vmem>>) dst(%dma_wait3A_282 : memref<10000x32xf32, #tpu.memory_space<vmem_shared>>)
          tpu.yield
        }) : () -> ()
        %add3A_264 = arith.constant 8 : i32
        %add3A_265 = arith.addi %add3A_199, %add3A_264 : i32
        %lt3A_266 = arith.constant 250 : i32
        %lt3A_267 = arith.cmpi slt, %add3A_265, %lt3A_266 : i32
        %convert_element_type3A_268 = arith.extui %lt3A_267 : i1 to i32
        %cond3A_269 = arith.constant 0 : i32
        %cond3A_270 = arith.cmpi ne, %convert_element_type3A_268, %cond3A_269 : i32
        scf.if %cond3A_270 {
          %add3A_271 = arith.constant 8 : i32
          %add3A_272 = arith.addi %add3A_199, %add3A_271 : i32
          %dma_start3A_273 = arith.constant 0 : i32
          %dma_start3A_274 = tpu.memref_slice %arg11[%add3A_272, %dma_start3A_273] : memref<250x80xi32, #tpu.memory_space<vmem>> -> memref<1x80xi32, #tpu.memory_space<vmem>>
          %dma_start3A_275 = tpu.memref_squeeze %dma_start3A_274 : memref<1x80xi32, #tpu.memory_space<vmem>> -> memref<80xi32, #tpu.memory_space<vmem>>
          %dma_start3A_276 = arith.constant 0 : i32
          %dma_start3A_277 = arith.constant 0 : i32
          %dma_start3A_278 = tpu.memref_slice %arg8[%dma_start3A_276, %dma_start3A_277] : memref<20000x32xf32, #tpu.memory_space<hbm>> -> memref<20000x32xf32, #tpu.memory_space<hbm>>
          tpu.enqueue_indirect_dma source(%dma_start3A_278 : memref<20000x32xf32, #tpu.memory_space<hbm>>) target(%arg13 : memref<80x32xf32, #tpu.memory_space<vmem>>) offsets(%dma_start3A_275 : memref<80xi32, #tpu.memory_space<vmem>>) semaphore(%arg25 : memref<!tpu.dma_semaphore, #tpu.memory_space<semaphore_mem>>)
        } else {
        }
      } else {
      }
      %mul3A_205 = arith.constant 8 : i32
      %mul3A_206 = arith.muli %scan3A_190, %mul3A_205 : i32
      %add3A_207 = arith.constant 2 : i32
      %add3A_208 = arith.addi %mul3A_206, %add3A_207 : i32
      %lt3A_209 = arith.constant 250 : i32
      %lt3A_210 = arith.cmpi slt, %add3A_208, %lt3A_209 : i32
      %convert_element_type3A_211 = arith.extui %lt3A_210 : i1 to i32
      %cond3A_212 = arith.constant 0 : i32
      %cond3A_213 = arith.cmpi ne, %convert_element_type3A_211, %cond3A_212 : i32
      scf.if %cond3A_213 {
        %dma_wait3A = arith.constant 0 : i32
        %dma_wait3A_259 = tpu.memref_slice %arg11[%add3A_208, %dma_wait3A] : memref<250x80xi32, #tpu.memory_space<vmem>> -> memref<1x80xi32, #tpu.memory_space<vmem>>
        %dma_wait3A_260 = tpu.memref_squeeze %dma_wait3A_259 : memref<1x80xi32, #tpu.memory_space<vmem>> -> memref<80xi32, #tpu.memory_space<vmem>>
        %dma_wait3A_261 = arith.constant 0 : i32
        %dma_wait3A_262 = arith.constant 0 : i32
        %dma_wait3A_263 = tpu.memref_slice %arg8[%dma_wait3A_261, %dma_wait3A_262] : memref<20000x32xf32, #tpu.memory_space<hbm>> -> memref<20000x32xf32, #tpu.memory_space<hbm>>
        tpu.wait_indirect_dma semaphore(%arg26 : memref<!tpu.dma_semaphore, #tpu.memory_space<semaphore_mem>>) src(%dma_wait3A_263 : memref<20000x32xf32, #tpu.memory_space<hbm>>) dst(%arg14 : memref<80x32xf32, #tpu.memory_space<vmem>>)
        "tpu.region"() ({
          %run_scoped3A = tpu.sem_alloc : memref<!tpu.dma_semaphore, #tpu.memory_space<semaphore_mem>>
          %dma_start3A_271 = arith.constant 0 : i32
          %dma_start3A_272 = tpu.memref_slice %arg10[%add3A_208, %dma_start3A_271] : memref<250x80xi32, #tpu.memory_space<vmem>> -> memref<1x80xi32, #tpu.memory_space<vmem>>
          %dma_start3A_273 = tpu.memref_squeeze %dma_start3A_272 : memref<1x80xi32, #tpu.memory_space<vmem>> -> memref<80xi32, #tpu.memory_space<vmem>>
          %dma_start3A_274 = arith.constant 0 : i32
          %dma_start3A_275 = arith.constant 0 : i32
          %dma_start3A_276 = tpu.memref_slice %arg23[%dma_start3A_274, %dma_start3A_275] : memref<10000x32xf32, #tpu.memory_space<vmem_shared>> -> memref<10000x32xf32, #tpu.memory_space<vmem_shared>>
          tpu.enqueue_indirect_dma source(%arg14 : memref<80x32xf32, #tpu.memory_space<vmem>>) target(%dma_start3A_276 : memref<10000x32xf32, #tpu.memory_space<vmem_shared>>) offsets(%dma_start3A_273 : memref<80xi32, #tpu.memory_space<vmem>>) semaphore(%run_scoped3A : memref<!tpu.dma_semaphore, #tpu.memory_space<semaphore_mem>>) {add = true}
          %dma_wait3A_277 = arith.constant 0 : i32
          %dma_wait3A_278 = tpu.memref_slice %arg10[%add3A_208, %dma_wait3A_277] : memref<250x80xi32, #tpu.memory_space<vmem>> -> memref<1x80xi32, #tpu.memory_space<vmem>>
          %dma_wait3A_279 = tpu.memref_squeeze %dma_wait3A_278 : memref<1x80xi32, #tpu.memory_space<vmem>> -> memref<80xi32, #tpu.memory_space<vmem>>
          %dma_wait3A_280 = arith.constant 0 : i32
          %dma_wait3A_281 = arith.constant 0 : i32
          %dma_wait3A_282 = tpu.memref_slice %arg23[%dma_wait3A_280, %dma_wait3A_281] : memref<10000x32xf32, #tpu.memory_space<vmem_shared>> -> memref<10000x32xf32, #tpu.memory_space<vmem_shared>>
          tpu.wait_indirect_dma semaphore(%run_scoped3A : memref<!tpu.dma_semaphore, #tpu.memory_space<semaphore_mem>>) src(%arg14 : memref<80x32xf32, #tpu.memory_space<vmem>>) dst(%dma_wait3A_282 : memref<10000x32xf32, #tpu.memory_space<vmem_shared>>)
          tpu.yield
        }) : () -> ()
        %add3A_264 = arith.constant 8 : i32
        %add3A_265 = arith.addi %add3A_208, %add3A_264 : i32
        %lt3A_266 = arith.constant 250 : i32
        %lt3A_267 = arith.cmpi slt, %add3A_265, %lt3A_266 : i32
        %convert_element_type3A_268 = arith.extui %lt3A_267 : i1 to i32
        %cond3A_269 = arith.constant 0 : i32
        %cond3A_270 = arith.cmpi ne, %convert_element_type3A_268, %cond3A_269 : i32
        scf.if %cond3A_270 {
          %add3A_271 = arith.constant 8 : i32
          %add3A_272 = arith.addi %add3A_208, %add3A_271 : i32
          %dma_start3A_273 = arith.constant 0 : i32
          %dma_start3A_274 = tpu.memref_slice %arg11[%add3A_272, %dma_start3A_273] : memref<250x80xi32, #tpu.memory_space<vmem>> -> memref<1x80xi32, #tpu.memory_space<vmem>>
          %dma_start3A_275 = tpu.memref_squeeze %dma_start3A_274 : memref<1x80xi32, #tpu.memory_space<vmem>> -> memref<80xi32, #tpu.memory_space<vmem>>
          %dma_start3A_276 = arith.constant 0 : i32
          %dma_start3A_277 = arith.constant 0 : i32
          %dma_start3A_278 = tpu.memref_slice %arg8[%dma_start3A_276, %dma_start3A_277] : memref<20000x32xf32, #tpu.memory_space<hbm>> -> memref<20000x32xf32, #tpu.memory_space<hbm>>
          tpu.enqueue_indirect_dma source(%dma_start3A_278 : memref<20000x32xf32, #tpu.memory_space<hbm>>) target(%arg14 : memref<80x32xf32, #tpu.memory_space<vmem>>) offsets(%dma_start3A_275 : memref<80xi32, #tpu.memory_space<vmem>>) semaphore(%arg26 : memref<!tpu.dma_semaphore, #tpu.memory_space<semaphore_mem>>)
        } else {
        }
      } else {
      }
      %mul3A_214 = arith.constant 8 : i32
      %mul3A_215 = arith.muli %scan3A_190, %mul3A_214 : i32
      %add3A_216 = arith.constant 3 : i32
      %add3A_217 = arith.addi %mul3A_215, %add3A_216 : i32
      %lt3A_218 = arith.constant 250 : i32
      %lt3A_219 = arith.cmpi slt, %add3A_217, %lt3A_218 : i32
      %convert_element_type3A_220 = arith.extui %lt3A_219 : i1 to i32
      %cond3A_221 = arith.constant 0 : i32
      %cond3A_222 = arith.cmpi ne, %convert_element_type3A_220, %cond3A_221 : i32
      scf.if %cond3A_222 {
        %dma_wait3A = arith.constant 0 : i32
        %dma_wait3A_259 = tpu.memref_slice %arg11[%add3A_217, %dma_wait3A] : memref<250x80xi32, #tpu.memory_space<vmem>> -> memref<1x80xi32, #tpu.memory_space<vmem>>
        %dma_wait3A_260 = tpu.memref_squeeze %dma_wait3A_259 : memref<1x80xi32, #tpu.memory_space<vmem>> -> memref<80xi32, #tpu.memory_space<vmem>>
        %dma_wait3A_261 = arith.constant 0 : i32
        %dma_wait3A_262 = arith.constant 0 : i32
        %dma_wait3A_263 = tpu.memref_slice %arg8[%dma_wait3A_261, %dma_wait3A_262] : memref<20000x32xf32, #tpu.memory_space<hbm>> -> memref<20000x32xf32, #tpu.memory_space<hbm>>
        tpu.wait_indirect_dma semaphore(%arg27 : memref<!tpu.dma_semaphore, #tpu.memory_space<semaphore_mem>>) src(%dma_wait3A_263 : memref<20000x32xf32, #tpu.memory_space<hbm>>) dst(%arg15 : memref<80x32xf32, #tpu.memory_space<vmem>>)
        "tpu.region"() ({
          %run_scoped3A = tpu.sem_alloc : memref<!tpu.dma_semaphore, #tpu.memory_space<semaphore_mem>>
          %dma_start3A_271 = arith.constant 0 : i32
          %dma_start3A_272 = tpu.memref_slice %arg10[%add3A_217, %dma_start3A_271] : memref<250x80xi32, #tpu.memory_space<vmem>> -> memref<1x80xi32, #tpu.memory_space<vmem>>
          %dma_start3A_273 = tpu.memref_squeeze %dma_start3A_272 : memref<1x80xi32, #tpu.memory_space<vmem>> -> memref<80xi32, #tpu.memory_space<vmem>>
          %dma_start3A_274 = arith.constant 0 : i32
          %dma_start3A_275 = arith.constant 0 : i32
          %dma_start3A_276 = tpu.memref_slice %arg23[%dma_start3A_274, %dma_start3A_275] : memref<10000x32xf32, #tpu.memory_space<vmem_shared>> -> memref<10000x32xf32, #tpu.memory_space<vmem_shared>>
          tpu.enqueue_indirect_dma source(%arg15 : memref<80x32xf32, #tpu.memory_space<vmem>>) target(%dma_start3A_276 : memref<10000x32xf32, #tpu.memory_space<vmem_shared>>) offsets(%dma_start3A_273 : memref<80xi32, #tpu.memory_space<vmem>>) semaphore(%run_scoped3A : memref<!tpu.dma_semaphore, #tpu.memory_space<semaphore_mem>>) {add = true}
          %dma_wait3A_277 = arith.constant 0 : i32
          %dma_wait3A_278 = tpu.memref_slice %arg10[%add3A_217, %dma_wait3A_277] : memref<250x80xi32, #tpu.memory_space<vmem>> -> memref<1x80xi32, #tpu.memory_space<vmem>>
          %dma_wait3A_279 = tpu.memref_squeeze %dma_wait3A_278 : memref<1x80xi32, #tpu.memory_space<vmem>> -> memref<80xi32, #tpu.memory_space<vmem>>
          %dma_wait3A_280 = arith.constant 0 : i32
          %dma_wait3A_281 = arith.constant 0 : i32
          %dma_wait3A_282 = tpu.memref_slice %arg23[%dma_wait3A_280, %dma_wait3A_281] : memref<10000x32xf32, #tpu.memory_space<vmem_shared>> -> memref<10000x32xf32, #tpu.memory_space<vmem_shared>>
          tpu.wait_indirect_dma semaphore(%run_scoped3A : memref<!tpu.dma_semaphore, #tpu.memory_space<semaphore_mem>>) src(%arg15 : memref<80x32xf32, #tpu.memory_space<vmem>>) dst(%dma_wait3A_282 : memref<10000x32xf32, #tpu.memory_space<vmem_shared>>)
          tpu.yield
        }) : () -> ()
        %add3A_264 = arith.constant 8 : i32
        %add3A_265 = arith.addi %add3A_217, %add3A_264 : i32
        %lt3A_266 = arith.constant 250 : i32
        %lt3A_267 = arith.cmpi slt, %add3A_265, %lt3A_266 : i32
        %convert_element_type3A_268 = arith.extui %lt3A_267 : i1 to i32
        %cond3A_269 = arith.constant 0 : i32
        %cond3A_270 = arith.cmpi ne, %convert_element_type3A_268, %cond3A_269 : i32
        scf.if %cond3A_270 {
          %add3A_271 = arith.constant 8 : i32
          %add3A_272 = arith.addi %add3A_217, %add3A_271 : i32
          %dma_start3A_273 = arith.constant 0 : i32
          %dma_start3A_274 = tpu.memref_slice %arg11[%add3A_272, %dma_start3A_273] : memref<250x80xi32, #tpu.memory_space<vmem>> -> memref<1x80xi32, #tpu.memory_space<vmem>>
          %dma_start3A_275 = tpu.memref_squeeze %dma_start3A_274 : memref<1x80xi32, #tpu.memory_space<vmem>> -> memref<80xi32, #tpu.memory_space<vmem>>
          %dma_start3A_276 = arith.constant 0 : i32
          %dma_start3A_277 = arith.constant 0 : i32
          %dma_start3A_278 = tpu.memref_slice %arg8[%dma_start3A_276, %dma_start3A_277] : memref<20000x32xf32, #tpu.memory_space<hbm>> -> memref<20000x32xf32, #tpu.memory_space<hbm>>
          tpu.enqueue_indirect_dma source(%dma_start3A_278 : memref<20000x32xf32, #tpu.memory_space<hbm>>) target(%arg15 : memref<80x32xf32, #tpu.memory_space<vmem>>) offsets(%dma_start3A_275 : memref<80xi32, #tpu.memory_space<vmem>>) semaphore(%arg27 : memref<!tpu.dma_semaphore, #tpu.memory_space<semaphore_mem>>)
        } else {
        }
      } else {
      }
      %mul3A_223 = arith.constant 8 : i32
      %mul3A_224 = arith.muli %scan3A_190, %mul3A_223 : i32
      %add3A_225 = arith.constant 4 : i32
      %add3A_226 = arith.addi %mul3A_224, %add3A_225 : i32
      %lt3A_227 = arith.constant 250 : i32
      %lt3A_228 = arith.cmpi slt, %add3A_226, %lt3A_227 : i32
      %convert_element_type3A_229 = arith.extui %lt3A_228 : i1 to i32
      %cond3A_230 = arith.constant 0 : i32
      %cond3A_231 = arith.cmpi ne, %convert_element_type3A_229, %cond3A_230 : i32
      scf.if %cond3A_231 {
        %dma_wait3A = arith.constant 0 : i32
        %dma_wait3A_259 = tpu.memref_slice %arg11[%add3A_226, %dma_wait3A] : memref<250x80xi32, #tpu.memory_space<vmem>> -> memref<1x80xi32, #tpu.memory_space<vmem>>
        %dma_wait3A_260 = tpu.memref_squeeze %dma_wait3A_259 : memref<1x80xi32, #tpu.memory_space<vmem>> -> memref<80xi32, #tpu.memory_space<vmem>>
        %dma_wait3A_261 = arith.constant 0 : i32
        %dma_wait3A_262 = arith.constant 0 : i32
        %dma_wait3A_263 = tpu.memref_slice %arg8[%dma_wait3A_261, %dma_wait3A_262] : memref<20000x32xf32, #tpu.memory_space<hbm>> -> memref<20000x32xf32, #tpu.memory_space<hbm>>
        tpu.wait_indirect_dma semaphore(%arg28 : memref<!tpu.dma_semaphore, #tpu.memory_space<semaphore_mem>>) src(%dma_wait3A_263 : memref<20000x32xf32, #tpu.memory_space<hbm>>) dst(%arg16 : memref<80x32xf32, #tpu.memory_space<vmem>>)
        "tpu.region"() ({
          %run_scoped3A = tpu.sem_alloc : memref<!tpu.dma_semaphore, #tpu.memory_space<semaphore_mem>>
          %dma_start3A_271 = arith.constant 0 : i32
          %dma_start3A_272 = tpu.memref_slice %arg10[%add3A_226, %dma_start3A_271] : memref<250x80xi32, #tpu.memory_space<vmem>> -> memref<1x80xi32, #tpu.memory_space<vmem>>
          %dma_start3A_273 = tpu.memref_squeeze %dma_start3A_272 : memref<1x80xi32, #tpu.memory_space<vmem>> -> memref<80xi32, #tpu.memory_space<vmem>>
          %dma_start3A_274 = arith.constant 0 : i32
          %dma_start3A_275 = arith.constant 0 : i32
          %dma_start3A_276 = tpu.memref_slice %arg23[%dma_start3A_274, %dma_start3A_275] : memref<10000x32xf32, #tpu.memory_space<vmem_shared>> -> memref<10000x32xf32, #tpu.memory_space<vmem_shared>>
          tpu.enqueue_indirect_dma source(%arg16 : memref<80x32xf32, #tpu.memory_space<vmem>>) target(%dma_start3A_276 : memref<10000x32xf32, #tpu.memory_space<vmem_shared>>) offsets(%dma_start3A_273 : memref<80xi32, #tpu.memory_space<vmem>>) semaphore(%run_scoped3A : memref<!tpu.dma_semaphore, #tpu.memory_space<semaphore_mem>>) {add = true}
          %dma_wait3A_277 = arith.constant 0 : i32
          %dma_wait3A_278 = tpu.memref_slice %arg10[%add3A_226, %dma_wait3A_277] : memref<250x80xi32, #tpu.memory_space<vmem>> -> memref<1x80xi32, #tpu.memory_space<vmem>>
          %dma_wait3A_279 = tpu.memref_squeeze %dma_wait3A_278 : memref<1x80xi32, #tpu.memory_space<vmem>> -> memref<80xi32, #tpu.memory_space<vmem>>
          %dma_wait3A_280 = arith.constant 0 : i32
          %dma_wait3A_281 = arith.constant 0 : i32
          %dma_wait3A_282 = tpu.memref_slice %arg23[%dma_wait3A_280, %dma_wait3A_281] : memref<10000x32xf32, #tpu.memory_space<vmem_shared>> -> memref<10000x32xf32, #tpu.memory_space<vmem_shared>>
          tpu.wait_indirect_dma semaphore(%run_scoped3A : memref<!tpu.dma_semaphore, #tpu.memory_space<semaphore_mem>>) src(%arg16 : memref<80x32xf32, #tpu.memory_space<vmem>>) dst(%dma_wait3A_282 : memref<10000x32xf32, #tpu.memory_space<vmem_shared>>)
          tpu.yield
        }) : () -> ()
        %add3A_264 = arith.constant 8 : i32
        %add3A_265 = arith.addi %add3A_226, %add3A_264 : i32
        %lt3A_266 = arith.constant 250 : i32
        %lt3A_267 = arith.cmpi slt, %add3A_265, %lt3A_266 : i32
        %convert_element_type3A_268 = arith.extui %lt3A_267 : i1 to i32
        %cond3A_269 = arith.constant 0 : i32
        %cond3A_270 = arith.cmpi ne, %convert_element_type3A_268, %cond3A_269 : i32
        scf.if %cond3A_270 {
          %add3A_271 = arith.constant 8 : i32
          %add3A_272 = arith.addi %add3A_226, %add3A_271 : i32
          %dma_start3A_273 = arith.constant 0 : i32
          %dma_start3A_274 = tpu.memref_slice %arg11[%add3A_272, %dma_start3A_273] : memref<250x80xi32, #tpu.memory_space<vmem>> -> memref<1x80xi32, #tpu.memory_space<vmem>>
          %dma_start3A_275 = tpu.memref_squeeze %dma_start3A_274 : memref<1x80xi32, #tpu.memory_space<vmem>> -> memref<80xi32, #tpu.memory_space<vmem>>
          %dma_start3A_276 = arith.constant 0 : i32
          %dma_start3A_277 = arith.constant 0 : i32
          %dma_start3A_278 = tpu.memref_slice %arg8[%dma_start3A_276, %dma_start3A_277] : memref<20000x32xf32, #tpu.memory_space<hbm>> -> memref<20000x32xf32, #tpu.memory_space<hbm>>
          tpu.enqueue_indirect_dma source(%dma_start3A_278 : memref<20000x32xf32, #tpu.memory_space<hbm>>) target(%arg16 : memref<80x32xf32, #tpu.memory_space<vmem>>) offsets(%dma_start3A_275 : memref<80xi32, #tpu.memory_space<vmem>>) semaphore(%arg28 : memref<!tpu.dma_semaphore, #tpu.memory_space<semaphore_mem>>)
        } else {
        }
      } else {
      }
      %mul3A_232 = arith.constant 8 : i32
      %mul3A_233 = arith.muli %scan3A_190, %mul3A_232 : i32
      %add3A_234 = arith.constant 5 : i32
      %add3A_235 = arith.addi %mul3A_233, %add3A_234 : i32
      %lt3A_236 = arith.constant 250 : i32
      %lt3A_237 = arith.cmpi slt, %add3A_235, %lt3A_236 : i32
      %convert_element_type3A_238 = arith.extui %lt3A_237 : i1 to i32
      %cond3A_239 = arith.constant 0 : i32
      %cond3A_240 = arith.cmpi ne, %convert_element_type3A_238, %cond3A_239 : i32
      scf.if %cond3A_240 {
        %dma_wait3A = arith.constant 0 : i32
        %dma_wait3A_259 = tpu.memref_slice %arg11[%add3A_235, %dma_wait3A] : memref<250x80xi32, #tpu.memory_space<vmem>> -> memref<1x80xi32, #tpu.memory_space<vmem>>
        %dma_wait3A_260 = tpu.memref_squeeze %dma_wait3A_259 : memref<1x80xi32, #tpu.memory_space<vmem>> -> memref<80xi32, #tpu.memory_space<vmem>>
        %dma_wait3A_261 = arith.constant 0 : i32
        %dma_wait3A_262 = arith.constant 0 : i32
        %dma_wait3A_263 = tpu.memref_slice %arg8[%dma_wait3A_261, %dma_wait3A_262] : memref<20000x32xf32, #tpu.memory_space<hbm>> -> memref<20000x32xf32, #tpu.memory_space<hbm>>
        tpu.wait_indirect_dma semaphore(%arg29 : memref<!tpu.dma_semaphore, #tpu.memory_space<semaphore_mem>>) src(%dma_wait3A_263 : memref<20000x32xf32, #tpu.memory_space<hbm>>) dst(%arg17 : memref<80x32xf32, #tpu.memory_space<vmem>>)
        "tpu.region"() ({
          %run_scoped3A = tpu.sem_alloc : memref<!tpu.dma_semaphore, #tpu.memory_space<semaphore_mem>>
          %dma_start3A_271 = arith.constant 0 : i32
          %dma_start3A_272 = tpu.memref_slice %arg10[%add3A_235, %dma_start3A_271] : memref<250x80xi32, #tpu.memory_space<vmem>> -> memref<1x80xi32, #tpu.memory_space<vmem>>
          %dma_start3A_273 = tpu.memref_squeeze %dma_start3A_272 : memref<1x80xi32, #tpu.memory_space<vmem>> -> memref<80xi32, #tpu.memory_space<vmem>>
          %dma_start3A_274 = arith.constant 0 : i32
          %dma_start3A_275 = arith.constant 0 : i32
          %dma_start3A_276 = tpu.memref_slice %arg23[%dma_start3A_274, %dma_start3A_275] : memref<10000x32xf32, #tpu.memory_space<vmem_shared>> -> memref<10000x32xf32, #tpu.memory_space<vmem_shared>>
          tpu.enqueue_indirect_dma source(%arg17 : memref<80x32xf32, #tpu.memory_space<vmem>>) target(%dma_start3A_276 : memref<10000x32xf32, #tpu.memory_space<vmem_shared>>) offsets(%dma_start3A_273 : memref<80xi32, #tpu.memory_space<vmem>>) semaphore(%run_scoped3A : memref<!tpu.dma_semaphore, #tpu.memory_space<semaphore_mem>>) {add = true}
          %dma_wait3A_277 = arith.constant 0 : i32
          %dma_wait3A_278 = tpu.memref_slice %arg10[%add3A_235, %dma_wait3A_277] : memref<250x80xi32, #tpu.memory_space<vmem>> -> memref<1x80xi32, #tpu.memory_space<vmem>>
          %dma_wait3A_279 = tpu.memref_squeeze %dma_wait3A_278 : memref<1x80xi32, #tpu.memory_space<vmem>> -> memref<80xi32, #tpu.memory_space<vmem>>
          %dma_wait3A_280 = arith.constant 0 : i32
          %dma_wait3A_281 = arith.constant 0 : i32
          %dma_wait3A_282 = tpu.memref_slice %arg23[%dma_wait3A_280, %dma_wait3A_281] : memref<10000x32xf32, #tpu.memory_space<vmem_shared>> -> memref<10000x32xf32, #tpu.memory_space<vmem_shared>>
          tpu.wait_indirect_dma semaphore(%run_scoped3A : memref<!tpu.dma_semaphore, #tpu.memory_space<semaphore_mem>>) src(%arg17 : memref<80x32xf32, #tpu.memory_space<vmem>>) dst(%dma_wait3A_282 : memref<10000x32xf32, #tpu.memory_space<vmem_shared>>)
          tpu.yield
        }) : () -> ()
        %add3A_264 = arith.constant 8 : i32
        %add3A_265 = arith.addi %add3A_235, %add3A_264 : i32
        %lt3A_266 = arith.constant 250 : i32
        %lt3A_267 = arith.cmpi slt, %add3A_265, %lt3A_266 : i32
        %convert_element_type3A_268 = arith.extui %lt3A_267 : i1 to i32
        %cond3A_269 = arith.constant 0 : i32
        %cond3A_270 = arith.cmpi ne, %convert_element_type3A_268, %cond3A_269 : i32
        scf.if %cond3A_270 {
          %add3A_271 = arith.constant 8 : i32
          %add3A_272 = arith.addi %add3A_235, %add3A_271 : i32
          %dma_start3A_273 = arith.constant 0 : i32
          %dma_start3A_274 = tpu.memref_slice %arg11[%add3A_272, %dma_start3A_273] : memref<250x80xi32, #tpu.memory_space<vmem>> -> memref<1x80xi32, #tpu.memory_space<vmem>>
          %dma_start3A_275 = tpu.memref_squeeze %dma_start3A_274 : memref<1x80xi32, #tpu.memory_space<vmem>> -> memref<80xi32, #tpu.memory_space<vmem>>
          %dma_start3A_276 = arith.constant 0 : i32
          %dma_start3A_277 = arith.constant 0 : i32
          %dma_start3A_278 = tpu.memref_slice %arg8[%dma_start3A_276, %dma_start3A_277] : memref<20000x32xf32, #tpu.memory_space<hbm>> -> memref<20000x32xf32, #tpu.memory_space<hbm>>
          tpu.enqueue_indirect_dma source(%dma_start3A_278 : memref<20000x32xf32, #tpu.memory_space<hbm>>) target(%arg17 : memref<80x32xf32, #tpu.memory_space<vmem>>) offsets(%dma_start3A_275 : memref<80xi32, #tpu.memory_space<vmem>>) semaphore(%arg29 : memref<!tpu.dma_semaphore, #tpu.memory_space<semaphore_mem>>)
        } else {
        }
      } else {
      }
      %mul3A_241 = arith.constant 8 : i32
      %mul3A_242 = arith.muli %scan3A_190, %mul3A_241 : i32
      %add3A_243 = arith.constant 6 : i32
      %add3A_244 = arith.addi %mul3A_242, %add3A_243 : i32
      %lt3A_245 = arith.constant 250 : i32
      %lt3A_246 = arith.cmpi slt, %add3A_244, %lt3A_245 : i32
      %convert_element_type3A_247 = arith.extui %lt3A_246 : i1 to i32
      %cond3A_248 = arith.constant 0 : i32
      %cond3A_249 = arith.cmpi ne, %convert_element_type3A_247, %cond3A_248 : i32
      scf.if %cond3A_249 {
        %dma_wait3A = arith.constant 0 : i32
        %dma_wait3A_259 = tpu.memref_slice %arg11[%add3A_244, %dma_wait3A] : memref<250x80xi32, #tpu.memory_space<vmem>> -> memref<1x80xi32, #tpu.memory_space<vmem>>
        %dma_wait3A_260 = tpu.memref_squeeze %dma_wait3A_259 : memref<1x80xi32, #tpu.memory_space<vmem>> -> memref<80xi32, #tpu.memory_space<vmem>>
        %dma_wait3A_261 = arith.constant 0 : i32
        %dma_wait3A_262 = arith.constant 0 : i32
        %dma_wait3A_263 = tpu.memref_slice %arg8[%dma_wait3A_261, %dma_wait3A_262] : memref<20000x32xf32, #tpu.memory_space<hbm>> -> memref<20000x32xf32, #tpu.memory_space<hbm>>
        tpu.wait_indirect_dma semaphore(%arg30 : memref<!tpu.dma_semaphore, #tpu.memory_space<semaphore_mem>>) src(%dma_wait3A_263 : memref<20000x32xf32, #tpu.memory_space<hbm>>) dst(%arg18 : memref<80x32xf32, #tpu.memory_space<vmem>>)
        "tpu.region"() ({
          %run_scoped3A = tpu.sem_alloc : memref<!tpu.dma_semaphore, #tpu.memory_space<semaphore_mem>>
          %dma_start3A_271 = arith.constant 0 : i32
          %dma_start3A_272 = tpu.memref_slice %arg10[%add3A_244, %dma_start3A_271] : memref<250x80xi32, #tpu.memory_space<vmem>> -> memref<1x80xi32, #tpu.memory_space<vmem>>
          %dma_start3A_273 = tpu.memref_squeeze %dma_start3A_272 : memref<1x80xi32, #tpu.memory_space<vmem>> -> memref<80xi32, #tpu.memory_space<vmem>>
          %dma_start3A_274 = arith.constant 0 : i32
          %dma_start3A_275 = arith.constant 0 : i32
          %dma_start3A_276 = tpu.memref_slice %arg23[%dma_start3A_274, %dma_start3A_275] : memref<10000x32xf32, #tpu.memory_space<vmem_shared>> -> memref<10000x32xf32, #tpu.memory_space<vmem_shared>>
          tpu.enqueue_indirect_dma source(%arg18 : memref<80x32xf32, #tpu.memory_space<vmem>>) target(%dma_start3A_276 : memref<10000x32xf32, #tpu.memory_space<vmem_shared>>) offsets(%dma_start3A_273 : memref<80xi32, #tpu.memory_space<vmem>>) semaphore(%run_scoped3A : memref<!tpu.dma_semaphore, #tpu.memory_space<semaphore_mem>>) {add = true}
          %dma_wait3A_277 = arith.constant 0 : i32
          %dma_wait3A_278 = tpu.memref_slice %arg10[%add3A_244, %dma_wait3A_277] : memref<250x80xi32, #tpu.memory_space<vmem>> -> memref<1x80xi32, #tpu.memory_space<vmem>>
          %dma_wait3A_279 = tpu.memref_squeeze %dma_wait3A_278 : memref<1x80xi32, #tpu.memory_space<vmem>> -> memref<80xi32, #tpu.memory_space<vmem>>
          %dma_wait3A_280 = arith.constant 0 : i32
          %dma_wait3A_281 = arith.constant 0 : i32
          %dma_wait3A_282 = tpu.memref_slice %arg23[%dma_wait3A_280, %dma_wait3A_281] : memref<10000x32xf32, #tpu.memory_space<vmem_shared>> -> memref<10000x32xf32, #tpu.memory_space<vmem_shared>>
          tpu.wait_indirect_dma semaphore(%run_scoped3A : memref<!tpu.dma_semaphore, #tpu.memory_space<semaphore_mem>>) src(%arg18 : memref<80x32xf32, #tpu.memory_space<vmem>>) dst(%dma_wait3A_282 : memref<10000x32xf32, #tpu.memory_space<vmem_shared>>)
          tpu.yield
        }) : () -> ()
        %add3A_264 = arith.constant 8 : i32
        %add3A_265 = arith.addi %add3A_244, %add3A_264 : i32
        %lt3A_266 = arith.constant 250 : i32
        %lt3A_267 = arith.cmpi slt, %add3A_265, %lt3A_266 : i32
        %convert_element_type3A_268 = arith.extui %lt3A_267 : i1 to i32
        %cond3A_269 = arith.constant 0 : i32
        %cond3A_270 = arith.cmpi ne, %convert_element_type3A_268, %cond3A_269 : i32
        scf.if %cond3A_270 {
          %add3A_271 = arith.constant 8 : i32
          %add3A_272 = arith.addi %add3A_244, %add3A_271 : i32
          %dma_start3A_273 = arith.constant 0 : i32
          %dma_start3A_274 = tpu.memref_slice %arg11[%add3A_272, %dma_start3A_273] : memref<250x80xi32, #tpu.memory_space<vmem>> -> memref<1x80xi32, #tpu.memory_space<vmem>>
          %dma_start3A_275 = tpu.memref_squeeze %dma_start3A_274 : memref<1x80xi32, #tpu.memory_space<vmem>> -> memref<80xi32, #tpu.memory_space<vmem>>
          %dma_start3A_276 = arith.constant 0 : i32
          %dma_start3A_277 = arith.constant 0 : i32
          %dma_start3A_278 = tpu.memref_slice %arg8[%dma_start3A_276, %dma_start3A_277] : memref<20000x32xf32, #tpu.memory_space<hbm>> -> memref<20000x32xf32, #tpu.memory_space<hbm>>
          tpu.enqueue_indirect_dma source(%dma_start3A_278 : memref<20000x32xf32, #tpu.memory_space<hbm>>) target(%arg18 : memref<80x32xf32, #tpu.memory_space<vmem>>) offsets(%dma_start3A_275 : memref<80xi32, #tpu.memory_space<vmem>>) semaphore(%arg30 : memref<!tpu.dma_semaphore, #tpu.memory_space<semaphore_mem>>)
        } else {
        }
      } else {
      }
      %mul3A_250 = arith.constant 8 : i32
      %mul3A_251 = arith.muli %scan3A_190, %mul3A_250 : i32
      %add3A_252 = arith.constant 7 : i32
      %add3A_253 = arith.addi %mul3A_251, %add3A_252 : i32
      %lt3A_254 = arith.constant 250 : i32
      %lt3A_255 = arith.cmpi slt, %add3A_253, %lt3A_254 : i32
      %convert_element_type3A_256 = arith.extui %lt3A_255 : i1 to i32
      %cond3A_257 = arith.constant 0 : i32
      %cond3A_258 = arith.cmpi ne, %convert_element_type3A_256, %cond3A_257 : i32
      scf.if %cond3A_258 {
        %dma_wait3A = arith.constant 0 : i32
        %dma_wait3A_259 = tpu.memref_slice %arg11[%add3A_253, %dma_wait3A] : memref<250x80xi32, #tpu.memory_space<vmem>> -> memref<1x80xi32, #tpu.memory_space<vmem>>
        %dma_wait3A_260 = tpu.memref_squeeze %dma_wait3A_259 : memref<1x80xi32, #tpu.memory_space<vmem>> -> memref<80xi32, #tpu.memory_space<vmem>>
        %dma_wait3A_261 = arith.constant 0 : i32
        %dma_wait3A_262 = arith.constant 0 : i32
        %dma_wait3A_263 = tpu.memref_slice %arg8[%dma_wait3A_261, %dma_wait3A_262] : memref<20000x32xf32, #tpu.memory_space<hbm>> -> memref<20000x32xf32, #tpu.memory_space<hbm>>
        tpu.wait_indirect_dma semaphore(%arg31 : memref<!tpu.dma_semaphore, #tpu.memory_space<semaphore_mem>>) src(%dma_wait3A_263 : memref<20000x32xf32, #tpu.memory_space<hbm>>) dst(%arg19 : memref<80x32xf32, #tpu.memory_space<vmem>>)
        "tpu.region"() ({
          %run_scoped3A = tpu.sem_alloc : memref<!tpu.dma_semaphore, #tpu.memory_space<semaphore_mem>>
          %dma_start3A_271 = arith.constant 0 : i32
          %dma_start3A_272 = tpu.memref_slice %arg10[%add3A_253, %dma_start3A_271] : memref<250x80xi32, #tpu.memory_space<vmem>> -> memref<1x80xi32, #tpu.memory_space<vmem>>
          %dma_start3A_273 = tpu.memref_squeeze %dma_start3A_272 : memref<1x80xi32, #tpu.memory_space<vmem>> -> memref<80xi32, #tpu.memory_space<vmem>>
          %dma_start3A_274 = arith.constant 0 : i32
          %dma_start3A_275 = arith.constant 0 : i32
          %dma_start3A_276 = tpu.memref_slice %arg23[%dma_start3A_274, %dma_start3A_275] : memref<10000x32xf32, #tpu.memory_space<vmem_shared>> -> memref<10000x32xf32, #tpu.memory_space<vmem_shared>>
          tpu.enqueue_indirect_dma source(%arg19 : memref<80x32xf32, #tpu.memory_space<vmem>>) target(%dma_start3A_276 : memref<10000x32xf32, #tpu.memory_space<vmem_shared>>) offsets(%dma_start3A_273 : memref<80xi32, #tpu.memory_space<vmem>>) semaphore(%run_scoped3A : memref<!tpu.dma_semaphore, #tpu.memory_space<semaphore_mem>>) {add = true}
          %dma_wait3A_277 = arith.constant 0 : i32
          %dma_wait3A_278 = tpu.memref_slice %arg10[%add3A_253, %dma_wait3A_277] : memref<250x80xi32, #tpu.memory_space<vmem>> -> memref<1x80xi32, #tpu.memory_space<vmem>>
          %dma_wait3A_279 = tpu.memref_squeeze %dma_wait3A_278 : memref<1x80xi32, #tpu.memory_space<vmem>> -> memref<80xi32, #tpu.memory_space<vmem>>
          %dma_wait3A_280 = arith.constant 0 : i32
          %dma_wait3A_281 = arith.constant 0 : i32
          %dma_wait3A_282 = tpu.memref_slice %arg23[%dma_wait3A_280, %dma_wait3A_281] : memref<10000x32xf32, #tpu.memory_space<vmem_shared>> -> memref<10000x32xf32, #tpu.memory_space<vmem_shared>>
          tpu.wait_indirect_dma semaphore(%run_scoped3A : memref<!tpu.dma_semaphore, #tpu.memory_space<semaphore_mem>>) src(%arg19 : memref<80x32xf32, #tpu.memory_space<vmem>>) dst(%dma_wait3A_282 : memref<10000x32xf32, #tpu.memory_space<vmem_shared>>)
          tpu.yield
        }) : () -> ()
        %add3A_264 = arith.constant 8 : i32
        %add3A_265 = arith.addi %add3A_253, %add3A_264 : i32
        %lt3A_266 = arith.constant 250 : i32
        %lt3A_267 = arith.cmpi slt, %add3A_265, %lt3A_266 : i32
        %convert_element_type3A_268 = arith.extui %lt3A_267 : i1 to i32
        %cond3A_269 = arith.constant 0 : i32
        %cond3A_270 = arith.cmpi ne, %convert_element_type3A_268, %cond3A_269 : i32
        scf.if %cond3A_270 {
          %add3A_271 = arith.constant 8 : i32
          %add3A_272 = arith.addi %add3A_253, %add3A_271 : i32
          %dma_start3A_273 = arith.constant 0 : i32
          %dma_start3A_274 = tpu.memref_slice %arg11[%add3A_272, %dma_start3A_273] : memref<250x80xi32, #tpu.memory_space<vmem>> -> memref<1x80xi32, #tpu.memory_space<vmem>>
          %dma_start3A_275 = tpu.memref_squeeze %dma_start3A_274 : memref<1x80xi32, #tpu.memory_space<vmem>> -> memref<80xi32, #tpu.memory_space<vmem>>
          %dma_start3A_276 = arith.constant 0 : i32
          %dma_start3A_277 = arith.constant 0 : i32
          %dma_start3A_278 = tpu.memref_slice %arg8[%dma_start3A_276, %dma_start3A_277] : memref<20000x32xf32, #tpu.memory_space<hbm>> -> memref<20000x32xf32, #tpu.memory_space<hbm>>
          tpu.enqueue_indirect_dma source(%dma_start3A_278 : memref<20000x32xf32, #tpu.memory_space<hbm>>) target(%arg19 : memref<80x32xf32, #tpu.memory_space<vmem>>) offsets(%dma_start3A_275 : memref<80xi32, #tpu.memory_space<vmem>>) semaphore(%arg31 : memref<!tpu.dma_semaphore, #tpu.memory_space<semaphore_mem>>)
        } else {
        }
      } else {
      }
    }
    %scan3A_180 = arith.constant 32 : i32
    %barrier3A_181 = arith.constant 0 : index
    tpu.barrier barrier_id(%barrier3A_181)
    %mul3A_182 = arith.constant 10000 : i32
    %mul3A_183 = arith.muli %arg0, %mul3A_182 : i32
    %scan3A_184 = arith.constant 0 : i32
    %scan3A_185 = arith.constant 0 : i32
    %scan3A_186 = arith.constant 8 : i32
    %scan3A_187 = arith.addi %scan3A_185, %scan3A_186 : i32
    %scan3A_188 = arith.constant 1 : i32
    scf.for %scan3A_190 = %scan3A_185 to %scan3A_187 step %scan3A_188  : i32 {
      %mul3A_191 = arith.constant 16 : i32
      %mul3A_192 = arith.muli %scan3A_190, %mul3A_191 : i32
      %add3A = arith.addi %arg1, %mul3A_192 : i32
      %lt3A = arith.constant 125 : i32
      %lt3A_193 = arith.cmpi slt, %add3A, %lt3A : i32
      %convert_element_type3A = arith.extui %lt3A_193 : i1 to i32
      %cond3A = arith.constant 0 : i32
      %cond3A_194 = arith.cmpi ne, %convert_element_type3A, %cond3A : i32
      scf.if %cond3A_194 {
        %mul3A_195 = arith.constant 80 : i32
        %mul3A_196 = arith.muli %add3A, %mul3A_195 : i32
        "tpu.region"() ({
          %run_scoped3A = tpu.sem_alloc : memref<!tpu.dma_semaphore, #tpu.memory_space<semaphore_mem>>
          %dma_start3A_204 = arith.constant 0 : i32
          %dma_start3A_205 = tpu.memref_slice %arg23[%mul3A_196, %dma_start3A_204] : memref<10000x32xf32, #tpu.memory_space<vmem_shared>> -> memref<80x32xf32, #tpu.memory_space<vmem_shared>>
          %dma_start3A_206 = arith.constant 0 : i32
          %dma_start3A_207 = tpu.memref_slice %arg23[%mul3A_196, %dma_start3A_206] : memref<10000x32xf32, #tpu.memory_space<vmem_shared>> -> memref<80x32xf32, #tpu.memory_space<vmem_shared>>
          tpu.enqueue_dma source(%dma_start3A_207 : memref<80x32xf32, #tpu.memory_space<vmem_shared>>) target(%arg20 : memref<80x32xf32, #tpu.memory_space<vmem>>) target_semaphore(%run_scoped3A : memref<!tpu.dma_semaphore, #tpu.memory_space<semaphore_mem>>)
          %dma_wait3A = arith.constant 0 : i32
          %dma_wait3A_208 = tpu.memref_slice %arg23[%mul3A_196, %dma_wait3A] : memref<10000x32xf32, #tpu.memory_space<vmem_shared>> -> memref<80x32xf32, #tpu.memory_space<vmem_shared>>
          %dma_wait3A_209 = arith.constant 0 : i32
          %dma_wait3A_210 = tpu.memref_slice %arg23[%mul3A_196, %dma_wait3A_209] : memref<10000x32xf32, #tpu.memory_space<vmem_shared>> -> memref<80x32xf32, #tpu.memory_space<vmem_shared>>
          tpu.wait_dma2 semaphore(%run_scoped3A : memref<!tpu.dma_semaphore, #tpu.memory_space<semaphore_mem>>) src(%dma_wait3A_210 : memref<80x32xf32, #tpu.memory_space<vmem_shared>>) dst(%arg20 : memref<80x32xf32, #tpu.memory_space<vmem>>)
          tpu.yield
        }) : () -> ()
        "tpu.region"() ({
          %run_scoped3A = tpu.sem_alloc : memref<!tpu.dma_semaphore, #tpu.memory_space<semaphore_mem>>
          %dma_start3A_204 = arith.constant 0 : i32
          %dma_start3A_205 = tpu.memref_slice %arg6[%mul3A_196, %dma_start3A_204] : memref<10240x16xf32, #tpu.memory_space<hbm>> -> memref<80x16xf32, #tpu.memory_space<hbm>>
          %dma_start3A_206 = arith.constant 0 : i32
          %dma_start3A_207 = tpu.memref_slice %arg6[%mul3A_196, %dma_start3A_206] : memref<10240x16xf32, #tpu.memory_space<hbm>> -> memref<80x16xf32, #tpu.memory_space<hbm>>
          tpu.enqueue_dma source(%dma_start3A_207 : memref<80x16xf32, #tpu.memory_space<hbm>>) target(%arg21 : memref<80x16xf32, #tpu.memory_space<vmem>>) target_semaphore(%run_scoped3A : memref<!tpu.dma_semaphore, #tpu.memory_space<semaphore_mem>>)
          %dma_wait3A = arith.constant 0 : i32
          %dma_wait3A_208 = tpu.memref_slice %arg6[%mul3A_196, %dma_wait3A] : memref<10240x16xf32, #tpu.memory_space<hbm>> -> memref<80x16xf32, #tpu.memory_space<hbm>>
          %dma_wait3A_209 = arith.constant 0 : i32
          %dma_wait3A_210 = tpu.memref_slice %arg6[%mul3A_196, %dma_wait3A_209] : memref<10240x16xf32, #tpu.memory_space<hbm>> -> memref<80x16xf32, #tpu.memory_space<hbm>>
          tpu.wait_dma2 semaphore(%run_scoped3A : memref<!tpu.dma_semaphore, #tpu.memory_space<semaphore_mem>>) src(%dma_wait3A_210 : memref<80x16xf32, #tpu.memory_space<hbm>>) dst(%arg21 : memref<80x16xf32, #tpu.memory_space<vmem>>)
          tpu.yield
        }) : () -> ()
        %scan3A_197 = arith.constant 0 : i32
        %scan3A_198 = arith.constant 0 : i32
        %scan3A_199 = arith.constant 80 : i32
        %scan3A_200 = arith.addi %scan3A_198, %scan3A_199 : i32
        %scan3A_201 = arith.constant 1 : i32
        scf.for %scan3A_204 = %scan3A_198 to %scan3A_200 step %scan3A_201  : i32 {
          %get3A = arith.index_cast %scan3A_204 : i32 to index
          %get3A_205 = arith.constant 0 : index
          %get3A_206 = tpu.vector_load %arg21[%get3A, %get3A_205] {strides = array<i32>} : memref<80x16xf32, #tpu.memory_space<vmem>>, vector<1x16xf32>,
          %get3A_207 = vector.shape_cast %get3A_206 : vector<1x16xf32> to vector<16xf32>
          %max3A = arith.constant 1.000000e+00 : f32
          %max3A_208 = vector.broadcast %max3A : f32 to vector<16xf32>
          %max3A_209 = arith.maximumf %get3A_207, %max3A_208 : vector<16xf32>
          %div3A = arith.constant 1.000000e+00 : f32
          %div3A_210 = vector.broadcast %div3A : f32 to vector<16xf32>
          %div3A_211 = arith.divf %div3A_210, %max3A_209 : vector<16xf32>
          %get3A_212 = arith.index_cast %scan3A_204 : i32 to index
          %get3A_213 = arith.constant 0 : index
          %get3A_214 = tpu.vector_load %arg20[%get3A_212, %get3A_213] {strides = array<i32>} : memref<80x32xf32, #tpu.memory_space<vmem>>, vector<1x16xf32>,
          %get3A_215 = vector.shape_cast %get3A_214 : vector<1x16xf32> to vector<16xf32>
          %mul3A_216 = arith.mulf %get3A_215, %div3A_211 : vector<16xf32>
          %get3A_217 = arith.constant 0 : index
          %get3A_218 = tpu.vector_load %arg22[%get3A_217] {strides = array<i32>} : memref<32xf32, #tpu.memory_space<vmem>>, vector<16xf32>,
          %get3A_219 = vector.shape_cast %get3A_218 : vector<16xf32> to vector<16xf32>
          %add3A_220 = arith.addf %mul3A_216, %get3A_219 : vector<16xf32>
          %swap3A = arith.index_cast %scan3A_204 : i32 to index
          %swap3A_221 = arith.constant 0 : index
          %swap3A_222 = tpu.vector_load %arg20[%swap3A, %swap3A_221] {strides = array<i32>} : memref<80x32xf32, #tpu.memory_space<vmem>>, vector<1x16xf32>,
          %swap3A_223 = vector.shape_cast %swap3A_222 : vector<1x16xf32> to vector<16xf32>
          %swap3A_224 = vector.shape_cast %add3A_220 : vector<16xf32> to vector<1x16xf32>
          tpu.vector_store %arg20[%swap3A, %swap3A_221], %swap3A_224 {strides = array<i32>} : memref<80x32xf32, #tpu.memory_space<vmem>>, vector<1x16xf32>,
          %get3A_225 = arith.index_cast %scan3A_204 : i32 to index
          %get3A_226 = arith.constant 16 : index
          %get3A_227 = tpu.vector_load %arg20[%get3A_225, %get3A_226] {strides = array<i32>} : memref<80x32xf32, #tpu.memory_space<vmem>>, vector<1x16xf32>,
          %get3A_228 = vector.shape_cast %get3A_227 : vector<1x16xf32> to vector<16xf32>
          %mul3A_229 = arith.mulf %get3A_228, %div3A_211 : vector<16xf32>
          %get3A_230 = arith.constant 16 : index
          %get3A_231 = tpu.vector_load %arg22[%get3A_230] {strides = array<i32>} : memref<32xf32, #tpu.memory_space<vmem>>, vector<16xf32>,
          %get3A_232 = vector.shape_cast %get3A_231 : vector<16xf32> to vector<16xf32>
          %add3A_233 = arith.addf %mul3A_229, %get3A_232 : vector<16xf32>
          %swap3A_234 = arith.index_cast %scan3A_204 : i32 to index
          %swap3A_235 = arith.constant 16 : index
          %swap3A_236 = tpu.vector_load %arg20[%swap3A_234, %swap3A_235] {strides = array<i32>} : memref<80x32xf32, #tpu.memory_space<vmem>>, vector<1x16xf32>,
          %swap3A_237 = vector.shape_cast %swap3A_236 : vector<1x16xf32> to vector<16xf32>
          %swap3A_238 = vector.shape_cast %add3A_233 : vector<16xf32> to vector<1x16xf32>
          tpu.vector_store %arg20[%swap3A_234, %swap3A_235], %swap3A_238 {strides = array<i32>} : memref<80x32xf32, #tpu.memory_space<vmem>>, vector<1x16xf32>,
        }
        %scan3A_202 = arith.constant 80 : i32
        %add3A_203 = arith.addi %mul3A_183, %mul3A_196 : i32
        "tpu.region"() ({
          %run_scoped3A = tpu.sem_alloc : memref<!tpu.dma_semaphore, #tpu.memory_space<semaphore_mem>>
          %dma_start3A_204 = arith.constant 0 : i32
          %dma_start3A_205 = tpu.memref_slice %arg9[%add3A_203, %dma_start3A_204] : memref<20000x32xf32, #tpu.memory_space<hbm>> -> memref<80x32xf32, #tpu.memory_space<hbm>>
          %dma_start3A_206 = arith.constant 0 : i32
          %dma_start3A_207 = tpu.memref_slice %arg9[%add3A_203, %dma_start3A_206] : memref<20000x32xf32, #tpu.memory_space<hbm>> -> memref<80x32xf32, #tpu.memory_space<hbm>>
          tpu.enqueue_dma source(%arg20 : memref<80x32xf32, #tpu.memory_space<vmem>>) target(%dma_start3A_207 : memref<80x32xf32, #tpu.memory_space<hbm>>) target_semaphore(%run_scoped3A : memref<!tpu.dma_semaphore, #tpu.memory_space<semaphore_mem>>)
          %dma_wait3A = arith.constant 0 : i32
          %dma_wait3A_208 = tpu.memref_slice %arg9[%add3A_203, %dma_wait3A] : memref<20000x32xf32, #tpu.memory_space<hbm>> -> memref<80x32xf32, #tpu.memory_space<hbm>>
          %dma_wait3A_209 = arith.constant 0 : i32
          %dma_wait3A_210 = tpu.memref_slice %arg9[%add3A_203, %dma_wait3A_209] : memref<20000x32xf32, #tpu.memory_space<hbm>> -> memref<80x32xf32, #tpu.memory_space<hbm>>
          tpu.wait_dma2 semaphore(%run_scoped3A : memref<!tpu.dma_semaphore, #tpu.memory_space<semaphore_mem>>) src(%arg20 : memref<80x32xf32, #tpu.memory_space<vmem>>) dst(%dma_wait3A_210 : memref<80x32xf32, #tpu.memory_space<hbm>>)
          tpu.yield
        }) : () -> ()
      } else {
      }
    }
    %scan3A_189 = arith.constant 8 : i32
    return
  }
}

module attributes {stable_mosaic.version = 14 : i64} {
  func.func @body(%arg0: i32, %arg1: i32, %arg2: memref<1000x128xf32, #tpu.memory_space<vmem>>, %arg3: memref<1x128x64xf32, #tpu.memory_space<vmem>>, %arg4: memref<1000x64xf32, #tpu.memory_space<vmem>>) attributes {dimension_semantics = [#tpu.dimension_semantics<arbitrary>, #tpu.dimension_semantics<arbitrary>], iteration_bounds = array<i64: 2, 10>, scalar_prefetch = 0 : i64, scratch_operands = 0 : i64, tpu.core_type = #tpu.core_type<tc>, window_params = [{transform_indices = @transform_0, window_bounds = array<i64: 1000, 128>}, {transform_indices = @transform_1, window_bounds = array<i64: 1, 128, 64>}, {transform_indices = @transform_2, window_bounds = array<i64: 1000, 64>}]} {
    %get3A = arith.constant 0 : index
    %get3A_0 = arith.constant 0 : index
    %get3A_1 = vector.load %arg2[%get3A, %get3A_0] : memref<1000x128xf32, #tpu.memory_space<vmem>>, vector<1000x128xf32>
    %get3A_2 = arith.constant 0 : index
    %get3A_3 = arith.constant 0 : index
    %get3A_4 = arith.constant 0 : index
    %get3A_5 = vector.load %arg3[%get3A_2, %get3A_3, %get3A_4] : memref<1x128x64xf32, #tpu.memory_space<vmem>>, vector<1x128x64xf32>
    %get3A_6 = vector.shape_cast %get3A_5 : vector<1x128x64xf32> to vector<128x64xf32>
    %dot_general3A = arith.constant dense<0.000000e+00> : vector<1000x64xf32>
    %dot_general3A_7 = tpu.matmul %get3A_1, %get3A_6, %dot_general3A {dimension_numbers = #tpu.dot_dimension_numbers<[1], [0], [0], [1], [0, 0, 1, 1], [], []>, transpose_lhs_hint = false} : vector<1000x128xf32>, vector<128x64xf32>, vector<1000x64xf32> -> vector<1000x64xf32>
    %swap3A = arith.constant 0 : index
    %swap3A_8 = arith.constant 0 : index
    %swap3A_9 = vector.load %arg4[%swap3A, %swap3A_8] : memref<1000x64xf32, #tpu.memory_space<vmem>>, vector<1000x64xf32>
    tpu.vector_store %arg4[%swap3A, %swap3A_8], %dot_general3A_7 {strides = array<i32>} : memref<1000x64xf32, #tpu.memory_space<vmem>>, vector<1000x64xf32>,
    return
  }
  func.func @transform_0(%arg0: i32, %arg1: i32) -> (i32, i32) {
    %c0_i32 = arith.constant 0 : i32
    %c0_i32_0 = arith.constant 0 : i32
    return %arg1, %c0_i32 : i32, i32
  }
  func.func @transform_1(%arg0: i32, %arg1: i32) -> (i32, i32, i32) {
    %c0_i32 = arith.constant 0 : i32
    %c0_i32_0 = arith.constant 0 : i32
    %c0_i32_1 = arith.constant 0 : i32
    return %arg0, %c0_i32, %c0_i32_0 : i32, i32, i32
  }
  func.func @transform_2(%arg0: i32, %arg1: i32) -> (i32, i32) {
    %mul3A = arith.constant 10 : i32
    %mul3A_0 = arith.muli %arg0, %mul3A : i32
    %add3A = arith.addi %mul3A_0, %arg1 : i32
    %c0_i32 = arith.constant 0 : i32
    %c0_i32_1 = arith.constant 0 : i32
    return %add3A, %c0_i32 : i32, i32
  }
}

module attributes {stable_mosaic.version = 14 : i64} {
  func.func @body(%arg0: i32, %arg1: i32, %arg2: memref<1000x64xf32, #tpu.memory_space<vmem>>, %arg3: memref<1000x64xf32, #tpu.memory_space<vmem>>, %arg4: memref<1x128x32xf32, #tpu.memory_space<vmem>>, %arg5: memref<1000x32xf32, #tpu.memory_space<vmem>>) attributes {dimension_semantics = [#tpu.dimension_semantics<arbitrary>, #tpu.dimension_semantics<arbitrary>], iteration_bounds = array<i64: 2, 10>, scalar_prefetch = 0 : i64, scratch_operands = 0 : i64, tpu.core_type = #tpu.core_type<tc>, window_params = [{transform_indices = @transform_0, window_bounds = array<i64: 1000, 64>}, {transform_indices = @transform_1, window_bounds = array<i64: 1000, 64>}, {transform_indices = @transform_2, window_bounds = array<i64: 1, 128, 32>}, {transform_indices = @transform_3, window_bounds = array<i64: 1000, 32>}]} {
    %get3A = arith.constant 0 : index
    %get3A_0 = arith.constant 0 : index
    %get3A_1 = vector.load %arg2[%get3A, %get3A_0] : memref<1000x64xf32, #tpu.memory_space<vmem>>, vector<1000x64xf32>
    %get3A_2 = arith.constant 0 : index
    %get3A_3 = arith.constant 0 : index
    %get3A_4 = vector.load %arg3[%get3A_2, %get3A_3] : memref<1000x64xf32, #tpu.memory_space<vmem>>, vector<1000x64xf32>
    %concatenate3A = tpu.concatenate %get3A_1, %get3A_4 in 1 : vector<1000x64xf32>, vector<1000x64xf32> -> vector<1000x128xf32>
    %get3A_5 = arith.constant 0 : index
    %get3A_6 = arith.constant 0 : index
    %get3A_7 = arith.constant 0 : index
    %get3A_8 = vector.load %arg4[%get3A_5, %get3A_6, %get3A_7] : memref<1x128x32xf32, #tpu.memory_space<vmem>>, vector<1x128x32xf32>
    %get3A_9 = vector.shape_cast %get3A_8 : vector<1x128x32xf32> to vector<128x32xf32>
    %dot_general3A = arith.constant dense<0.000000e+00> : vector<1000x32xf32>
    %dot_general3A_10 = tpu.matmul %concatenate3A, %get3A_9, %dot_general3A {dimension_numbers = #tpu.dot_dimension_numbers<[1], [0], [0], [1], [0, 0, 1, 1], [], []>, transpose_lhs_hint = false} : vector<1000x128xf32>, vector<128x32xf32>, vector<1000x32xf32> -> vector<1000x32xf32>
    %swap3A = arith.constant 0 : index
    %swap3A_11 = arith.constant 0 : index
    %swap3A_12 = vector.load %arg5[%swap3A, %swap3A_11] : memref<1000x32xf32, #tpu.memory_space<vmem>>, vector<1000x32xf32>
    tpu.vector_store %arg5[%swap3A, %swap3A_11], %dot_general3A_10 {strides = array<i32>} : memref<1000x32xf32, #tpu.memory_space<vmem>>, vector<1000x32xf32>,
    return
  }
  func.func @transform_0(%arg0: i32, %arg1: i32) -> (i32, i32) {
    %c0_i32 = arith.constant 0 : i32
    %c0_i32_0 = arith.constant 0 : i32
    return %arg1, %c0_i32 : i32, i32
  }
  func.func @transform_1(%arg0: i32, %arg1: i32) -> (i32, i32) {
    %add3A = arith.constant 10 : i32
    %add3A_0 = arith.addi %add3A, %arg1 : i32
    %c0_i32 = arith.constant 0 : i32
    %c0_i32_1 = arith.constant 0 : i32
    return %add3A_0, %c0_i32 : i32, i32
  }
  func.func @transform_2(%arg0: i32, %arg1: i32) -> (i32, i32, i32) {
    %c0_i32 = arith.constant 0 : i32
    %c0_i32_0 = arith.constant 0 : i32
    %c0_i32_1 = arith.constant 0 : i32
    return %arg0, %c0_i32, %c0_i32_0 : i32, i32, i32
  }
  func.func @transform_3(%arg0: i32, %arg1: i32) -> (i32, i32) {
    %mul3A = arith.constant 10 : i32
    %mul3A_0 = arith.muli %arg0, %mul3A : i32
    %add3A = arith.addi %mul3A_0, %arg1 : i32
    %c0_i32 = arith.constant 0 : i32
    %c0_i32_1 = arith.constant 0 : i32
    return %add3A, %c0_i32 : i32, i32
  }
}

module attributes {stable_mosaic.version = 14 : i64} {
  func.func @body(%arg0: i32, %arg1: memref<1000x32xf32, #tpu.memory_space<vmem>>, %arg2: memref<1000x32xf32, #tpu.memory_space<vmem>>, %arg3: memref<1000x64xf32, #tpu.memory_space<vmem>>) attributes {dimension_semantics = [#tpu.dimension_semantics<arbitrary>], iteration_bounds = array<i64: 10>, scalar_prefetch = 0 : i64, scratch_operands = 0 : i64, tpu.core_type = #tpu.core_type<tc>, window_params = [{transform_indices = @transform_0, window_bounds = array<i64: 1000, 32>}, {transform_indices = @transform_1, window_bounds = array<i64: 1000, 32>}, {transform_indices = @transform_2, window_bounds = array<i64: 1000, 64>}]} {
    %get3A = arith.constant 0 : index
    %get3A_0 = arith.constant 0 : index
    %get3A_1 = vector.load %arg1[%get3A, %get3A_0] : memref<1000x32xf32, #tpu.memory_space<vmem>>, vector<1000x32xf32>
    %swap3A = arith.constant 0 : index
    %swap3A_2 = arith.constant 0 : index
    %swap3A_3 = vector.load %arg3[%swap3A, %swap3A_2] : memref<1000x64xf32, #tpu.memory_space<vmem>>, vector<1000x32xf32>
    tpu.vector_store %arg3[%swap3A, %swap3A_2], %get3A_1 {strides = array<i32>} : memref<1000x64xf32, #tpu.memory_space<vmem>>, vector<1000x32xf32>,
    %get3A_4 = arith.constant 0 : index
    %get3A_5 = arith.constant 0 : index
    %get3A_6 = vector.load %arg2[%get3A_4, %get3A_5] : memref<1000x32xf32, #tpu.memory_space<vmem>>, vector<1000x32xf32>
    %swap3A_7 = arith.constant 0 : index
    %swap3A_8 = arith.constant 32 : index
    %swap3A_9 = vector.load %arg3[%swap3A_7, %swap3A_8] : memref<1000x64xf32, #tpu.memory_space<vmem>>, vector<1000x32xf32>
    tpu.vector_store %arg3[%swap3A_7, %swap3A_8], %get3A_6 {strides = array<i32>} : memref<1000x64xf32, #tpu.memory_space<vmem>>, vector<1000x32xf32>,
    return
  }
  func.func @transform_0(%arg0: i32) -> (i32, i32) {
    %c0_i32 = arith.constant 0 : i32
    %c0_i32_0 = arith.constant 0 : i32
    return %arg0, %c0_i32 : i32, i32
  }
  func.func @transform_1(%arg0: i32) -> (i32, i32) {
    %add3A = arith.constant 10 : i32
    %add3A_0 = arith.addi %add3A, %arg0 : i32
    %c0_i32 = arith.constant 0 : i32
    %c0_i32_1 = arith.constant 0 : i32
    return %add3A_0, %c0_i32 : i32, i32
  }
  func.func @transform_2(%arg0: i32) -> (i32, i32) {
    %c0_i32 = arith.constant 0 : i32
    %c0_i32_0 = arith.constant 0 : i32
    return %arg0, %c0_i32 : i32, i32
  }
}

</mosaic_0001>

<sc_bundles>
// kernel: kernel.11.cloned.1.call-start
scs
__scs_entry_jumppad:
0x0: {  	(pc) =	sbr.rel $0x88, $3  }
0x1: {  	(tag) =	ssettag $0x0;
	lr =	simm.s32 $0x1  }
0x2: {  	[smem:$0x3F9B] =	sst lr;
	_ =	strace $0xD0000000  }
0x3: {  	_ = 	snop  }
0x4: {  	_ = 	snop  }
0x5: {  	_ = 	snop  }
0x6: {  	_ = 	snop  }
0x7: {  	_ = 	snop  }
__scs_overlays_trampoline_lowered:
0x8: {  	[smem:$0x3FAA] =	sst s0  }
0x9: {  	[smem:$0x3FAB] =	sst s1  }
0xa: {  	[smem:$0x3FAC] =	sst s2  }
0xb: {  	[smem:$0x3FAD] =	sst s3  }
0xc: {  	[smem:$0x3FAE] =	sst s4  }
0xd: {  	[smem:$0x3FAF] =	sst s5  }
0xe: {  	[smem:$0x3FB0] =	sst s6  }
0xf: {  	[smem:$0x3FB1] =	sst s7  }
0x10: {  	[smem:$0x3FB2] =	sst s8  }
0x11: {  	[smem:$0x3FB3] =	sst s9;
	s0 =	simm.s32 @!p0 $0x0  }
0x12: {  	s1 =	sld [smem:$0x3F99];
	s0 =	simm.s32 @p0 $0x1  }
0x13: {  	[smem:$0x3FB4] =	sst s0;
	s0 =	simm.s32 @!p1 $0x0  }
0x14: {  	s2 =	sld [smem:$0x3F98];
	s0 =	simm.s32 @p1 $0x1  }
0x15: {  	[smem:$0x3FB5] =	sst s0;
	s0 =	simm.s32 @!p2 $0x0  }
0x16: {  	s3 =	sld [smem:$0x3FDB];
	s0 =	simm.s32 @p2 $0x1  }
0x17: {  	s4 =	simm.s32 $0x1BF5;
	[smem:$0x3FB7] =	sst s0  }
0x18: {  	s0 =	sld [smem:$0x3F9A];
	_ =	swait.ge [sflag:s4], $0x0  }
0x19: {  	s7 =	sld [smem:$0x3F9B]  }
0x1a: {  	s8 =	sadd.s32 $0xFFFFE003, lr  }
0x1b: {  	s9 =	sadd.s32 $0xFFFFFEF7, lr;
	s5 =	simm.s32 $0xFFFFFFFF;
	p2 =	slt.u32 s8, $0xFFFFF086  }
0x1c: {  	p1 =	slt.u32 s9, $0xF7A;
	s5 =	simm.s32 @!p2 $0x0  }
0x1d: {  	s5 =	simm.s32 @p1 $0x1;
	p0 =	seq.s32 s7, s2  }
0x1e: {  	s7 =	smul.u32 @!p0 $0xF7A, s2;
	p2 =	seq.s32 @!p0 s5, $0x0  }
0x1f: {  	s9 =	smul.u32 $0xF7A, s1;
	s8 =	simm.s32 @!p0 $0x1BF5;
	p2 =	por !p2, p0  }
0x20: {  	[sflag:s8] =	ssyncset.s32 @!p0 $0xFFFFF086;
	s6 =	sadd.s32 @!p0 s3, s7;
	s7 =	simm.s32 @!p0 $0x108  }
0x21: {  	s3 =	sadd.s32 s3, s9;
	s6 =	sadd.s32 @!p0 $0x88, s6;
	s7 =	simm.s32 @p2 $0x1082  }
0x22: {  	[simem:s7], [sflag:s8] =	dma.local @!p0 [hbm:s6], $0xF7A  }
0x23: {  	s9 =	sor.u32 $0xD0000000, s2;
	s6 =	simm.s32 $0x108;
	_ =	swait.ge @!p0 [sflag:s8], $0x0  }
0x24: {  	s3 =	sadd.s32 $0x88, s3;
	s6 =	simm.s32 @!p1 $0x1082;
	[sflag:s4] =	ssyncset.s32 $0xFFFFF086  }
0x25: {  	[simem:s6], [sflag:s4] =	dma.local [hbm:s3], $0xF7A  }
0x26: {  	[smem:$0x3F9B] =	sst s1;
	(tag) =	ssettag s2;
	_ =	strace s9  }
0x27: {  	s1 =	sld [smem:$0x3FAB]  }
0x28: {  	s2 =	sld [smem:$0x3FAC]  }
0x29: {  	s4 =	sld [smem:$0x3FAE]  }
0x2a: {  	p0 =	seq.s32 s5, $0x0;
	s5 =	sld [smem:$0x3FAF]  }
0x2b: {  	s6 =	sld [smem:$0x3FB0]  }
0x2c: {  	s7 =	sld [smem:$0x3FB1]  }
0x2d: {  	s3 =	simm.s32 $0x108;
	s8 =	sld [smem:$0x3FB2]  }
0x2e: {  	s3 =	simm.s32 @!p0 $0x1082;
	s9 =	sld [smem:$0x3FB3]  }
0x2f: {  	lr =	sadd.s32 s0, s3;
	s0 =	sld [smem:$0x3FAA]  }
0x30: {  	s3 =	sld [smem:$0x3FAD]  }
0x31: {  	[smem:$0x3FB6] =	sst s10  }
0x32: {  	s10 =	sld [smem:$0x3FB4];
	_ =	sdelay $0x3  }
0x33: {  	p0 =	seq.s32 s10, $0x1;
	s10 =	sld [smem:$0x3FB6];
	_ =	sdelay $0x3  }
0x34: {  	[smem:$0x3FB6] =	sst s10  }
0x35: {  	s10 =	sld [smem:$0x3FB5];
	_ =	sdelay $0x3  }
0x36: {  	p1 =	seq.s32 s10, $0x1;
	s10 =	sld [smem:$0x3FB6];
	_ =	sdelay $0x3  }
0x37: {  	[smem:$0x3FB6] =	sst s10  }
0x38: {  	s10 =	sld [smem:$0x3FB7]  }
0x39: {  	_ = 	snop;
	(pc) =	sbr.ind lr, $3  }
0x3a: {  	_ = 	snop  }
0x3b: {  	_ = 	snop  }
0x3c: {  	p2 =	seq.s32 s10, $0x1;
	s10 =	sld [smem:$0x3FB6]  }
0x3d: {  	_ =	shalt  }
0x3e: {  	_ =	shalt  }
0x3f: {  	_ =	shalt  }
0x40: {  	_ =	shalt  }
0x41: {  	_ =	shalt  }
0x42: {  	_ =	shalt  }
0x43: {  	_ =	shalt  }
0x44: {  	_ =	shalt  }
0x45: {  	_ =	shalt  }
0x46: {  	_ =	shalt  }
0x47: {  	_ =	shalt  }
0x48: {  	_ =	shalt  }
0x49: {  	_ =	shalt  }
0x4a: {  	_ =	shalt  }
0x4b: {  	_ =	shalt  }
0x4c: {  	_ =	shalt  }
0x4d: {  	_ =	shalt  }
0x4e: {  	_ =	shalt  }
0x4f: {  	_ =	shalt  }
0x50: {  	_ =	shalt  }
0x51: {  	_ =	shalt  }
0x52: {  	_ =	shalt  }
0x53: {  	_ =	shalt  }
0x54: {  	_ =	shalt  }
0x55: {  	_ =	shalt  }
0x56: {  	_ =	shalt  }
0x57: {  	_ =	shalt  }
0x58: {  	_ =	shalt  }
0x59: {  	_ =	shalt  }
0x5a: {  	_ =	shalt  }
0x5b: {  	_ =	shalt  }
0x5c: {  	_ =	shalt  }
0x5d: {  	_ =	shalt  }
0x5e: {  	_ =	shalt  }
0x5f: {  	_ =	shalt  }
0x60: {  	_ =	shalt  }
0x61: {  	_ =	shalt  }
0x62: {  	_ =	shalt  }
0x63: {  	_ =	shalt  }
0x64: {  	_ =	shalt  }
0x65: {  	_ =	shalt  }
0x66: {  	_ =	shalt  }
0x67: {  	_ =	shalt  }
0x68: {  	_ =	shalt  }
0x69: {  	_ =	shalt  }
0x6a: {  	_ =	shalt  }
0x6b: {  	_ =	shalt  }
0x6c: {  	_ =	shalt  }
0x6d: {  	_ =	shalt  }
0x6e: {  	_ =	shalt  }
0x6f: {  	_ =	shalt  }
0x70: {  	_ =	shalt  }
0x71: {  	_ =	shalt  }
0x72: {  	_ =	shalt  }
0x73: {  	_ =	shalt  }
0x74: {  	_ =	shalt  }
0x75: {  	_ =	shalt  }
0x76: {  	_ =	shalt  }
0x77: {  	_ =	shalt  }
0x78: {  	_ =	shalt  }
0x79: {  	_ =	shalt  }
0x7a: {  	_ =	shalt  }
0x7b: {  	_ =	shalt  }
0x7c: {  	_ =	shalt  }
0x7d: {  	_ =	shalt  }
0x7e: {  	_ =	shalt  }
0x7f: {  	_ =	shalt  }
0x80: {  	_ =	shalt  }
0x81: {  	_ =	shalt  }
0x82: {  	_ =	shalt  }
0x83: {  	_ =	shalt  }
0x84: {  	_ =	shalt  }
0x85: {  	_ =	shalt  }
0x86: {  	_ =	shalt  }
0x87: {  	_ =	shalt  }
.Lfunc_end0:
.L_simem_size_0:
called_computation.1_lowered:
.L_overlay_start_0:
0x88: {  	s2 =	sld [smem:$0x3FD9]  }
0x89: {  	s3 =	sld [smem:$0x3FFE];
	_ =	sdelay $0x1  }
0x8a: {  	s1 =	srdreg.scid  }
0x8b: {  	s0 =	sand.u32 $0x1, s1  }
0x8c: {  	s17 =	sshll.u32 s0, $0xA;
	s2 =	sadd.s32 s3, s2  }
0x8d: {  	s2 =	sadd.s32 s2, s17  }
0x8e: {  	[smem:$0x3FC2] =	sst s2  }
0x8f: {  	_ = 	snop  }
0x90: {  	s2 =	sld [smem:$0x3FC6];
	(tm) =	ssettm $0x1  }
0x91: {  	s18 =	sld [smem:$0x3FFB];
	_ =	sdelay $0x3  }
0x92: {  	_ =	strace s18  }
0x93: {  	s3 =	sld [smem:$0x3FFC];
	_ =	sdelay $0x3  }
0x94: {  	_ =	strace s3  }
0x95: {  	s3 =	sld [smem:$0x3FFD];
	_ =	sdelay $0x3  }
0x96: {  	_ =	strace s3  }
0x97: {  	_ =	strace $0x8FFFFFFF  }
0x98: {  	s19 =	sld [smem:$0x3FDB];
	_ =	sdelay $0x1  }
0x99: {  	s4 =	simm.s32 $_scs_section_size  }
0x9a: {  	s5 =	simm.s32 $_size__tile_overlayer_lowered;
	s6 =	simm.s32 $_tile_overlayer_lowered  }
0x9b: {  	s22 =	simm.s32 $0x1BFF;
	s21 =	sshll.u32 s6, $0x1;
	s3 =	sadd.s32 s4, s19  }
0x9c: {  	s7 =	simm.s32 $0x0;
	s20 =	sshll.u32 s5, $0x1;
	s5 =	sadd.s32 s21, s3  }
0x9d: {  	[timem:s7], [sflag:s22] =	dma.local [hbm:s5], s20  }
0x9e: {  	_ =	swait.ge [sflag:s22], s20  }
0x9f: {  	s4 =	ssub.s32 $0x0, s20;
	[sflag:s22] =	ssyncset.done $0x0  }
0xa0: {  	[sflag:s22] =	ssyncadd.s32 s4;
	_ =	sdelay $0x1  }
0xa1: {  	s23 =	simm.s32 $0x1B8B  }
0xa2: {  	_ =	swait.ge [sflag:s23], $0x1  }
0xa3: {  	[sflag:s23] =	ssyncset.done $0x0  }
0xa4: {  	s25 =	simm.s32 $0x1B8E;
	s24 =	sld [smem:$0x3FFE];
	[sflag:s23] =	ssyncadd.s32 $0xFFFFFFFF  }
0xa5: {  	s26 =	simm.s32 $execute0_lowered;
	[smem:$0x3FD2] =	sst s25  }
0xa6: {  	s5 =	sshll.u32 s26, $0x1;
	_ =	strace $0x80000049;
	[dreg:$0x1] =	wrdreg $0xFFFFFFFF  }
0xa7: {  	s28 =	simm.s32 $_size_execute0_lowered;
	s3 =	sadd.s32 s3, s5;
	[dreg:$0x0] =	wrdreg $0x0  }
0xa8: {  	s5 =	sshll.u32 s28, $0x1;
	[dreg:$0x2] =	wrdreg s3  }
0xa9: {  	[dreg:$0x3] =	wrdreg s5  }
0xaa: {  	[dreg:$0x4] =	wrdreg $0xC0  }
0xab: {  	_ =	task [dreg:s7], $0x5FFFF  }
0xac: {  	[dreg:$0x1] =	wrdreg $0xFFFFFFFF  }
0xad: {  	[dreg:$0x0] =	wrdreg $0x60  }
0xae: {  	[dreg:$0x2] =	wrdreg s24  }
0xaf: {  	[dreg:$0x3] =	wrdreg s2  }
0xb0: {  	[dreg:$0x4] =	wrdreg $0x155800  }
0xb1: {  	[dreg:$0x5] =	wrdreg $0x9  }
0xb2: {  	_ =	task.clear_ibuf [dreg:s7], $0x6FFFF;
	_ =	strace $0x90000049  }
0xb3: {  	s29 =	simm.s32 $0x9;
	_ =	strace $0x8000004B  }
0xb4: {  	_ =	swait.ge [sflag:s29], $0x1  }
0xb5: {  	[sflag:s29] =	ssyncadd.s32 $0xFFFFFFFF  }
0xb6: {  	_ =	strace $0x9000004B  }
0xb7: {  	_ =	sfence  }
0xb8: {  	s30 =	sld [smem:$0x0];
	_ =	sdelay $0x2  }
0xb9: {  	s31 =	sshll.u32 s1, $0xD;
	s1 =	sshrl.u32 s1, $0x2  }
0xba: {  	s3 =	sand.u32 $0x4000, s31;
	s1 =	sadd.s32 s1, s30  }
0xbb: {  	s0 =	sor.u32 s3, s0;
	s1 =	sshll.u32 s1, $0x11  }
0xbc: {  	s0 =	sor.u32 s1, s0  }
0xbd: {  	s0 =	sadd.s32 $0x8F2B, s0  }
0xbe: {  	[sflag:s0] =	ssyncadd.remote.s32 $0x1  }
0xbf: {  	_ =	sfence.sel $0xFFFF  }
0xc0: {  	[dreg:$0x0] =	wrdreg $0xFFFFFFFF;
	(pc) =	sbr.abs _section_cstart, $3  }
0xc1: {  	[dreg:$0x1] =	wrdreg $0xFFFFFFFF  }
0xc2: {  	_ =	task.clear_ibuf [dreg:s7], $0x2FFFF;
	_ =	strace $0x9FFFFFFF  }
0xc3: {  	(tm) =	ssettm $0x7FFFFFFF  }
tec
execute0_lowered:
.L_overlay_start_1:
0x0: {  	(tag) =	ssettag $0x1  }
0x1: {  	s0 =	rddreg [dreg:$0x0]  }
0x2: {  	s9 =	rddreg [dreg:$0x1]  }
0x3: {  	s2 =	rddreg [dreg:$0x2];
	s3 =	simm.s32 $0x0;
	s1 =	stileid.u32  }
0x4: {  	s6 =	srdreg.scid;
	s28 =	simm.s32 $0x9C40;
	s29 =	simm.s32 $0xB040  }
0x5: {  	s30 =	simm.s32 $0x3;
	[smem:$0x7FF] =	sst s3;
	s5 =	smul.u32 $0x9C4, s1  }
0x6: {  	s4 =	sadd.s32 $0x1FC00, s0;
	s10 =	sand.u32 $0x1, s6;
	s25 =	sadd.s32 $0x15C00, s0  }
0x7: {  	s26 =	sadd.s32 $0x1AC00, s0;
	s7 =	sadd.s32 $0x46E00, s0;
	s6 =	smul.u32 $0x5000, s1  }
0x8: {  	s21 =	sor.u32 $0x70, s1;
	_ =	strace $0x8000004A;
	[dreg:$0x4] =	wrdreg s25  }
0x9: {  	s12 =	ssub.s32 $0x2, s10;
	s15 =	sshll.u32 s10, $0x3;
	s10 =	smul.u32 $0x2710, s10  }
0xa: {  	s8 =	sadd.s32 $0x6E000, s0;
	[dreg:$0x5] =	wrdreg s26;
	s23 =	smul.u32 $0x5000, s21  }
0xb: {  	p0 =	sgt.u32 s21, $0x7C;
	s11 =	sadd.s32 s5, s0;
	s17 =	sadd.s32 s9, s15  }
0xc: {  	s13 =	sshrl.u32 s12, $0x1;
	s14 =	sadd.s32 $0xBE00, s11;
	[dreg:$0x8] =	wrdreg s17  }
0xd: {  	s18 =	sshrl.u32 s6, $0x2;
	s16 =	sadd.s32 $0x2000, s11;
	[dreg:$0x6] =	wrdreg s14  }
0xe: {  	s31 =	ssub.s32 s12, s13;
	s20 =	sadd.s32 s18, s2;
	[dreg:$0x7] =	wrdreg s16  }
0xf: {  	s15 =	simm.s32 $0x7;
	s0 =	smax.u32 s31, $0x1;
	[dreg:$0x9] =	wrdreg s20  }
0x10: {  	s6 =	simm.s32 $0x0;
	s22 =	sadd.s32 $0x14000, s20;
	[dreg:$0xa] =	wrdreg s0  }
0x11: {  	s19 =	ssub.s32 $0x0, s10;
	s24 =	sadd.s32 $0x28000, s20;
	[dreg:$0xb] =	wrdreg s22  }
0x12: {  	s12 =	simm.s32 $0x2;
	s25 =	sadd.s32 $0x3C000, s20;
	[dreg:$0xc] =	wrdreg s24  }
0x13: {  	s11 =	simm.s32 $0x5;
	s26 =	sadd.s32 $0x50000, s20;
	[dreg:$0xd] =	wrdreg s25  }
.Ltmp0:
0x14: {  	s31 =	sadd.s32 $0x64000, s20;
	[dreg:$0xe] =	wrdreg s26;
	(pc) =	sbr.rel .LBB2_1-.Ltmp0, $4  }
0x15: {  	s5 =	sadd.s32 $0x78000, s20;
	s14 =	simm.s32 $0xA;
	[dreg:$0xf] =	wrdreg s31  }
0x16: {  	[dreg:$0x10] =	wrdreg s5;
	s0 =	sshrl.u32 s23, $0x2;
	s22 =	simm.s32 $0x9  }
0x17: {  	s25 =	simm.s32 $0x13C40;
	s26 =	simm.s32 $0x50;
	s0 =	sadd.s32 s0, s2  }
0x18: {  	v2 =	vimm.f32 $0.0e+00;
	v1 =	vmov s10;
	v0 =	vmov s19;
	s23 =	simm.s32 $0x1;
	s24 =	simm.s32 $0x15040;
	[dreg:$0x11] =	wrdreg s0  }
.LBB2_33:
0x19: {  	s6 =	rddreg [dreg:$0x12]  }
0x1a: {  	s0 =	rddreg [dreg:$0xa];
	s6 =	sadd.s32 $0x1, s6  }
0x1b: {  	p1 =	sne.s32 s6, s0  }
.Ltmp1:
0x1c: {  	_ = 	snop;
	(pc) =	sbr.rel @!p1 .LBB2_34-.Ltmp1, $1  }
0x1d: {  	_ =	sdelay $0x3  }
.LBB2_1:
0x1e: {  	s0 =	rddreg [dreg:$0x6]  }
0x1f: {  	[tilespmem:s3], [sflag:$0x9] =	stream.linear.gather [hbm4b:s0+s3], $0x4E20, $0x38;
	[tilespmem:$0x1F1C0] =	vst v63  }
0x20: {  	_ =	swait.ge [sflag:s22], $0x4E20  }
0x21: {  	[sflag:s22] =	ssyncset.done $0x0  }
0x22: {  	s5 =	simm.s32 $0x4E20;
	s20 =	rddreg [dreg:$0x7];
	[sflag:s22] =	ssyncadd.s32 $0xFFFFB1E0  }
0x23: {  	[tilespmem:s5], [sflag:$0x9] =	stream.linear.gather [hbm4b:s20+s3], $0x4E20, $0x38;
	[tilespmem:$0x1F1C0] =	vst v63  }
0x24: {  	_ =	swait.ge [sflag:s22], $0x4E20  }
0x25: {  	[sflag:s22] =	ssyncset.done $0x0  }
0x26: {  	s31 =	simm.s32 $0x15540;
	s21 =	rddreg [dreg:$0x8];
	[sflag:s22] =	ssyncadd.s32 $0xFFFFB1E0  }
0x27: {  	[tilespmem:s31], [sflag:$0x9] =	stream.linear.gather [hbm4b:s21+s3], $0x40, $0x38;
	[tilespmem:$0x1F1C0] =	vst v63  }
0x28: {  	_ =	swait.ge [sflag:s22], $0x40  }
0x29: {  	[sflag:s22] =	ssyncset.done $0x0  }
0x2a: {  	s0 =	simm.s32 $0x0;
	[sflag:s22] =	ssyncadd.s32 $0xFFFFFFC0  }
0x2b: {  	v6 =	vld [tilespmem:s0+$0x0]  }
0x2c: {  	v5 =	vld [tilespmem:s0+$0x10]  }
0x2d: {  	v4 =	vld [tilespmem:s0+$0x20]  }
0x2e: {  	s9 =	simm.s32 $0x140;
	v3 =	vld [tilespmem:s0+$0x30]  }
.LBB2_2:
0x2f: {  	p1 =	sne.s32 s9, $0x13740;
	v7 =	vld [tilespmem:s0+$0x40]  }
0x30: {  	v6 =	vadd.s32 v1, v6  }
.Ltmp2:
0x31: {  	s13 =	sshra.s32 s9, $0x2;
	[tilespmem:s0+$0x0] =	vst v6;
	v5 =	vadd.s32 v1, v5;
	(pc) =	sbr.rel @p1 .LBB2_2-.Ltmp2, $4  }
0x32: {  	v6 =	vld [tilespmem:s13+$0x0];
	[tilespmem:s0+$0x10] =	vst v5;
	v4 =	vadd.s32 v1, v4  }
0x33: {  	v5 =	vld [tilespmem:s13+$0x10];
	[tilespmem:s0+$0x20] =	vst v4;
	v3 =	vadd.s32 v1, v3  }
0x34: {  	v4 =	vld [tilespmem:s13+$0x20];
	[tilespmem:s0+$0x30] =	vst v3;
	v7 =	vadd.s32 v1, v7  }
0x35: {  	s9 =	sadd.s32 $0x140, s9;
	v3 =	vld [tilespmem:s13+$0x30];
	[tilespmem:s0+$0x40] =	vst v7;
	s0 =	smov.u32 s13  }
0x36: {  	v7 =	vld [tilespmem:s0+$0x40]  }
0x37: {  	v6 =	vadd.s32 v1, v6  }
0x38: {  	[tilespmem:s0+$0x0] =	vst v6;
	v5 =	vadd.s32 v1, v5  }
0x39: {  	[tilespmem:s0+$0x10] =	vst v5;
	v4 =	vadd.s32 v1, v4  }
0x3a: {  	[tilespmem:s0+$0x20] =	vst v4;
	v3 =	vadd.s32 v1, v3  }
0x3b: {  	[tilespmem:s0+$0x30] =	vst v3;
	v3 =	vadd.s32 v1, v7  }
0x3c: {  	[dreg:$0x12] =	wrdreg s6;
	s9 =	simm.s32 $0x100;
	[tilespmem:s0+$0x40] =	vst v3;
	s0 =	simm.s32 $0x0  }
.LBB2_4:
0x3d: {  	p1 =	sne.s32 s9, $0x4F00;
	[tilespmem:s0+$0x13C70] =	vst v2;
	s13 =	smov.u32 s9;
	s9 =	sadd.s32 $0x100, s9  }
.Ltmp3:
0x3e: {  	[tilespmem:s0+$0x13C60] =	vst v2;
	(pc) =	sbr.rel @p1 .LBB2_4-.Ltmp3, $3  }
0x3f: {  	[tilespmem:s0+$0x13C40] =	vst v2  }
0x40: {  	[tilespmem:s0+$0x13C50] =	vst v2;
	_ =	sdelay $0x1  }
0x41: {  	s0 =	sshra.s32 s13, $0x2  }
0x42: {  	[tilespmem:s0+$0x13C70] =	vst v2  }
0x43: {  	[tilespmem:s0+$0x13C60] =	vst v2  }
0x44: {  	[tilespmem:s0+$0x13C40] =	vst v2  }
0x45: {  	[tilespmem:s0+$0x13C50] =	vst v2;
	s9 =	rddreg [dreg:$0x9]  }
0x46: {  	[spmem:s9] =	stream.linear.scatter [tilespmem:s25], [sflag:$0x9], $0x1400, $0x38;
	[tilespmem:$0x1F1C0] =	vst v63  }
0x47: {  	_ =	swait.ge [sflag:s22], $0x1400  }
0x48: {  	[sflag:s22] =	ssyncset.done $0x0  }
0x49: {  	s13 =	rddreg [dreg:$0xb];
	[sflag:s22] =	ssyncadd.s32 $0xFFFFEC00  }
0x4a: {  	[spmem:s13] =	stream.linear.scatter [tilespmem:s25], [sflag:$0x9], $0x1400, $0x38;
	[tilespmem:$0x1F1C0] =	vst v63  }
0x4b: {  	_ =	swait.ge [sflag:s22], $0x1400  }
0x4c: {  	[sflag:s22] =	ssyncset.done $0x0  }
0x4d: {  	s16 =	rddreg [dreg:$0xc];
	[sflag:s22] =	ssyncadd.s32 $0xFFFFEC00  }
0x4e: {  	[spmem:s16] =	stream.linear.scatter [tilespmem:s25], [sflag:$0x9], $0x1400, $0x38;
	[tilespmem:$0x1F1C0] =	vst v63  }
0x4f: {  	_ =	swait.ge [sflag:s22], $0x1400  }
0x50: {  	[sflag:s22] =	ssyncset.done $0x0  }
0x51: {  	s17 =	rddreg [dreg:$0xd];
	[sflag:s22] =	ssyncadd.s32 $0xFFFFEC00  }
0x52: {  	[spmem:s17] =	stream.linear.scatter [tilespmem:s25], [sflag:$0x9], $0x1400, $0x38;
	[tilespmem:$0x1F1C0] =	vst v63  }
0x53: {  	_ =	swait.ge [sflag:s22], $0x1400  }
0x54: {  	[sflag:s22] =	ssyncset.done $0x0  }
0x55: {  	s18 =	rddreg [dreg:$0xe];
	[sflag:s22] =	ssyncadd.s32 $0xFFFFEC00  }
0x56: {  	[spmem:s18] =	stream.linear.scatter [tilespmem:s25], [sflag:$0x9], $0x1400, $0x38;
	[tilespmem:$0x1F1C0] =	vst v63  }
0x57: {  	_ =	swait.ge [sflag:s22], $0x1400  }
0x58: {  	[sflag:s22] =	ssyncset.done $0x0  }
0x59: {  	s19 =	rddreg [dreg:$0xf];
	[sflag:s22] =	ssyncadd.s32 $0xFFFFEC00  }
0x5a: {  	[spmem:s19] =	stream.linear.scatter [tilespmem:s25], [sflag:$0x9], $0x1400, $0x38;
	[tilespmem:$0x1F1C0] =	vst v63  }
0x5b: {  	_ =	swait.ge [sflag:s22], $0x1400  }
0x5c: {  	[sflag:s22] =	ssyncset.done $0x0  }
0x5d: {  	s20 =	rddreg [dreg:$0x10];
	[sflag:s22] =	ssyncadd.s32 $0xFFFFEC00  }
0x5e: {  	[spmem:s20] =	stream.linear.scatter [tilespmem:s25], [sflag:$0x9], $0x1400, $0x38;
	[tilespmem:$0x1F1C0] =	vst v63  }
0x5f: {  	_ =	swait.ge [sflag:s22], $0x1400  }
0x60: {  	[sflag:s22] =	ssyncset.done $0x0  }
0x61: {  	s0 =	simm.s32 @!p0 $0x13C40;
	s5 =	rddreg [dreg:$0x11];
	[sflag:s22] =	ssyncadd.s32 $0xFFFFEC00  }
0x62: {  	[spmem:s5] =	stream.linear.scatter @!p0 [tilespmem:s0], [sflag:$0x9], $0x1400, $0x38;
	[tilespmem:$0x1F1C0] =	vst v63  }
0x63: {  	s0 =	simm.s32 @!p0 $0x9  }
0x64: {  	_ =	swait.ge @!p0 [sflag:s0], $0x1400  }
0x65: {  	[sflag:s0] =	ssyncset.done @!p0 $0x0  }
0x66: {  	[sflag:s0] =	ssyncadd.s32 @!p0 $0xFFFFEC00  }
0x67: {  	s17 =	simm.s32 $0x0;
	[bflag:$0x0] =	sbarrier.arrive $0xFFFF  }
0x68: {  	[tilespmem:s28], [sflag:$0x1] =	stream.indirect.gather [hbm4b:s4+s26], $0x40, s17, s26, $0xb8;
	[tilespmem:$0x1F1C0] =	vst v63  }
0x69: {  	_ = 	snop  }
0x6a: {  	[tilespmem:s29], [sflag:$0x2] =	stream.indirect.gather [hbm4b:s4+s26], $0x40, s26, s26, $0xb8;
	[tilespmem:$0x1F1C0] =	vst v63  }
0x6b: {  	s21 =	simm.s32 $0xA0;
	s31 =	simm.s32 $0xC440  }
0x6c: {  	[tilespmem:s31], [sflag:$0x3] =	stream.indirect.gather [hbm4b:s4+s26], $0x40, s21, s26, $0xb8;
	[tilespmem:$0x1F1C0] =	vst v63  }
0x6d: {  	s6 =	simm.s32 $0xD840;
	s5 =	simm.s32 $0xF0  }
0x6e: {  	[tilespmem:s6], [sflag:$0x4] =	stream.indirect.gather [hbm4b:s4+s26], $0x40, s5, s26, $0xb8;
	[tilespmem:$0x1F1C0] =	vst v63  }
0x6f: {  	s9 =	simm.s32 $0x140;
	s13 =	simm.s32 $0xEC40  }
0x70: {  	[tilespmem:s13], [sflag:$0x5] =	stream.indirect.gather [hbm4b:s4+s26], $0x40, s9, s26, $0xb8;
	[tilespmem:$0x1F1C0] =	vst v63  }
0x71: {  	s16 =	simm.s32 $0x190;
	s18 =	simm.s32 $0x10040  }
0x72: {  	[tilespmem:s18], [sflag:$0x6] =	stream.indirect.gather [hbm4b:s4+s26], $0x40, s16, s26, $0xb8;
	[tilespmem:$0x1F1C0] =	vst v63  }
.Ltmp4:
0x73: {  	_ = 	snop;
	(pc) =	sbr.rel .LBB2_6-.Ltmp4, $4  }
0x74: {  	s19 =	simm.s32 $0x1E0;
	s20 =	simm.s32 $0x11440;
	s21 =	simm.s32 $0x230  }
0x75: {  	[tilespmem:s20], [sflag:$0x7] =	stream.indirect.gather [hbm4b:s4+s26], $0x40, s19, s26, $0xb8;
	[tilespmem:$0x1F1C0] =	vst v63  }
0x76: {  	s31 =	simm.s32 $0x12840;
	s18 =	simm.s32 $0x2;
	s19 =	simm.s32 $0x0  }
0x77: {  	[tilespmem:s31], [sflag:$0x8] =	stream.indirect.gather [hbm4b:s4+s26], $0x40, s21, s26, $0xb8;
	[tilespmem:$0x1F1C0] =	vst v63  }
.LBB2_9:
0x78: {  	s17 =	sadd.s32 $0xA00, s17  }
0x79: {  	p1 =	sne.s32 s17, $0x14000  }
.Ltmp5:
0x7a: {  	_ = 	snop;
	(pc) =	sbr.rel @!p1 .LBB2_10-.Ltmp5, $2  }
0x7b: {  	_ =	sdelay $0x2  }
0x7c: {  	s19 =	sadd.s32 $0x1, s19;
	s18 =	sadd.s32 $0x8, s18  }
.LBB2_6:
0x7d: {  	_ =	swait.ge [sflag:s23], $0x1400  }
0x7e: {  	s20 =	sshra.s32 s17, $0x2;
	p1 =	seq.s32 s17, $0x13600;
	[sflag:s23] =	ssyncset.done $0x0  }
.Ltmp6:
0x7f: {  	s0 =	sadd.s32 $0x4E20, s20;
	[sflag:s23] =	ssyncadd.s32 $0xFFFFEC00;
	(pc) =	sbr.rel @p1 .LBB2_35-.Ltmp6, $4  }
0x80: {  	[spmem:s2] =	stream.indirect.scatter.add.f32 [tilespmem:s28], [sflag:$0x9], $0x40, s0, s26, $0xb8;
	[tilespmem:$0x1F1C0] =	vst v63  }
0x81: {  	_ =	swait.ge [sflag:s22], $0x1400  }
0x82: {  	[sflag:s22] =	ssyncset.done $0x0  }
0x83: {  	[sflag:s22] =	ssyncadd.s32 $0xFFFFEC00  }
0x84: {  	s0 =	sadd.s32 $0x280, s20  }
0x85: {  	[tilespmem:s28], [sflag:$0x1] =	stream.indirect.gather [hbm4b:s4+s26], $0x40, s0, s26, $0xb8;
	[tilespmem:$0x1F1C0] =	vst v63  }
0x86: {  	_ =	swait.ge [sflag:s12], $0x1400  }
0x87: {  	[sflag:s12] =	ssyncset.done $0x0  }
0x88: {  	s21 =	sadd.s32 $0x4E70, s20;
	p1 =	sgt.u32 s18, $0xF9;
	[sflag:s12] =	ssyncadd.s32 $0xFFFFEC00  }
0x89: {  	[spmem:s2] =	stream.indirect.scatter.add.f32 [tilespmem:s29], [sflag:$0x9], $0x40, s21, s26, $0xb8;
	[tilespmem:$0x1F1C0] =	vst v63  }
.Ltmp7:
0x8a: {  	_ = 	snop;
	(pc) =	sbr.rel @p1 .LBB2_9-.Ltmp7, $4  }
0x8b: {  	_ =	swait.ge [sflag:s22], $0x1400  }
0x8c: {  	[sflag:s22] =	ssyncset.done $0x0  }
0x8d: {  	s31 =	sadd.s32 $0x2D0, s20;
	[sflag:s22] =	ssyncadd.s32 $0xFFFFEC00  }
0x8e: {  	[tilespmem:s29], [sflag:$0x2] =	stream.indirect.gather [hbm4b:s4+s26], $0x40, s31, s26, $0xb8;
	[tilespmem:$0x1F1C0] =	vst v63  }
0x8f: {  	_ =	swait.ge [sflag:s30], $0x1400  }
0x90: {  	[sflag:s30] =	ssyncset.done $0x0  }
0x91: {  	s0 =	sadd.s32 $0x4EC0, s20;
	s5 =	simm.s32 $0xC440;
	[sflag:s30] =	ssyncadd.s32 $0xFFFFEC00  }
0x92: {  	[spmem:s2] =	stream.indirect.scatter.add.f32 [tilespmem:s5], [sflag:$0x9], $0x40, s0, s26, $0xb8;
	[tilespmem:$0x1F1C0] =	vst v63  }
0x93: {  	_ =	swait.ge [sflag:s22], $0x1400  }
0x94: {  	p1 =	sgt.u32 s19, $0x1D;
	[sflag:s22] =	ssyncset.done $0x0  }
0x95: {  	s0 =	simm.s32 @p1 $0x4;
	[sflag:s22] =	ssyncadd.s32 $0xFFFFEC00  }
0x96: {  	_ =	swait.ge @p1 [sflag:s0], $0x1400  }
0x97: {  	s16 =	sshra.s32 @p1 s17, $0x2;
	s31 =	simm.s32 @p1 $0x50;
	[sflag:s0] =	ssyncset.done @p1 $0x0  }
0x98: {  	s9 =	simm.s32 @p1 $0xD840;
	[sflag:s0] =	ssyncadd.s32 @p1 $0xFFFFEC00;
	s0 =	sadd.s32 @p1 $0x4F10, s16  }
0x99: {  	[spmem:s2] =	stream.indirect.scatter.add.f32 @p1 [tilespmem:s9], [sflag:$0x9], $0x40, s0, s31, $0xb8;
	[tilespmem:$0x1F1C0] =	vst v63  }
0x9a: {  	s0 =	simm.s32 @p1 $0x9  }
0x9b: {  	_ =	swait.ge @p1 [sflag:s0], $0x1400  }
0x9c: {  	s21 =	sshra.s32 @!p1 s17, $0x2;
	s13 =	simm.s32 @!p1 $0x50;
	[sflag:s0] =	ssyncset.done @p1 $0x0  }
0x9d: {  	s5 =	simm.s32 @!p1 $0xC440;
	s9 =	sadd.s32 @!p1 $0x320, s21;
	[sflag:s0] =	ssyncadd.s32 @p1 $0xFFFFEC00  }
0x9e: {  	[tilespmem:s5], [sflag:$0x3] =	stream.indirect.gather @!p1 [hbm4b:s4+s13], $0x40, s9, s13, $0xb8;
	[tilespmem:$0x1F1C0] =	vst v63  }
0x9f: {  	s5 =	simm.s32 @!p1 $0x4  }
0xa0: {  	_ =	swait.ge @!p1 [sflag:s5], $0x1400  }
0xa1: {  	s6 =	simm.s32 @!p1 $0xD840;
	[sflag:s5] =	ssyncset.done @!p1 $0x0  }
0xa2: {  	s9 =	simm.s32 @!p1 $0x9;
	[sflag:s5] =	ssyncadd.s32 @!p1 $0xFFFFEC00;
	s5 =	sadd.s32 @!p1 $0x4F10, s21  }
0xa3: {  	[spmem:s2] =	stream.indirect.scatter.add.f32 @!p1 [tilespmem:s6], [sflag:$0x9], $0x40, s5, s13, $0xb8;
	[tilespmem:$0x1F1C0] =	vst v63  }
0xa4: {  	_ =	swait.ge @!p1 [sflag:s9], $0x1400  }
0xa5: {  	[sflag:s9] =	ssyncset.done @!p1 $0x0  }
0xa6: {  	s5 =	sadd.s32 @!p1 $0x370, s21;
	[sflag:s9] =	ssyncadd.s32 @!p1 $0xFFFFEC00  }
0xa7: {  	[tilespmem:s6], [sflag:$0x4] =	stream.indirect.gather @!p1 [hbm4b:s4+s13], $0x40, s5, s13, $0xb8;
	[tilespmem:$0x1F1C0] =	vst v63  }
0xa8: {  	_ =	swait.ge [sflag:s11], $0x1400  }
0xa9: {  	[sflag:s11] =	ssyncset.done $0x0  }
0xaa: {  	s5 =	sadd.s32 $0x4F60, s20;
	s6 =	simm.s32 $0xEC40;
	[sflag:s11] =	ssyncadd.s32 $0xFFFFEC00  }
0xab: {  	[spmem:s2] =	stream.indirect.scatter.add.f32 [tilespmem:s6], [sflag:$0x9], $0x40, s5, s26, $0xb8;
	[tilespmem:$0x1F1C0] =	vst v63  }
0xac: {  	_ =	swait.ge [sflag:s22], $0x1400  }
0xad: {  	[sflag:s22] =	ssyncset.done $0x0  }
0xae: {  	s5 =	simm.s32 @p1 $0x6;
	[sflag:s22] =	ssyncadd.s32 $0xFFFFEC00  }
0xaf: {  	_ =	swait.ge @p1 [sflag:s5], $0x1400  }
0xb0: {  	[sflag:s5] =	ssyncset.done @p1 $0x0  }
0xb1: {  	s6 =	simm.s32 @p1 $0x10040;
	[sflag:s5] =	ssyncadd.s32 @p1 $0xFFFFEC00;
	s5 =	sadd.s32 @p1 $0x4FB0, s16  }
0xb2: {  	[spmem:s2] =	stream.indirect.scatter.add.f32 @p1 [tilespmem:s6], [sflag:$0x9], $0x40, s5, s31, $0xb8;
	[tilespmem:$0x1F1C0] =	vst v63  }
0xb3: {  	_ =	swait.ge @p1 [sflag:s0], $0x1400  }
0xb4: {  	[sflag:s0] =	ssyncset.done @p1 $0x0  }
0xb5: {  	s5 =	sadd.s32 @!p1 $0x3C0, s21;
	s6 =	simm.s32 @!p1 $0xEC40;
	[sflag:s0] =	ssyncadd.s32 @p1 $0xFFFFEC00  }
0xb6: {  	[tilespmem:s6], [sflag:$0x5] =	stream.indirect.gather @!p1 [hbm4b:s4+s13], $0x40, s5, s13, $0xb8;
	[tilespmem:$0x1F1C0] =	vst v63  }
0xb7: {  	s5 =	simm.s32 @!p1 $0x6  }
0xb8: {  	_ =	swait.ge @!p1 [sflag:s5], $0x1400  }
0xb9: {  	[sflag:s5] =	ssyncset.done @!p1 $0x0  }
0xba: {  	s6 =	simm.s32 @!p1 $0x10040;
	[sflag:s5] =	ssyncadd.s32 @!p1 $0xFFFFEC00;
	s5 =	sadd.s32 @!p1 $0x4FB0, s21  }
0xbb: {  	[spmem:s2] =	stream.indirect.scatter.add.f32 @!p1 [tilespmem:s6], [sflag:$0x9], $0x40, s5, s13, $0xb8;
	[tilespmem:$0x1F1C0] =	vst v63  }
0xbc: {  	_ =	swait.ge @!p1 [sflag:s9], $0x1400  }
0xbd: {  	[sflag:s9] =	ssyncset.done @!p1 $0x0  }
0xbe: {  	s5 =	sadd.s32 @!p1 $0x410, s21;
	[sflag:s9] =	ssyncadd.s32 @!p1 $0xFFFFEC00  }
0xbf: {  	[tilespmem:s6], [sflag:$0x6] =	stream.indirect.gather @!p1 [hbm4b:s4+s13], $0x40, s5, s13, $0xb8;
	[tilespmem:$0x1F1C0] =	vst v63  }
0xc0: {  	_ =	swait.ge [sflag:s15], $0x1400  }
0xc1: {  	[sflag:s15] =	ssyncset.done $0x0  }
0xc2: {  	s6 =	sadd.s32 $0x5000, s20;
	s20 =	simm.s32 $0x11440;
	[sflag:s15] =	ssyncadd.s32 $0xFFFFEC00  }
0xc3: {  	[spmem:s2] =	stream.indirect.scatter.add.f32 [tilespmem:s20], [sflag:$0x9], $0x40, s6, s26, $0xb8;
	[tilespmem:$0x1F1C0] =	vst v63  }
0xc4: {  	_ =	swait.ge [sflag:s22], $0x1400  }
0xc5: {  	[sflag:s22] =	ssyncset.done $0x0  }
0xc6: {  	s5 =	simm.s32 @p1 $0x8;
	[sflag:s22] =	ssyncadd.s32 $0xFFFFEC00  }
0xc7: {  	_ =	swait.ge @p1 [sflag:s5], $0x1400  }
0xc8: {  	[sflag:s5] =	ssyncset.done @p1 $0x0  }
0xc9: {  	s6 =	simm.s32 @p1 $0x12840;
	[sflag:s5] =	ssyncadd.s32 @p1 $0xFFFFEC00;
	s5 =	sadd.s32 @p1 $0x5050, s16  }
0xca: {  	[spmem:s2] =	stream.indirect.scatter.add.f32 @p1 [tilespmem:s6], [sflag:$0x9], $0x40, s5, s31, $0xb8;
	[tilespmem:$0x1F1C0] =	vst v63  }
0xcb: {  	_ =	swait.ge @p1 [sflag:s0], $0x1400  }
0xcc: {  	[sflag:s0] =	ssyncset.done @p1 $0x0  }
0xcd: {  	s5 =	simm.s32 @!p1 $0x11440;
	[sflag:s0] =	ssyncadd.s32 @p1 $0xFFFFEC00;
	s0 =	sadd.s32 @!p1 $0x460, s21  }
0xce: {  	[tilespmem:s5], [sflag:$0x7] =	stream.indirect.gather @!p1 [hbm4b:s4+s13], $0x40, s0, s13, $0xb8;
	[tilespmem:$0x1F1C0] =	vst v63  }
0xcf: {  	s0 =	simm.s32 @!p1 $0x8  }
0xd0: {  	_ =	swait.ge @!p1 [sflag:s0], $0x1400  }
0xd1: {  	[sflag:s0] =	ssyncset.done @!p1 $0x0  }
0xd2: {  	s5 =	simm.s32 @!p1 $0x12840;
	[sflag:s0] =	ssyncadd.s32 @!p1 $0xFFFFEC00;
	s0 =	sadd.s32 @!p1 $0x5050, s21  }
0xd3: {  	[spmem:s2] =	stream.indirect.scatter.add.f32 @!p1 [tilespmem:s5], [sflag:$0x9], $0x40, s0, s13, $0xb8;
	[tilespmem:$0x1F1C0] =	vst v63  }
.Ltmp8:
0xd4: {  	_ = 	snop;
	(pc) =	sbr.rel .LBB2_9-.Ltmp8, $4  }
0xd5: {  	_ =	swait.ge @!p1 [sflag:s9], $0x1400  }
0xd6: {  	[sflag:s9] =	ssyncset.done @!p1 $0x0  }
0xd7: {  	s0 =	sadd.s32 @!p1 $0x4B0, s21;
	[sflag:s9] =	ssyncadd.s32 @!p1 $0xFFFFEC00  }
0xd8: {  	[tilespmem:s5], [sflag:$0x8] =	stream.indirect.gather @!p1 [hbm4b:s4+s13], $0x40, s0, s13, $0xb8;
	[tilespmem:$0x1F1C0] =	vst v63  }
.LBB2_35:
0xd9: {  	_ =	swait.ge [sflag:s12], $0x1400  }
0xda: {  	[sflag:s12] =	ssyncset.done $0x0  }
0xdb: {  	s0 =	sadd.s32 $0x4E70, s20;
	[sflag:s12] =	ssyncadd.s32 $0xFFFFEC00  }
0xdc: {  	[spmem:s2] =	stream.indirect.scatter.add.f32 [tilespmem:s29], [sflag:$0x9], $0x40, s0, s26, $0xb8;
	[tilespmem:$0x1F1C0] =	vst v63  }
0xdd: {  	_ =	swait.ge [sflag:s22], $0x1400  }
0xde: {  	[sflag:s22] =	ssyncset.done $0x0  }
0xdf: {  	[sflag:s22] =	ssyncadd.s32 $0xFFFFEC00  }
.LBB2_10:
.Ltmp9:
0xe0: {  	(pc) =	sbr.rel .LBB2_11-.Ltmp9, $3  }
0xe1: {  	_ =	sdelay $0x1  }
0xe2: {  	[bflag:$0x0] =	sbarrier.arrive $0xFFFF  }
0xe3: {  	s17 =	simm.s32 $0x0  }
.LBB2_15:
0xe4: {  	s17 =	sadd.s32 $0x1, s17  }
0xe5: {  	p1 =	sne.s32 s17, $0x8  }
.Ltmp10:
0xe6: {  	_ = 	snop;
	(pc) =	sbr.rel @!p1 .LBB2_16-.Ltmp10, $1  }
0xe7: {  	_ =	sdelay $0x3  }
.LBB2_11:
0xe8: {  	s0 =	sshll.u32 s17, $0x4  }
0xe9: {  	s18 =	sor.u32 s1, s0  }
0xea: {  	p1 =	sgt.u32 s18, $0x7C  }
.Ltmp11:
0xeb: {  	_ = 	snop;
	(pc) =	sbr.rel @p1 .LBB2_15-.Ltmp11, $1  }
0xec: {  	_ =	sdelay $0x3  }
0xed: {  	s0 =	smul.u32 $0x5000, s18;
	_ =	sdelay $0x1  }
0xee: {  	s0 =	sshra.s32 s0, $0x2  }
0xef: {  	s0 =	sadd.s32 s0, s2  }
0xf0: {  	[tilespmem:s25], [sflag:$0xA] =	stream.linear.gather [spmem:s0], $0x1400, $0x38;
	[tilespmem:$0x1F1C0] =	vst v63  }
0xf1: {  	s20 =	smul.u32 $0xA0, s18;
	_ =	swait.ge [sflag:s14], $0x1400  }
0xf2: {  	[sflag:s14] =	ssyncset.done $0x0;
	s5 =	rddreg [dreg:$0x4]  }
0xf3: {  	s21 =	simm.s32 $0x0;
	[sflag:s14] =	ssyncadd.s32 $0xFFFFEC00;
	s0 =	sadd.s32 s5, s20  }
0xf4: {  	[tilespmem:s24], [sflag:$0xA] =	stream.linear.gather [hbm4b:s0+s21], $0x500, $0x38;
	[tilespmem:$0x1F1C0] =	vst v63  }
0xf5: {  	_ =	swait.ge [sflag:s14], $0x500  }
0xf6: {  	[sflag:s14] =	ssyncset.done $0x0  }
0xf7: {  	s31 =	simm.s32 $0x0;
	[sflag:s14] =	ssyncadd.s32 $0xFFFFFB00  }
0xf8: {  	v3 =	vld [tilespmem:s31+$0x15040];
	_ =	sdelay $0x4  }
0xf9: {  	v3 =	vmax.f32 v3, $1.000000000e+00  }
0xfa: {  	(erf) = vrcp.f32 v3;
	_ =	sdelay $0x3  }
0xfb: {  	s0 =	simm.s32 $0x13C60  }
0xfc: {  	v3 =	vld [tilespmem:s0+$0xFFFFFFE0]  }
0xfd: {  	v4 =	vld [tilespmem:s0+$0xFFFFFFF0]  }
0xfe: {  	v5 =	vld [tilespmem:s0+$0x0]  }
0xff: {  	v6 =	vld [tilespmem:s0+$0x10]  }
0x100: {  	v7 =	vpop (erf)  }
0x101: {  	v3 =	vmul.f32 v7, v3  }
0x102: {  	v4 =	vmul.f32 v4, v7  }
0x103: {  	v5 =	vmul.f32 v5, v7;
	[tilespmem:s0+$0xFFFFFFE0] =	vst v3  }
0x104: {  	v3 =	vmul.f32 v6, v7;
	[tilespmem:s0+$0xFFFFFFF0] =	vst v4  }
0x105: {  	[tilespmem:s0+$0x0] =	vst v5  }
0x106: {  	s13 =	simm.s32 $0x10;
	s9 =	simm.s32 $0x80;
	[tilespmem:s0+$0x10] =	vst v3  }
.LBB2_13:
0x107: {  	p1 =	sne.s32 s9, $0x13C0;
	v3 =	vld [tilespmem:s13+$0x15040];
	_ =	sdelay $0x4  }
0x108: {  	v3 =	vmax.f32 v3, $1.000000000e+00  }
0x109: {  	(erf) = vrcp.f32 v3;
	_ =	sdelay $0x1  }
0x10a: {  	s0 =	sadd.s32 $0x40, s0  }
0x10b: {  	v3 =	vld [tilespmem:s0+$0xFFFFFFF0]  }
0x10c: {  	v4 =	vld [tilespmem:s0+$0x10]  }
0x10d: {  	v5 =	vld [tilespmem:s0+$0xFFFFFFE0]  }
0x10e: {  	v6 =	vld [tilespmem:s0+$0x0];
	_ =	sdelay $0x2  }
0x10f: {  	v7 =	vpop (erf)  }
0x110: {  	v5 =	vmul.f32 v7, v5;
	v3 =	vmul.f32 v3, v7  }
.Ltmp12:
0x111: {  	v4 =	vmul.f32 v4, v7;
	v6 =	vmul.f32 v6, v7;
	(pc) =	sbr.rel @p1 .LBB2_13-.Ltmp12, $4  }
0x112: {  	[tilespmem:s0+$0xFFFFFFE0] =	vst v5  }
0x113: {  	[tilespmem:s0+$0xFFFFFFF0] =	vst v3  }
0x114: {  	[tilespmem:s0+$0x0] =	vst v6  }
0x115: {  	s13 =	sshra.s32 s9, $0x2;
	s9 =	sadd.s32 $0x40, s9;
	[tilespmem:s0+$0x10] =	vst v4  }
0x116: {  	v3 =	vld [tilespmem:s13+$0x15040];
	_ =	sdelay $0x4  }
0x117: {  	v3 =	vmax.f32 v3, $1.000000000e+00  }
0x118: {  	(erf) = vrcp.f32 v3;
	_ =	sdelay $0x3  }
0x119: {  	s0 =	sadd.s32 $0x40, s0  }
0x11a: {  	v3 =	vld [tilespmem:s0+$0xFFFFFFE0]  }
0x11b: {  	v4 =	vld [tilespmem:s0+$0xFFFFFFF0]  }
0x11c: {  	v5 =	vld [tilespmem:s0+$0x0]  }
0x11d: {  	v6 =	vld [tilespmem:s0+$0x10]  }
0x11e: {  	v7 =	vpop (erf)  }
0x11f: {  	v3 =	vmul.f32 v7, v3  }
0x120: {  	s5 =	smul.u32 $0x50, s18;
	v4 =	vmul.f32 v4, v7  }
0x121: {  	v5 =	vmul.f32 v5, v7;
	[tilespmem:s0+$0xFFFFFFE0] =	vst v3  }
0x122: {  	s5 =	sadd.s32 s10, s5;
	v3 =	vmul.f32 v6, v7;
	[tilespmem:s0+$0xFFFFFFF0] =	vst v4  }
0x123: {  	s5 =	sshll.u32 s5, $0x3;
	[tilespmem:s0+$0x0] =	vst v5  }
.Ltmp13:
0x124: {  	s31 =	sadd.s32 s7, s5;
	[tilespmem:s0+$0x10] =	vst v3;
	(pc) =	sbr.rel .LBB2_15-.Ltmp13, $4  }
0x125: {  	[hbm4b:s31+s3] =	stream.linear.scatter [tilespmem:s25], [sflag:$0x9], $0x1400, $0x38;
	[tilespmem:$0x1F1C0] =	vst v63  }
0x126: {  	_ =	swait.ge [sflag:s22], $0x1400  }
0x127: {  	[sflag:s22] =	ssyncset.done $0x0  }
0x128: {  	[sflag:s22] =	ssyncadd.s32 $0xFFFFEC00  }
.LBB2_16:
0x129: {  	s0 =	simm.s32 $0x0  }
0x12a: {  	v6 =	vld [tilespmem:s0+$0x4E20]  }
0x12b: {  	v5 =	vld [tilespmem:s0+$0x4E30]  }
0x12c: {  	v4 =	vld [tilespmem:s0+$0x4E40]  }
0x12d: {  	s9 =	simm.s32 $0x140;
	v3 =	vld [tilespmem:s0+$0x4E50]  }
.LBB2_17:
0x12e: {  	p1 =	sne.s32 s9, $0x13740;
	v7 =	vld [tilespmem:s0+$0x4E60]  }
0x12f: {  	v6 =	vadd.s32 v1, v6  }
.Ltmp14:
0x130: {  	s5 =	sshra.s32 s9, $0x2;
	[tilespmem:s0+$0x4E20] =	vst v6;
	v5 =	vadd.s32 v1, v5;
	(pc) =	sbr.rel @p1 .LBB2_17-.Ltmp14, $4  }
0x131: {  	v6 =	vld [tilespmem:s5+$0x4E20];
	[tilespmem:s0+$0x4E30] =	vst v5;
	v4 =	vadd.s32 v1, v4  }
0x132: {  	v5 =	vld [tilespmem:s5+$0x4E30];
	[tilespmem:s0+$0x4E40] =	vst v4;
	v3 =	vadd.s32 v1, v3  }
0x133: {  	v4 =	vld [tilespmem:s5+$0x4E40];
	[tilespmem:s0+$0x4E50] =	vst v3;
	v7 =	vadd.s32 v1, v7  }
0x134: {  	s9 =	sadd.s32 $0x140, s9;
	v3 =	vld [tilespmem:s5+$0x4E50];
	[tilespmem:s0+$0x4E60] =	vst v7;
	s0 =	smov.u32 s5  }
0x135: {  	v7 =	vld [tilespmem:s0+$0x4E60]  }
0x136: {  	v6 =	vadd.s32 v1, v6  }
0x137: {  	[tilespmem:s0+$0x4E20] =	vst v6;
	v5 =	vadd.s32 v1, v5  }
0x138: {  	[tilespmem:s0+$0x4E30] =	vst v5;
	v4 =	vadd.s32 v1, v4  }
0x139: {  	[tilespmem:s0+$0x4E40] =	vst v4;
	v3 =	vadd.s32 v1, v3  }
0x13a: {  	[tilespmem:s0+$0x4E50] =	vst v3;
	v3 =	vadd.s32 v1, v7  }
0x13b: {  	s9 =	simm.s32 $0x100;
	[tilespmem:s0+$0x4E60] =	vst v3;
	s0 =	simm.s32 $0x0  }
.LBB2_19:
0x13c: {  	p1 =	sne.s32 s9, $0x4F00;
	[tilespmem:s0+$0x13C70] =	vst v2;
	s5 =	smov.u32 s9;
	s9 =	sadd.s32 $0x100, s9  }
.Ltmp15:
0x13d: {  	[tilespmem:s0+$0x13C60] =	vst v2;
	(pc) =	sbr.rel @p1 .LBB2_19-.Ltmp15, $3  }
0x13e: {  	[tilespmem:s0+$0x13C40] =	vst v2  }
0x13f: {  	[tilespmem:s0+$0x13C50] =	vst v2;
	_ =	sdelay $0x1  }
0x140: {  	s0 =	sshra.s32 s5, $0x2  }
0x141: {  	[tilespmem:s0+$0x13C70] =	vst v2  }
0x142: {  	[tilespmem:s0+$0x13C60] =	vst v2  }
0x143: {  	[tilespmem:s0+$0x13C40] =	vst v2  }
0x144: {  	[tilespmem:s0+$0x13C50] =	vst v2;
	s16 =	rddreg [dreg:$0x9]  }
0x145: {  	[spmem:s16] =	stream.linear.scatter [tilespmem:s25], [sflag:$0x9], $0x1400, $0x38;
	[tilespmem:$0x1F1C0] =	vst v63  }
0x146: {  	_ =	swait.ge [sflag:s22], $0x1400  }
0x147: {  	[sflag:s22] =	ssyncset.done $0x0  }
0x148: {  	s17 =	rddreg [dreg:$0xb];
	[sflag:s22] =	ssyncadd.s32 $0xFFFFEC00  }
0x149: {  	[spmem:s17] =	stream.linear.scatter [tilespmem:s25], [sflag:$0x9], $0x1400, $0x38;
	[tilespmem:$0x1F1C0] =	vst v63  }
0x14a: {  	_ =	swait.ge [sflag:s22], $0x1400  }
0x14b: {  	[sflag:s22] =	ssyncset.done $0x0  }
0x14c: {  	s18 =	rddreg [dreg:$0xc];
	[sflag:s22] =	ssyncadd.s32 $0xFFFFEC00  }
0x14d: {  	[spmem:s18] =	stream.linear.scatter [tilespmem:s25], [sflag:$0x9], $0x1400, $0x38;
	[tilespmem:$0x1F1C0] =	vst v63  }
0x14e: {  	_ =	swait.ge [sflag:s22], $0x1400  }
0x14f: {  	[sflag:s22] =	ssyncset.done $0x0  }
0x150: {  	s19 =	rddreg [dreg:$0xd];
	[sflag:s22] =	ssyncadd.s32 $0xFFFFEC00  }
0x151: {  	[spmem:s19] =	stream.linear.scatter [tilespmem:s25], [sflag:$0x9], $0x1400, $0x38;
	[tilespmem:$0x1F1C0] =	vst v63  }
0x152: {  	_ =	swait.ge [sflag:s22], $0x1400  }
0x153: {  	[sflag:s22] =	ssyncset.done $0x0  }
0x154: {  	s20 =	rddreg [dreg:$0xe];
	[sflag:s22] =	ssyncadd.s32 $0xFFFFEC00  }
0x155: {  	[spmem:s20] =	stream.linear.scatter [tilespmem:s25], [sflag:$0x9], $0x1400, $0x38;
	[tilespmem:$0x1F1C0] =	vst v63  }
0x156: {  	_ =	swait.ge [sflag:s22], $0x1400  }
0x157: {  	[sflag:s22] =	ssyncset.done $0x0  }
0x158: {  	s21 =	rddreg [dreg:$0xf];
	[sflag:s22] =	ssyncadd.s32 $0xFFFFEC00  }
0x159: {  	[spmem:s21] =	stream.linear.scatter [tilespmem:s25], [sflag:$0x9], $0x1400, $0x38;
	[tilespmem:$0x1F1C0] =	vst v63  }
0x15a: {  	_ =	swait.ge [sflag:s22], $0x1400  }
0x15b: {  	[sflag:s22] =	ssyncset.done $0x0  }
0x15c: {  	s31 =	rddreg [dreg:$0x10];
	[sflag:s22] =	ssyncadd.s32 $0xFFFFEC00  }
0x15d: {  	[spmem:s31] =	stream.linear.scatter [tilespmem:s25], [sflag:$0x9], $0x1400, $0x38;
	[tilespmem:$0x1F1C0] =	vst v63  }
0x15e: {  	_ =	swait.ge [sflag:s22], $0x1400  }
0x15f: {  	[sflag:s22] =	ssyncset.done $0x0  }
0x160: {  	s0 =	simm.s32 @!p0 $0x13C40;
	s5 =	rddreg [dreg:$0x11];
	[sflag:s22] =	ssyncadd.s32 $0xFFFFEC00  }
0x161: {  	[spmem:s5] =	stream.linear.scatter @!p0 [tilespmem:s0], [sflag:$0x9], $0x1400, $0x38;
	[tilespmem:$0x1F1C0] =	vst v63  }
0x162: {  	s0 =	simm.s32 @!p0 $0x9  }
0x163: {  	_ =	swait.ge @!p0 [sflag:s0], $0x1400  }
0x164: {  	[sflag:s0] =	ssyncset.done @!p0 $0x0  }
0x165: {  	[sflag:s0] =	ssyncadd.s32 @!p0 $0xFFFFEC00;
	s0 =	simm.s32 $0x0  }
0x166: {  	v6 =	vld [tilespmem:s0+$0x0]  }
0x167: {  	v5 =	vld [tilespmem:s0+$0x10]  }
0x168: {  	v4 =	vld [tilespmem:s0+$0x20]  }
0x169: {  	s9 =	simm.s32 $0x140;
	v3 =	vld [tilespmem:s0+$0x30]  }
.LBB2_21:
0x16a: {  	p1 =	sne.s32 s9, $0x13740;
	v7 =	vld [tilespmem:s0+$0x40]  }
0x16b: {  	v6 =	vadd.s32 v0, v6  }
.Ltmp16:
0x16c: {  	s5 =	sshra.s32 s9, $0x2;
	[tilespmem:s0+$0x0] =	vst v6;
	v5 =	vadd.s32 v0, v5;
	(pc) =	sbr.rel @p1 .LBB2_21-.Ltmp16, $4  }
0x16d: {  	v6 =	vld [tilespmem:s5+$0x0];
	[tilespmem:s0+$0x10] =	vst v5;
	v4 =	vadd.s32 v0, v4  }
0x16e: {  	v5 =	vld [tilespmem:s5+$0x10];
	[tilespmem:s0+$0x20] =	vst v4;
	v3 =	vadd.s32 v0, v3  }
0x16f: {  	v4 =	vld [tilespmem:s5+$0x20];
	[tilespmem:s0+$0x30] =	vst v3;
	v7 =	vadd.s32 v0, v7  }
0x170: {  	s9 =	sadd.s32 $0x140, s9;
	v3 =	vld [tilespmem:s5+$0x30];
	[tilespmem:s0+$0x40] =	vst v7;
	s0 =	smov.u32 s5  }
0x171: {  	v7 =	vld [tilespmem:s0+$0x40]  }
0x172: {  	v6 =	vadd.s32 v0, v6  }
0x173: {  	[tilespmem:s0+$0x0] =	vst v6;
	v5 =	vadd.s32 v0, v5  }
0x174: {  	[tilespmem:s0+$0x10] =	vst v5;
	v4 =	vadd.s32 v0, v4  }
0x175: {  	[tilespmem:s0+$0x20] =	vst v4;
	v3 =	vadd.s32 v0, v3  }
0x176: {  	[tilespmem:s0+$0x30] =	vst v3;
	v3 =	vadd.s32 v0, v7  }
0x177: {  	[tilespmem:s0+$0x40] =	vst v3  }
0x178: {  	s20 =	simm.s32 $0x4E20;
	[bflag:$0x0] =	sbarrier.arrive $0xFFFF  }
0x179: {  	[tilespmem:s28], [sflag:$0x1] =	stream.indirect.gather [hbm4b:s7+s26], $0x40, s20, s26, $0xb8;
	[tilespmem:$0x1F1C0] =	vst v63  }
0x17a: {  	s21 =	simm.s32 $0x4E70  }
0x17b: {  	[tilespmem:s29], [sflag:$0x2] =	stream.indirect.gather [hbm4b:s7+s26], $0x40, s21, s26, $0xb8;
	[tilespmem:$0x1F1C0] =	vst v63  }
0x17c: {  	s31 =	simm.s32 $0xC440;
	s5 =	simm.s32 $0x4EC0  }
0x17d: {  	[tilespmem:s31], [sflag:$0x3] =	stream.indirect.gather [hbm4b:s7+s26], $0x40, s5, s26, $0xb8;
	[tilespmem:$0x1F1C0] =	vst v63  }
0x17e: {  	s6 =	simm.s32 $0xD840;
	s9 =	simm.s32 $0x4F10  }
0x17f: {  	[tilespmem:s6], [sflag:$0x4] =	stream.indirect.gather [hbm4b:s7+s26], $0x40, s9, s26, $0xb8;
	[tilespmem:$0x1F1C0] =	vst v63  }
0x180: {  	s13 =	simm.s32 $0xEC40;
	s16 =	simm.s32 $0x4F60  }
0x181: {  	[tilespmem:s13], [sflag:$0x5] =	stream.indirect.gather [hbm4b:s7+s26], $0x40, s16, s26, $0xb8;
	[tilespmem:$0x1F1C0] =	vst v63  }
0x182: {  	s17 =	simm.s32 $0x10040;
	s18 =	simm.s32 $0x4FB0  }
0x183: {  	[tilespmem:s17], [sflag:$0x6] =	stream.indirect.gather [hbm4b:s7+s26], $0x40, s18, s26, $0xb8;
	[tilespmem:$0x1F1C0] =	vst v63  }
.Ltmp17:
0x184: {  	s19 =	simm.s32 $0x11440;
	(pc) =	sbr.rel .LBB2_23-.Ltmp17, $4  }
0x185: {  	s20 =	simm.s32 $0x5000;
	s21 =	simm.s32 $0x12840;
	s31 =	simm.s32 $0x5050  }
0x186: {  	[tilespmem:s19], [sflag:$0x7] =	stream.indirect.gather [hbm4b:s7+s26], $0x40, s20, s26, $0xb8;
	[tilespmem:$0x1F1C0] =	vst v63  }
0x187: {  	s17 =	simm.s32 $0x0;
	s18 =	simm.s32 $0x2;
	s19 =	simm.s32 $0x0  }
0x188: {  	[tilespmem:s21], [sflag:$0x8] =	stream.indirect.gather [hbm4b:s7+s26], $0x40, s31, s26, $0xb8;
	[tilespmem:$0x1F1C0] =	vst v63  }
.LBB2_26:
0x189: {  	s17 =	sadd.s32 $0xA00, s17  }
0x18a: {  	p1 =	sne.s32 s17, $0x14000  }
.Ltmp18:
0x18b: {  	_ = 	snop;
	(pc) =	sbr.rel @!p1 .LBB2_27-.Ltmp18, $2  }
0x18c: {  	_ =	sdelay $0x2  }
0x18d: {  	s19 =	sadd.s32 $0x1, s19;
	s18 =	sadd.s32 $0x8, s18  }
.LBB2_23:
0x18e: {  	_ =	swait.ge [sflag:s23], $0x1400  }
0x18f: {  	p1 =	seq.s32 s17, $0x13600;
	[sflag:s23] =	ssyncset.done $0x0  }
.Ltmp19:
0x190: {  	s20 =	sshra.s32 s17, $0x2;
	[sflag:s23] =	ssyncadd.s32 $0xFFFFEC00;
	(pc) =	sbr.rel @p1 .LBB2_36-.Ltmp19, $4  }
0x191: {  	[spmem:s2] =	stream.indirect.scatter.add.f32 [tilespmem:s28], [sflag:$0x9], $0x40, s20, s26, $0xb8;
	[tilespmem:$0x1F1C0] =	vst v63  }
0x192: {  	_ =	swait.ge [sflag:s22], $0x1400  }
0x193: {  	[sflag:s22] =	ssyncset.done $0x0  }
0x194: {  	[sflag:s22] =	ssyncadd.s32 $0xFFFFEC00  }
0x195: {  	s0 =	sadd.s32 $0x50A0, s20  }
0x196: {  	[tilespmem:s28], [sflag:$0x1] =	stream.indirect.gather [hbm4b:s7+s26], $0x40, s0, s26, $0xb8;
	[tilespmem:$0x1F1C0] =	vst v63  }
0x197: {  	_ =	swait.ge [sflag:s12], $0x1400  }
0x198: {  	[sflag:s12] =	ssyncset.done $0x0  }
0x199: {  	s21 =	sadd.s32 $0x50, s20;
	p1 =	sgt.u32 s18, $0xF9;
	[sflag:s12] =	ssyncadd.s32 $0xFFFFEC00  }
0x19a: {  	[spmem:s2] =	stream.indirect.scatter.add.f32 [tilespmem:s29], [sflag:$0x9], $0x40, s21, s26, $0xb8;
	[tilespmem:$0x1F1C0] =	vst v63  }
.Ltmp20:
0x19b: {  	_ = 	snop;
	(pc) =	sbr.rel @p1 .LBB2_26-.Ltmp20, $4  }
0x19c: {  	_ =	swait.ge [sflag:s22], $0x1400  }
0x19d: {  	[sflag:s22] =	ssyncset.done $0x0  }
0x19e: {  	s31 =	sadd.s32 $0x50F0, s20;
	[sflag:s22] =	ssyncadd.s32 $0xFFFFEC00  }
0x19f: {  	[tilespmem:s29], [sflag:$0x2] =	stream.indirect.gather [hbm4b:s7+s26], $0x40, s31, s26, $0xb8;
	[tilespmem:$0x1F1C0] =	vst v63  }
0x1a0: {  	_ =	swait.ge [sflag:s30], $0x1400  }
0x1a1: {  	[sflag:s30] =	ssyncset.done $0x0  }
0x1a2: {  	s0 =	sadd.s32 $0xA0, s20;
	s5 =	simm.s32 $0xC440;
	[sflag:s30] =	ssyncadd.s32 $0xFFFFEC00  }
0x1a3: {  	[spmem:s2] =	stream.indirect.scatter.add.f32 [tilespmem:s5], [sflag:$0x9], $0x40, s0, s26, $0xb8;
	[tilespmem:$0x1F1C0] =	vst v63  }
0x1a4: {  	_ =	swait.ge [sflag:s22], $0x1400  }
0x1a5: {  	p1 =	sgt.u32 s19, $0x1D;
	[sflag:s22] =	ssyncset.done $0x0  }
0x1a6: {  	s0 =	simm.s32 @p1 $0x4;
	[sflag:s22] =	ssyncadd.s32 $0xFFFFEC00  }
0x1a7: {  	_ =	swait.ge @p1 [sflag:s0], $0x1400  }
0x1a8: {  	[sflag:s0] =	ssyncset.done @p1 $0x0  }
0x1a9: {  	s16 =	simm.s32 @p1 $0x50;
	[sflag:s0] =	ssyncadd.s32 @p1 $0xFFFFEC00;
	s0 =	sshra.s32 @p1 s17, $0x2  }
0x1aa: {  	s6 =	simm.s32 @p1 $0xD840;
	s31 =	simm.s32 @p1 $0x9;
	s5 =	sadd.s32 @p1 $0xF0, s0  }
0x1ab: {  	[spmem:s2] =	stream.indirect.scatter.add.f32 @p1 [tilespmem:s6], [sflag:$0x9], $0x40, s5, s16, $0xb8;
	[tilespmem:$0x1F1C0] =	vst v63  }
0x1ac: {  	_ =	swait.ge @p1 [sflag:s31], $0x1400  }
0x1ad: {  	s21 =	sshra.s32 @!p1 s17, $0x2;
	s13 =	simm.s32 @!p1 $0x50;
	[sflag:s31] =	ssyncset.done @p1 $0x0  }
0x1ae: {  	s5 =	sadd.s32 @!p1 $0x5140, s21;
	s6 =	simm.s32 @!p1 $0xC440;
	[sflag:s31] =	ssyncadd.s32 @p1 $0xFFFFEC00  }
0x1af: {  	[tilespmem:s6], [sflag:$0x3] =	stream.indirect.gather @!p1 [hbm4b:s7+s13], $0x40, s5, s13, $0xb8;
	[tilespmem:$0x1F1C0] =	vst v63  }
0x1b0: {  	s5 =	simm.s32 @!p1 $0x4  }
0x1b1: {  	_ =	swait.ge @!p1 [sflag:s5], $0x1400  }
0x1b2: {  	s9 =	simm.s32 @!p1 $0x9;
	[sflag:s5] =	ssyncset.done @!p1 $0x0  }
0x1b3: {  	s6 =	simm.s32 @!p1 $0xD840;
	[sflag:s5] =	ssyncadd.s32 @!p1 $0xFFFFEC00;
	s5 =	sadd.s32 @!p1 $0xF0, s21  }
0x1b4: {  	[spmem:s2] =	stream.indirect.scatter.add.f32 @!p1 [tilespmem:s6], [sflag:$0x9], $0x40, s5, s13, $0xb8;
	[tilespmem:$0x1F1C0] =	vst v63  }
0x1b5: {  	_ =	swait.ge @!p1 [sflag:s9], $0x1400  }
0x1b6: {  	[sflag:s9] =	ssyncset.done @!p1 $0x0  }
0x1b7: {  	s5 =	sadd.s32 @!p1 $0x5190, s21;
	[sflag:s9] =	ssyncadd.s32 @!p1 $0xFFFFEC00  }
0x1b8: {  	[tilespmem:s6], [sflag:$0x4] =	stream.indirect.gather @!p1 [hbm4b:s7+s13], $0x40, s5, s13, $0xb8;
	[tilespmem:$0x1F1C0] =	vst v63  }
0x1b9: {  	_ =	swait.ge [sflag:s11], $0x1400  }
0x1ba: {  	[sflag:s11] =	ssyncset.done $0x0  }
0x1bb: {  	s5 =	sadd.s32 $0x140, s20;
	s6 =	simm.s32 $0xEC40;
	[sflag:s11] =	ssyncadd.s32 $0xFFFFEC00  }
0x1bc: {  	[spmem:s2] =	stream.indirect.scatter.add.f32 [tilespmem:s6], [sflag:$0x9], $0x40, s5, s26, $0xb8;
	[tilespmem:$0x1F1C0] =	vst v63  }
0x1bd: {  	_ =	swait.ge [sflag:s22], $0x1400  }
0x1be: {  	[sflag:s22] =	ssyncset.done $0x0  }
0x1bf: {  	s5 =	simm.s32 @p1 $0x6;
	[sflag:s22] =	ssyncadd.s32 $0xFFFFEC00  }
0x1c0: {  	_ =	swait.ge @p1 [sflag:s5], $0x1400  }
0x1c1: {  	[sflag:s5] =	ssyncset.done @p1 $0x0  }
0x1c2: {  	s6 =	simm.s32 @p1 $0x10040;
	[sflag:s5] =	ssyncadd.s32 @p1 $0xFFFFEC00;
	s5 =	sadd.s32 @p1 $0x190, s0  }
0x1c3: {  	[spmem:s2] =	stream.indirect.scatter.add.f32 @p1 [tilespmem:s6], [sflag:$0x9], $0x40, s5, s16, $0xb8;
	[tilespmem:$0x1F1C0] =	vst v63  }
0x1c4: {  	_ =	swait.ge @p1 [sflag:s31], $0x1400  }
0x1c5: {  	[sflag:s31] =	ssyncset.done @p1 $0x0  }
0x1c6: {  	s5 =	sadd.s32 @!p1 $0x51E0, s21;
	s6 =	simm.s32 @!p1 $0xEC40;
	[sflag:s31] =	ssyncadd.s32 @p1 $0xFFFFEC00  }
0x1c7: {  	[tilespmem:s6], [sflag:$0x5] =	stream.indirect.gather @!p1 [hbm4b:s7+s13], $0x40, s5, s13, $0xb8;
	[tilespmem:$0x1F1C0] =	vst v63  }
0x1c8: {  	s5 =	simm.s32 @!p1 $0x6  }
0x1c9: {  	_ =	swait.ge @!p1 [sflag:s5], $0x1400  }
0x1ca: {  	[sflag:s5] =	ssyncset.done @!p1 $0x0  }
0x1cb: {  	s6 =	simm.s32 @!p1 $0x10040;
	[sflag:s5] =	ssyncadd.s32 @!p1 $0xFFFFEC00;
	s5 =	sadd.s32 @!p1 $0x190, s21  }
0x1cc: {  	[spmem:s2] =	stream.indirect.scatter.add.f32 @!p1 [tilespmem:s6], [sflag:$0x9], $0x40, s5, s13, $0xb8;
	[tilespmem:$0x1F1C0] =	vst v63  }
0x1cd: {  	_ =	swait.ge @!p1 [sflag:s9], $0x1400  }
0x1ce: {  	[sflag:s9] =	ssyncset.done @!p1 $0x0  }
0x1cf: {  	s5 =	sadd.s32 @!p1 $0x5230, s21;
	[sflag:s9] =	ssyncadd.s32 @!p1 $0xFFFFEC00  }
0x1d0: {  	[tilespmem:s6], [sflag:$0x6] =	stream.indirect.gather @!p1 [hbm4b:s7+s13], $0x40, s5, s13, $0xb8;
	[tilespmem:$0x1F1C0] =	vst v63  }
0x1d1: {  	_ =	swait.ge [sflag:s15], $0x1400  }
0x1d2: {  	[sflag:s15] =	ssyncset.done $0x0  }
0x1d3: {  	s6 =	sadd.s32 $0x1E0, s20;
	s20 =	simm.s32 $0x11440;
	[sflag:s15] =	ssyncadd.s32 $0xFFFFEC00  }
0x1d4: {  	[spmem:s2] =	stream.indirect.scatter.add.f32 [tilespmem:s20], [sflag:$0x9], $0x40, s6, s26, $0xb8;
	[tilespmem:$0x1F1C0] =	vst v63  }
0x1d5: {  	_ =	swait.ge [sflag:s22], $0x1400  }
0x1d6: {  	[sflag:s22] =	ssyncset.done $0x0  }
0x1d7: {  	s5 =	simm.s32 @p1 $0x8;
	[sflag:s22] =	ssyncadd.s32 $0xFFFFEC00  }
0x1d8: {  	_ =	swait.ge @p1 [sflag:s5], $0x1400  }
0x1d9: {  	[sflag:s5] =	ssyncset.done @p1 $0x0  }
0x1da: {  	s0 =	sadd.s32 @p1 $0x230, s0;
	[sflag:s5] =	ssyncadd.s32 @p1 $0xFFFFEC00;
	s5 =	simm.s32 @p1 $0x12840  }
0x1db: {  	[spmem:s2] =	stream.indirect.scatter.add.f32 @p1 [tilespmem:s5], [sflag:$0x9], $0x40, s0, s16, $0xb8;
	[tilespmem:$0x1F1C0] =	vst v63  }
0x1dc: {  	_ =	swait.ge @p1 [sflag:s31], $0x1400  }
0x1dd: {  	[sflag:s31] =	ssyncset.done @p1 $0x0  }
0x1de: {  	s0 =	sadd.s32 @!p1 $0x5280, s21;
	s5 =	simm.s32 @!p1 $0x11440;
	[sflag:s31] =	ssyncadd.s32 @p1 $0xFFFFEC00  }
0x1df: {  	[tilespmem:s5], [sflag:$0x7] =	stream.indirect.gather @!p1 [hbm4b:s7+s13], $0x40, s0, s13, $0xb8;
	[tilespmem:$0x1F1C0] =	vst v63  }
0x1e0: {  	s0 =	simm.s32 @!p1 $0x8  }
0x1e1: {  	_ =	swait.ge @!p1 [sflag:s0], $0x1400  }
0x1e2: {  	[sflag:s0] =	ssyncset.done @!p1 $0x0  }
0x1e3: {  	s5 =	simm.s32 @!p1 $0x12840;
	[sflag:s0] =	ssyncadd.s32 @!p1 $0xFFFFEC00;
	s0 =	sadd.s32 @!p1 $0x230, s21  }
0x1e4: {  	[spmem:s2] =	stream.indirect.scatter.add.f32 @!p1 [tilespmem:s5], [sflag:$0x9], $0x40, s0, s13, $0xb8;
	[tilespmem:$0x1F1C0] =	vst v63  }
.Ltmp21:
0x1e5: {  	_ = 	snop;
	(pc) =	sbr.rel .LBB2_26-.Ltmp21, $4  }
0x1e6: {  	_ =	swait.ge @!p1 [sflag:s9], $0x1400  }
0x1e7: {  	[sflag:s9] =	ssyncset.done @!p1 $0x0  }
0x1e8: {  	s0 =	sadd.s32 @!p1 $0x52D0, s21;
	[sflag:s9] =	ssyncadd.s32 @!p1 $0xFFFFEC00  }
0x1e9: {  	[tilespmem:s5], [sflag:$0x8] =	stream.indirect.gather @!p1 [hbm4b:s7+s13], $0x40, s0, s13, $0xb8;
	[tilespmem:$0x1F1C0] =	vst v63  }
.LBB2_36:
0x1ea: {  	_ =	swait.ge [sflag:s12], $0x1400  }
0x1eb: {  	[sflag:s12] =	ssyncset.done $0x0  }
0x1ec: {  	s0 =	sadd.s32 $0x50, s20;
	[sflag:s12] =	ssyncadd.s32 $0xFFFFEC00  }
0x1ed: {  	[spmem:s2] =	stream.indirect.scatter.add.f32 [tilespmem:s29], [sflag:$0x9], $0x40, s0, s26, $0xb8;
	[tilespmem:$0x1F1C0] =	vst v63  }
0x1ee: {  	_ =	swait.ge [sflag:s22], $0x1400  }
0x1ef: {  	[sflag:s22] =	ssyncset.done $0x0  }
0x1f0: {  	[sflag:s22] =	ssyncadd.s32 $0xFFFFEC00  }
.LBB2_27:
.Ltmp22:
0x1f1: {  	(pc) =	sbr.rel .LBB2_28-.Ltmp22, $3  }
0x1f2: {  	_ =	sdelay $0x1  }
0x1f3: {  	[bflag:$0x0] =	sbarrier.arrive $0xFFFF  }
0x1f4: {  	s17 =	simm.s32 $0x0  }
.LBB2_32:
0x1f5: {  	s17 =	sadd.s32 $0x1, s17  }
0x1f6: {  	p1 =	sne.s32 s17, $0x8  }
.Ltmp23:
0x1f7: {  	_ = 	snop;
	(pc) =	sbr.rel @!p1 .LBB2_33-.Ltmp23, $1  }
0x1f8: {  	_ =	sdelay $0x3  }
.LBB2_28:
0x1f9: {  	s0 =	sshll.u32 s17, $0x4  }
0x1fa: {  	s18 =	sor.u32 s1, s0  }
0x1fb: {  	p1 =	sgt.u32 s18, $0x7C  }
.Ltmp24:
0x1fc: {  	_ = 	snop;
	(pc) =	sbr.rel @p1 .LBB2_32-.Ltmp24, $1  }
0x1fd: {  	_ =	sdelay $0x3  }
0x1fe: {  	s0 =	smul.u32 $0x5000, s18;
	_ =	sdelay $0x1  }
0x1ff: {  	s0 =	sshra.s32 s0, $0x2  }
0x200: {  	s0 =	sadd.s32 s0, s2  }
0x201: {  	[tilespmem:s25], [sflag:$0xA] =	stream.linear.gather [spmem:s0], $0x1400, $0x38;
	[tilespmem:$0x1F1C0] =	vst v63  }
0x202: {  	s20 =	smul.u32 $0xA0, s18;
	_ =	swait.ge [sflag:s14], $0x1400  }
0x203: {  	[sflag:s14] =	ssyncset.done $0x0;
	s5 =	rddreg [dreg:$0x5]  }
0x204: {  	s21 =	simm.s32 $0x0;
	[sflag:s14] =	ssyncadd.s32 $0xFFFFEC00;
	s0 =	sadd.s32 s5, s20  }
0x205: {  	[tilespmem:s24], [sflag:$0xA] =	stream.linear.gather [hbm4b:s0+s21], $0x500, $0x38;
	[tilespmem:$0x1F1C0] =	vst v63  }
0x206: {  	_ =	swait.ge [sflag:s14], $0x500  }
0x207: {  	[sflag:s14] =	ssyncset.done $0x0  }
0x208: {  	s31 =	simm.s32 $0x0;
	[sflag:s14] =	ssyncadd.s32 $0xFFFFFB00  }
0x209: {  	v3 =	vld [tilespmem:s31+$0x15040];
	_ =	sdelay $0x4  }
0x20a: {  	v3 =	vmax.f32 v3, $1.000000000e+00  }
0x20b: {  	(erf) = vrcp.f32 v3;
	_ =	sdelay $0x3  }
0x20c: {  	s19 =	simm.s32 $0x13C60  }
0x20d: {  	v3 =	vld [tilespmem:s19+$0xFFFFFFE0];
	_ =	sdelay $0x1  }
0x20e: {  	v4 =	vld [tilespmem:$0x15540];
	_ =	sdelay $0x1  }
0x20f: {  	v5 =	vpop (erf)  }
0x210: {  	v3 =	vmul.f32 v5, v3;
	_ =	sdelay $0x1  }
0x211: {  	v3 =	vadd.f32 v3, v4;
	_ =	sdelay $0x1  }
0x212: {  	v4 =	vmul.f32 $1.442695020e+00, v3;
	_ =	sdelay $0x1  }
0x213: {  	(erf) = vpow2.f32 v4;
	_ =	sdelay $0x8  }
0x214: {  	v4 =	vpop (erf)  }
0x215: {  	v4 =	vadd.f32 $-1.000000000e+00, v4  }
0x216: {  	vm0 =	vgt.f32 v3, $0.0e+00  }
0x217: {  	v3 =	vsel vm0, v3, v4;
	v4 =	vld [tilespmem:s19+$0xFFFFFFF0]  }
0x218: {  	[tilespmem:s19+$0xFFFFFFE0] =	vst v3  }
0x219: {  	v3 =	vld [tilespmem:$0x15550];
	_ =	sdelay $0x2  }
0x21a: {  	v4 =	vmul.f32 v4, v5;
	_ =	sdelay $0x1  }
0x21b: {  	v3 =	vadd.f32 v3, v4;
	_ =	sdelay $0x1  }
0x21c: {  	v4 =	vmul.f32 $1.442695020e+00, v3;
	_ =	sdelay $0x1  }
0x21d: {  	(erf) = vpow2.f32 v4;
	_ =	sdelay $0x8  }
0x21e: {  	v4 =	vpop (erf)  }
0x21f: {  	v4 =	vadd.f32 $-1.000000000e+00, v4  }
0x220: {  	vm13 =	vgt.f32 v3, $0.0e+00  }
0x221: {  	v3 =	vsel vm13, v3, v4;
	v4 =	vld [tilespmem:s19+$0x0]  }
0x222: {  	[tilespmem:s19+$0xFFFFFFF0] =	vst v3  }
0x223: {  	v3 =	vld [tilespmem:$0x15560];
	_ =	sdelay $0x2  }
0x224: {  	v4 =	vmul.f32 v4, v5;
	_ =	sdelay $0x1  }
0x225: {  	v3 =	vadd.f32 v3, v4;
	_ =	sdelay $0x1  }
0x226: {  	v4 =	vmul.f32 $1.442695020e+00, v3;
	_ =	sdelay $0x1  }
0x227: {  	(erf) = vpow2.f32 v4;
	_ =	sdelay $0x8  }
0x228: {  	v4 =	vpop (erf)  }
0x229: {  	v4 =	vadd.f32 $-1.000000000e+00, v4  }
0x22a: {  	vm14 =	vgt.f32 v3, $0.0e+00  }
0x22b: {  	v3 =	vsel vm14, v3, v4;
	v4 =	vld [tilespmem:s19+$0x10]  }
0x22c: {  	[tilespmem:s19+$0x0] =	vst v3  }
0x22d: {  	v3 =	vld [tilespmem:$0x15570];
	_ =	sdelay $0x2  }
0x22e: {  	v4 =	vmul.f32 v4, v5;
	_ =	sdelay $0x1  }
0x22f: {  	v3 =	vadd.f32 v3, v4;
	_ =	sdelay $0x1  }
0x230: {  	v4 =	vmul.f32 $1.442695020e+00, v3;
	_ =	sdelay $0x1  }
0x231: {  	(erf) = vpow2.f32 v4;
	_ =	sdelay $0x8  }
0x232: {  	v4 =	vpop (erf)  }
0x233: {  	v4 =	vadd.f32 $-1.000000000e+00, v4  }
0x234: {  	vm15 =	vgt.f32 v3, $0.0e+00  }
0x235: {  	s20 =	simm.s32 $0x40;
	s0 =	simm.s32 $0x80;
	v3 =	vsel vm15, v3, v4  }
.LBB2_30:
0x236: {  	s5 =	sshra.s32 s20, $0x2  }
0x237: {  	[tilespmem:s19+$0x10] =	vst v3;
	s19 =	sadd.s32 $0x40, s19;
	s20 =	smov.u32 s0;
	s21 =	sadd.s32 $0x40, s0  }
0x238: {  	p1 =	sne.s32 s0, $0x13C0;
	v3 =	vld [tilespmem:s5+$0x15040];
	_ =	sdelay $0x4  }
0x239: {  	v3 =	vmax.f32 v3, $1.000000000e+00  }
0x23a: {  	(erf) = vrcp.f32 v3;
	_ =	sdelay $0x4  }
0x23b: {  	v3 =	vld [tilespmem:s19+$0xFFFFFFE0];
	_ =	sdelay $0x1  }
0x23c: {  	v4 =	vld [tilespmem:$0x15540];
	_ =	sdelay $0x1  }
0x23d: {  	v5 =	vpop (erf)  }
0x23e: {  	v3 =	vmul.f32 v5, v3;
	_ =	sdelay $0x1  }
0x23f: {  	v3 =	vadd.f32 v3, v4;
	_ =	sdelay $0x1  }
0x240: {  	v4 =	vmul.f32 $1.442695020e+00, v3;
	_ =	sdelay $0x1  }
0x241: {  	(erf) = vpow2.f32 v4;
	_ =	sdelay $0x8  }
0x242: {  	v4 =	vpop (erf)  }
0x243: {  	v4 =	vadd.f32 $-1.000000000e+00, v4  }
0x244: {  	vm0 =	vgt.f32 v3, $0.0e+00  }
0x245: {  	v3 =	vsel vm0, v3, v4;
	v4 =	vld [tilespmem:s19+$0xFFFFFFF0]  }
0x246: {  	[tilespmem:s19+$0xFFFFFFE0] =	vst v3  }
0x247: {  	v3 =	vld [tilespmem:$0x15550];
	_ =	sdelay $0x2  }
0x248: {  	v4 =	vmul.f32 v4, v5;
	_ =	sdelay $0x1  }
0x249: {  	v3 =	vadd.f32 v3, v4;
	_ =	sdelay $0x1  }
0x24a: {  	v4 =	vmul.f32 $1.442695020e+00, v3;
	_ =	sdelay $0x1  }
0x24b: {  	(erf) = vpow2.f32 v4;
	_ =	sdelay $0x8  }
0x24c: {  	v4 =	vpop (erf)  }
0x24d: {  	v4 =	vadd.f32 $-1.000000000e+00, v4  }
0x24e: {  	vm0 =	vgt.f32 v3, $0.0e+00  }
0x24f: {  	v3 =	vsel vm0, v3, v4;
	v4 =	vld [tilespmem:s19+$0x0]  }
0x250: {  	[tilespmem:s19+$0xFFFFFFF0] =	vst v3  }
0x251: {  	v3 =	vld [tilespmem:$0x15560];
	_ =	sdelay $0x2  }
0x252: {  	v4 =	vmul.f32 v4, v5;
	_ =	sdelay $0x1  }
0x253: {  	v3 =	vadd.f32 v3, v4;
	_ =	sdelay $0x1  }
0x254: {  	v4 =	vmul.f32 $1.442695020e+00, v3;
	_ =	sdelay $0x1  }
0x255: {  	(erf) = vpow2.f32 v4;
	_ =	sdelay $0x8  }
0x256: {  	v4 =	vpop (erf)  }
0x257: {  	v4 =	vadd.f32 $-1.000000000e+00, v4  }
0x258: {  	vm0 =	vgt.f32 v3, $0.0e+00  }
0x259: {  	v3 =	vsel vm0, v3, v4;
	v4 =	vld [tilespmem:s19+$0x10]  }
0x25a: {  	[tilespmem:s19+$0x0] =	vst v3  }
0x25b: {  	v3 =	vld [tilespmem:$0x15570];
	_ =	sdelay $0x2  }
0x25c: {  	v4 =	vmul.f32 v4, v5;
	_ =	sdelay $0x1  }
0x25d: {  	v3 =	vadd.f32 v3, v4;
	_ =	sdelay $0x1  }
0x25e: {  	v4 =	vmul.f32 $1.442695020e+00, v3;
	_ =	sdelay $0x1  }
0x25f: {  	(erf) = vpow2.f32 v4;
	_ =	sdelay $0x7  }
.Ltmp25:
0x260: {  	(pc) =	sbr.rel @p1 .LBB2_30-.Ltmp25, $4  }
0x261: {  	v4 =	vpop (erf)  }
0x262: {  	v4 =	vadd.f32 $-1.000000000e+00, v4  }
0x263: {  	vm0 =	vgt.f32 v3, $0.0e+00  }
0x264: {  	s0 =	smov.u32 s21;
	v3 =	vsel vm0, v3, v4  }
0x265: {  	s0 =	sshra.s32 s20, $0x2;
	[tilespmem:s19+$0x10] =	vst v3  }
0x266: {  	v3 =	vld [tilespmem:s0+$0x15040];
	_ =	sdelay $0x4  }
0x267: {  	v3 =	vmax.f32 v3, $1.000000000e+00  }
0x268: {  	(erf) = vrcp.f32 v3;
	_ =	sdelay $0x3  }
0x269: {  	s21 =	sadd.s32 $0x40, s19  }
0x26a: {  	v3 =	vld [tilespmem:s21+$0xFFFFFFE0];
	_ =	sdelay $0x1  }
0x26b: {  	v4 =	vld [tilespmem:$0x15540];
	_ =	sdelay $0x1  }
0x26c: {  	v5 =	vpop (erf)  }
0x26d: {  	v3 =	vmul.f32 v5, v3;
	_ =	sdelay $0x1  }
0x26e: {  	v3 =	vadd.f32 v3, v4;
	_ =	sdelay $0x1  }
0x26f: {  	v4 =	vmul.f32 $1.442695020e+00, v3;
	_ =	sdelay $0x1  }
0x270: {  	(erf) = vpow2.f32 v4;
	_ =	sdelay $0x8  }
0x271: {  	v4 =	vpop (erf)  }
0x272: {  	v4 =	vadd.f32 $-1.000000000e+00, v4  }
0x273: {  	vm0 =	vgt.f32 v3, $0.0e+00  }
0x274: {  	v61 =	vld [tilespmem:s21+$0xFFFFFFF0];
	v3 =	vsel vm0, v3, v4  }
0x275: {  	[tilespmem:s21+$0xFFFFFFE0] =	vst v3  }
0x276: {  	v3 =	vld [tilespmem:$0x15550];
	_ =	sdelay $0x2  }
0x277: {  	v4 =	vmul.f32 v61, v5;
	_ =	sdelay $0x1  }
0x278: {  	v3 =	vadd.f32 v3, v4;
	_ =	sdelay $0x1  }
0x279: {  	v4 =	vmul.f32 $1.442695020e+00, v3;
	_ =	sdelay $0x1  }
0x27a: {  	(erf) = vpow2.f32 v4;
	_ =	sdelay $0x8  }
0x27b: {  	v4 =	vpop (erf)  }
0x27c: {  	v4 =	vadd.f32 $-1.000000000e+00, v4  }
0x27d: {  	vm13 =	vgt.f32 v3, $0.0e+00  }
0x27e: {  	v62 =	vld [tilespmem:s21+$0x0];
	v3 =	vsel vm13, v3, v4  }
0x27f: {  	[tilespmem:s21+$0xFFFFFFF0] =	vst v3  }
0x280: {  	v3 =	vld [tilespmem:$0x15560];
	_ =	sdelay $0x2  }
0x281: {  	v4 =	vmul.f32 v62, v5;
	_ =	sdelay $0x1  }
0x282: {  	v3 =	vadd.f32 v3, v4;
	_ =	sdelay $0x1  }
0x283: {  	v4 =	vmul.f32 $1.442695020e+00, v3;
	_ =	sdelay $0x1  }
0x284: {  	(erf) = vpow2.f32 v4;
	_ =	sdelay $0x8  }
0x285: {  	v4 =	vpop (erf)  }
0x286: {  	v4 =	vadd.f32 $-1.000000000e+00, v4  }
0x287: {  	vm14 =	vgt.f32 v3, $0.0e+00  }
0x288: {  	v63 =	vld [tilespmem:s21+$0x10];
	v3 =	vsel vm14, v3, v4  }
0x289: {  	[tilespmem:s21+$0x0] =	vst v3  }
0x28a: {  	v3 =	vld [tilespmem:$0x15570];
	_ =	sdelay $0x2  }
0x28b: {  	v4 =	vmul.f32 v63, v5;
	_ =	sdelay $0x1  }
0x28c: {  	v3 =	vadd.f32 v3, v4;
	_ =	sdelay $0x1  }
0x28d: {  	v4 =	vmul.f32 $1.442695020e+00, v3;
	_ =	sdelay $0x1  }
0x28e: {  	(erf) = vpow2.f32 v4;
	_ =	sdelay $0x8  }
0x28f: {  	s5 =	smul.u32 $0x50, s18;
	v4 =	vpop (erf)  }
0x290: {  	v4 =	vadd.f32 $-1.000000000e+00, v4  }
0x291: {  	s5 =	sadd.s32 s10, s5;
	vm15 =	vgt.f32 v3, $0.0e+00  }
0x292: {  	s5 =	sshll.u32 s5, $0x3;
	v3 =	vsel vm15, v3, v4  }
.Ltmp26:
0x293: {  	s31 =	sadd.s32 s8, s5;
	[tilespmem:s21+$0x10] =	vst v3;
	(pc) =	sbr.rel .LBB2_32-.Ltmp26, $4  }
0x294: {  	[hbm4b:s31+s3] =	stream.linear.scatter [tilespmem:s25], [sflag:$0x9], $0x1400, $0x38;
	[tilespmem:$0x1F1C0] =	vst v63  }
0x295: {  	_ =	swait.ge [sflag:s22], $0x1400  }
0x296: {  	[sflag:s22] =	ssyncset.done $0x0  }
0x297: {  	[sflag:s22] =	ssyncadd.s32 $0xFFFFEC00  }
.LBB2_34:
0x298: {  	_ =	sfence.sel $0x180000  }
0x299: {  	[bflag:$0x0] =	sbarrier.arrive $0xFFFF  }
0x29a: {  	_ =	strace $0x9000004A  }
0x29b: {  	[bflag:$0x2] =	sbarrier.arrive $0xFFFF  }
0x29c: {  	p0 =	sne.s32 s1, $0x0;
	s0 =	rddreg [dreg:$0x3]  }
0x29d: {  	s0 =	sadd.s32 @!p0 $0x100000, s0  }
0x29e: {  	[sflag:s0] =	ssyncadd.tile.s32 @!p0 $0x1;
	_ =	shalt  }
.Lfunc_end2:
_tile_overlayer_lowered:
.L_overlay_start_2:
0x29f: {  	(tag) =	ssettag $0x2  }
0x2a0: {  	s0 =	rddreg [dreg:$0x0];
	s2 =	stileid.u32  }
0x2a1: {  	s1 =	rddreg [dreg:$0x1];
	p0 =	sne.s32 s2, $0x0  }
0x2a2: {  	s3 =	rddreg [dreg:$0x2];
	[bflag:$0x3] =	sbarrier.arrive $0xFFFF;
	s2 =	simm.s32 @!p0 $0x1C09  }
0x2a3: {  	[timem:s3], [sflag:s2] =	dma.local @!p0 [hbm:s0], s1  }
0x2a4: {  	s0 =	simm.s32 @!p0 $0x9  }
0x2a5: {  	_ =	swait.ge @!p0 [sflag:s0], s1  }
0x2a6: {  	s1 =	ssub.s32 @!p0 $0x0, s1;
	[sflag:s0] =	ssyncset.done @!p0 $0x0  }
0x2a7: {  	[sflag:s0] =	ssyncadd.s32 @!p0 s1  }
0x2a8: {  	[bflag:$0x3] =	sbarrier.arrive $0xFFFF  }
0x2a9: {  	_ =	shalt  }

// kernel: kernel.14.cloned.1.call-start
scs
__scs_entry_jumppad:
0x0: {  	(pc) =	sbr.rel $0x88, $3  }
0x1: {  	(tag) =	ssettag $0x0;
	lr =	simm.s32 $0x1  }
0x2: {  	[smem:$0x3F9B] =	sst lr;
	_ =	strace $0xD0000000  }
0x3: {  	_ = 	snop  }
0x4: {  	_ = 	snop  }
0x5: {  	_ = 	snop  }
0x6: {  	_ = 	snop  }
0x7: {  	_ = 	snop  }
__scs_overlays_trampoline_lowered:
0x8: {  	[smem:$0x3FAA] =	sst s0  }
0x9: {  	[smem:$0x3FAB] =	sst s1  }
0xa: {  	[smem:$0x3FAC] =	sst s2  }
0xb: {  	[smem:$0x3FAD] =	sst s3  }
0xc: {  	[smem:$0x3FAE] =	sst s4  }
0xd: {  	[smem:$0x3FAF] =	sst s5  }
0xe: {  	[smem:$0x3FB0] =	sst s6  }
0xf: {  	[smem:$0x3FB1] =	sst s7  }
0x10: {  	[smem:$0x3FB2] =	sst s8  }
0x11: {  	[smem:$0x3FB3] =	sst s9;
	s0 =	simm.s32 @!p0 $0x0  }
0x12: {  	s1 =	sld [smem:$0x3F99];
	s0 =	simm.s32 @p0 $0x1  }
0x13: {  	[smem:$0x3FB4] =	sst s0;
	s0 =	simm.s32 @!p1 $0x0  }
0x14: {  	s2 =	sld [smem:$0x3F98];
	s0 =	simm.s32 @p1 $0x1  }
0x15: {  	[smem:$0x3FB5] =	sst s0;
	s0 =	simm.s32 @!p2 $0x0  }
0x16: {  	s3 =	sld [smem:$0x3FDB];
	s0 =	simm.s32 @p2 $0x1  }
0x17: {  	s4 =	simm.s32 $0x1BF5;
	[smem:$0x3FB7] =	sst s0  }
0x18: {  	s0 =	sld [smem:$0x3F9A];
	_ =	swait.ge [sflag:s4], $0x0  }
0x19: {  	s7 =	sld [smem:$0x3F9B]  }
0x1a: {  	s8 =	sadd.s32 $0xFFFFE003, lr  }
0x1b: {  	s9 =	sadd.s32 $0xFFFFFEF7, lr;
	s5 =	simm.s32 $0xFFFFFFFF;
	p2 =	slt.u32 s8, $0xFFFFF086  }
0x1c: {  	p1 =	slt.u32 s9, $0xF7A;
	s5 =	simm.s32 @!p2 $0x0  }
0x1d: {  	s5 =	simm.s32 @p1 $0x1;
	p0 =	seq.s32 s7, s2  }
0x1e: {  	s7 =	smul.u32 @!p0 $0xF7A, s2;
	p2 =	seq.s32 @!p0 s5, $0x0  }
0x1f: {  	s9 =	smul.u32 $0xF7A, s1;
	s8 =	simm.s32 @!p0 $0x1BF5;
	p2 =	por !p2, p0  }
0x20: {  	[sflag:s8] =	ssyncset.s32 @!p0 $0xFFFFF086;
	s6 =	sadd.s32 @!p0 s3, s7;
	s7 =	simm.s32 @!p0 $0x108  }
0x21: {  	s3 =	sadd.s32 s3, s9;
	s6 =	sadd.s32 @!p0 $0x88, s6;
	s7 =	simm.s32 @p2 $0x1082  }
0x22: {  	[simem:s7], [sflag:s8] =	dma.local @!p0 [hbm:s6], $0xF7A  }
0x23: {  	s9 =	sor.u32 $0xD0000000, s2;
	s6 =	simm.s32 $0x108;
	_ =	swait.ge @!p0 [sflag:s8], $0x0  }
0x24: {  	s3 =	sadd.s32 $0x88, s3;
	s6 =	simm.s32 @!p1 $0x1082;
	[sflag:s4] =	ssyncset.s32 $0xFFFFF086  }
0x25: {  	[simem:s6], [sflag:s4] =	dma.local [hbm:s3], $0xF7A  }
0x26: {  	[smem:$0x3F9B] =	sst s1;
	(tag) =	ssettag s2;
	_ =	strace s9  }
0x27: {  	s1 =	sld [smem:$0x3FAB]  }
0x28: {  	s2 =	sld [smem:$0x3FAC]  }
0x29: {  	s4 =	sld [smem:$0x3FAE]  }
0x2a: {  	p0 =	seq.s32 s5, $0x0;
	s5 =	sld [smem:$0x3FAF]  }
0x2b: {  	s6 =	sld [smem:$0x3FB0]  }
0x2c: {  	s7 =	sld [smem:$0x3FB1]  }
0x2d: {  	s3 =	simm.s32 $0x108;
	s8 =	sld [smem:$0x3FB2]  }
0x2e: {  	s3 =	simm.s32 @!p0 $0x1082;
	s9 =	sld [smem:$0x3FB3]  }
0x2f: {  	lr =	sadd.s32 s0, s3;
	s0 =	sld [smem:$0x3FAA]  }
0x30: {  	s3 =	sld [smem:$0x3FAD]  }
0x31: {  	[smem:$0x3FB6] =	sst s10  }
0x32: {  	s10 =	sld [smem:$0x3FB4];
	_ =	sdelay $0x3  }
0x33: {  	p0 =	seq.s32 s10, $0x1;
	s10 =	sld [smem:$0x3FB6];
	_ =	sdelay $0x3  }
0x34: {  	[smem:$0x3FB6] =	sst s10  }
0x35: {  	s10 =	sld [smem:$0x3FB5];
	_ =	sdelay $0x3  }
0x36: {  	p1 =	seq.s32 s10, $0x1;
	s10 =	sld [smem:$0x3FB6];
	_ =	sdelay $0x3  }
0x37: {  	[smem:$0x3FB6] =	sst s10  }
0x38: {  	s10 =	sld [smem:$0x3FB7]  }
0x39: {  	_ = 	snop;
	(pc) =	sbr.ind lr, $3  }
0x3a: {  	_ = 	snop  }
0x3b: {  	_ = 	snop  }
0x3c: {  	p2 =	seq.s32 s10, $0x1;
	s10 =	sld [smem:$0x3FB6]  }
0x3d: {  	_ =	shalt  }
0x3e: {  	_ =	shalt  }
0x3f: {  	_ =	shalt  }
0x40: {  	_ =	shalt  }
0x41: {  	_ =	shalt  }
0x42: {  	_ =	shalt  }
0x43: {  	_ =	shalt  }
0x44: {  	_ =	shalt  }
0x45: {  	_ =	shalt  }
0x46: {  	_ =	shalt  }
0x47: {  	_ =	shalt  }
0x48: {  	_ =	shalt  }
0x49: {  	_ =	shalt  }
0x4a: {  	_ =	shalt  }
0x4b: {  	_ =	shalt  }
0x4c: {  	_ =	shalt  }
0x4d: {  	_ =	shalt  }
0x4e: {  	_ =	shalt  }
0x4f: {  	_ =	shalt  }
0x50: {  	_ =	shalt  }
0x51: {  	_ =	shalt  }
0x52: {  	_ =	shalt  }
0x53: {  	_ =	shalt  }
0x54: {  	_ =	shalt  }
0x55: {  	_ =	shalt  }
0x56: {  	_ =	shalt  }
0x57: {  	_ =	shalt  }
0x58: {  	_ =	shalt  }
0x59: {  	_ =	shalt  }
0x5a: {  	_ =	shalt  }
0x5b: {  	_ =	shalt  }
0x5c: {  	_ =	shalt  }
0x5d: {  	_ =	shalt  }
0x5e: {  	_ =	shalt  }
0x5f: {  	_ =	shalt  }
0x60: {  	_ =	shalt  }
0x61: {  	_ =	shalt  }
0x62: {  	_ =	shalt  }
0x63: {  	_ =	shalt  }
0x64: {  	_ =	shalt  }
0x65: {  	_ =	shalt  }
0x66: {  	_ =	shalt  }
0x67: {  	_ =	shalt  }
0x68: {  	_ =	shalt  }
0x69: {  	_ =	shalt  }
0x6a: {  	_ =	shalt  }
0x6b: {  	_ =	shalt  }
0x6c: {  	_ =	shalt  }
0x6d: {  	_ =	shalt  }
0x6e: {  	_ =	shalt  }
0x6f: {  	_ =	shalt  }
0x70: {  	_ =	shalt  }
0x71: {  	_ =	shalt  }
0x72: {  	_ =	shalt  }
0x73: {  	_ =	shalt  }
0x74: {  	_ =	shalt  }
0x75: {  	_ =	shalt  }
0x76: {  	_ =	shalt  }
0x77: {  	_ =	shalt  }
0x78: {  	_ =	shalt  }
0x79: {  	_ =	shalt  }
0x7a: {  	_ =	shalt  }
0x7b: {  	_ =	shalt  }
0x7c: {  	_ =	shalt  }
0x7d: {  	_ =	shalt  }
0x7e: {  	_ =	shalt  }
0x7f: {  	_ =	shalt  }
0x80: {  	_ =	shalt  }
0x81: {  	_ =	shalt  }
0x82: {  	_ =	shalt  }
0x83: {  	_ =	shalt  }
0x84: {  	_ =	shalt  }
0x85: {  	_ =	shalt  }
0x86: {  	_ =	shalt  }
0x87: {  	_ =	shalt  }
.Lfunc_end0:
.L_simem_size_0:
called_computation.2_lowered:
.L_overlay_start_0:
0x88: {  	s2 =	sld [smem:$0x3FD9]  }
0x89: {  	s3 =	sld [smem:$0x3FFE];
	_ =	sdelay $0x1  }
0x8a: {  	s1 =	srdreg.scid  }
0x8b: {  	s0 =	sand.u32 $0x1, s1  }
0x8c: {  	s17 =	sshll.u32 s0, $0xA;
	s2 =	sadd.s32 s3, s2  }
0x8d: {  	s2 =	sadd.s32 s2, s17  }
0x8e: {  	[smem:$0x3FC2] =	sst s2  }
0x8f: {  	_ = 	snop  }
0x90: {  	s2 =	sld [smem:$0x3FC4]  }
0x91: {  	s18 =	sld [smem:$0x3FD0];
	(tm) =	ssettm $0x1  }
0x92: {  	s4 =	sld [smem:$0x3FFB];
	_ =	sdelay $0x3  }
0x93: {  	_ =	strace s4  }
0x94: {  	s4 =	sld [smem:$0x3FFC];
	_ =	sdelay $0x3  }
0x95: {  	_ =	strace s4  }
0x96: {  	s4 =	sld [smem:$0x3FFD];
	_ =	sdelay $0x3  }
0x97: {  	_ =	strace s4  }
0x98: {  	_ =	strace $0x8FFFFFFF  }
0x99: {  	s19 =	sld [smem:$0x3FDB];
	_ =	sdelay $0x1  }
0x9a: {  	s5 =	simm.s32 $_scs_section_size  }
0x9b: {  	s6 =	simm.s32 $_size__tile_overlayer_lowered;
	s7 =	simm.s32 $_tile_overlayer_lowered  }
0x9c: {  	s22 =	simm.s32 $0x1BFF;
	s21 =	sshll.u32 s7, $0x1;
	s4 =	sadd.s32 s5, s19  }
0x9d: {  	s8 =	simm.s32 $0x0;
	s20 =	sshll.u32 s6, $0x1;
	s6 =	sadd.s32 s21, s4  }
0x9e: {  	[timem:s8], [sflag:s22] =	dma.local [hbm:s6], s20  }
0x9f: {  	_ =	swait.ge [sflag:s22], s20  }
0xa0: {  	s5 =	ssub.s32 $0x0, s20;
	[sflag:s22] =	ssyncset.done $0x0  }
0xa1: {  	[sflag:s22] =	ssyncadd.s32 s5;
	_ =	sdelay $0x1  }
0xa2: {  	s23 =	simm.s32 $0x1B8B  }
0xa3: {  	_ =	swait.ge [sflag:s23], $0x1  }
0xa4: {  	[sflag:s23] =	ssyncset.done $0x0  }
0xa5: {  	s25 =	simm.s32 $0x1B8E;
	s24 =	sld [smem:$0x3FFE];
	[sflag:s23] =	ssyncadd.s32 $0xFFFFFFFF  }
0xa6: {  	s26 =	simm.s32 $execute0_lowered;
	[smem:$0x3FD2] =	sst s25  }
0xa7: {  	s6 =	sshll.u32 s26, $0x1;
	_ =	strace $0x8000004C;
	[dreg:$0x1] =	wrdreg $0xFFFFFFFF  }
0xa8: {  	s28 =	simm.s32 $_size_execute0_lowered;
	s4 =	sadd.s32 s4, s6;
	[dreg:$0x0] =	wrdreg $0x0  }
0xa9: {  	s6 =	sshll.u32 s28, $0x1;
	[dreg:$0x2] =	wrdreg s4  }
0xaa: {  	[dreg:$0x3] =	wrdreg s6  }
0xab: {  	[dreg:$0x4] =	wrdreg $0xC0  }
0xac: {  	_ =	task [dreg:s8], $0x5FFFF  }
0xad: {  	[dreg:$0x1] =	wrdreg $0xFFFFFFFF  }
0xae: {  	[dreg:$0x0] =	wrdreg $0x60  }
0xaf: {  	[dreg:$0x2] =	wrdreg s18  }
0xb0: {  	[dreg:$0x3] =	wrdreg s24  }
0xb1: {  	[dreg:$0x4] =	wrdreg s2  }
0xb2: {  	[dreg:$0x5] =	wrdreg $0xFB600  }
0xb3: {  	[dreg:$0x6] =	wrdreg $0x9  }
0xb4: {  	_ =	task.clear_ibuf [dreg:s8], $0x7FFFF;
	_ =	strace $0x9000004C  }
0xb5: {  	s29 =	simm.s32 $0x9;
	_ =	strace $0x8000004E  }
0xb6: {  	_ =	swait.ge [sflag:s29], $0x1  }
0xb7: {  	[sflag:s29] =	ssyncadd.s32 $0xFFFFFFFF  }
0xb8: {  	_ =	strace $0x9000004E  }
0xb9: {  	_ =	sfence  }
0xba: {  	s30 =	sld [smem:$0x0];
	_ =	sdelay $0x2  }
0xbb: {  	s31 =	sshll.u32 s1, $0xD;
	s1 =	sshrl.u32 s1, $0x2  }
0xbc: {  	s3 =	sand.u32 $0x4000, s31;
	s1 =	sadd.s32 s1, s30  }
0xbd: {  	s0 =	sor.u32 s3, s0;
	s1 =	sshll.u32 s1, $0x11  }
0xbe: {  	s0 =	sor.u32 s1, s0  }
0xbf: {  	s0 =	sadd.s32 $0x8F2B, s0  }
0xc0: {  	[sflag:s0] =	ssyncadd.remote.s32 $0x1  }
0xc1: {  	_ =	sfence.sel $0xFFFF  }
0xc2: {  	[dreg:$0x0] =	wrdreg $0xFFFFFFFF;
	(pc) =	sbr.abs _section_cstart, $3  }
0xc3: {  	[dreg:$0x1] =	wrdreg $0xFFFFFFFF  }
0xc4: {  	_ =	task.clear_ibuf [dreg:s8], $0x2FFFF;
	_ =	strace $0x9FFFFFFF  }
0xc5: {  	(tm) =	ssettm $0x7FFFFFFF  }
tec
execute0_lowered:
.L_overlay_start_1:
0x0: {  	(tag) =	ssettag $0x1  }
0x1: {  	s1 =	rddreg [dreg:$0x0]  }
0x2: {  	s0 =	rddreg [dreg:$0x1]  }
0x3: {  	s9 =	rddreg [dreg:$0x2]  }
0x4: {  	s3 =	rddreg [dreg:$0x3];
	s4 =	simm.s32 $0x0  }
0x5: {  	s2 =	stileid.u32;
	s6 =	srdreg.scid;
	s28 =	simm.s32 $0x9C40  }
0x6: {  	s29 =	simm.s32 $0xA640;
	s30 =	simm.s32 $0x3;
	[smem:$0x7FF] =	sst s4  }
0x7: {  	s5 =	smul.u32 $0x9C4, s2;
	s10 =	sand.u32 $0x1, s6;
	s16 =	sadd.s32 $0x1AC00, s0  }
0x8: {  	s7 =	sadd.s32 $0x1FC00, s0;
	s31 =	smul.u32 $0x2800, s2;
	s21 =	sor.u32 $0x70, s2  }
0x9: {  	s12 =	ssub.s32 $0x2, s10;
	s14 =	sshll.u32 s10, $0x2;
	s10 =	smul.u32 $0x2710, s10  }
0xa: {  	s8 =	sadd.s32 $0x33600, s0;
	_ =	strace $0x8000004D;
	s23 =	smul.u32 $0x2800, s21  }
0xb: {  	[dreg:$0x6] =	wrdreg s16;
	s11 =	sadd.s32 s5, s0;
	s17 =	sadd.s32 s9, s14  }
0xc: {  	s5 =	sadd.s32 $0x15C00, s0;
	s13 =	sshrl.u32 s12, $0x1;
	[dreg:$0x9] =	wrdreg s17  }
0xd: {  	s26 =	ssub.s32 s12, s13;
	s13 =	sadd.s32 $0xBE00, s11;
	[dreg:$0x5] =	wrdreg s5  }
0xe: {  	s18 =	sshrl.u32 s31, $0x2;
	s15 =	sadd.s32 $0x2000, s11;
	[dreg:$0x7] =	wrdreg s13  }
0xf: {  	p0 =	sgt.u32 s21, $0x7C;
	s20 =	sadd.s32 s18, s3;
	[dreg:$0x8] =	wrdreg s15  }
0x10: {  	s14 =	simm.s32 $0xA;
	s0 =	smax.u32 s26, $0x1;
	[dreg:$0xa] =	wrdreg s20  }
0x11: {  	s19 =	ssub.s32 $0x0, s10;
	s22 =	sadd.s32 $0xA000, s20;
	[dreg:$0xb] =	wrdreg s0  }
0x12: {  	s12 =	simm.s32 $0x1;
	s24 =	sadd.s32 $0x14000, s20;
	[dreg:$0xc] =	wrdreg s22  }
0x13: {  	s11 =	simm.s32 $0x5;
	s25 =	sadd.s32 $0x1E000, s20;
	[dreg:$0xd] =	wrdreg s24  }
0x14: {  	s17 =	simm.s32 $0x0;
	s26 =	sadd.s32 $0x28000, s20;
	[dreg:$0xe] =	wrdreg s25  }
.Ltmp0:
0x15: {  	s31 =	sadd.s32 $0x32000, s20;
	[dreg:$0xf] =	wrdreg s26;
	(pc) =	sbr.rel .LBB2_1-.Ltmp0, $4  }
0x16: {  	s6 =	sadd.s32 $0x3C000, s20;
	s15 =	simm.s32 $0x7;
	[dreg:$0x10] =	wrdreg s31  }
0x17: {  	[dreg:$0x11] =	wrdreg s6;
	s0 =	sshrl.u32 s23, $0x2;
	s22 =	simm.s32 $0x9  }
0x18: {  	s25 =	simm.s32 $0xEC40;
	s26 =	simm.s32 $0x50;
	s0 =	sadd.s32 s0, s3  }
0x19: {  	v2 =	vimm.f32 $0.0e+00;
	v1 =	vmov s10;
	v0 =	vmov s19;
	s23 =	simm.s32 $0x2;
	s24 =	simm.s32 $0xF640;
	[dreg:$0x12] =	wrdreg s0  }
.LBB2_33:
0x1a: {  	s17 =	rddreg [dreg:$0x13]  }
0x1b: {  	s0 =	rddreg [dreg:$0xb];
	s17 =	sadd.s32 $0x1, s17  }
0x1c: {  	p1 =	sne.s32 s17, s0  }
.Ltmp1:
0x1d: {  	_ = 	snop;
	(pc) =	sbr.rel @!p1 .LBB2_34-.Ltmp1, $1  }
0x1e: {  	_ =	sdelay $0x3  }
.LBB2_1:
0x1f: {  	s0 =	rddreg [dreg:$0x7]  }
0x20: {  	[tilespmem:s4], [sflag:$0x9] =	stream.linear.gather [hbm4b:s0+s4], $0x4E20, $0x38;
	[tilespmem:$0x14980] =	vst v63  }
0x21: {  	_ =	swait.ge [sflag:s22], $0x4E20  }
0x22: {  	[sflag:s22] =	ssyncset.done $0x0  }
0x23: {  	s6 =	simm.s32 $0x4E20;
	s20 =	rddreg [dreg:$0x8];
	[sflag:s22] =	ssyncadd.s32 $0xFFFFB1E0  }
0x24: {  	[tilespmem:s6], [sflag:$0x9] =	stream.linear.gather [hbm4b:s20+s4], $0x4E20, $0x38;
	[tilespmem:$0x14980] =	vst v63  }
0x25: {  	_ =	swait.ge [sflag:s22], $0x4E20  }
0x26: {  	[sflag:s22] =	ssyncset.done $0x0  }
0x27: {  	s31 =	simm.s32 $0xFB40;
	s21 =	rddreg [dreg:$0x9];
	[sflag:s22] =	ssyncadd.s32 $0xFFFFB1E0  }
0x28: {  	[tilespmem:s31], [sflag:$0x9] =	stream.linear.gather [hbm4b:s21+s4], $0x20, $0x38;
	[tilespmem:$0x14980] =	vst v63  }
0x29: {  	_ =	swait.ge [sflag:s22], $0x20  }
0x2a: {  	[sflag:s22] =	ssyncset.done $0x0  }
0x2b: {  	s0 =	simm.s32 $0x0;
	[sflag:s22] =	ssyncadd.s32 $0xFFFFFFE0  }
0x2c: {  	v6 =	vld [tilespmem:s0+$0x0]  }
0x2d: {  	v5 =	vld [tilespmem:s0+$0x10]  }
0x2e: {  	v4 =	vld [tilespmem:s0+$0x20]  }
0x2f: {  	s9 =	simm.s32 $0x140;
	v3 =	vld [tilespmem:s0+$0x30]  }
.LBB2_2:
0x30: {  	p1 =	sne.s32 s9, $0x13740;
	v7 =	vld [tilespmem:s0+$0x40]  }
0x31: {  	v6 =	vadd.s32 v1, v6  }
.Ltmp2:
0x32: {  	s13 =	sshra.s32 s9, $0x2;
	[tilespmem:s0+$0x0] =	vst v6;
	v5 =	vadd.s32 v1, v5;
	(pc) =	sbr.rel @p1 .LBB2_2-.Ltmp2, $4  }
0x33: {  	v6 =	vld [tilespmem:s13+$0x0];
	[tilespmem:s0+$0x10] =	vst v5;
	v4 =	vadd.s32 v1, v4  }
0x34: {  	v5 =	vld [tilespmem:s13+$0x10];
	[tilespmem:s0+$0x20] =	vst v4;
	v3 =	vadd.s32 v1, v3  }
0x35: {  	v4 =	vld [tilespmem:s13+$0x20];
	[tilespmem:s0+$0x30] =	vst v3;
	v7 =	vadd.s32 v1, v7  }
0x36: {  	s9 =	sadd.s32 $0x140, s9;
	v3 =	vld [tilespmem:s13+$0x30];
	[tilespmem:s0+$0x40] =	vst v7;
	s0 =	smov.u32 s13  }
0x37: {  	v7 =	vld [tilespmem:s0+$0x40]  }
0x38: {  	v6 =	vadd.s32 v1, v6  }
0x39: {  	[tilespmem:s0+$0x0] =	vst v6;
	v5 =	vadd.s32 v1, v5  }
0x3a: {  	[tilespmem:s0+$0x10] =	vst v5;
	v4 =	vadd.s32 v1, v4  }
0x3b: {  	[tilespmem:s0+$0x20] =	vst v4;
	v3 =	vadd.s32 v1, v3  }
0x3c: {  	[tilespmem:s0+$0x30] =	vst v3;
	v3 =	vadd.s32 v1, v7  }
0x3d: {  	[dreg:$0x13] =	wrdreg s17;
	s9 =	simm.s32 $0x0;
	[tilespmem:s0+$0x40] =	vst v3;
	s0 =	simm.s32 $0x80  }
.LBB2_4:
0x3e: {  	p1 =	sne.s32 s0, $0x2780;
	[tilespmem:s9+$0xEC40] =	vst v2;
	s13 =	smov.u32 s0;
	s0 =	sadd.s32 $0x80, s0  }
.Ltmp3:
0x3f: {  	[tilespmem:s9+$0xEC50] =	vst v2;
	(pc) =	sbr.rel @p1 .LBB2_4-.Ltmp3, $2  }
0x40: {  	_ =	sdelay $0x2  }
0x41: {  	s9 =	sshra.s32 s13, $0x2  }
0x42: {  	[tilespmem:s9+$0xEC40] =	vst v2  }
0x43: {  	[tilespmem:s9+$0xEC50] =	vst v2;
	s0 =	rddreg [dreg:$0xa]  }
0x44: {  	[spmem:s0] =	stream.linear.scatter [tilespmem:s25], [sflag:$0x9], $0xA00, $0x38;
	[tilespmem:$0x14980] =	vst v63  }
0x45: {  	_ =	swait.ge [sflag:s22], $0xA00  }
0x46: {  	[sflag:s22] =	ssyncset.done $0x0  }
0x47: {  	s13 =	rddreg [dreg:$0xc];
	[sflag:s22] =	ssyncadd.s32 $0xFFFFF600  }
0x48: {  	[spmem:s13] =	stream.linear.scatter [tilespmem:s25], [sflag:$0x9], $0xA00, $0x38;
	[tilespmem:$0x14980] =	vst v63  }
0x49: {  	_ =	swait.ge [sflag:s22], $0xA00  }
0x4a: {  	[sflag:s22] =	ssyncset.done $0x0  }
0x4b: {  	s16 =	rddreg [dreg:$0xd];
	[sflag:s22] =	ssyncadd.s32 $0xFFFFF600  }
0x4c: {  	[spmem:s16] =	stream.linear.scatter [tilespmem:s25], [sflag:$0x9], $0xA00, $0x38;
	[tilespmem:$0x14980] =	vst v63  }
0x4d: {  	_ =	swait.ge [sflag:s22], $0xA00  }
0x4e: {  	[sflag:s22] =	ssyncset.done $0x0  }
0x4f: {  	s17 =	rddreg [dreg:$0xe];
	[sflag:s22] =	ssyncadd.s32 $0xFFFFF600  }
0x50: {  	[spmem:s17] =	stream.linear.scatter [tilespmem:s25], [sflag:$0x9], $0xA00, $0x38;
	[tilespmem:$0x14980] =	vst v63  }
0x51: {  	_ =	swait.ge [sflag:s22], $0xA00  }
0x52: {  	[sflag:s22] =	ssyncset.done $0x0  }
0x53: {  	s18 =	rddreg [dreg:$0xf];
	[sflag:s22] =	ssyncadd.s32 $0xFFFFF600  }
0x54: {  	[spmem:s18] =	stream.linear.scatter [tilespmem:s25], [sflag:$0x9], $0xA00, $0x38;
	[tilespmem:$0x14980] =	vst v63  }
0x55: {  	_ =	swait.ge [sflag:s22], $0xA00  }
0x56: {  	[sflag:s22] =	ssyncset.done $0x0  }
0x57: {  	s19 =	rddreg [dreg:$0x10];
	[sflag:s22] =	ssyncadd.s32 $0xFFFFF600  }
0x58: {  	[spmem:s19] =	stream.linear.scatter [tilespmem:s25], [sflag:$0x9], $0xA00, $0x38;
	[tilespmem:$0x14980] =	vst v63  }
0x59: {  	_ =	swait.ge [sflag:s22], $0xA00  }
0x5a: {  	[sflag:s22] =	ssyncset.done $0x0  }
0x5b: {  	s20 =	rddreg [dreg:$0x11];
	[sflag:s22] =	ssyncadd.s32 $0xFFFFF600  }
0x5c: {  	[spmem:s20] =	stream.linear.scatter [tilespmem:s25], [sflag:$0x9], $0xA00, $0x38;
	[tilespmem:$0x14980] =	vst v63  }
0x5d: {  	_ =	swait.ge [sflag:s22], $0xA00  }
0x5e: {  	[sflag:s22] =	ssyncset.done $0x0  }
0x5f: {  	s0 =	simm.s32 @!p0 $0xEC40;
	s5 =	rddreg [dreg:$0x12];
	[sflag:s22] =	ssyncadd.s32 $0xFFFFF600  }
0x60: {  	[spmem:s5] =	stream.linear.scatter @!p0 [tilespmem:s0], [sflag:$0x9], $0xA00, $0x38;
	[tilespmem:$0x14980] =	vst v63  }
0x61: {  	s0 =	simm.s32 @!p0 $0x9  }
0x62: {  	_ =	swait.ge @!p0 [sflag:s0], $0xA00  }
0x63: {  	[sflag:s0] =	ssyncset.done @!p0 $0x0  }
0x64: {  	[sflag:s0] =	ssyncadd.s32 @!p0 $0xFFFFF600  }
0x65: {  	s17 =	simm.s32 $0x0;
	[bflag:$0x0] =	sbarrier.arrive $0xFFFF  }
0x66: {  	[tilespmem:s28], [sflag:$0x1] =	stream.indirect.gather [hbm4b:s1+s26], $0x20, s17, s26, $0xb8;
	[tilespmem:$0x14980] =	vst v63  }
0x67: {  	_ = 	snop  }
0x68: {  	[tilespmem:s29], [sflag:$0x2] =	stream.indirect.gather [hbm4b:s1+s26], $0x20, s26, s26, $0xb8;
	[tilespmem:$0x14980] =	vst v63  }
0x69: {  	s21 =	simm.s32 $0xA0;
	s31 =	simm.s32 $0xB040  }
0x6a: {  	[tilespmem:s31], [sflag:$0x3] =	stream.indirect.gather [hbm4b:s1+s26], $0x20, s21, s26, $0xb8;
	[tilespmem:$0x14980] =	vst v63  }
0x6b: {  	s6 =	simm.s32 $0xBA40;
	s5 =	simm.s32 $0xF0  }
0x6c: {  	[tilespmem:s6], [sflag:$0x4] =	stream.indirect.gather [hbm4b:s1+s26], $0x20, s5, s26, $0xb8;
	[tilespmem:$0x14980] =	vst v63  }
0x6d: {  	s9 =	simm.s32 $0x140;
	s13 =	simm.s32 $0xC440  }
0x6e: {  	[tilespmem:s13], [sflag:$0x5] =	stream.indirect.gather [hbm4b:s1+s26], $0x20, s9, s26, $0xb8;
	[tilespmem:$0x14980] =	vst v63  }
0x6f: {  	s16 =	simm.s32 $0x190;
	s18 =	simm.s32 $0xCE40  }
0x70: {  	[tilespmem:s18], [sflag:$0x6] =	stream.indirect.gather [hbm4b:s1+s26], $0x20, s16, s26, $0xb8;
	[tilespmem:$0x14980] =	vst v63  }
.Ltmp4:
0x71: {  	_ = 	snop;
	(pc) =	sbr.rel .LBB2_6-.Ltmp4, $4  }
0x72: {  	s19 =	simm.s32 $0x1E0;
	s20 =	simm.s32 $0xD840;
	s21 =	simm.s32 $0x230  }
0x73: {  	[tilespmem:s20], [sflag:$0x7] =	stream.indirect.gather [hbm4b:s1+s26], $0x20, s19, s26, $0xb8;
	[tilespmem:$0x14980] =	vst v63  }
0x74: {  	s31 =	simm.s32 $0xE240;
	s18 =	simm.s32 $0x2;
	s19 =	simm.s32 $0x0  }
0x75: {  	[tilespmem:s31], [sflag:$0x8] =	stream.indirect.gather [hbm4b:s1+s26], $0x20, s21, s26, $0xb8;
	[tilespmem:$0x14980] =	vst v63  }
.LBB2_9:
0x76: {  	s17 =	sadd.s32 $0xA00, s17  }
0x77: {  	p1 =	sne.s32 s17, $0x14000  }
.Ltmp5:
0x78: {  	_ = 	snop;
	(pc) =	sbr.rel @!p1 .LBB2_10-.Ltmp5, $2  }
0x79: {  	_ =	sdelay $0x2  }
0x7a: {  	s19 =	sadd.s32 $0x1, s19;
	s18 =	sadd.s32 $0x8, s18  }
.LBB2_6:
0x7b: {  	_ =	swait.ge [sflag:s12], $0xA00  }
0x7c: {  	s20 =	sshra.s32 s17, $0x2;
	p1 =	seq.s32 s17, $0x13600;
	[sflag:s12] =	ssyncset.done $0x0  }
.Ltmp6:
0x7d: {  	s0 =	sadd.s32 $0x4E20, s20;
	[sflag:s12] =	ssyncadd.s32 $0xFFFFF600;
	(pc) =	sbr.rel @p1 .LBB2_35-.Ltmp6, $4  }
0x7e: {  	[spmem:s3] =	stream.indirect.scatter.add.f32 [tilespmem:s28], [sflag:$0x9], $0x20, s0, s26, $0xb8;
	[tilespmem:$0x14980] =	vst v63  }
0x7f: {  	_ =	swait.ge [sflag:s22], $0xA00  }
0x80: {  	[sflag:s22] =	ssyncset.done $0x0  }
0x81: {  	[sflag:s22] =	ssyncadd.s32 $0xFFFFF600  }
0x82: {  	s0 =	sadd.s32 $0x280, s20  }
0x83: {  	[tilespmem:s28], [sflag:$0x1] =	stream.indirect.gather [hbm4b:s1+s26], $0x20, s0, s26, $0xb8;
	[tilespmem:$0x14980] =	vst v63  }
0x84: {  	_ =	swait.ge [sflag:s23], $0xA00  }
0x85: {  	[sflag:s23] =	ssyncset.done $0x0  }
0x86: {  	s21 =	sadd.s32 $0x4E70, s20;
	p1 =	sgt.u32 s18, $0xF9;
	[sflag:s23] =	ssyncadd.s32 $0xFFFFF600  }
0x87: {  	[spmem:s3] =	stream.indirect.scatter.add.f32 [tilespmem:s29], [sflag:$0x9], $0x20, s21, s26, $0xb8;
	[tilespmem:$0x14980] =	vst v63  }
.Ltmp7:
0x88: {  	_ = 	snop;
	(pc) =	sbr.rel @p1 .LBB2_9-.Ltmp7, $4  }
0x89: {  	_ =	swait.ge [sflag:s22], $0xA00  }
0x8a: {  	[sflag:s22] =	ssyncset.done $0x0  }
0x8b: {  	s31 =	sadd.s32 $0x2D0, s20;
	[sflag:s22] =	ssyncadd.s32 $0xFFFFF600  }
0x8c: {  	[tilespmem:s29], [sflag:$0x2] =	stream.indirect.gather [hbm4b:s1+s26], $0x20, s31, s26, $0xb8;
	[tilespmem:$0x14980] =	vst v63  }
0x8d: {  	_ =	swait.ge [sflag:s30], $0xA00  }
0x8e: {  	[sflag:s30] =	ssyncset.done $0x0  }
0x8f: {  	s0 =	sadd.s32 $0x4EC0, s20;
	s5 =	simm.s32 $0xB040;
	[sflag:s30] =	ssyncadd.s32 $0xFFFFF600  }
0x90: {  	[spmem:s3] =	stream.indirect.scatter.add.f32 [tilespmem:s5], [sflag:$0x9], $0x20, s0, s26, $0xb8;
	[tilespmem:$0x14980] =	vst v63  }
0x91: {  	_ =	swait.ge [sflag:s22], $0xA00  }
0x92: {  	p1 =	sgt.u32 s19, $0x1D;
	[sflag:s22] =	ssyncset.done $0x0  }
0x93: {  	s0 =	simm.s32 @p1 $0x4;
	[sflag:s22] =	ssyncadd.s32 $0xFFFFF600  }
0x94: {  	_ =	swait.ge @p1 [sflag:s0], $0xA00  }
0x95: {  	s16 =	sshra.s32 @p1 s17, $0x2;
	s31 =	simm.s32 @p1 $0x50;
	[sflag:s0] =	ssyncset.done @p1 $0x0  }
0x96: {  	s9 =	simm.s32 @p1 $0xBA40;
	[sflag:s0] =	ssyncadd.s32 @p1 $0xFFFFF600;
	s0 =	sadd.s32 @p1 $0x4F10, s16  }
0x97: {  	[spmem:s3] =	stream.indirect.scatter.add.f32 @p1 [tilespmem:s9], [sflag:$0x9], $0x20, s0, s31, $0xb8;
	[tilespmem:$0x14980] =	vst v63  }
0x98: {  	s0 =	simm.s32 @p1 $0x9  }
0x99: {  	_ =	swait.ge @p1 [sflag:s0], $0xA00  }
0x9a: {  	s21 =	sshra.s32 @!p1 s17, $0x2;
	s13 =	simm.s32 @!p1 $0x50;
	[sflag:s0] =	ssyncset.done @p1 $0x0  }
0x9b: {  	s5 =	simm.s32 @!p1 $0xB040;
	s9 =	sadd.s32 @!p1 $0x320, s21;
	[sflag:s0] =	ssyncadd.s32 @p1 $0xFFFFF600  }
0x9c: {  	[tilespmem:s5], [sflag:$0x3] =	stream.indirect.gather @!p1 [hbm4b:s1+s13], $0x20, s9, s13, $0xb8;
	[tilespmem:$0x14980] =	vst v63  }
0x9d: {  	s5 =	simm.s32 @!p1 $0x4  }
0x9e: {  	_ =	swait.ge @!p1 [sflag:s5], $0xA00  }
0x9f: {  	s6 =	simm.s32 @!p1 $0xBA40;
	[sflag:s5] =	ssyncset.done @!p1 $0x0  }
0xa0: {  	s9 =	simm.s32 @!p1 $0x9;
	[sflag:s5] =	ssyncadd.s32 @!p1 $0xFFFFF600;
	s5 =	sadd.s32 @!p1 $0x4F10, s21  }
0xa1: {  	[spmem:s3] =	stream.indirect.scatter.add.f32 @!p1 [tilespmem:s6], [sflag:$0x9], $0x20, s5, s13, $0xb8;
	[tilespmem:$0x14980] =	vst v63  }
0xa2: {  	_ =	swait.ge @!p1 [sflag:s9], $0xA00  }
0xa3: {  	[sflag:s9] =	ssyncset.done @!p1 $0x0  }
0xa4: {  	s5 =	sadd.s32 @!p1 $0x370, s21;
	[sflag:s9] =	ssyncadd.s32 @!p1 $0xFFFFF600  }
0xa5: {  	[tilespmem:s6], [sflag:$0x4] =	stream.indirect.gather @!p1 [hbm4b:s1+s13], $0x20, s5, s13, $0xb8;
	[tilespmem:$0x14980] =	vst v63  }
0xa6: {  	_ =	swait.ge [sflag:s11], $0xA00  }
0xa7: {  	[sflag:s11] =	ssyncset.done $0x0  }
0xa8: {  	s5 =	sadd.s32 $0x4F60, s20;
	s6 =	simm.s32 $0xC440;
	[sflag:s11] =	ssyncadd.s32 $0xFFFFF600  }
0xa9: {  	[spmem:s3] =	stream.indirect.scatter.add.f32 [tilespmem:s6], [sflag:$0x9], $0x20, s5, s26, $0xb8;
	[tilespmem:$0x14980] =	vst v63  }
0xaa: {  	_ =	swait.ge [sflag:s22], $0xA00  }
0xab: {  	[sflag:s22] =	ssyncset.done $0x0  }
0xac: {  	s5 =	simm.s32 @p1 $0x6;
	[sflag:s22] =	ssyncadd.s32 $0xFFFFF600  }
0xad: {  	_ =	swait.ge @p1 [sflag:s5], $0xA00  }
0xae: {  	[sflag:s5] =	ssyncset.done @p1 $0x0  }
0xaf: {  	s6 =	simm.s32 @p1 $0xCE40;
	[sflag:s5] =	ssyncadd.s32 @p1 $0xFFFFF600;
	s5 =	sadd.s32 @p1 $0x4FB0, s16  }
0xb0: {  	[spmem:s3] =	stream.indirect.scatter.add.f32 @p1 [tilespmem:s6], [sflag:$0x9], $0x20, s5, s31, $0xb8;
	[tilespmem:$0x14980] =	vst v63  }
0xb1: {  	_ =	swait.ge @p1 [sflag:s0], $0xA00  }
0xb2: {  	[sflag:s0] =	ssyncset.done @p1 $0x0  }
0xb3: {  	s5 =	sadd.s32 @!p1 $0x3C0, s21;
	s6 =	simm.s32 @!p1 $0xC440;
	[sflag:s0] =	ssyncadd.s32 @p1 $0xFFFFF600  }
0xb4: {  	[tilespmem:s6], [sflag:$0x5] =	stream.indirect.gather @!p1 [hbm4b:s1+s13], $0x20, s5, s13, $0xb8;
	[tilespmem:$0x14980] =	vst v63  }
0xb5: {  	s5 =	simm.s32 @!p1 $0x6  }
0xb6: {  	_ =	swait.ge @!p1 [sflag:s5], $0xA00  }
0xb7: {  	[sflag:s5] =	ssyncset.done @!p1 $0x0  }
0xb8: {  	s6 =	simm.s32 @!p1 $0xCE40;
	[sflag:s5] =	ssyncadd.s32 @!p1 $0xFFFFF600;
	s5 =	sadd.s32 @!p1 $0x4FB0, s21  }
0xb9: {  	[spmem:s3] =	stream.indirect.scatter.add.f32 @!p1 [tilespmem:s6], [sflag:$0x9], $0x20, s5, s13, $0xb8;
	[tilespmem:$0x14980] =	vst v63  }
0xba: {  	_ =	swait.ge @!p1 [sflag:s9], $0xA00  }
0xbb: {  	[sflag:s9] =	ssyncset.done @!p1 $0x0  }
0xbc: {  	s5 =	sadd.s32 @!p1 $0x410, s21;
	[sflag:s9] =	ssyncadd.s32 @!p1 $0xFFFFF600  }
0xbd: {  	[tilespmem:s6], [sflag:$0x6] =	stream.indirect.gather @!p1 [hbm4b:s1+s13], $0x20, s5, s13, $0xb8;
	[tilespmem:$0x14980] =	vst v63  }
0xbe: {  	_ =	swait.ge [sflag:s15], $0xA00  }
0xbf: {  	[sflag:s15] =	ssyncset.done $0x0  }
0xc0: {  	s6 =	sadd.s32 $0x5000, s20;
	s20 =	simm.s32 $0xD840;
	[sflag:s15] =	ssyncadd.s32 $0xFFFFF600  }
0xc1: {  	[spmem:s3] =	stream.indirect.scatter.add.f32 [tilespmem:s20], [sflag:$0x9], $0x20, s6, s26, $0xb8;
	[tilespmem:$0x14980] =	vst v63  }
0xc2: {  	_ =	swait.ge [sflag:s22], $0xA00  }
0xc3: {  	[sflag:s22] =	ssyncset.done $0x0  }
0xc4: {  	s5 =	simm.s32 @p1 $0x8;
	[sflag:s22] =	ssyncadd.s32 $0xFFFFF600  }
0xc5: {  	_ =	swait.ge @p1 [sflag:s5], $0xA00  }
0xc6: {  	[sflag:s5] =	ssyncset.done @p1 $0x0  }
0xc7: {  	s6 =	simm.s32 @p1 $0xE240;
	[sflag:s5] =	ssyncadd.s32 @p1 $0xFFFFF600;
	s5 =	sadd.s32 @p1 $0x5050, s16  }
0xc8: {  	[spmem:s3] =	stream.indirect.scatter.add.f32 @p1 [tilespmem:s6], [sflag:$0x9], $0x20, s5, s31, $0xb8;
	[tilespmem:$0x14980] =	vst v63  }
0xc9: {  	_ =	swait.ge @p1 [sflag:s0], $0xA00  }
0xca: {  	[sflag:s0] =	ssyncset.done @p1 $0x0  }
0xcb: {  	s5 =	simm.s32 @!p1 $0xD840;
	[sflag:s0] =	ssyncadd.s32 @p1 $0xFFFFF600;
	s0 =	sadd.s32 @!p1 $0x460, s21  }
0xcc: {  	[tilespmem:s5], [sflag:$0x7] =	stream.indirect.gather @!p1 [hbm4b:s1+s13], $0x20, s0, s13, $0xb8;
	[tilespmem:$0x14980] =	vst v63  }
0xcd: {  	s0 =	simm.s32 @!p1 $0x8  }
0xce: {  	_ =	swait.ge @!p1 [sflag:s0], $0xA00  }
0xcf: {  	[sflag:s0] =	ssyncset.done @!p1 $0x0  }
0xd0: {  	s5 =	simm.s32 @!p1 $0xE240;
	[sflag:s0] =	ssyncadd.s32 @!p1 $0xFFFFF600;
	s0 =	sadd.s32 @!p1 $0x5050, s21  }
0xd1: {  	[spmem:s3] =	stream.indirect.scatter.add.f32 @!p1 [tilespmem:s5], [sflag:$0x9], $0x20, s0, s13, $0xb8;
	[tilespmem:$0x14980] =	vst v63  }
.Ltmp8:
0xd2: {  	_ = 	snop;
	(pc) =	sbr.rel .LBB2_9-.Ltmp8, $4  }
0xd3: {  	_ =	swait.ge @!p1 [sflag:s9], $0xA00  }
0xd4: {  	[sflag:s9] =	ssyncset.done @!p1 $0x0  }
0xd5: {  	s0 =	sadd.s32 @!p1 $0x4B0, s21;
	[sflag:s9] =	ssyncadd.s32 @!p1 $0xFFFFF600  }
0xd6: {  	[tilespmem:s5], [sflag:$0x8] =	stream.indirect.gather @!p1 [hbm4b:s1+s13], $0x20, s0, s13, $0xb8;
	[tilespmem:$0x14980] =	vst v63  }
.LBB2_35:
0xd7: {  	_ =	swait.ge [sflag:s23], $0xA00  }
0xd8: {  	[sflag:s23] =	ssyncset.done $0x0  }
0xd9: {  	s0 =	sadd.s32 $0x4E70, s20;
	[sflag:s23] =	ssyncadd.s32 $0xFFFFF600  }
0xda: {  	[spmem:s3] =	stream.indirect.scatter.add.f32 [tilespmem:s29], [sflag:$0x9], $0x20, s0, s26, $0xb8;
	[tilespmem:$0x14980] =	vst v63  }
0xdb: {  	_ =	swait.ge [sflag:s22], $0xA00  }
0xdc: {  	[sflag:s22] =	ssyncset.done $0x0  }
0xdd: {  	[sflag:s22] =	ssyncadd.s32 $0xFFFFF600  }
.LBB2_10:
.Ltmp9:
0xde: {  	(pc) =	sbr.rel .LBB2_11-.Ltmp9, $3  }
0xdf: {  	_ =	sdelay $0x1  }
0xe0: {  	[bflag:$0x0] =	sbarrier.arrive $0xFFFF  }
0xe1: {  	s17 =	simm.s32 $0x0;
	s6 =	rddreg [dreg:$0x5]  }
.LBB2_15:
0xe2: {  	s17 =	sadd.s32 $0x1, s17  }
0xe3: {  	p1 =	sne.s32 s17, $0x8  }
.Ltmp10:
0xe4: {  	_ = 	snop;
	(pc) =	sbr.rel @!p1 .LBB2_16-.Ltmp10, $1  }
0xe5: {  	_ =	sdelay $0x3  }
.LBB2_11:
0xe6: {  	s0 =	sshll.u32 s17, $0x4  }
0xe7: {  	s13 =	sor.u32 s2, s0  }
0xe8: {  	p1 =	sgt.u32 s13, $0x7C  }
.Ltmp11:
0xe9: {  	_ = 	snop;
	(pc) =	sbr.rel @p1 .LBB2_15-.Ltmp11, $1  }
0xea: {  	_ =	sdelay $0x3  }
0xeb: {  	s0 =	smul.u32 $0x2800, s13;
	_ =	sdelay $0x1  }
0xec: {  	s0 =	sshra.s32 s0, $0x2  }
0xed: {  	s0 =	sadd.s32 s0, s3  }
0xee: {  	[tilespmem:s25], [sflag:$0xA] =	stream.linear.gather [spmem:s0], $0xA00, $0x38;
	[tilespmem:$0x14980] =	vst v63  }
0xef: {  	s21 =	smul.u32 $0xA0, s13;
	_ =	swait.ge [sflag:s14], $0xA00  }
0xf0: {  	[sflag:s14] =	ssyncset.done $0x0  }
0xf1: {  	s5 =	simm.s32 $0x0;
	s0 =	sadd.s32 s6, s21;
	[sflag:s14] =	ssyncadd.s32 $0xFFFFF600  }
0xf2: {  	[tilespmem:s24], [sflag:$0xA] =	stream.linear.gather [hbm4b:s0+s5], $0x500, $0x38;
	[tilespmem:$0x14980] =	vst v63  }
0xf3: {  	_ =	swait.ge [sflag:s14], $0x500  }
0xf4: {  	[sflag:s14] =	ssyncset.done $0x0  }
0xf5: {  	s31 =	simm.s32 $0x0;
	[sflag:s14] =	ssyncadd.s32 $0xFFFFFB00  }
0xf6: {  	v3 =	vld [tilespmem:s31+$0xF640];
	_ =	sdelay $0x4  }
0xf7: {  	v3 =	vmax.f32 v3, $1.000000000e+00  }
0xf8: {  	(erf) = vrcp.f32 v3;
	_ =	sdelay $0x3  }
0xf9: {  	s0 =	simm.s32 $0xEC50  }
0xfa: {  	v3 =	vld [tilespmem:s0+$0xFFFFFFF0]  }
0xfb: {  	v4 =	vld [tilespmem:s0+$0x0];
	_ =	sdelay $0x2  }
0xfc: {  	v5 =	vpop (erf)  }
0xfd: {  	v3 =	vmul.f32 v5, v3  }
0xfe: {  	v4 =	vmul.f32 v4, v5  }
0xff: {  	[tilespmem:s0+$0xFFFFFFF0] =	vst v3  }
0x100: {  	s16 =	simm.s32 $0x10;
	s9 =	simm.s32 $0x80;
	[tilespmem:s0+$0x0] =	vst v4  }
.LBB2_13:
0x101: {  	p1 =	sne.s32 s9, $0x13C0;
	v3 =	vld [tilespmem:s16+$0xF640];
	_ =	sdelay $0x4  }
0x102: {  	v3 =	vmax.f32 v3, $1.000000000e+00  }
0x103: {  	(erf) = vrcp.f32 v3;
	_ =	sdelay $0x2  }
0x104: {  	s0 =	sadd.s32 $0x20, s0  }
0x105: {  	v3 =	vld [tilespmem:s0+$0xFFFFFFF0]  }
0x106: {  	v4 =	vld [tilespmem:s0+$0x0];
	_ =	sdelay $0x3  }
.Ltmp12:
0x107: {  	v5 =	vpop (erf);
	(pc) =	sbr.rel @p1 .LBB2_13-.Ltmp12, $3  }
0x108: {  	v3 =	vmul.f32 v5, v3;
	v4 =	vmul.f32 v4, v5;
	_ =	sdelay $0x1  }
0x109: {  	[tilespmem:s0+$0xFFFFFFF0] =	vst v3  }
0x10a: {  	s16 =	sshra.s32 s9, $0x2;
	s9 =	sadd.s32 $0x40, s9;
	[tilespmem:s0+$0x0] =	vst v4  }
0x10b: {  	v3 =	vld [tilespmem:s16+$0xF640];
	_ =	sdelay $0x4  }
0x10c: {  	v3 =	vmax.f32 v3, $1.000000000e+00  }
0x10d: {  	(erf) = vrcp.f32 v3;
	_ =	sdelay $0x3  }
0x10e: {  	s0 =	sadd.s32 $0x20, s0  }
0x10f: {  	v3 =	vld [tilespmem:s0+$0xFFFFFFF0]  }
0x110: {  	v4 =	vld [tilespmem:s0+$0x0];
	_ =	sdelay $0x2  }
0x111: {  	s5 =	smul.u32 $0x50, s13;
	v5 =	vpop (erf)  }
0x112: {  	v3 =	vmul.f32 v5, v3  }
0x113: {  	s5 =	sadd.s32 s10, s5;
	v4 =	vmul.f32 v4, v5  }
0x114: {  	s5 =	sshll.u32 s5, $0x2;
	[tilespmem:s0+$0xFFFFFFF0] =	vst v3  }
.Ltmp13:
0x115: {  	s31 =	sadd.s32 s7, s5;
	[tilespmem:s0+$0x0] =	vst v4;
	(pc) =	sbr.rel .LBB2_15-.Ltmp13, $4  }
0x116: {  	[hbm4b:s31+s4] =	stream.linear.scatter [tilespmem:s25], [sflag:$0x9], $0xA00, $0x38;
	[tilespmem:$0x14980] =	vst v63  }
0x117: {  	_ =	swait.ge [sflag:s22], $0xA00  }
0x118: {  	[sflag:s22] =	ssyncset.done $0x0  }
0x119: {  	[sflag:s22] =	ssyncadd.s32 $0xFFFFF600  }
.LBB2_16:
0x11a: {  	s0 =	simm.s32 $0x0  }
0x11b: {  	v6 =	vld [tilespmem:s0+$0x4E20]  }
0x11c: {  	v5 =	vld [tilespmem:s0+$0x4E30]  }
0x11d: {  	v4 =	vld [tilespmem:s0+$0x4E40]  }
0x11e: {  	s9 =	simm.s32 $0x140;
	v3 =	vld [tilespmem:s0+$0x4E50]  }
.LBB2_17:
0x11f: {  	p1 =	sne.s32 s9, $0x13740;
	v7 =	vld [tilespmem:s0+$0x4E60]  }
0x120: {  	v6 =	vadd.s32 v1, v6  }
.Ltmp14:
0x121: {  	s5 =	sshra.s32 s9, $0x2;
	[tilespmem:s0+$0x4E20] =	vst v6;
	v5 =	vadd.s32 v1, v5;
	(pc) =	sbr.rel @p1 .LBB2_17-.Ltmp14, $4  }
0x122: {  	v6 =	vld [tilespmem:s5+$0x4E20];
	[tilespmem:s0+$0x4E30] =	vst v5;
	v4 =	vadd.s32 v1, v4  }
0x123: {  	v5 =	vld [tilespmem:s5+$0x4E30];
	[tilespmem:s0+$0x4E40] =	vst v4;
	v3 =	vadd.s32 v1, v3  }
0x124: {  	v4 =	vld [tilespmem:s5+$0x4E40];
	[tilespmem:s0+$0x4E50] =	vst v3;
	v7 =	vadd.s32 v1, v7  }
0x125: {  	s9 =	sadd.s32 $0x140, s9;
	v3 =	vld [tilespmem:s5+$0x4E50];
	[tilespmem:s0+$0x4E60] =	vst v7;
	s0 =	smov.u32 s5  }
0x126: {  	v7 =	vld [tilespmem:s0+$0x4E60]  }
0x127: {  	v6 =	vadd.s32 v1, v6  }
0x128: {  	[tilespmem:s0+$0x4E20] =	vst v6;
	v5 =	vadd.s32 v1, v5  }
0x129: {  	[tilespmem:s0+$0x4E30] =	vst v5;
	v4 =	vadd.s32 v1, v4  }
0x12a: {  	[tilespmem:s0+$0x4E40] =	vst v4;
	v3 =	vadd.s32 v1, v3  }
0x12b: {  	[tilespmem:s0+$0x4E50] =	vst v3;
	v3 =	vadd.s32 v1, v7  }
0x12c: {  	s9 =	simm.s32 $0x0;
	[tilespmem:s0+$0x4E60] =	vst v3;
	s0 =	simm.s32 $0x80  }
.LBB2_19:
0x12d: {  	p1 =	sne.s32 s0, $0x2780;
	[tilespmem:s9+$0xEC40] =	vst v2;
	s5 =	smov.u32 s0;
	s0 =	sadd.s32 $0x80, s0  }
.Ltmp15:
0x12e: {  	[tilespmem:s9+$0xEC50] =	vst v2;
	(pc) =	sbr.rel @p1 .LBB2_19-.Ltmp15, $2  }
0x12f: {  	_ =	sdelay $0x2  }
0x130: {  	s9 =	sshra.s32 s5, $0x2  }
0x131: {  	[tilespmem:s9+$0xEC40] =	vst v2  }
0x132: {  	[tilespmem:s9+$0xEC50] =	vst v2;
	s0 =	rddreg [dreg:$0xa]  }
0x133: {  	[spmem:s0] =	stream.linear.scatter [tilespmem:s25], [sflag:$0x9], $0xA00, $0x38;
	[tilespmem:$0x14980] =	vst v63  }
0x134: {  	_ =	swait.ge [sflag:s22], $0xA00  }
0x135: {  	[sflag:s22] =	ssyncset.done $0x0  }
0x136: {  	s17 =	rddreg [dreg:$0xc];
	[sflag:s22] =	ssyncadd.s32 $0xFFFFF600  }
0x137: {  	[spmem:s17] =	stream.linear.scatter [tilespmem:s25], [sflag:$0x9], $0xA00, $0x38;
	[tilespmem:$0x14980] =	vst v63  }
0x138: {  	_ =	swait.ge [sflag:s22], $0xA00  }
0x139: {  	[sflag:s22] =	ssyncset.done $0x0  }
0x13a: {  	s18 =	rddreg [dreg:$0xd];
	[sflag:s22] =	ssyncadd.s32 $0xFFFFF600  }
0x13b: {  	[spmem:s18] =	stream.linear.scatter [tilespmem:s25], [sflag:$0x9], $0xA00, $0x38;
	[tilespmem:$0x14980] =	vst v63  }
0x13c: {  	_ =	swait.ge [sflag:s22], $0xA00  }
0x13d: {  	[sflag:s22] =	ssyncset.done $0x0  }
0x13e: {  	s19 =	rddreg [dreg:$0xe];
	[sflag:s22] =	ssyncadd.s32 $0xFFFFF600  }
0x13f: {  	[spmem:s19] =	stream.linear.scatter [tilespmem:s25], [sflag:$0x9], $0xA00, $0x38;
	[tilespmem:$0x14980] =	vst v63  }
0x140: {  	_ =	swait.ge [sflag:s22], $0xA00  }
0x141: {  	[sflag:s22] =	ssyncset.done $0x0  }
0x142: {  	s20 =	rddreg [dreg:$0xf];
	[sflag:s22] =	ssyncadd.s32 $0xFFFFF600  }
0x143: {  	[spmem:s20] =	stream.linear.scatter [tilespmem:s25], [sflag:$0x9], $0xA00, $0x38;
	[tilespmem:$0x14980] =	vst v63  }
0x144: {  	_ =	swait.ge [sflag:s22], $0xA00  }
0x145: {  	[sflag:s22] =	ssyncset.done $0x0  }
0x146: {  	s21 =	rddreg [dreg:$0x10];
	[sflag:s22] =	ssyncadd.s32 $0xFFFFF600  }
0x147: {  	[spmem:s21] =	stream.linear.scatter [tilespmem:s25], [sflag:$0x9], $0xA00, $0x38;
	[tilespmem:$0x14980] =	vst v63  }
0x148: {  	_ =	swait.ge [sflag:s22], $0xA00  }
0x149: {  	[sflag:s22] =	ssyncset.done $0x0  }
0x14a: {  	s31 =	rddreg [dreg:$0x11];
	[sflag:s22] =	ssyncadd.s32 $0xFFFFF600  }
0x14b: {  	[spmem:s31] =	stream.linear.scatter [tilespmem:s25], [sflag:$0x9], $0xA00, $0x38;
	[tilespmem:$0x14980] =	vst v63  }
0x14c: {  	_ =	swait.ge [sflag:s22], $0xA00  }
0x14d: {  	[sflag:s22] =	ssyncset.done $0x0  }
0x14e: {  	s0 =	simm.s32 @!p0 $0xEC40;
	s5 =	rddreg [dreg:$0x12];
	[sflag:s22] =	ssyncadd.s32 $0xFFFFF600  }
0x14f: {  	[spmem:s5] =	stream.linear.scatter @!p0 [tilespmem:s0], [sflag:$0x9], $0xA00, $0x38;
	[tilespmem:$0x14980] =	vst v63  }
0x150: {  	s0 =	simm.s32 @!p0 $0x9  }
0x151: {  	_ =	swait.ge @!p0 [sflag:s0], $0xA00  }
0x152: {  	[sflag:s0] =	ssyncset.done @!p0 $0x0  }
0x153: {  	[sflag:s0] =	ssyncadd.s32 @!p0 $0xFFFFF600;
	s0 =	simm.s32 $0x0  }
0x154: {  	v6 =	vld [tilespmem:s0+$0x0]  }
0x155: {  	v5 =	vld [tilespmem:s0+$0x10]  }
0x156: {  	v4 =	vld [tilespmem:s0+$0x20]  }
0x157: {  	s9 =	simm.s32 $0x140;
	v3 =	vld [tilespmem:s0+$0x30]  }
.LBB2_21:
0x158: {  	p1 =	sne.s32 s9, $0x13740;
	v7 =	vld [tilespmem:s0+$0x40]  }
0x159: {  	v6 =	vadd.s32 v0, v6  }
.Ltmp16:
0x15a: {  	s5 =	sshra.s32 s9, $0x2;
	[tilespmem:s0+$0x0] =	vst v6;
	v5 =	vadd.s32 v0, v5;
	(pc) =	sbr.rel @p1 .LBB2_21-.Ltmp16, $4  }
0x15b: {  	v6 =	vld [tilespmem:s5+$0x0];
	[tilespmem:s0+$0x10] =	vst v5;
	v4 =	vadd.s32 v0, v4  }
0x15c: {  	v5 =	vld [tilespmem:s5+$0x10];
	[tilespmem:s0+$0x20] =	vst v4;
	v3 =	vadd.s32 v0, v3  }
0x15d: {  	v4 =	vld [tilespmem:s5+$0x20];
	[tilespmem:s0+$0x30] =	vst v3;
	v7 =	vadd.s32 v0, v7  }
0x15e: {  	s9 =	sadd.s32 $0x140, s9;
	v3 =	vld [tilespmem:s5+$0x30];
	[tilespmem:s0+$0x40] =	vst v7;
	s0 =	smov.u32 s5  }
0x15f: {  	v7 =	vld [tilespmem:s0+$0x40]  }
0x160: {  	v6 =	vadd.s32 v0, v6  }
0x161: {  	[tilespmem:s0+$0x0] =	vst v6;
	v5 =	vadd.s32 v0, v5  }
0x162: {  	[tilespmem:s0+$0x10] =	vst v5;
	v4 =	vadd.s32 v0, v4  }
0x163: {  	[tilespmem:s0+$0x20] =	vst v4;
	v3 =	vadd.s32 v0, v3  }
0x164: {  	[tilespmem:s0+$0x30] =	vst v3;
	v3 =	vadd.s32 v0, v7  }
0x165: {  	[tilespmem:s0+$0x40] =	vst v3  }
0x166: {  	s20 =	simm.s32 $0x4E20;
	[bflag:$0x0] =	sbarrier.arrive $0xFFFF  }
0x167: {  	[tilespmem:s28], [sflag:$0x1] =	stream.indirect.gather [hbm4b:s7+s26], $0x20, s20, s26, $0xb8;
	[tilespmem:$0x14980] =	vst v63  }
0x168: {  	s21 =	simm.s32 $0x4E70  }
0x169: {  	[tilespmem:s29], [sflag:$0x2] =	stream.indirect.gather [hbm4b:s7+s26], $0x20, s21, s26, $0xb8;
	[tilespmem:$0x14980] =	vst v63  }
0x16a: {  	s31 =	simm.s32 $0xB040;
	s5 =	simm.s32 $0x4EC0  }
0x16b: {  	[tilespmem:s31], [sflag:$0x3] =	stream.indirect.gather [hbm4b:s7+s26], $0x20, s5, s26, $0xb8;
	[tilespmem:$0x14980] =	vst v63  }
0x16c: {  	s6 =	simm.s32 $0xBA40;
	s9 =	simm.s32 $0x4F10  }
0x16d: {  	[tilespmem:s6], [sflag:$0x4] =	stream.indirect.gather [hbm4b:s7+s26], $0x20, s9, s26, $0xb8;
	[tilespmem:$0x14980] =	vst v63  }
0x16e: {  	s13 =	simm.s32 $0xC440;
	s16 =	simm.s32 $0x4F60  }
0x16f: {  	[tilespmem:s13], [sflag:$0x5] =	stream.indirect.gather [hbm4b:s7+s26], $0x20, s16, s26, $0xb8;
	[tilespmem:$0x14980] =	vst v63  }
0x170: {  	s17 =	simm.s32 $0xCE40;
	s18 =	simm.s32 $0x4FB0  }
0x171: {  	[tilespmem:s17], [sflag:$0x6] =	stream.indirect.gather [hbm4b:s7+s26], $0x20, s18, s26, $0xb8;
	[tilespmem:$0x14980] =	vst v63  }
.Ltmp17:
0x172: {  	s19 =	simm.s32 $0xD840;
	(pc) =	sbr.rel .LBB2_23-.Ltmp17, $4  }
0x173: {  	s20 =	simm.s32 $0x5000;
	s21 =	simm.s32 $0xE240;
	s31 =	simm.s32 $0x5050  }
0x174: {  	[tilespmem:s19], [sflag:$0x7] =	stream.indirect.gather [hbm4b:s7+s26], $0x20, s20, s26, $0xb8;
	[tilespmem:$0x14980] =	vst v63  }
0x175: {  	s17 =	simm.s32 $0x0;
	s18 =	simm.s32 $0x2;
	s19 =	simm.s32 $0x0  }
0x176: {  	[tilespmem:s21], [sflag:$0x8] =	stream.indirect.gather [hbm4b:s7+s26], $0x20, s31, s26, $0xb8;
	[tilespmem:$0x14980] =	vst v63  }
.LBB2_26:
0x177: {  	s17 =	sadd.s32 $0xA00, s17  }
0x178: {  	p1 =	sne.s32 s17, $0x14000  }
.Ltmp18:
0x179: {  	_ = 	snop;
	(pc) =	sbr.rel @!p1 .LBB2_27-.Ltmp18, $2  }
0x17a: {  	_ =	sdelay $0x2  }
0x17b: {  	s19 =	sadd.s32 $0x1, s19;
	s18 =	sadd.s32 $0x8, s18  }
.LBB2_23:
0x17c: {  	_ =	swait.ge [sflag:s12], $0xA00  }
0x17d: {  	p1 =	seq.s32 s17, $0x13600;
	[sflag:s12] =	ssyncset.done $0x0  }
.Ltmp19:
0x17e: {  	s20 =	sshra.s32 s17, $0x2;
	[sflag:s12] =	ssyncadd.s32 $0xFFFFF600;
	(pc) =	sbr.rel @p1 .LBB2_36-.Ltmp19, $4  }
0x17f: {  	[spmem:s3] =	stream.indirect.scatter.add.f32 [tilespmem:s28], [sflag:$0x9], $0x20, s20, s26, $0xb8;
	[tilespmem:$0x14980] =	vst v63  }
0x180: {  	_ =	swait.ge [sflag:s22], $0xA00  }
0x181: {  	[sflag:s22] =	ssyncset.done $0x0  }
0x182: {  	[sflag:s22] =	ssyncadd.s32 $0xFFFFF600  }
0x183: {  	s0 =	sadd.s32 $0x50A0, s20  }
0x184: {  	[tilespmem:s28], [sflag:$0x1] =	stream.indirect.gather [hbm4b:s7+s26], $0x20, s0, s26, $0xb8;
	[tilespmem:$0x14980] =	vst v63  }
0x185: {  	_ =	swait.ge [sflag:s23], $0xA00  }
0x186: {  	[sflag:s23] =	ssyncset.done $0x0  }
0x187: {  	s21 =	sadd.s32 $0x50, s20;
	p1 =	sgt.u32 s18, $0xF9;
	[sflag:s23] =	ssyncadd.s32 $0xFFFFF600  }
0x188: {  	[spmem:s3] =	stream.indirect.scatter.add.f32 [tilespmem:s29], [sflag:$0x9], $0x20, s21, s26, $0xb8;
	[tilespmem:$0x14980] =	vst v63  }
.Ltmp20:
0x189: {  	_ = 	snop;
	(pc) =	sbr.rel @p1 .LBB2_26-.Ltmp20, $4  }
0x18a: {  	_ =	swait.ge [sflag:s22], $0xA00  }
0x18b: {  	[sflag:s22] =	ssyncset.done $0x0  }
0x18c: {  	s31 =	sadd.s32 $0x50F0, s20;
	[sflag:s22] =	ssyncadd.s32 $0xFFFFF600  }
0x18d: {  	[tilespmem:s29], [sflag:$0x2] =	stream.indirect.gather [hbm4b:s7+s26], $0x20, s31, s26, $0xb8;
	[tilespmem:$0x14980] =	vst v63  }
0x18e: {  	_ =	swait.ge [sflag:s30], $0xA00  }
0x18f: {  	[sflag:s30] =	ssyncset.done $0x0  }
0x190: {  	s0 =	sadd.s32 $0xA0, s20;
	s5 =	simm.s32 $0xB040;
	[sflag:s30] =	ssyncadd.s32 $0xFFFFF600  }
0x191: {  	[spmem:s3] =	stream.indirect.scatter.add.f32 [tilespmem:s5], [sflag:$0x9], $0x20, s0, s26, $0xb8;
	[tilespmem:$0x14980] =	vst v63  }
0x192: {  	_ =	swait.ge [sflag:s22], $0xA00  }
0x193: {  	p1 =	sgt.u32 s19, $0x1D;
	[sflag:s22] =	ssyncset.done $0x0  }
0x194: {  	s0 =	simm.s32 @p1 $0x4;
	[sflag:s22] =	ssyncadd.s32 $0xFFFFF600  }
0x195: {  	_ =	swait.ge @p1 [sflag:s0], $0xA00  }
0x196: {  	[sflag:s0] =	ssyncset.done @p1 $0x0  }
0x197: {  	s16 =	simm.s32 @p1 $0x50;
	[sflag:s0] =	ssyncadd.s32 @p1 $0xFFFFF600;
	s0 =	sshra.s32 @p1 s17, $0x2  }
0x198: {  	s6 =	simm.s32 @p1 $0xBA40;
	s31 =	simm.s32 @p1 $0x9;
	s5 =	sadd.s32 @p1 $0xF0, s0  }
0x199: {  	[spmem:s3] =	stream.indirect.scatter.add.f32 @p1 [tilespmem:s6], [sflag:$0x9], $0x20, s5, s16, $0xb8;
	[tilespmem:$0x14980] =	vst v63  }
0x19a: {  	_ =	swait.ge @p1 [sflag:s31], $0xA00  }
0x19b: {  	s21 =	sshra.s32 @!p1 s17, $0x2;
	s13 =	simm.s32 @!p1 $0x50;
	[sflag:s31] =	ssyncset.done @p1 $0x0  }
0x19c: {  	s5 =	sadd.s32 @!p1 $0x5140, s21;
	s6 =	simm.s32 @!p1 $0xB040;
	[sflag:s31] =	ssyncadd.s32 @p1 $0xFFFFF600  }
0x19d: {  	[tilespmem:s6], [sflag:$0x3] =	stream.indirect.gather @!p1 [hbm4b:s7+s13], $0x20, s5, s13, $0xb8;
	[tilespmem:$0x14980] =	vst v63  }
0x19e: {  	s5 =	simm.s32 @!p1 $0x4  }
0x19f: {  	_ =	swait.ge @!p1 [sflag:s5], $0xA00  }
0x1a0: {  	s9 =	simm.s32 @!p1 $0x9;
	[sflag:s5] =	ssyncset.done @!p1 $0x0  }
0x1a1: {  	s6 =	simm.s32 @!p1 $0xBA40;
	[sflag:s5] =	ssyncadd.s32 @!p1 $0xFFFFF600;
	s5 =	sadd.s32 @!p1 $0xF0, s21  }
0x1a2: {  	[spmem:s3] =	stream.indirect.scatter.add.f32 @!p1 [tilespmem:s6], [sflag:$0x9], $0x20, s5, s13, $0xb8;
	[tilespmem:$0x14980] =	vst v63  }
0x1a3: {  	_ =	swait.ge @!p1 [sflag:s9], $0xA00  }
0x1a4: {  	[sflag:s9] =	ssyncset.done @!p1 $0x0  }
0x1a5: {  	s5 =	sadd.s32 @!p1 $0x5190, s21;
	[sflag:s9] =	ssyncadd.s32 @!p1 $0xFFFFF600  }
0x1a6: {  	[tilespmem:s6], [sflag:$0x4] =	stream.indirect.gather @!p1 [hbm4b:s7+s13], $0x20, s5, s13, $0xb8;
	[tilespmem:$0x14980] =	vst v63  }
0x1a7: {  	_ =	swait.ge [sflag:s11], $0xA00  }
0x1a8: {  	[sflag:s11] =	ssyncset.done $0x0  }
0x1a9: {  	s5 =	sadd.s32 $0x140, s20;
	s6 =	simm.s32 $0xC440;
	[sflag:s11] =	ssyncadd.s32 $0xFFFFF600  }
0x1aa: {  	[spmem:s3] =	stream.indirect.scatter.add.f32 [tilespmem:s6], [sflag:$0x9], $0x20, s5, s26, $0xb8;
	[tilespmem:$0x14980] =	vst v63  }
0x1ab: {  	_ =	swait.ge [sflag:s22], $0xA00  }
0x1ac: {  	[sflag:s22] =	ssyncset.done $0x0  }
0x1ad: {  	s5 =	simm.s32 @p1 $0x6;
	[sflag:s22] =	ssyncadd.s32 $0xFFFFF600  }
0x1ae: {  	_ =	swait.ge @p1 [sflag:s5], $0xA00  }
0x1af: {  	[sflag:s5] =	ssyncset.done @p1 $0x0  }
0x1b0: {  	s6 =	simm.s32 @p1 $0xCE40;
	[sflag:s5] =	ssyncadd.s32 @p1 $0xFFFFF600;
	s5 =	sadd.s32 @p1 $0x190, s0  }
0x1b1: {  	[spmem:s3] =	stream.indirect.scatter.add.f32 @p1 [tilespmem:s6], [sflag:$0x9], $0x20, s5, s16, $0xb8;
	[tilespmem:$0x14980] =	vst v63  }
0x1b2: {  	_ =	swait.ge @p1 [sflag:s31], $0xA00  }
0x1b3: {  	[sflag:s31] =	ssyncset.done @p1 $0x0  }
0x1b4: {  	s5 =	sadd.s32 @!p1 $0x51E0, s21;
	s6 =	simm.s32 @!p1 $0xC440;
	[sflag:s31] =	ssyncadd.s32 @p1 $0xFFFFF600  }
0x1b5: {  	[tilespmem:s6], [sflag:$0x5] =	stream.indirect.gather @!p1 [hbm4b:s7+s13], $0x20, s5, s13, $0xb8;
	[tilespmem:$0x14980] =	vst v63  }
0x1b6: {  	s5 =	simm.s32 @!p1 $0x6  }
0x1b7: {  	_ =	swait.ge @!p1 [sflag:s5], $0xA00  }
0x1b8: {  	[sflag:s5] =	ssyncset.done @!p1 $0x0  }
0x1b9: {  	s6 =	simm.s32 @!p1 $0xCE40;
	[sflag:s5] =	ssyncadd.s32 @!p1 $0xFFFFF600;
	s5 =	sadd.s32 @!p1 $0x190, s21  }
0x1ba: {  	[spmem:s3] =	stream.indirect.scatter.add.f32 @!p1 [tilespmem:s6], [sflag:$0x9], $0x20, s5, s13, $0xb8;
	[tilespmem:$0x14980] =	vst v63  }
0x1bb: {  	_ =	swait.ge @!p1 [sflag:s9], $0xA00  }
0x1bc: {  	[sflag:s9] =	ssyncset.done @!p1 $0x0  }
0x1bd: {  	s5 =	sadd.s32 @!p1 $0x5230, s21;
	[sflag:s9] =	ssyncadd.s32 @!p1 $0xFFFFF600  }
0x1be: {  	[tilespmem:s6], [sflag:$0x6] =	stream.indirect.gather @!p1 [hbm4b:s7+s13], $0x20, s5, s13, $0xb8;
	[tilespmem:$0x14980] =	vst v63  }
0x1bf: {  	_ =	swait.ge [sflag:s15], $0xA00  }
0x1c0: {  	[sflag:s15] =	ssyncset.done $0x0  }
0x1c1: {  	s6 =	sadd.s32 $0x1E0, s20;
	s20 =	simm.s32 $0xD840;
	[sflag:s15] =	ssyncadd.s32 $0xFFFFF600  }
0x1c2: {  	[spmem:s3] =	stream.indirect.scatter.add.f32 [tilespmem:s20], [sflag:$0x9], $0x20, s6, s26, $0xb8;
	[tilespmem:$0x14980] =	vst v63  }
0x1c3: {  	_ =	swait.ge [sflag:s22], $0xA00  }
0x1c4: {  	[sflag:s22] =	ssyncset.done $0x0  }
0x1c5: {  	s5 =	simm.s32 @p1 $0x8;
	[sflag:s22] =	ssyncadd.s32 $0xFFFFF600  }
0x1c6: {  	_ =	swait.ge @p1 [sflag:s5], $0xA00  }
0x1c7: {  	[sflag:s5] =	ssyncset.done @p1 $0x0  }
0x1c8: {  	s0 =	sadd.s32 @p1 $0x230, s0;
	[sflag:s5] =	ssyncadd.s32 @p1 $0xFFFFF600;
	s5 =	simm.s32 @p1 $0xE240  }
0x1c9: {  	[spmem:s3] =	stream.indirect.scatter.add.f32 @p1 [tilespmem:s5], [sflag:$0x9], $0x20, s0, s16, $0xb8;
	[tilespmem:$0x14980] =	vst v63  }
0x1ca: {  	_ =	swait.ge @p1 [sflag:s31], $0xA00  }
0x1cb: {  	[sflag:s31] =	ssyncset.done @p1 $0x0  }
0x1cc: {  	s0 =	sadd.s32 @!p1 $0x5280, s21;
	s5 =	simm.s32 @!p1 $0xD840;
	[sflag:s31] =	ssyncadd.s32 @p1 $0xFFFFF600  }
0x1cd: {  	[tilespmem:s5], [sflag:$0x7] =	stream.indirect.gather @!p1 [hbm4b:s7+s13], $0x20, s0, s13, $0xb8;
	[tilespmem:$0x14980] =	vst v63  }
0x1ce: {  	s0 =	simm.s32 @!p1 $0x8  }
0x1cf: {  	_ =	swait.ge @!p1 [sflag:s0], $0xA00  }
0x1d0: {  	[sflag:s0] =	ssyncset.done @!p1 $0x0  }
0x1d1: {  	s5 =	simm.s32 @!p1 $0xE240;
	[sflag:s0] =	ssyncadd.s32 @!p1 $0xFFFFF600;
	s0 =	sadd.s32 @!p1 $0x230, s21  }
0x1d2: {  	[spmem:s3] =	stream.indirect.scatter.add.f32 @!p1 [tilespmem:s5], [sflag:$0x9], $0x20, s0, s13, $0xb8;
	[tilespmem:$0x14980] =	vst v63  }
.Ltmp21:
0x1d3: {  	_ = 	snop;
	(pc) =	sbr.rel .LBB2_26-.Ltmp21, $4  }
0x1d4: {  	_ =	swait.ge @!p1 [sflag:s9], $0xA00  }
0x1d5: {  	[sflag:s9] =	ssyncset.done @!p1 $0x0  }
0x1d6: {  	s0 =	sadd.s32 @!p1 $0x52D0, s21;
	[sflag:s9] =	ssyncadd.s32 @!p1 $0xFFFFF600  }
0x1d7: {  	[tilespmem:s5], [sflag:$0x8] =	stream.indirect.gather @!p1 [hbm4b:s7+s13], $0x20, s0, s13, $0xb8;
	[tilespmem:$0x14980] =	vst v63  }
.LBB2_36:
0x1d8: {  	_ =	swait.ge [sflag:s23], $0xA00  }
0x1d9: {  	[sflag:s23] =	ssyncset.done $0x0  }
0x1da: {  	s0 =	sadd.s32 $0x50, s20;
	[sflag:s23] =	ssyncadd.s32 $0xFFFFF600  }
0x1db: {  	[spmem:s3] =	stream.indirect.scatter.add.f32 [tilespmem:s29], [sflag:$0x9], $0x20, s0, s26, $0xb8;
	[tilespmem:$0x14980] =	vst v63  }
0x1dc: {  	_ =	swait.ge [sflag:s22], $0xA00  }
0x1dd: {  	[sflag:s22] =	ssyncset.done $0x0  }
0x1de: {  	[sflag:s22] =	ssyncadd.s32 $0xFFFFF600  }
.LBB2_27:
.Ltmp22:
0x1df: {  	(pc) =	sbr.rel .LBB2_28-.Ltmp22, $3  }
0x1e0: {  	_ =	sdelay $0x1  }
0x1e1: {  	[bflag:$0x0] =	sbarrier.arrive $0xFFFF  }
0x1e2: {  	s17 =	simm.s32 $0x0;
	s16 =	rddreg [dreg:$0x6]  }
.LBB2_32:
0x1e3: {  	s17 =	sadd.s32 $0x1, s17  }
0x1e4: {  	p1 =	sne.s32 s17, $0x8  }
.Ltmp23:
0x1e5: {  	_ = 	snop;
	(pc) =	sbr.rel @!p1 .LBB2_33-.Ltmp23, $1  }
0x1e6: {  	_ =	sdelay $0x3  }
.LBB2_28:
0x1e7: {  	s0 =	sshll.u32 s17, $0x4  }
0x1e8: {  	s18 =	sor.u32 s2, s0  }
0x1e9: {  	p1 =	sgt.u32 s18, $0x7C  }
.Ltmp24:
0x1ea: {  	_ = 	snop;
	(pc) =	sbr.rel @p1 .LBB2_32-.Ltmp24, $1  }
0x1eb: {  	_ =	sdelay $0x3  }
0x1ec: {  	s0 =	smul.u32 $0x2800, s18;
	_ =	sdelay $0x1  }
0x1ed: {  	s0 =	sshra.s32 s0, $0x2  }
0x1ee: {  	s0 =	sadd.s32 s0, s3  }
0x1ef: {  	[tilespmem:s25], [sflag:$0xA] =	stream.linear.gather [spmem:s0], $0xA00, $0x38;
	[tilespmem:$0x14980] =	vst v63  }
0x1f0: {  	s21 =	smul.u32 $0xA0, s18;
	_ =	swait.ge [sflag:s14], $0xA00  }
0x1f1: {  	[sflag:s14] =	ssyncset.done $0x0  }
0x1f2: {  	s5 =	simm.s32 $0x0;
	s0 =	sadd.s32 s16, s21;
	[sflag:s14] =	ssyncadd.s32 $0xFFFFF600  }
0x1f3: {  	[tilespmem:s24], [sflag:$0xA] =	stream.linear.gather [hbm4b:s0+s5], $0x500, $0x38;
	[tilespmem:$0x14980] =	vst v63  }
0x1f4: {  	_ =	swait.ge [sflag:s14], $0x500  }
0x1f5: {  	[sflag:s14] =	ssyncset.done $0x0  }
0x1f6: {  	s31 =	simm.s32 $0x0;
	[sflag:s14] =	ssyncadd.s32 $0xFFFFFB00  }
0x1f7: {  	v3 =	vld [tilespmem:s31+$0xF640];
	_ =	sdelay $0x4  }
0x1f8: {  	v3 =	vmax.f32 v3, $1.000000000e+00  }
0x1f9: {  	(erf) = vrcp.f32 v3;
	_ =	sdelay $0x3  }
0x1fa: {  	s0 =	simm.s32 $0xEC50  }
0x1fb: {  	v3 =	vld [tilespmem:s0+$0xFFFFFFF0];
	_ =	sdelay $0x1  }
0x1fc: {  	v4 =	vld [tilespmem:$0xFB40];
	_ =	sdelay $0x1  }
0x1fd: {  	v5 =	vpop (erf)  }
0x1fe: {  	v3 =	vmul.f32 v5, v3;
	_ =	sdelay $0x1  }
0x1ff: {  	v3 =	vadd.f32 v3, v4  }
0x200: {  	v4 =	vld [tilespmem:s0+$0x0]  }
0x201: {  	[tilespmem:s0+$0xFFFFFFF0] =	vst v3  }
0x202: {  	v3 =	vld [tilespmem:$0xFB50];
	_ =	sdelay $0x2  }
0x203: {  	v4 =	vmul.f32 v4, v5;
	_ =	sdelay $0x1  }
0x204: {  	s9 =	simm.s32 $0x40;
	s13 =	simm.s32 $0x80;
	v3 =	vadd.f32 v3, v4  }
.LBB2_30:
0x205: {  	s5 =	sshra.s32 s9, $0x2  }
0x206: {  	s9 =	smov.u32 s13;
	s6 =	sadd.s32 $0x40, s13;
	[tilespmem:s0+$0x0] =	vst v3;
	s0 =	sadd.s32 $0x20, s0  }
0x207: {  	p1 =	sne.s32 s13, $0x13C0;
	v3 =	vld [tilespmem:s5+$0xF640];
	_ =	sdelay $0x4  }
0x208: {  	v3 =	vmax.f32 v3, $1.000000000e+00  }
0x209: {  	(erf) = vrcp.f32 v3;
	_ =	sdelay $0x4  }
0x20a: {  	v3 =	vld [tilespmem:s0+$0xFFFFFFF0];
	_ =	sdelay $0x1  }
0x20b: {  	v4 =	vld [tilespmem:$0xFB40];
	_ =	sdelay $0x1  }
0x20c: {  	v5 =	vpop (erf)  }
0x20d: {  	v3 =	vmul.f32 v5, v3;
	_ =	sdelay $0x1  }
0x20e: {  	v3 =	vadd.f32 v3, v4  }
0x20f: {  	v4 =	vld [tilespmem:s0+$0x0]  }
0x210: {  	[tilespmem:s0+$0xFFFFFFF0] =	vst v3  }
0x211: {  	v3 =	vld [tilespmem:$0xFB50]  }
.Ltmp25:
0x212: {  	(pc) =	sbr.rel @p1 .LBB2_30-.Ltmp25, $3  }
0x213: {  	_ = 	snop  }
0x214: {  	v4 =	vmul.f32 v4, v5;
	_ =	sdelay $0x1  }
0x215: {  	s13 =	smov.u32 s6;
	v3 =	vadd.f32 v3, v4  }
0x216: {  	_ = 	snop  }
0x217: {  	s5 =	sshra.s32 s9, $0x2;
	[tilespmem:s0+$0x0] =	vst v3  }
0x218: {  	v3 =	vld [tilespmem:s5+$0xF640];
	_ =	sdelay $0x4  }
0x219: {  	v3 =	vmax.f32 v3, $1.000000000e+00  }
0x21a: {  	(erf) = vrcp.f32 v3;
	_ =	sdelay $0x3  }
0x21b: {  	s20 =	sadd.s32 $0x20, s0  }
0x21c: {  	v3 =	vld [tilespmem:s20+$0xFFFFFFF0];
	_ =	sdelay $0x1  }
0x21d: {  	v4 =	vld [tilespmem:$0xFB40];
	_ =	sdelay $0x1  }
0x21e: {  	v5 =	vpop (erf)  }
0x21f: {  	v3 =	vmul.f32 v5, v3;
	_ =	sdelay $0x1  }
0x220: {  	v3 =	vadd.f32 v3, v4  }
0x221: {  	v63 =	vld [tilespmem:s20+$0x0]  }
0x222: {  	[tilespmem:s20+$0xFFFFFFF0] =	vst v3  }
0x223: {  	v3 =	vld [tilespmem:$0xFB50];
	_ =	sdelay $0x2  }
0x224: {  	s21 =	smul.u32 $0x50, s18;
	v4 =	vmul.f32 v63, v5;
	_ =	sdelay $0x1  }
0x225: {  	s5 =	sadd.s32 s10, s21;
	v3 =	vadd.f32 v3, v4  }
0x226: {  	s5 =	sshll.u32 s5, $0x2  }
.Ltmp26:
0x227: {  	s31 =	sadd.s32 s8, s5;
	[tilespmem:s20+$0x0] =	vst v3;
	(pc) =	sbr.rel .LBB2_32-.Ltmp26, $4  }
0x228: {  	[hbm4b:s31+s4] =	stream.linear.scatter [tilespmem:s25], [sflag:$0x9], $0xA00, $0x38;
	[tilespmem:$0x14980] =	vst v63  }
0x229: {  	_ =	swait.ge [sflag:s22], $0xA00  }
0x22a: {  	[sflag:s22] =	ssyncset.done $0x0  }
0x22b: {  	[sflag:s22] =	ssyncadd.s32 $0xFFFFF600  }
.LBB2_34:
0x22c: {  	_ =	sfence.sel $0x180000  }
0x22d: {  	[bflag:$0x0] =	sbarrier.arrive $0xFFFF  }
0x22e: {  	_ =	strace $0x9000004D  }
0x22f: {  	[bflag:$0x2] =	sbarrier.arrive $0xFFFF  }
0x230: {  	p0 =	sne.s32 s2, $0x0;
	s0 =	rddreg [dreg:$0x4]  }
0x231: {  	s0 =	sadd.s32 @!p0 $0x100000, s0  }
0x232: {  	[sflag:s0] =	ssyncadd.tile.s32 @!p0 $0x1;
	_ =	shalt  }
.Lfunc_end2:
_tile_overlayer_lowered:
.L_overlay_start_2:
0x233: {  	(tag) =	ssettag $0x2  }
0x234: {  	s0 =	rddreg [dreg:$0x0];
	s2 =	stileid.u32  }
0x235: {  	s1 =	rddreg [dreg:$0x1];
	p0 =	sne.s32 s2, $0x0  }
0x236: {  	s3 =	rddreg [dreg:$0x2];
	[bflag:$0x3] =	sbarrier.arrive $0xFFFF;
	s2 =	simm.s32 @!p0 $0x1C09  }
0x237: {  	[timem:s3], [sflag:s2] =	dma.local @!p0 [hbm:s0], s1  }
0x238: {  	s0 =	simm.s32 @!p0 $0x9  }
0x239: {  	_ =	swait.ge @!p0 [sflag:s0], s1  }
0x23a: {  	s1 =	ssub.s32 @!p0 $0x0, s1;
	[sflag:s0] =	ssyncset.done @!p0 $0x0  }
0x23b: {  	[sflag:s0] =	ssyncadd.s32 @!p0 s1  }
0x23c: {  	[bflag:$0x3] =	sbarrier.arrive $0xFFFF  }
0x23d: {  	_ =	shalt  }

// kernel: kernel.8.cloned.1.call-start
scs
__scs_entry_jumppad:
0x0: {  	(pc) =	sbr.rel $0x88, $3  }
0x1: {  	(tag) =	ssettag $0x0;
	lr =	simm.s32 $0x1  }
0x2: {  	[smem:$0x3F9B] =	sst lr;
	_ =	strace $0xD0000000  }
0x3: {  	_ = 	snop  }
0x4: {  	_ = 	snop  }
0x5: {  	_ = 	snop  }
0x6: {  	_ = 	snop  }
0x7: {  	_ = 	snop  }
__scs_overlays_trampoline_lowered:
0x8: {  	[smem:$0x3FAA] =	sst s0  }
0x9: {  	[smem:$0x3FAB] =	sst s1  }
0xa: {  	[smem:$0x3FAC] =	sst s2  }
0xb: {  	[smem:$0x3FAD] =	sst s3  }
0xc: {  	[smem:$0x3FAE] =	sst s4  }
0xd: {  	[smem:$0x3FAF] =	sst s5  }
0xe: {  	[smem:$0x3FB0] =	sst s6  }
0xf: {  	[smem:$0x3FB1] =	sst s7  }
0x10: {  	[smem:$0x3FB2] =	sst s8  }
0x11: {  	[smem:$0x3FB3] =	sst s9;
	s0 =	simm.s32 @!p0 $0x0  }
0x12: {  	s1 =	sld [smem:$0x3F99];
	s0 =	simm.s32 @p0 $0x1  }
0x13: {  	[smem:$0x3FB4] =	sst s0;
	s0 =	simm.s32 @!p1 $0x0  }
0x14: {  	s2 =	sld [smem:$0x3F98];
	s0 =	simm.s32 @p1 $0x1  }
0x15: {  	[smem:$0x3FB5] =	sst s0;
	s0 =	simm.s32 @!p2 $0x0  }
0x16: {  	s3 =	sld [smem:$0x3FDB];
	s0 =	simm.s32 @p2 $0x1  }
0x17: {  	s4 =	simm.s32 $0x1BF5;
	[smem:$0x3FB7] =	sst s0  }
0x18: {  	s0 =	sld [smem:$0x3F9A];
	_ =	swait.ge [sflag:s4], $0x0  }
0x19: {  	s7 =	sld [smem:$0x3F9B]  }
0x1a: {  	s8 =	sadd.s32 $0xFFFFE003, lr  }
0x1b: {  	s9 =	sadd.s32 $0xFFFFFEF7, lr;
	s5 =	simm.s32 $0xFFFFFFFF;
	p2 =	slt.u32 s8, $0xFFFFF086  }
0x1c: {  	p1 =	slt.u32 s9, $0xF7A;
	s5 =	simm.s32 @!p2 $0x0  }
0x1d: {  	s5 =	simm.s32 @p1 $0x1;
	p0 =	seq.s32 s7, s2  }
0x1e: {  	s7 =	smul.u32 @!p0 $0xF7A, s2;
	p2 =	seq.s32 @!p0 s5, $0x0  }
0x1f: {  	s9 =	smul.u32 $0xF7A, s1;
	s8 =	simm.s32 @!p0 $0x1BF5;
	p2 =	por !p2, p0  }
0x20: {  	[sflag:s8] =	ssyncset.s32 @!p0 $0xFFFFF086;
	s6 =	sadd.s32 @!p0 s3, s7;
	s7 =	simm.s32 @!p0 $0x108  }
0x21: {  	s3 =	sadd.s32 s3, s9;
	s6 =	sadd.s32 @!p0 $0x88, s6;
	s7 =	simm.s32 @p2 $0x1082  }
0x22: {  	[simem:s7], [sflag:s8] =	dma.local @!p0 [hbm:s6], $0xF7A  }
0x23: {  	s9 =	sor.u32 $0xD0000000, s2;
	s6 =	simm.s32 $0x108;
	_ =	swait.ge @!p0 [sflag:s8], $0x0  }
0x24: {  	s3 =	sadd.s32 $0x88, s3;
	s6 =	simm.s32 @!p1 $0x1082;
	[sflag:s4] =	ssyncset.s32 $0xFFFFF086  }
0x25: {  	[simem:s6], [sflag:s4] =	dma.local [hbm:s3], $0xF7A  }
0x26: {  	[smem:$0x3F9B] =	sst s1;
	(tag) =	ssettag s2;
	_ =	strace s9  }
0x27: {  	s1 =	sld [smem:$0x3FAB]  }
0x28: {  	s2 =	sld [smem:$0x3FAC]  }
0x29: {  	s4 =	sld [smem:$0x3FAE]  }
0x2a: {  	p0 =	seq.s32 s5, $0x0;
	s5 =	sld [smem:$0x3FAF]  }
0x2b: {  	s6 =	sld [smem:$0x3FB0]  }
0x2c: {  	s7 =	sld [smem:$0x3FB1]  }
0x2d: {  	s3 =	simm.s32 $0x108;
	s8 =	sld [smem:$0x3FB2]  }
0x2e: {  	s3 =	simm.s32 @!p0 $0x1082;
	s9 =	sld [smem:$0x3FB3]  }
0x2f: {  	lr =	sadd.s32 s0, s3;
	s0 =	sld [smem:$0x3FAA]  }
0x30: {  	s3 =	sld [smem:$0x3FAD]  }
0x31: {  	[smem:$0x3FB6] =	sst s10  }
0x32: {  	s10 =	sld [smem:$0x3FB4];
	_ =	sdelay $0x3  }
0x33: {  	p0 =	seq.s32 s10, $0x1;
	s10 =	sld [smem:$0x3FB6];
	_ =	sdelay $0x3  }
0x34: {  	[smem:$0x3FB6] =	sst s10  }
0x35: {  	s10 =	sld [smem:$0x3FB5];
	_ =	sdelay $0x3  }
0x36: {  	p1 =	seq.s32 s10, $0x1;
	s10 =	sld [smem:$0x3FB6];
	_ =	sdelay $0x3  }
0x37: {  	[smem:$0x3FB6] =	sst s10  }
0x38: {  	s10 =	sld [smem:$0x3FB7]  }
0x39: {  	_ = 	snop;
	(pc) =	sbr.ind lr, $3  }
0x3a: {  	_ = 	snop  }
0x3b: {  	_ = 	snop  }
0x3c: {  	p2 =	seq.s32 s10, $0x1;
	s10 =	sld [smem:$0x3FB6]  }
0x3d: {  	_ =	shalt  }
0x3e: {  	_ =	shalt  }
0x3f: {  	_ =	shalt  }
0x40: {  	_ =	shalt  }
0x41: {  	_ =	shalt  }
0x42: {  	_ =	shalt  }
0x43: {  	_ =	shalt  }
0x44: {  	_ =	shalt  }
0x45: {  	_ =	shalt  }
0x46: {  	_ =	shalt  }
0x47: {  	_ =	shalt  }
0x48: {  	_ =	shalt  }
0x49: {  	_ =	shalt  }
0x4a: {  	_ =	shalt  }
0x4b: {  	_ =	shalt  }
0x4c: {  	_ =	shalt  }
0x4d: {  	_ =	shalt  }
0x4e: {  	_ =	shalt  }
0x4f: {  	_ =	shalt  }
0x50: {  	_ =	shalt  }
0x51: {  	_ =	shalt  }
0x52: {  	_ =	shalt  }
0x53: {  	_ =	shalt  }
0x54: {  	_ =	shalt  }
0x55: {  	_ =	shalt  }
0x56: {  	_ =	shalt  }
0x57: {  	_ =	shalt  }
0x58: {  	_ =	shalt  }
0x59: {  	_ =	shalt  }
0x5a: {  	_ =	shalt  }
0x5b: {  	_ =	shalt  }
0x5c: {  	_ =	shalt  }
0x5d: {  	_ =	shalt  }
0x5e: {  	_ =	shalt  }
0x5f: {  	_ =	shalt  }
0x60: {  	_ =	shalt  }
0x61: {  	_ =	shalt  }
0x62: {  	_ =	shalt  }
0x63: {  	_ =	shalt  }
0x64: {  	_ =	shalt  }
0x65: {  	_ =	shalt  }
0x66: {  	_ =	shalt  }
0x67: {  	_ =	shalt  }
0x68: {  	_ =	shalt  }
0x69: {  	_ =	shalt  }
0x6a: {  	_ =	shalt  }
0x6b: {  	_ =	shalt  }
0x6c: {  	_ =	shalt  }
0x6d: {  	_ =	shalt  }
0x6e: {  	_ =	shalt  }
0x6f: {  	_ =	shalt  }
0x70: {  	_ =	shalt  }
0x71: {  	_ =	shalt  }
0x72: {  	_ =	shalt  }
0x73: {  	_ =	shalt  }
0x74: {  	_ =	shalt  }
0x75: {  	_ =	shalt  }
0x76: {  	_ =	shalt  }
0x77: {  	_ =	shalt  }
0x78: {  	_ =	shalt  }
0x79: {  	_ =	shalt  }
0x7a: {  	_ =	shalt  }
0x7b: {  	_ =	shalt  }
0x7c: {  	_ =	shalt  }
0x7d: {  	_ =	shalt  }
0x7e: {  	_ =	shalt  }
0x7f: {  	_ =	shalt  }
0x80: {  	_ =	shalt  }
0x81: {  	_ =	shalt  }
0x82: {  	_ =	shalt  }
0x83: {  	_ =	shalt  }
0x84: {  	_ =	shalt  }
0x85: {  	_ =	shalt  }
0x86: {  	_ =	shalt  }
0x87: {  	_ =	shalt  }
.Lfunc_end0:
.L_simem_size_0:
called_computation_lowered:
.L_overlay_start_0:
0x88: {  	s2 =	sld [smem:$0x3FD9]  }
0x89: {  	s3 =	sld [smem:$0x3FFE];
	_ =	sdelay $0x1  }
0x8a: {  	s1 =	srdreg.scid  }
0x8b: {  	s0 =	sand.u32 $0x1, s1  }
0x8c: {  	s16 =	sshll.u32 s0, $0xA;
	s2 =	sadd.s32 s3, s2  }
0x8d: {  	s2 =	sadd.s32 s2, s16  }
0x8e: {  	[smem:$0x3FC2] =	sst s2  }
0x8f: {  	_ = 	snop  }
0x90: {  	(tm) =	ssettm $0x1  }
0x91: {  	s17 =	sld [smem:$0x3FFB];
	_ =	sdelay $0x3  }
0x92: {  	_ =	strace s17  }
0x93: {  	s2 =	sld [smem:$0x3FFC];
	_ =	sdelay $0x3  }
0x94: {  	_ =	strace s2  }
0x95: {  	s2 =	sld [smem:$0x3FFD];
	_ =	sdelay $0x3  }
0x96: {  	_ =	strace s2  }
0x97: {  	_ =	strace $0x8FFFFFFF  }
0x98: {  	s18 =	sld [smem:$0x3FDB];
	_ =	sdelay $0x1  }
0x99: {  	s19 =	simm.s32 $_scs_section_size  }
0x9a: {  	s4 =	simm.s32 $_size__tile_overlayer_lowered;
	s5 =	simm.s32 $_tile_overlayer_lowered  }
0x9b: {  	s22 =	simm.s32 $0x1BFF;
	s21 =	sshll.u32 s5, $0x1;
	s2 =	sadd.s32 s19, s18  }
0x9c: {  	s6 =	simm.s32 $0x0;
	s20 =	sshll.u32 s4, $0x1;
	s4 =	sadd.s32 s21, s2  }
0x9d: {  	[timem:s6], [sflag:s22] =	dma.local [hbm:s4], s20  }
0x9e: {  	_ =	swait.ge [sflag:s22], s20  }
0x9f: {  	s3 =	ssub.s32 $0x0, s20;
	[sflag:s22] =	ssyncset.done $0x0  }
0xa0: {  	[sflag:s22] =	ssyncadd.s32 s3;
	_ =	sdelay $0x1  }
0xa1: {  	s23 =	simm.s32 $0x1B8B  }
0xa2: {  	_ =	swait.ge [sflag:s23], $0x1  }
0xa3: {  	[sflag:s23] =	ssyncset.done $0x0  }
0xa4: {  	s25 =	simm.s32 $0x1B8E;
	s24 =	sld [smem:$0x3FFE];
	[sflag:s23] =	ssyncadd.s32 $0xFFFFFFFF  }
0xa5: {  	s26 =	simm.s32 $execute0_lowered;
	[smem:$0x3FD2] =	sst s25  }
0xa6: {  	s4 =	sshll.u32 s26, $0x1;
	_ =	strace $0x80000046;
	[dreg:$0x1] =	wrdreg $0xFFFFFFFF  }
0xa7: {  	s28 =	simm.s32 $_size_execute0_lowered;
	s2 =	sadd.s32 s2, s4;
	[dreg:$0x0] =	wrdreg $0x0  }
0xa8: {  	s4 =	sshll.u32 s28, $0x1;
	[dreg:$0x2] =	wrdreg s2  }
0xa9: {  	[dreg:$0x3] =	wrdreg s4  }
0xaa: {  	[dreg:$0x4] =	wrdreg $0xC0  }
0xab: {  	_ =	task [dreg:s6], $0x5FFFF  }
0xac: {  	[dreg:$0x1] =	wrdreg $0xFFFFFFFF  }
0xad: {  	[dreg:$0x0] =	wrdreg $0x60  }
0xae: {  	[dreg:$0x2] =	wrdreg s24  }
0xaf: {  	[dreg:$0x3] =	wrdreg $0x7B200  }
0xb0: {  	[dreg:$0x4] =	wrdreg $0x9  }
0xb1: {  	_ =	task.clear_ibuf [dreg:s6], $0x5FFFF;
	_ =	strace $0x90000046  }
0xb2: {  	s29 =	simm.s32 $0x9;
	_ =	strace $0x80000048  }
0xb3: {  	_ =	swait.ge [sflag:s29], $0x1  }
0xb4: {  	[sflag:s29] =	ssyncadd.s32 $0xFFFFFFFF  }
0xb5: {  	_ =	strace $0x90000048  }
0xb6: {  	_ =	sfence  }
0xb7: {  	s30 =	sld [smem:$0x0];
	_ =	sdelay $0x2  }
0xb8: {  	s31 =	sshll.u32 s1, $0xD;
	s1 =	sshrl.u32 s1, $0x2  }
0xb9: {  	s3 =	sand.u32 $0x4000, s31;
	s1 =	sadd.s32 s1, s30  }
0xba: {  	s0 =	sor.u32 s3, s0;
	s1 =	sshll.u32 s1, $0x11  }
0xbb: {  	s0 =	sor.u32 s1, s0  }
0xbc: {  	s0 =	sadd.s32 $0x8F2B, s0  }
0xbd: {  	[sflag:s0] =	ssyncadd.remote.s32 $0x1  }
0xbe: {  	_ =	sfence.sel $0xFFFF  }
0xbf: {  	[dreg:$0x0] =	wrdreg $0xFFFFFFFF;
	(pc) =	sbr.abs _section_cstart, $3  }
0xc0: {  	[dreg:$0x1] =	wrdreg $0xFFFFFFFF  }
0xc1: {  	_ =	task.clear_ibuf [dreg:s6], $0x2FFFF;
	_ =	strace $0x9FFFFFFF  }
0xc2: {  	(tm) =	ssettm $0x7FFFFFFF  }
0xc3: {  	_ =	shalt  }
tec
execute0_lowered:
.L_overlay_start_1:
0x0: {  	(tag) =	ssettag $0x1  }
0x1: {  	s4 =	rddreg [dreg:$0x0]  }
0x2: {  	s1 =	rddreg [dreg:$0x1]  }
0x3: {  	s0 =	rddreg [dreg:$0x2];
	s2 =	simm.s32 $0x0;
	s3 =	srdreg.scid  }
0x4: {  	s13 =	simm.s32 $0x0;
	[smem:$0x7FF] =	sst s2;
	s5 =	sand.u32 $0x1, s3  }
0x5: {  	s6 =	sadd.s32 $0xBE00, s4;
	s3 =	stileid.u32;
	s8 =	sadd.s32 $0x2000, s4  }
0x6: {  	s11 =	sadd.s32 $0x15C00, s4;
	s12 =	sadd.s32 $0x1AC00, s4;
	_ =	strace $0x80000047  }
0x7: {  	s7 =	ssub.s32 $0x2, s5;
	s10 =	smul.u32 $0x2800, s3;
	p0 =	seq.s32 s5, $0x0  }
0x8: {  	s31 =	smul.u32 $0x9C4, s3;
	s9 =	sshrl.u32 s7, $0x1;
	s6 =	smov.u32 @p0 s8  }
0x9: {  	s12 =	smov.u32 @p0 s11;
	s8 =	simm.s32 $0x2;
	s11 =	simm.s32 $0x4E20  }
0xa: {  	s7 =	ssub.s32 s7, s9;
	s4 =	sadd.s32 s10, s1;
	s10 =	sshrl.u32 s10, $0x3  }
0xb: {  	s6 =	sadd.s32 s6, s31;
	s9 =	simm.s32 $0x5320;
	s5 =	smax.u32 s7, $0x1  }
0xc: {  	v0 =	vimm.f32 $1.000000000e+00;
	v1 =	vimm.f32 $0.0e+00;
	s7 =	sadd.s32 s12, s10;
	s10 =	simm.s32 $0x50;
	s12 =	simm.s32 $0x1  }
.LBB2_1:
0xd: {  	[tilespmem:s2], [sflag:$0x2] =	stream.linear.gather [hbm4b:s6+s2], $0x4E20, $0x38;
	[tilespmem:$0xA320] =	vst v63  }
0xe: {  	_ =	swait.ge [sflag:s8], $0x4E20  }
0xf: {  	[sflag:s8] =	ssyncset.done $0x0  }
0x10: {  	s14 =	simm.s32 $0x0;
	[sflag:s8] =	ssyncadd.s32 $0xFFFFB1E0  }
.LBB2_2:
0x11: {  	p0 =	sne.s32 s14, $0x13C0  }
.Ltmp0:
0x12: {  	_ = 	snop;
	(pc) =	sbr.rel @p0 .LBB2_2-.Ltmp0, $3  }
0x13: {  	_ =	sdelay $0x1  }
0x14: {  	s15 =	sshra.s32 s14, $0x2  }
0x15: {  	s14 =	sadd.s32 $0x40, s14;
	[tilespmem:s15+$0x4E20] =	vst v0  }
0x16: {  	s14 =	simm.s32 $0x40;
	s15 =	simm.s32 $0x0  }
.LBB2_4:
0x17: {  	p0 =	sne.s32 s14, $0x9FC0;
	[tilespmem:s15+$0x5320] =	vst v1;
	s15 =	smov.u32 s14;
	s14 =	sadd.s32 $0x40, s14  }
.Ltmp1:
0x18: {  	(pc) =	sbr.rel @p0 .LBB2_4-.Ltmp1, $2  }
0x19: {  	_ =	sdelay $0x2  }
0x1a: {  	s15 =	sshra.s32 s15, $0x2  }
0x1b: {  	[tilespmem:s15+$0x5320] =	vst v1  }
0x1c: {  	[spmem:s4] =	stream.linear.scatter [tilespmem:s9], [sflag:$0x2], $0x2800, $0x38;
	[tilespmem:$0xA320] =	vst v63  }
0x1d: {  	_ =	swait.ge [sflag:s8], $0x2800  }
0x1e: {  	[sflag:s8] =	ssyncset.done $0x0  }
0x1f: {  	[sflag:s8] =	ssyncadd.s32 $0xFFFFD800  }
0x20: {  	s14 =	simm.s32 $0x0;
	[bflag:$0x0] =	sbarrier.arrive $0xFFFF  }
.LBB2_6:
0x21: {  	p0 =	sne.s32 s14, $0x13740  }
.Ltmp2:
0x22: {  	_ = 	snop;
	(pc) =	sbr.rel @p0 .LBB2_6-.Ltmp2, $3  }
0x23: {  	_ =	sdelay $0x1  }
0x24: {  	s15 =	sshra.s32 s14, $0x2;
	s14 =	sadd.s32 $0x140, s14  }
0x25: {  	[spmem:s1] =	stream.indirect.scatter.add.f32 [tilespmem:s11], [sflag:$0x1], $0x10, s15, s10, $0xb8;
	[tilespmem:$0xA320] =	vst v63  }
0x26: {  	_ =	swait.ge [sflag:s12], $0x500  }
0x27: {  	s14 =	simm.s32 $0xF9;
	[sflag:s12] =	ssyncset.done $0x0  }
.LBB2_8:
0x28: {  	p0 =	sne.s32 s14, $0x1;
	s14 =	sadd.s32 $0xFFFFFFFF, s14;
	[sflag:s12] =	ssyncadd.s32 $0xFFFFFB00  }
.Ltmp3:
0x29: {  	(pc) =	sbr.rel @p0 .LBB2_8-.Ltmp3, $3  }
0x2a: {  	_ =	sdelay $0x1  }
0x2b: {  	_ =	swait.ge [sflag:s12], $0x500  }
0x2c: {  	[sflag:s12] =	ssyncset.done $0x0  }
0x2d: {  	[sflag:s12] =	ssyncadd.s32 $0xFFFFFB00  }
0x2e: {  	[bflag:$0x0] =	sbarrier.arrive $0xFFFF  }
0x2f: {  	[tilespmem:s9], [sflag:$0x2] =	stream.linear.gather [spmem:s4], $0x2800, $0x38;
	[tilespmem:$0xA320] =	vst v63  }
0x30: {  	s13 =	sadd.s32 $0x1, s13;
	_ =	swait.ge [sflag:s8], $0x2800  }
0x31: {  	p0 =	sne.s32 s13, s5;
	[sflag:s8] =	ssyncset.done $0x0  }
.Ltmp4:
0x32: {  	[sflag:s8] =	ssyncadd.s32 $0xFFFFD800;
	(pc) =	sbr.rel @p0 .LBB2_1-.Ltmp4, $4  }
0x33: {  	[hbm4b:s7+s2] =	stream.linear.scatter [tilespmem:s9], [sflag:$0x2], $0x2800, $0x38;
	[tilespmem:$0xA320] =	vst v63  }
0x34: {  	_ =	swait.ge [sflag:s8], $0x2800  }
0x35: {  	[sflag:s8] =	ssyncset.done $0x0  }
0x36: {  	[sflag:s8] =	ssyncadd.s32 $0xFFFFD800  }
0x37: {  	_ =	sfence.sel $0x180000  }
0x38: {  	[bflag:$0x0] =	sbarrier.arrive $0xFFFF  }
0x39: {  	p0 =	sne.s32 s3, $0x0;
	_ =	strace $0x90000047  }
0x3a: {  	s0 =	sadd.s32 @!p0 $0x100000, s0;
	[bflag:$0x2] =	sbarrier.arrive $0xFFFF  }
0x3b: {  	[sflag:s0] =	ssyncadd.tile.s32 @!p0 $0x1;
	_ =	shalt  }
.Lfunc_end2:
_tile_overlayer_lowered:
.L_overlay_start_2:
0x3c: {  	(tag) =	ssettag $0x2  }
0x3d: {  	s0 =	rddreg [dreg:$0x0];
	s2 =	stileid.u32  }
0x3e: {  	s1 =	rddreg [dreg:$0x1];
	p0 =	sne.s32 s2, $0x0  }
0x3f: {  	s3 =	rddreg [dreg:$0x2];
	[bflag:$0x3] =	sbarrier.arrive $0xFFFF;
	s2 =	simm.s32 @!p0 $0x1C02  }
0x40: {  	[timem:s3], [sflag:s2] =	dma.local @!p0 [hbm:s0], s1  }
0x41: {  	s0 =	simm.s32 @!p0 $0x2  }
0x42: {  	_ =	swait.ge @!p0 [sflag:s0], s1  }
0x43: {  	s1 =	ssub.s32 @!p0 $0x0, s1;
	[sflag:s0] =	ssyncset.done @!p0 $0x0  }
0x44: {  	[sflag:s0] =	ssyncadd.s32 @!p0 s1  }
0x45: {  	[bflag:$0x3] =	sbarrier.arrive $0xFFFF  }
0x46: {  	_ =	shalt  }

</sc_bundles>
